<compile_context>
chip_gen: v7x
topology: tpu7x:2x2x1
jax: 0.10.2.dev20260603
libtpu: 0.0.44.dev20260713+nightly
codegen_flags: <defaults>
</compile_context>

<pallas_src>
import functools

import jax
import jax.numpy as jnp
from jax import lax
from jax.experimental import pallas as pl
from jax.experimental.pallas import tpu as pltpu
from jax.experimental.pallas import tpu_sc as plsc

N_ROWS = 16384
N_COLS = 1000
N_SUB = 100

NW = 32
ROWS_PER_W = N_ROWS // NW
CHUNK_ROWS = 32
N_CHUNKS = ROWS_PER_W // CHUNK_ROWS
N_PAIRS = N_CHUNKS // 2
GROUPS_PER_CHUNK = CHUNK_ROWS // 4
N_VECS = (4 * N_SUB) // 16


def _sc_gather(x, idx):
    mesh = plsc.VectorSubcoreMesh(core_axis_name="c", subcore_axis_name="s")

    @functools.partial(
        pl.kernel,
        mesh=mesh,
        out_type=jax.ShapeDtypeStruct((N_ROWS, N_SUB), jnp.float32),
        compiler_params=pltpu.CompilerParams(needs_layout_passes=False),
        scratch_types=[
            pltpu.VMEM((N_SUB,), jnp.int32),
            pltpu.VMEM((CHUNK_ROWS, N_COLS), jnp.float32),
            pltpu.VMEM((CHUNK_ROWS, N_COLS), jnp.float32),
            pltpu.VMEM((CHUNK_ROWS, N_SUB), jnp.float32),
            pltpu.VMEM((CHUNK_ROWS, N_SUB), jnp.float32),
            pltpu.SemaphoreType.DMA,
            pltpu.SemaphoreType.DMA,
            pltpu.SemaphoreType.DMA,
            pltpu.SemaphoreType.DMA,
        ],
    )
    def k(x_hbm, idx_hbm, out_hbm, idx_v, xbuf0, xbuf1, obuf0, obuf1,
          si0, si1, so0, so1):
        wid = lax.axis_index("s") * 2 + lax.axis_index("c")
        base_row = wid * ROWS_PER_W

        pltpu.sync_copy(idx_hbm, idx_v)
        kdiv, kmod, cols = [], [], []
        for v in range(N_VECS):
            kvec = lax.iota(jnp.int32, 16) + (v * 16)
            kmod.append(lax.rem(kvec, N_SUB))
            kdiv.append(lax.div(kvec, N_SUB))
            cols.append(plsc.load_gather(idx_v, [kmod[v]]))

        def start_in(chunk, buf, sem):
            src = x_hbm.at[pl.ds(base_row + chunk * CHUNK_ROWS, CHUNK_ROWS)]
            pltpu.async_copy(src, buf, sem)

        def wait_in(buf, sem):
            pltpu.make_async_copy(
                x_hbm.at[pl.ds(0, CHUNK_ROWS)], buf, sem).wait()

        def start_out(chunk, buf, sem):
            dst = out_hbm.at[pl.ds(base_row + chunk * CHUNK_ROWS, CHUNK_ROWS)]
            pltpu.async_copy(buf, dst, sem)

        def wait_out(buf, sem):
            pltpu.make_async_copy(
                buf, out_hbm.at[pl.ds(0, CHUNK_ROWS)], sem).wait()

        def gather_chunk(xbuf, obuf):
            for g in range(GROUPS_PER_CHUNK):
                r0 = g * 4
                for v in range(N_VECS):
                    vals = plsc.load_gather(xbuf, [kdiv[v] + r0, cols[v]])
                    plsc.store_scatter(obuf, [kdiv[v] + r0, kmod[v]], vals)

        start_in(0, xbuf0, si0)

        def pair_body(c, carry):
            start_in(2 * c + 1, xbuf1, si1)
            wait_in(xbuf0, si0)

            @pl.when(c > 0)
            def _():
                wait_out(obuf0, so0)

            gather_chunk(xbuf0, obuf0)
            start_out(2 * c, obuf0, so0)

            @pl.when(c < N_PAIRS - 1)
            def _():
                start_in(2 * c + 2, xbuf0, si0)

            wait_in(xbuf1, si1)

            @pl.when(c > 0)
            def _():
                wait_out(obuf1, so1)

            gather_chunk(xbuf1, obuf1)
            start_out(2 * c + 1, obuf1, so1)
            return carry

        lax.fori_loop(0, N_PAIRS, pair_body, 0)
        wait_out(obuf0, so0)
        wait_out(obuf1, so1)

    return k(x, idx)


@jax.jit
def kernel(x, sub_list_indices):
    return _sc_gather(x, sub_list_indices.astype(jnp.int32))

# --- scband reference (transcript-rebuilt; emitter-appended) ---
"""Pipeline reference for scband-asymmetric-class-mapper-12017318494829 (READ-ONLY COPY).

The authoritative reference and input builder live on the scoring server;
editing this copy changes nothing except your own understanding.
"""

import jax, jax.numpy as jnp
import numpy as np


def setup_inputs(seed: int = 0) -> dict:
    key = jax.random.key(seed)
    x = jax.random.normal(key, (16384, 1000), dtype=jnp.float32)
    full_list = list(range(1000))
    sub_list = [10 * i for i in range(100)]
    sub_list_indices = jnp.asarray([full_list.index(it) for it in sub_list], dtype=jnp.int32)
    return {"x": x, "sub_list_indices": sub_list_indices}


def reference(x, sub_list_indices):
    # torch.index_select(x, dim=1, index=sub_list_indices)
    return jnp.take(x, sub_list_indices, axis=1)

if __name__ == "__main__":
    import jax
    _d = setup_inputs()
    print(jax.jit(kernel)(*tuple(_d.values())))

</pallas_src>

<mosaic_0001>
#map = affine_map<(d0, d1) -> (0, 0)>
#map1 = affine_map<(d0, d1) -> (0)>
module attributes {stable_mosaic.version = 14 : i64} {
  func.func @k(%arg0: i32, %arg1: i32, %arg2: memref<16384x1000xf32, #tpu.memory_space<hbm>>, %arg3: memref<100xi32, #tpu.memory_space<hbm>>, %arg4: memref<16384x100xf32, #tpu.memory_space<hbm>>, %arg5: memref<100xi32, #tpu.memory_space<vmem>>, %arg6: memref<32x1000xf32, #tpu.memory_space<vmem>>, %arg7: memref<32x1000xf32, #tpu.memory_space<vmem>>, %arg8: memref<32x100xf32, #tpu.memory_space<vmem>>, %arg9: memref<32x100xf32, #tpu.memory_space<vmem>>, %arg10: memref<!tpu.dma_semaphore, #tpu.memory_space<semaphore_mem>>, %arg11: memref<!tpu.dma_semaphore, #tpu.memory_space<semaphore_mem>>, %arg12: memref<!tpu.dma_semaphore, #tpu.memory_space<semaphore_mem>>, %arg13: memref<!tpu.dma_semaphore, #tpu.memory_space<semaphore_mem>>) attributes {dimension_semantics = [#tpu.dimension_semantics<core_parallel>, #tpu.dimension_semantics<subcore_parallel>], iteration_bounds = array<i64: 2, 16>, scalar_prefetch = 0 : i64, scratch_operands = 9 : i64, tpu.core_type = #tpu.core_type<sc_vector_subcore>, window_params = [{transform_indices = #map}, {transform_indices = #map1}, {transform_indices = #map}]} {
    %mul3A = arith.constant 2 : i32
    %mul3A_0 = arith.muli %arg1, %mul3A : i32
    %add3A = arith.addi %mul3A_0, %arg0 : i32
    %mul3A_1 = arith.constant 512 : i32
    %mul3A_2 = arith.muli %add3A, %mul3A_1 : i32
    "tpu.region"() ({
      %run_scoped3A = tpu.sem_alloc : memref<!tpu.dma_semaphore, #tpu.memory_space<semaphore_mem>>
      tpu.enqueue_dma source(%arg3 : memref<100xi32, #tpu.memory_space<hbm>>) target(%arg5 : memref<100xi32, #tpu.memory_space<vmem>>) target_semaphore(%run_scoped3A : memref<!tpu.dma_semaphore, #tpu.memory_space<semaphore_mem>>)
      tpu.wait_dma2 semaphore(%run_scoped3A : memref<!tpu.dma_semaphore, #tpu.memory_space<semaphore_mem>>) src(%arg3 : memref<100xi32, #tpu.memory_space<hbm>>) dst(%arg5 : memref<100xi32, #tpu.memory_space<vmem>>)
      tpu.yield
    }) : () -> ()
    %iota3A = tpu.iota {dimensions = array<i32: 0>} : vector<16xi32>
    %add3A_3 = arith.constant 0 : i32
    %add3A_4 = vector.broadcast %add3A_3 : i32 to vector<16xi32>
    %add3A_5 = arith.addi %iota3A, %add3A_4 : vector<16xi32>
    %rem3A = arith.constant 100 : i32
    %rem3A_6 = vector.broadcast %rem3A : i32 to vector<16xi32>
    %rem3A_7 = arith.remsi %add3A_5, %rem3A_6 : vector<16xi32>
    %div3A = arith.constant 100 : i32
    %div3A_8 = vector.broadcast %div3A : i32 to vector<16xi32>
    %div3A_9 = arith.divsi %add3A_5, %div3A_8 : vector<16xi32>
    %gather3A = tpu.vector_load_idx %arg5[%rem3A_7] : memref<100xi32, #tpu.memory_space<vmem>>[vector<16xi32>], vector<16xi32>,
    %iota3A_10 = tpu.iota {dimensions = array<i32: 0>} : vector<16xi32>
    %add3A_11 = arith.constant 16 : i32
    %add3A_12 = vector.broadcast %add3A_11 : i32 to vector<16xi32>
    %add3A_13 = arith.addi %iota3A_10, %add3A_12 : vector<16xi32>
    %rem3A_14 = arith.constant 100 : i32
    %rem3A_15 = vector.broadcast %rem3A_14 : i32 to vector<16xi32>
    %rem3A_16 = arith.remsi %add3A_13, %rem3A_15 : vector<16xi32>
    %div3A_17 = arith.constant 100 : i32
    %div3A_18 = vector.broadcast %div3A_17 : i32 to vector<16xi32>
    %div3A_19 = arith.divsi %add3A_13, %div3A_18 : vector<16xi32>
    %gather3A_20 = tpu.vector_load_idx %arg5[%rem3A_16] : memref<100xi32, #tpu.memory_space<vmem>>[vector<16xi32>], vector<16xi32>,
    %iota3A_21 = tpu.iota {dimensions = array<i32: 0>} : vector<16xi32>
    %add3A_22 = arith.constant 32 : i32
    %add3A_23 = vector.broadcast %add3A_22 : i32 to vector<16xi32>
    %add3A_24 = arith.addi %iota3A_21, %add3A_23 : vector<16xi32>
    %rem3A_25 = arith.constant 100 : i32
    %rem3A_26 = vector.broadcast %rem3A_25 : i32 to vector<16xi32>
    %rem3A_27 = arith.remsi %add3A_24, %rem3A_26 : vector<16xi32>
    %div3A_28 = arith.constant 100 : i32
    %div3A_29 = vector.broadcast %div3A_28 : i32 to vector<16xi32>
    %div3A_30 = arith.divsi %add3A_24, %div3A_29 : vector<16xi32>
    %gather3A_31 = tpu.vector_load_idx %arg5[%rem3A_27] : memref<100xi32, #tpu.memory_space<vmem>>[vector<16xi32>], vector<16xi32>,
    %iota3A_32 = tpu.iota {dimensions = array<i32: 0>} : vector<16xi32>
    %add3A_33 = arith.constant 48 : i32
    %add3A_34 = vector.broadcast %add3A_33 : i32 to vector<16xi32>
    %add3A_35 = arith.addi %iota3A_32, %add3A_34 : vector<16xi32>
    %rem3A_36 = arith.constant 100 : i32
    %rem3A_37 = vector.broadcast %rem3A_36 : i32 to vector<16xi32>
    %rem3A_38 = arith.remsi %add3A_35, %rem3A_37 : vector<16xi32>
    %div3A_39 = arith.constant 100 : i32
    %div3A_40 = vector.broadcast %div3A_39 : i32 to vector<16xi32>
    %div3A_41 = arith.divsi %add3A_35, %div3A_40 : vector<16xi32>
    %gather3A_42 = tpu.vector_load_idx %arg5[%rem3A_38] : memref<100xi32, #tpu.memory_space<vmem>>[vector<16xi32>], vector<16xi32>,
    %iota3A_43 = tpu.iota {dimensions = array<i32: 0>} : vector<16xi32>
    %add3A_44 = arith.constant 64 : i32
    %add3A_45 = vector.broadcast %add3A_44 : i32 to vector<16xi32>
    %add3A_46 = arith.addi %iota3A_43, %add3A_45 : vector<16xi32>
    %rem3A_47 = arith.constant 100 : i32
    %rem3A_48 = vector.broadcast %rem3A_47 : i32 to vector<16xi32>
    %rem3A_49 = arith.remsi %add3A_46, %rem3A_48 : vector<16xi32>
    %div3A_50 = arith.constant 100 : i32
    %div3A_51 = vector.broadcast %div3A_50 : i32 to vector<16xi32>
    %div3A_52 = arith.divsi %add3A_46, %div3A_51 : vector<16xi32>
    %gather3A_53 = tpu.vector_load_idx %arg5[%rem3A_49] : memref<100xi32, #tpu.memory_space<vmem>>[vector<16xi32>], vector<16xi32>,
    %iota3A_54 = tpu.iota {dimensions = array<i32: 0>} : vector<16xi32>
    %add3A_55 = arith.constant 80 : i32
    %add3A_56 = vector.broadcast %add3A_55 : i32 to vector<16xi32>
    %add3A_57 = arith.addi %iota3A_54, %add3A_56 : vector<16xi32>
    %rem3A_58 = arith.constant 100 : i32
    %rem3A_59 = vector.broadcast %rem3A_58 : i32 to vector<16xi32>
    %rem3A_60 = arith.remsi %add3A_57, %rem3A_59 : vector<16xi32>
    %div3A_61 = arith.constant 100 : i32
    %div3A_62 = vector.broadcast %div3A_61 : i32 to vector<16xi32>
    %div3A_63 = arith.divsi %add3A_57, %div3A_62 : vector<16xi32>
    %gather3A_64 = tpu.vector_load_idx %arg5[%rem3A_60] : memref<100xi32, #tpu.memory_space<vmem>>[vector<16xi32>], vector<16xi32>,
    %iota3A_65 = tpu.iota {dimensions = array<i32: 0>} : vector<16xi32>
    %add3A_66 = arith.constant 96 : i32
    %add3A_67 = vector.broadcast %add3A_66 : i32 to vector<16xi32>
    %add3A_68 = arith.addi %iota3A_65, %add3A_67 : vector<16xi32>
    %rem3A_69 = arith.constant 100 : i32
    %rem3A_70 = vector.broadcast %rem3A_69 : i32 to vector<16xi32>
    %rem3A_71 = arith.remsi %add3A_68, %rem3A_70 : vector<16xi32>
    %div3A_72 = arith.constant 100 : i32
    %div3A_73 = vector.broadcast %div3A_72 : i32 to vector<16xi32>
    %div3A_74 = arith.divsi %add3A_68, %div3A_73 : vector<16xi32>
    %gather3A_75 = tpu.vector_load_idx %arg5[%rem3A_71] : memref<100xi32, #tpu.memory_space<vmem>>[vector<16xi32>], vector<16xi32>,
    %iota3A_76 = tpu.iota {dimensions = array<i32: 0>} : vector<16xi32>
    %add3A_77 = arith.constant 112 : i32
    %add3A_78 = vector.broadcast %add3A_77 : i32 to vector<16xi32>
    %add3A_79 = arith.addi %iota3A_76, %add3A_78 : vector<16xi32>
    %rem3A_80 = arith.constant 100 : i32
    %rem3A_81 = vector.broadcast %rem3A_80 : i32 to vector<16xi32>
    %rem3A_82 = arith.remsi %add3A_79, %rem3A_81 : vector<16xi32>
    %div3A_83 = arith.constant 100 : i32
    %div3A_84 = vector.broadcast %div3A_83 : i32 to vector<16xi32>
    %div3A_85 = arith.divsi %add3A_79, %div3A_84 : vector<16xi32>
    %gather3A_86 = tpu.vector_load_idx %arg5[%rem3A_82] : memref<100xi32, #tpu.memory_space<vmem>>[vector<16xi32>], vector<16xi32>,
    %iota3A_87 = tpu.iota {dimensions = array<i32: 0>} : vector<16xi32>
    %add3A_88 = arith.constant 128 : i32
    %add3A_89 = vector.broadcast %add3A_88 : i32 to vector<16xi32>
    %add3A_90 = arith.addi %iota3A_87, %add3A_89 : vector<16xi32>
    %rem3A_91 = arith.constant 100 : i32
    %rem3A_92 = vector.broadcast %rem3A_91 : i32 to vector<16xi32>
    %rem3A_93 = arith.remsi %add3A_90, %rem3A_92 : vector<16xi32>
    %div3A_94 = arith.constant 100 : i32
    %div3A_95 = vector.broadcast %div3A_94 : i32 to vector<16xi32>
    %div3A_96 = arith.divsi %add3A_90, %div3A_95 : vector<16xi32>
    %gather3A_97 = tpu.vector_load_idx %arg5[%rem3A_93] : memref<100xi32, #tpu.memory_space<vmem>>[vector<16xi32>], vector<16xi32>,
    %iota3A_98 = tpu.iota {dimensions = array<i32: 0>} : vector<16xi32>
    %add3A_99 = arith.constant 144 : i32
    %add3A_100 = vector.broadcast %add3A_99 : i32 to vector<16xi32>
    %add3A_101 = arith.addi %iota3A_98, %add3A_100 : vector<16xi32>
    %rem3A_102 = arith.constant 100 : i32
    %rem3A_103 = vector.broadcast %rem3A_102 : i32 to vector<16xi32>
    %rem3A_104 = arith.remsi %add3A_101, %rem3A_103 : vector<16xi32>
    %div3A_105 = arith.constant 100 : i32
    %div3A_106 = vector.broadcast %div3A_105 : i32 to vector<16xi32>
    %div3A_107 = arith.divsi %add3A_101, %div3A_106 : vector<16xi32>
    %gather3A_108 = tpu.vector_load_idx %arg5[%rem3A_104] : memref<100xi32, #tpu.memory_space<vmem>>[vector<16xi32>], vector<16xi32>,
    %iota3A_109 = tpu.iota {dimensions = array<i32: 0>} : vector<16xi32>
    %add3A_110 = arith.constant 160 : i32
    %add3A_111 = vector.broadcast %add3A_110 : i32 to vector<16xi32>
    %add3A_112 = arith.addi %iota3A_109, %add3A_111 : vector<16xi32>
    %rem3A_113 = arith.constant 100 : i32
    %rem3A_114 = vector.broadcast %rem3A_113 : i32 to vector<16xi32>
    %rem3A_115 = arith.remsi %add3A_112, %rem3A_114 : vector<16xi32>
    %div3A_116 = arith.constant 100 : i32
    %div3A_117 = vector.broadcast %div3A_116 : i32 to vector<16xi32>
    %div3A_118 = arith.divsi %add3A_112, %div3A_117 : vector<16xi32>
    %gather3A_119 = tpu.vector_load_idx %arg5[%rem3A_115] : memref<100xi32, #tpu.memory_space<vmem>>[vector<16xi32>], vector<16xi32>,
    %iota3A_120 = tpu.iota {dimensions = array<i32: 0>} : vector<16xi32>
    %add3A_121 = arith.constant 176 : i32
    %add3A_122 = vector.broadcast %add3A_121 : i32 to vector<16xi32>
    %add3A_123 = arith.addi %iota3A_120, %add3A_122 : vector<16xi32>
    %rem3A_124 = arith.constant 100 : i32
    %rem3A_125 = vector.broadcast %rem3A_124 : i32 to vector<16xi32>
    %rem3A_126 = arith.remsi %add3A_123, %rem3A_125 : vector<16xi32>
    %div3A_127 = arith.constant 100 : i32
    %div3A_128 = vector.broadcast %div3A_127 : i32 to vector<16xi32>
    %div3A_129 = arith.divsi %add3A_123, %div3A_128 : vector<16xi32>
    %gather3A_130 = tpu.vector_load_idx %arg5[%rem3A_126] : memref<100xi32, #tpu.memory_space<vmem>>[vector<16xi32>], vector<16xi32>,
    %iota3A_131 = tpu.iota {dimensions = array<i32: 0>} : vector<16xi32>
    %add3A_132 = arith.constant 192 : i32
    %add3A_133 = vector.broadcast %add3A_132 : i32 to vector<16xi32>
    %add3A_134 = arith.addi %iota3A_131, %add3A_133 : vector<16xi32>
    %rem3A_135 = arith.constant 100 : i32
    %rem3A_136 = vector.broadcast %rem3A_135 : i32 to vector<16xi32>
    %rem3A_137 = arith.remsi %add3A_134, %rem3A_136 : vector<16xi32>
    %div3A_138 = arith.constant 100 : i32
    %div3A_139 = vector.broadcast %div3A_138 : i32 to vector<16xi32>
    %div3A_140 = arith.divsi %add3A_134, %div3A_139 : vector<16xi32>
    %gather3A_141 = tpu.vector_load_idx %arg5[%rem3A_137] : memref<100xi32, #tpu.memory_space<vmem>>[vector<16xi32>], vector<16xi32>,
    %iota3A_142 = tpu.iota {dimensions = array<i32: 0>} : vector<16xi32>
    %add3A_143 = arith.constant 208 : i32
    %add3A_144 = vector.broadcast %add3A_143 : i32 to vector<16xi32>
    %add3A_145 = arith.addi %iota3A_142, %add3A_144 : vector<16xi32>
    %rem3A_146 = arith.constant 100 : i32
    %rem3A_147 = vector.broadcast %rem3A_146 : i32 to vector<16xi32>
    %rem3A_148 = arith.remsi %add3A_145, %rem3A_147 : vector<16xi32>
    %div3A_149 = arith.constant 100 : i32
    %div3A_150 = vector.broadcast %div3A_149 : i32 to vector<16xi32>
    %div3A_151 = arith.divsi %add3A_145, %div3A_150 : vector<16xi32>
    %gather3A_152 = tpu.vector_load_idx %arg5[%rem3A_148] : memref<100xi32, #tpu.memory_space<vmem>>[vector<16xi32>], vector<16xi32>,
    %iota3A_153 = tpu.iota {dimensions = array<i32: 0>} : vector<16xi32>
    %add3A_154 = arith.constant 224 : i32
    %add3A_155 = vector.broadcast %add3A_154 : i32 to vector<16xi32>
    %add3A_156 = arith.addi %iota3A_153, %add3A_155 : vector<16xi32>
    %rem3A_157 = arith.constant 100 : i32
    %rem3A_158 = vector.broadcast %rem3A_157 : i32 to vector<16xi32>
    %rem3A_159 = arith.remsi %add3A_156, %rem3A_158 : vector<16xi32>
    %div3A_160 = arith.constant 100 : i32
    %div3A_161 = vector.broadcast %div3A_160 : i32 to vector<16xi32>
    %div3A_162 = arith.divsi %add3A_156, %div3A_161 : vector<16xi32>
    %gather3A_163 = tpu.vector_load_idx %arg5[%rem3A_159] : memref<100xi32, #tpu.memory_space<vmem>>[vector<16xi32>], vector<16xi32>,
    %iota3A_164 = tpu.iota {dimensions = array<i32: 0>} : vector<16xi32>
    %add3A_165 = arith.constant 240 : i32
    %add3A_166 = vector.broadcast %add3A_165 : i32 to vector<16xi32>
    %add3A_167 = arith.addi %iota3A_164, %add3A_166 : vector<16xi32>
    %rem3A_168 = arith.constant 100 : i32
    %rem3A_169 = vector.broadcast %rem3A_168 : i32 to vector<16xi32>
    %rem3A_170 = arith.remsi %add3A_167, %rem3A_169 : vector<16xi32>
    %div3A_171 = arith.constant 100 : i32
    %div3A_172 = vector.broadcast %div3A_171 : i32 to vector<16xi32>
    %div3A_173 = arith.divsi %add3A_167, %div3A_172 : vector<16xi32>
    %gather3A_174 = tpu.vector_load_idx %arg5[%rem3A_170] : memref<100xi32, #tpu.memory_space<vmem>>[vector<16xi32>], vector<16xi32>,
    %iota3A_175 = tpu.iota {dimensions = array<i32: 0>} : vector<16xi32>
    %add3A_176 = arith.constant 256 : i32
    %add3A_177 = vector.broadcast %add3A_176 : i32 to vector<16xi32>
    %add3A_178 = arith.addi %iota3A_175, %add3A_177 : vector<16xi32>
    %rem3A_179 = arith.constant 100 : i32
    %rem3A_180 = vector.broadcast %rem3A_179 : i32 to vector<16xi32>
    %rem3A_181 = arith.remsi %add3A_178, %rem3A_180 : vector<16xi32>
    %div3A_182 = arith.constant 100 : i32
    %div3A_183 = vector.broadcast %div3A_182 : i32 to vector<16xi32>
    %div3A_184 = arith.divsi %add3A_178, %div3A_183 : vector<16xi32>
    %gather3A_185 = tpu.vector_load_idx %arg5[%rem3A_181] : memref<100xi32, #tpu.memory_space<vmem>>[vector<16xi32>], vector<16xi32>,
    %iota3A_186 = tpu.iota {dimensions = array<i32: 0>} : vector<16xi32>
    %add3A_187 = arith.constant 272 : i32
    %add3A_188 = vector.broadcast %add3A_187 : i32 to vector<16xi32>
    %add3A_189 = arith.addi %iota3A_186, %add3A_188 : vector<16xi32>
    %rem3A_190 = arith.constant 100 : i32
    %rem3A_191 = vector.broadcast %rem3A_190 : i32 to vector<16xi32>
    %rem3A_192 = arith.remsi %add3A_189, %rem3A_191 : vector<16xi32>
    %div3A_193 = arith.constant 100 : i32
    %div3A_194 = vector.broadcast %div3A_193 : i32 to vector<16xi32>
    %div3A_195 = arith.divsi %add3A_189, %div3A_194 : vector<16xi32>
    %gather3A_196 = tpu.vector_load_idx %arg5[%rem3A_192] : memref<100xi32, #tpu.memory_space<vmem>>[vector<16xi32>], vector<16xi32>,
    %iota3A_197 = tpu.iota {dimensions = array<i32: 0>} : vector<16xi32>
    %add3A_198 = arith.constant 288 : i32
    %add3A_199 = vector.broadcast %add3A_198 : i32 to vector<16xi32>
    %add3A_200 = arith.addi %iota3A_197, %add3A_199 : vector<16xi32>
    %rem3A_201 = arith.constant 100 : i32
    %rem3A_202 = vector.broadcast %rem3A_201 : i32 to vector<16xi32>
    %rem3A_203 = arith.remsi %add3A_200, %rem3A_202 : vector<16xi32>
    %div3A_204 = arith.constant 100 : i32
    %div3A_205 = vector.broadcast %div3A_204 : i32 to vector<16xi32>
    %div3A_206 = arith.divsi %add3A_200, %div3A_205 : vector<16xi32>
    %gather3A_207 = tpu.vector_load_idx %arg5[%rem3A_203] : memref<100xi32, #tpu.memory_space<vmem>>[vector<16xi32>], vector<16xi32>,
    %iota3A_208 = tpu.iota {dimensions = array<i32: 0>} : vector<16xi32>
    %add3A_209 = arith.constant 304 : i32
    %add3A_210 = vector.broadcast %add3A_209 : i32 to vector<16xi32>
    %add3A_211 = arith.addi %iota3A_208, %add3A_210 : vector<16xi32>
    %rem3A_212 = arith.constant 100 : i32
    %rem3A_213 = vector.broadcast %rem3A_212 : i32 to vector<16xi32>
    %rem3A_214 = arith.remsi %add3A_211, %rem3A_213 : vector<16xi32>
    %div3A_215 = arith.constant 100 : i32
    %div3A_216 = vector.broadcast %div3A_215 : i32 to vector<16xi32>
    %div3A_217 = arith.divsi %add3A_211, %div3A_216 : vector<16xi32>
    %gather3A_218 = tpu.vector_load_idx %arg5[%rem3A_214] : memref<100xi32, #tpu.memory_space<vmem>>[vector<16xi32>], vector<16xi32>,
    %iota3A_219 = tpu.iota {dimensions = array<i32: 0>} : vector<16xi32>
    %add3A_220 = arith.constant 320 : i32
    %add3A_221 = vector.broadcast %add3A_220 : i32 to vector<16xi32>
    %add3A_222 = arith.addi %iota3A_219, %add3A_221 : vector<16xi32>
    %rem3A_223 = arith.constant 100 : i32
    %rem3A_224 = vector.broadcast %rem3A_223 : i32 to vector<16xi32>
    %rem3A_225 = arith.remsi %add3A_222, %rem3A_224 : vector<16xi32>
    %div3A_226 = arith.constant 100 : i32
    %div3A_227 = vector.broadcast %div3A_226 : i32 to vector<16xi32>
    %div3A_228 = arith.divsi %add3A_222, %div3A_227 : vector<16xi32>
    %gather3A_229 = tpu.vector_load_idx %arg5[%rem3A_225] : memref<100xi32, #tpu.memory_space<vmem>>[vector<16xi32>], vector<16xi32>,
    %iota3A_230 = tpu.iota {dimensions = array<i32: 0>} : vector<16xi32>
    %add3A_231 = arith.constant 336 : i32
    %add3A_232 = vector.broadcast %add3A_231 : i32 to vector<16xi32>
    %add3A_233 = arith.addi %iota3A_230, %add3A_232 : vector<16xi32>
    %rem3A_234 = arith.constant 100 : i32
    %rem3A_235 = vector.broadcast %rem3A_234 : i32 to vector<16xi32>
    %rem3A_236 = arith.remsi %add3A_233, %rem3A_235 : vector<16xi32>
    %div3A_237 = arith.constant 100 : i32
    %div3A_238 = vector.broadcast %div3A_237 : i32 to vector<16xi32>
    %div3A_239 = arith.divsi %add3A_233, %div3A_238 : vector<16xi32>
    %gather3A_240 = tpu.vector_load_idx %arg5[%rem3A_236] : memref<100xi32, #tpu.memory_space<vmem>>[vector<16xi32>], vector<16xi32>,
    %iota3A_241 = tpu.iota {dimensions = array<i32: 0>} : vector<16xi32>
    %add3A_242 = arith.constant 352 : i32
    %add3A_243 = vector.broadcast %add3A_242 : i32 to vector<16xi32>
    %add3A_244 = arith.addi %iota3A_241, %add3A_243 : vector<16xi32>
    %rem3A_245 = arith.constant 100 : i32
    %rem3A_246 = vector.broadcast %rem3A_245 : i32 to vector<16xi32>
    %rem3A_247 = arith.remsi %add3A_244, %rem3A_246 : vector<16xi32>
    %div3A_248 = arith.constant 100 : i32
    %div3A_249 = vector.broadcast %div3A_248 : i32 to vector<16xi32>
    %div3A_250 = arith.divsi %add3A_244, %div3A_249 : vector<16xi32>
    %gather3A_251 = tpu.vector_load_idx %arg5[%rem3A_247] : memref<100xi32, #tpu.memory_space<vmem>>[vector<16xi32>], vector<16xi32>,
    %iota3A_252 = tpu.iota {dimensions = array<i32: 0>} : vector<16xi32>
    %add3A_253 = arith.constant 368 : i32
    %add3A_254 = vector.broadcast %add3A_253 : i32 to vector<16xi32>
    %add3A_255 = arith.addi %iota3A_252, %add3A_254 : vector<16xi32>
    %rem3A_256 = arith.constant 100 : i32
    %rem3A_257 = vector.broadcast %rem3A_256 : i32 to vector<16xi32>
    %rem3A_258 = arith.remsi %add3A_255, %rem3A_257 : vector<16xi32>
    %div3A_259 = arith.constant 100 : i32
    %div3A_260 = vector.broadcast %div3A_259 : i32 to vector<16xi32>
    %div3A_261 = arith.divsi %add3A_255, %div3A_260 : vector<16xi32>
    %gather3A_262 = tpu.vector_load_idx %arg5[%rem3A_258] : memref<100xi32, #tpu.memory_space<vmem>>[vector<16xi32>], vector<16xi32>,
    %iota3A_263 = tpu.iota {dimensions = array<i32: 0>} : vector<16xi32>
    %add3A_264 = arith.constant 384 : i32
    %add3A_265 = vector.broadcast %add3A_264 : i32 to vector<16xi32>
    %add3A_266 = arith.addi %iota3A_263, %add3A_265 : vector<16xi32>
    %rem3A_267 = arith.constant 100 : i32
    %rem3A_268 = vector.broadcast %rem3A_267 : i32 to vector<16xi32>
    %rem3A_269 = arith.remsi %add3A_266, %rem3A_268 : vector<16xi32>
    %div3A_270 = arith.constant 100 : i32
    %div3A_271 = vector.broadcast %div3A_270 : i32 to vector<16xi32>
    %div3A_272 = arith.divsi %add3A_266, %div3A_271 : vector<16xi32>
    %gather3A_273 = tpu.vector_load_idx %arg5[%rem3A_269] : memref<100xi32, #tpu.memory_space<vmem>>[vector<16xi32>], vector<16xi32>,
    %add3A_274 = arith.constant 0 : i32
    %add3A_275 = arith.addi %mul3A_2, %add3A_274 : i32
    %dma_start3A = arith.constant 0 : i32
    %dma_start3A_276 = tpu.memref_slice %arg2[%add3A_275, %dma_start3A] : memref<16384x1000xf32, #tpu.memory_space<hbm>> -> memref<32x1000xf32, #tpu.memory_space<hbm>>
    %dma_start3A_277 = arith.constant 0 : i32
    %dma_start3A_278 = tpu.memref_slice %arg2[%add3A_275, %dma_start3A_277] : memref<16384x1000xf32, #tpu.memory_space<hbm>> -> memref<32x1000xf32, #tpu.memory_space<hbm>>
    tpu.enqueue_dma source(%dma_start3A_278 : memref<32x1000xf32, #tpu.memory_space<hbm>>) target(%arg6 : memref<32x1000xf32, #tpu.memory_space<vmem>>) target_semaphore(%arg10 : memref<!tpu.dma_semaphore, #tpu.memory_space<semaphore_mem>>)
    %scan3A = arith.constant 0 : i32
    %scan3A_279 = arith.constant 0 : i32
    %scan3A_280 = arith.constant 8 : i32
    %scan3A_281 = arith.addi %scan3A_279, %scan3A_280 : i32
    %scan3A_282 = arith.constant 1 : i32
    scf.for %scan3A_295 = %scan3A_279 to %scan3A_281 step %scan3A_282  : i32 {
      %mul3A_296 = arith.constant 2 : i32
      %mul3A_297 = arith.muli %mul3A_296, %scan3A_295 : i32
      %add3A_298 = arith.constant 1 : i32
      %add3A_299 = arith.addi %mul3A_297, %add3A_298 : i32
      %mul3A_300 = arith.constant 32 : i32
      %mul3A_301 = arith.muli %add3A_299, %mul3A_300 : i32
      %add3A_302 = arith.addi %mul3A_2, %mul3A_301 : i32
      %dma_start3A_303 = arith.constant 0 : i32
      %dma_start3A_304 = tpu.memref_slice %arg2[%add3A_302, %dma_start3A_303] : memref<16384x1000xf32, #tpu.memory_space<hbm>> -> memref<32x1000xf32, #tpu.memory_space<hbm>>
      %dma_start3A_305 = arith.constant 0 : i32
      %dma_start3A_306 = tpu.memref_slice %arg2[%add3A_302, %dma_start3A_305] : memref<16384x1000xf32, #tpu.memory_space<hbm>> -> memref<32x1000xf32, #tpu.memory_space<hbm>>
      tpu.enqueue_dma source(%dma_start3A_306 : memref<32x1000xf32, #tpu.memory_space<hbm>>) target(%arg7 : memref<32x1000xf32, #tpu.memory_space<vmem>>) target_semaphore(%arg11 : memref<!tpu.dma_semaphore, #tpu.memory_space<semaphore_mem>>)
      %dma_wait3A_307 = arith.constant 0 : i32
      %dma_wait3A_308 = arith.constant 0 : i32
      %dma_wait3A_309 = tpu.memref_slice %arg2[%dma_wait3A_307, %dma_wait3A_308] : memref<16384x1000xf32, #tpu.memory_space<hbm>> -> memref<32x1000xf32, #tpu.memory_space<hbm>>
      %dma_wait3A_310 = arith.constant 0 : i32
      %dma_wait3A_311 = arith.constant 0 : i32
      %dma_wait3A_312 = tpu.memref_slice %arg2[%dma_wait3A_310, %dma_wait3A_311] : memref<16384x1000xf32, #tpu.memory_space<hbm>> -> memref<32x1000xf32, #tpu.memory_space<hbm>>
      tpu.wait_dma2 semaphore(%arg10 : memref<!tpu.dma_semaphore, #tpu.memory_space<semaphore_mem>>) src(%dma_wait3A_312 : memref<32x1000xf32, #tpu.memory_space<hbm>>) dst(%arg6 : memref<32x1000xf32, #tpu.memory_space<vmem>>)
      %gt3A = arith.constant 0 : i32
      %gt3A_313 = arith.cmpi sgt, %scan3A_295, %gt3A : i32
      %convert_element_type3A = arith.extui %gt3A_313 : i1 to i32
      %cond3A = arith.constant 0 : i32
      %cond3A_314 = arith.cmpi ne, %convert_element_type3A, %cond3A : i32
      scf.if %cond3A_314 {
        %dma_wait3A_3150 = arith.constant 0 : i32
        %dma_wait3A_3151 = arith.constant 0 : i32
        %dma_wait3A_3152 = tpu.memref_slice %arg4[%dma_wait3A_3150, %dma_wait3A_3151] : memref<16384x100xf32, #tpu.memory_space<hbm>> -> memref<32x100xf32, #tpu.memory_space<hbm>>
        %dma_wait3A_3153 = arith.constant 0 : i32
        %dma_wait3A_3154 = arith.constant 0 : i32
        %dma_wait3A_3155 = tpu.memref_slice %arg4[%dma_wait3A_3153, %dma_wait3A_3154] : memref<16384x100xf32, #tpu.memory_space<hbm>> -> memref<32x100xf32, #tpu.memory_space<hbm>>
        tpu.wait_dma2 semaphore(%arg12 : memref<!tpu.dma_semaphore, #tpu.memory_space<semaphore_mem>>) src(%arg8 : memref<32x100xf32, #tpu.memory_space<vmem>>) dst(%dma_wait3A_3155 : memref<32x100xf32, #tpu.memory_space<hbm>>)
      } else {
      }
      %add3A_315 = arith.constant 0 : i32
      %add3A_316 = vector.broadcast %add3A_315 : i32 to vector<16xi32>
      %add3A_317 = arith.addi %div3A_9, %add3A_316 : vector<16xi32>
      %gather3A_318 = tpu.vector_load_idx %arg6[%add3A_317, %gather3A] : memref<32x1000xf32, #tpu.memory_space<vmem>>[vector<16xi32>, vector<16xi32>], vector<16xf32>,
      %add3A_319 = arith.constant 0 : i32
      %add3A_320 = vector.broadcast %add3A_319 : i32 to vector<16xi32>
      %add3A_321 = arith.addi %div3A_9, %add3A_320 : vector<16xi32>
      tpu.vector_store_idx %arg8[%add3A_321, %rem3A_7], %gather3A_318 : memref<32x100xf32, #tpu.memory_space<vmem>>[vector<16xi32>, vector<16xi32>], vector<16xf32>,
      %add3A_322 = arith.constant 0 : i32
      %add3A_323 = vector.broadcast %add3A_322 : i32 to vector<16xi32>
      %add3A_324 = arith.addi %div3A_19, %add3A_323 : vector<16xi32>
      %gather3A_325 = tpu.vector_load_idx %arg6[%add3A_324, %gather3A_20] : memref<32x1000xf32, #tpu.memory_space<vmem>>[vector<16xi32>, vector<16xi32>], vector<16xf32>,
      %add3A_326 = arith.constant 0 : i32
      %add3A_327 = vector.broadcast %add3A_326 : i32 to vector<16xi32>
      %add3A_328 = arith.addi %div3A_19, %add3A_327 : vector<16xi32>
      tpu.vector_store_idx %arg8[%add3A_328, %rem3A_16], %gather3A_325 : memref<32x100xf32, #tpu.memory_space<vmem>>[vector<16xi32>, vector<16xi32>], vector<16xf32>,
      %add3A_329 = arith.constant 0 : i32
      %add3A_330 = vector.broadcast %add3A_329 : i32 to vector<16xi32>
      %add3A_331 = arith.addi %div3A_30, %add3A_330 : vector<16xi32>
      %gather3A_332 = tpu.vector_load_idx %arg6[%add3A_331, %gather3A_31] : memref<32x1000xf32, #tpu.memory_space<vmem>>[vector<16xi32>, vector<16xi32>], vector<16xf32>,
      %add3A_333 = arith.constant 0 : i32
      %add3A_334 = vector.broadcast %add3A_333 : i32 to vector<16xi32>
      %add3A_335 = arith.addi %div3A_30, %add3A_334 : vector<16xi32>
      tpu.vector_store_idx %arg8[%add3A_335, %rem3A_27], %gather3A_332 : memref<32x100xf32, #tpu.memory_space<vmem>>[vector<16xi32>, vector<16xi32>], vector<16xf32>,
      %add3A_336 = arith.constant 0 : i32
      %add3A_337 = vector.broadcast %add3A_336 : i32 to vector<16xi32>
      %add3A_338 = arith.addi %div3A_41, %add3A_337 : vector<16xi32>
      %gather3A_339 = tpu.vector_load_idx %arg6[%add3A_338, %gather3A_42] : memref<32x1000xf32, #tpu.memory_space<vmem>>[vector<16xi32>, vector<16xi32>], vector<16xf32>,
      %add3A_340 = arith.constant 0 : i32
      %add3A_341 = vector.broadcast %add3A_340 : i32 to vector<16xi32>
      %add3A_342 = arith.addi %div3A_41, %add3A_341 : vector<16xi32>
      tpu.vector_store_idx %arg8[%add3A_342, %rem3A_38], %gather3A_339 : memref<32x100xf32, #tpu.memory_space<vmem>>[vector<16xi32>, vector<16xi32>], vector<16xf32>,
      %add3A_343 = arith.constant 0 : i32
      %add3A_344 = vector.broadcast %add3A_343 : i32 to vector<16xi32>
      %add3A_345 = arith.addi %div3A_52, %add3A_344 : vector<16xi32>
      %gather3A_346 = tpu.vector_load_idx %arg6[%add3A_345, %gather3A_53] : memref<32x1000xf32, #tpu.memory_space<vmem>>[vector<16xi32>, vector<16xi32>], vector<16xf32>,
      %add3A_347 = arith.constant 0 : i32
      %add3A_348 = vector.broadcast %add3A_347 : i32 to vector<16xi32>
      %add3A_349 = arith.addi %div3A_52, %add3A_348 : vector<16xi32>
      tpu.vector_store_idx %arg8[%add3A_349, %rem3A_49], %gather3A_346 : memref<32x100xf32, #tpu.memory_space<vmem>>[vector<16xi32>, vector<16xi32>], vector<16xf32>,
      %add3A_350 = arith.constant 0 : i32
      %add3A_351 = vector.broadcast %add3A_350 : i32 to vector<16xi32>
      %add3A_352 = arith.addi %div3A_63, %add3A_351 : vector<16xi32>
      %gather3A_353 = tpu.vector_load_idx %arg6[%add3A_352, %gather3A_64] : memref<32x1000xf32, #tpu.memory_space<vmem>>[vector<16xi32>, vector<16xi32>], vector<16xf32>,
      %add3A_354 = arith.constant 0 : i32
      %add3A_355 = vector.broadcast %add3A_354 : i32 to vector<16xi32>
      %add3A_356 = arith.addi %div3A_63, %add3A_355 : vector<16xi32>
      tpu.vector_store_idx %arg8[%add3A_356, %rem3A_60], %gather3A_353 : memref<32x100xf32, #tpu.memory_space<vmem>>[vector<16xi32>, vector<16xi32>], vector<16xf32>,
      %add3A_357 = arith.constant 0 : i32
      %add3A_358 = vector.broadcast %add3A_357 : i32 to vector<16xi32>
      %add3A_359 = arith.addi %div3A_74, %add3A_358 : vector<16xi32>
      %gather3A_360 = tpu.vector_load_idx %arg6[%add3A_359, %gather3A_75] : memref<32x1000xf32, #tpu.memory_space<vmem>>[vector<16xi32>, vector<16xi32>], vector<16xf32>,
      %add3A_361 = arith.constant 0 : i32
      %add3A_362 = vector.broadcast %add3A_361 : i32 to vector<16xi32>
      %add3A_363 = arith.addi %div3A_74, %add3A_362 : vector<16xi32>
      tpu.vector_store_idx %arg8[%add3A_363, %rem3A_71], %gather3A_360 : memref<32x100xf32, #tpu.memory_space<vmem>>[vector<16xi32>, vector<16xi32>], vector<16xf32>,
      %add3A_364 = arith.constant 0 : i32
      %add3A_365 = vector.broadcast %add3A_364 : i32 to vector<16xi32>
      %add3A_366 = arith.addi %div3A_85, %add3A_365 : vector<16xi32>
      %gather3A_367 = tpu.vector_load_idx %arg6[%add3A_366, %gather3A_86] : memref<32x1000xf32, #tpu.memory_space<vmem>>[vector<16xi32>, vector<16xi32>], vector<16xf32>,
      %add3A_368 = arith.constant 0 : i32
      %add3A_369 = vector.broadcast %add3A_368 : i32 to vector<16xi32>
      %add3A_370 = arith.addi %div3A_85, %add3A_369 : vector<16xi32>
      tpu.vector_store_idx %arg8[%add3A_370, %rem3A_82], %gather3A_367 : memref<32x100xf32, #tpu.memory_space<vmem>>[vector<16xi32>, vector<16xi32>], vector<16xf32>,
      %add3A_371 = arith.constant 0 : i32
      %add3A_372 = vector.broadcast %add3A_371 : i32 to vector<16xi32>
      %add3A_373 = arith.addi %div3A_96, %add3A_372 : vector<16xi32>
      %gather3A_374 = tpu.vector_load_idx %arg6[%add3A_373, %gather3A_97] : memref<32x1000xf32, #tpu.memory_space<vmem>>[vector<16xi32>, vector<16xi32>], vector<16xf32>,
      %add3A_375 = arith.constant 0 : i32
      %add3A_376 = vector.broadcast %add3A_375 : i32 to vector<16xi32>
      %add3A_377 = arith.addi %div3A_96, %add3A_376 : vector<16xi32>
      tpu.vector_store_idx %arg8[%add3A_377, %rem3A_93], %gather3A_374 : memref<32x100xf32, #tpu.memory_space<vmem>>[vector<16xi32>, vector<16xi32>], vector<16xf32>,
      %add3A_378 = arith.constant 0 : i32
      %add3A_379 = vector.broadcast %add3A_378 : i32 to vector<16xi32>
      %add3A_380 = arith.addi %div3A_107, %add3A_379 : vector<16xi32>
      %gather3A_381 = tpu.vector_load_idx %arg6[%add3A_380, %gather3A_108] : memref<32x1000xf32, #tpu.memory_space<vmem>>[vector<16xi32>, vector<16xi32>], vector<16xf32>,
      %add3A_382 = arith.constant 0 : i32
      %add3A_383 = vector.broadcast %add3A_382 : i32 to vector<16xi32>
      %add3A_384 = arith.addi %div3A_107, %add3A_383 : vector<16xi32>
      tpu.vector_store_idx %arg8[%add3A_384, %rem3A_104], %gather3A_381 : memref<32x100xf32, #tpu.memory_space<vmem>>[vector<16xi32>, vector<16xi32>], vector<16xf32>,
      %add3A_385 = arith.constant 0 : i32
      %add3A_386 = vector.broadcast %add3A_385 : i32 to vector<16xi32>
      %add3A_387 = arith.addi %div3A_118, %add3A_386 : vector<16xi32>
      %gather3A_388 = tpu.vector_load_idx %arg6[%add3A_387, %gather3A_119] : memref<32x1000xf32, #tpu.memory_space<vmem>>[vector<16xi32>, vector<16xi32>], vector<16xf32>,
      %add3A_389 = arith.constant 0 : i32
      %add3A_390 = vector.broadcast %add3A_389 : i32 to vector<16xi32>
      %add3A_391 = arith.addi %div3A_118, %add3A_390 : vector<16xi32>
      tpu.vector_store_idx %arg8[%add3A_391, %rem3A_115], %gather3A_388 : memref<32x100xf32, #tpu.memory_space<vmem>>[vector<16xi32>, vector<16xi32>], vector<16xf32>,
      %add3A_392 = arith.constant 0 : i32
      %add3A_393 = vector.broadcast %add3A_392 : i32 to vector<16xi32>
      %add3A_394 = arith.addi %div3A_129, %add3A_393 : vector<16xi32>
      %gather3A_395 = tpu.vector_load_idx %arg6[%add3A_394, %gather3A_130] : memref<32x1000xf32, #tpu.memory_space<vmem>>[vector<16xi32>, vector<16xi32>], vector<16xf32>,
      %add3A_396 = arith.constant 0 : i32
      %add3A_397 = vector.broadcast %add3A_396 : i32 to vector<16xi32>
      %add3A_398 = arith.addi %div3A_129, %add3A_397 : vector<16xi32>
      tpu.vector_store_idx %arg8[%add3A_398, %rem3A_126], %gather3A_395 : memref<32x100xf32, #tpu.memory_space<vmem>>[vector<16xi32>, vector<16xi32>], vector<16xf32>,
      %add3A_399 = arith.constant 0 : i32
      %add3A_400 = vector.broadcast %add3A_399 : i32 to vector<16xi32>
      %add3A_401 = arith.addi %div3A_140, %add3A_400 : vector<16xi32>
      %gather3A_402 = tpu.vector_load_idx %arg6[%add3A_401, %gather3A_141] : memref<32x1000xf32, #tpu.memory_space<vmem>>[vector<16xi32>, vector<16xi32>], vector<16xf32>,
      %add3A_403 = arith.constant 0 : i32
      %add3A_404 = vector.broadcast %add3A_403 : i32 to vector<16xi32>
      %add3A_405 = arith.addi %div3A_140, %add3A_404 : vector<16xi32>
      tpu.vector_store_idx %arg8[%add3A_405, %rem3A_137], %gather3A_402 : memref<32x100xf32, #tpu.memory_space<vmem>>[vector<16xi32>, vector<16xi32>], vector<16xf32>,
      %add3A_406 = arith.constant 0 : i32
      %add3A_407 = vector.broadcast %add3A_406 : i32 to vector<16xi32>
      %add3A_408 = arith.addi %div3A_151, %add3A_407 : vector<16xi32>
      %gather3A_409 = tpu.vector_load_idx %arg6[%add3A_408, %gather3A_152] : memref<32x1000xf32, #tpu.memory_space<vmem>>[vector<16xi32>, vector<16xi32>], vector<16xf32>,
      %add3A_410 = arith.constant 0 : i32
      %add3A_411 = vector.broadcast %add3A_410 : i32 to vector<16xi32>
      %add3A_412 = arith.addi %div3A_151, %add3A_411 : vector<16xi32>
      tpu.vector_store_idx %arg8[%add3A_412, %rem3A_148], %gather3A_409 : memref<32x100xf32, #tpu.memory_space<vmem>>[vector<16xi32>, vector<16xi32>], vector<16xf32>,
      %add3A_413 = arith.constant 0 : i32
      %add3A_414 = vector.broadcast %add3A_413 : i32 to vector<16xi32>
      %add3A_415 = arith.addi %div3A_162, %add3A_414 : vector<16xi32>
      %gather3A_416 = tpu.vector_load_idx %arg6[%add3A_415, %gather3A_163] : memref<32x1000xf32, #tpu.memory_space<vmem>>[vector<16xi32>, vector<16xi32>], vector<16xf32>,
      %add3A_417 = arith.constant 0 : i32
      %add3A_418 = vector.broadcast %add3A_417 : i32 to vector<16xi32>
      %add3A_419 = arith.addi %div3A_162, %add3A_418 : vector<16xi32>
      tpu.vector_store_idx %arg8[%add3A_419, %rem3A_159], %gather3A_416 : memref<32x100xf32, #tpu.memory_space<vmem>>[vector<16xi32>, vector<16xi32>], vector<16xf32>,
      %add3A_420 = arith.constant 0 : i32
      %add3A_421 = vector.broadcast %add3A_420 : i32 to vector<16xi32>
      %add3A_422 = arith.addi %div3A_173, %add3A_421 : vector<16xi32>
      %gather3A_423 = tpu.vector_load_idx %arg6[%add3A_422, %gather3A_174] : memref<32x1000xf32, #tpu.memory_space<vmem>>[vector<16xi32>, vector<16xi32>], vector<16xf32>,
      %add3A_424 = arith.constant 0 : i32
      %add3A_425 = vector.broadcast %add3A_424 : i32 to vector<16xi32>
      %add3A_426 = arith.addi %div3A_173, %add3A_425 : vector<16xi32>
      tpu.vector_store_idx %arg8[%add3A_426, %rem3A_170], %gather3A_423 : memref<32x100xf32, #tpu.memory_space<vmem>>[vector<16xi32>, vector<16xi32>], vector<16xf32>,
      %add3A_427 = arith.constant 0 : i32
      %add3A_428 = vector.broadcast %add3A_427 : i32 to vector<16xi32>
      %add3A_429 = arith.addi %div3A_184, %add3A_428 : vector<16xi32>
      %gather3A_430 = tpu.vector_load_idx %arg6[%add3A_429, %gather3A_185] : memref<32x1000xf32, #tpu.memory_space<vmem>>[vector<16xi32>, vector<16xi32>], vector<16xf32>,
      %add3A_431 = arith.constant 0 : i32
      %add3A_432 = vector.broadcast %add3A_431 : i32 to vector<16xi32>
      %add3A_433 = arith.addi %div3A_184, %add3A_432 : vector<16xi32>
      tpu.vector_store_idx %arg8[%add3A_433, %rem3A_181], %gather3A_430 : memref<32x100xf32, #tpu.memory_space<vmem>>[vector<16xi32>, vector<16xi32>], vector<16xf32>,
      %add3A_434 = arith.constant 0 : i32
      %add3A_435 = vector.broadcast %add3A_434 : i32 to vector<16xi32>
      %add3A_436 = arith.addi %div3A_195, %add3A_435 : vector<16xi32>
      %gather3A_437 = tpu.vector_load_idx %arg6[%add3A_436, %gather3A_196] : memref<32x1000xf32, #tpu.memory_space<vmem>>[vector<16xi32>, vector<16xi32>], vector<16xf32>,
      %add3A_438 = arith.constant 0 : i32
      %add3A_439 = vector.broadcast %add3A_438 : i32 to vector<16xi32>
      %add3A_440 = arith.addi %div3A_195, %add3A_439 : vector<16xi32>
      tpu.vector_store_idx %arg8[%add3A_440, %rem3A_192], %gather3A_437 : memref<32x100xf32, #tpu.memory_space<vmem>>[vector<16xi32>, vector<16xi32>], vector<16xf32>,
      %add3A_441 = arith.constant 0 : i32
      %add3A_442 = vector.broadcast %add3A_441 : i32 to vector<16xi32>
      %add3A_443 = arith.addi %div3A_206, %add3A_442 : vector<16xi32>
      %gather3A_444 = tpu.vector_load_idx %arg6[%add3A_443, %gather3A_207] : memref<32x1000xf32, #tpu.memory_space<vmem>>[vector<16xi32>, vector<16xi32>], vector<16xf32>,
      %add3A_445 = arith.constant 0 : i32
      %add3A_446 = vector.broadcast %add3A_445 : i32 to vector<16xi32>
      %add3A_447 = arith.addi %div3A_206, %add3A_446 : vector<16xi32>
      tpu.vector_store_idx %arg8[%add3A_447, %rem3A_203], %gather3A_444 : memref<32x100xf32, #tpu.memory_space<vmem>>[vector<16xi32>, vector<16xi32>], vector<16xf32>,
      %add3A_448 = arith.constant 0 : i32
      %add3A_449 = vector.broadcast %add3A_448 : i32 to vector<16xi32>
      %add3A_450 = arith.addi %div3A_217, %add3A_449 : vector<16xi32>
      %gather3A_451 = tpu.vector_load_idx %arg6[%add3A_450, %gather3A_218] : memref<32x1000xf32, #tpu.memory_space<vmem>>[vector<16xi32>, vector<16xi32>], vector<16xf32>,
      %add3A_452 = arith.constant 0 : i32
      %add3A_453 = vector.broadcast %add3A_452 : i32 to vector<16xi32>
      %add3A_454 = arith.addi %div3A_217, %add3A_453 : vector<16xi32>
      tpu.vector_store_idx %arg8[%add3A_454, %rem3A_214], %gather3A_451 : memref<32x100xf32, #tpu.memory_space<vmem>>[vector<16xi32>, vector<16xi32>], vector<16xf32>,
      %add3A_455 = arith.constant 0 : i32
      %add3A_456 = vector.broadcast %add3A_455 : i32 to vector<16xi32>
      %add3A_457 = arith.addi %div3A_228, %add3A_456 : vector<16xi32>
      %gather3A_458 = tpu.vector_load_idx %arg6[%add3A_457, %gather3A_229] : memref<32x1000xf32, #tpu.memory_space<vmem>>[vector<16xi32>, vector<16xi32>], vector<16xf32>,
      %add3A_459 = arith.constant 0 : i32
      %add3A_460 = vector.broadcast %add3A_459 : i32 to vector<16xi32>
      %add3A_461 = arith.addi %div3A_228, %add3A_460 : vector<16xi32>
      tpu.vector_store_idx %arg8[%add3A_461, %rem3A_225], %gather3A_458 : memref<32x100xf32, #tpu.memory_space<vmem>>[vector<16xi32>, vector<16xi32>], vector<16xf32>,
      %add3A_462 = arith.constant 0 : i32
      %add3A_463 = vector.broadcast %add3A_462 : i32 to vector<16xi32>
      %add3A_464 = arith.addi %div3A_239, %add3A_463 : vector<16xi32>
      %gather3A_465 = tpu.vector_load_idx %arg6[%add3A_464, %gather3A_240] : memref<32x1000xf32, #tpu.memory_space<vmem>>[vector<16xi32>, vector<16xi32>], vector<16xf32>,
      %add3A_466 = arith.constant 0 : i32
      %add3A_467 = vector.broadcast %add3A_466 : i32 to vector<16xi32>
      %add3A_468 = arith.addi %div3A_239, %add3A_467 : vector<16xi32>
      tpu.vector_store_idx %arg8[%add3A_468, %rem3A_236], %gather3A_465 : memref<32x100xf32, #tpu.memory_space<vmem>>[vector<16xi32>, vector<16xi32>], vector<16xf32>,
      %add3A_469 = arith.constant 0 : i32
      %add3A_470 = vector.broadcast %add3A_469 : i32 to vector<16xi32>
      %add3A_471 = arith.addi %div3A_250, %add3A_470 : vector<16xi32>
      %gather3A_472 = tpu.vector_load_idx %arg6[%add3A_471, %gather3A_251] : memref<32x1000xf32, #tpu.memory_space<vmem>>[vector<16xi32>, vector<16xi32>], vector<16xf32>,
      %add3A_473 = arith.constant 0 : i32
      %add3A_474 = vector.broadcast %add3A_473 : i32 to vector<16xi32>
      %add3A_475 = arith.addi %div3A_250, %add3A_474 : vector<16xi32>
      tpu.vector_store_idx %arg8[%add3A_475, %rem3A_247], %gather3A_472 : memref<32x100xf32, #tpu.memory_space<vmem>>[vector<16xi32>, vector<16xi32>], vector<16xf32>,
      %add3A_476 = arith.constant 0 : i32
      %add3A_477 = vector.broadcast %add3A_476 : i32 to vector<16xi32>
      %add3A_478 = arith.addi %div3A_261, %add3A_477 : vector<16xi32>
      %gather3A_479 = tpu.vector_load_idx %arg6[%add3A_478, %gather3A_262] : memref<32x1000xf32, #tpu.memory_space<vmem>>[vector<16xi32>, vector<16xi32>], vector<16xf32>,
      %add3A_480 = arith.constant 0 : i32
      %add3A_481 = vector.broadcast %add3A_480 : i32 to vector<16xi32>
      %add3A_482 = arith.addi %div3A_261, %add3A_481 : vector<16xi32>
      tpu.vector_store_idx %arg8[%add3A_482, %rem3A_258], %gather3A_479 : memref<32x100xf32, #tpu.memory_space<vmem>>[vector<16xi32>, vector<16xi32>], vector<16xf32>,
      %add3A_483 = arith.constant 0 : i32
      %add3A_484 = vector.broadcast %add3A_483 : i32 to vector<16xi32>
      %add3A_485 = arith.addi %div3A_272, %add3A_484 : vector<16xi32>
      %gather3A_486 = tpu.vector_load_idx %arg6[%add3A_485, %gather3A_273] : memref<32x1000xf32, #tpu.memory_space<vmem>>[vector<16xi32>, vector<16xi32>], vector<16xf32>,
      %add3A_487 = arith.constant 0 : i32
      %add3A_488 = vector.broadcast %add3A_487 : i32 to vector<16xi32>
      %add3A_489 = arith.addi %div3A_272, %add3A_488 : vector<16xi32>
      tpu.vector_store_idx %arg8[%add3A_489, %rem3A_269], %gather3A_486 : memref<32x100xf32, #tpu.memory_space<vmem>>[vector<16xi32>, vector<16xi32>], vector<16xf32>,
      %add3A_490 = arith.constant 4 : i32
      %add3A_491 = vector.broadcast %add3A_490 : i32 to vector<16xi32>
      %add3A_492 = arith.addi %div3A_9, %add3A_491 : vector<16xi32>
      %gather3A_493 = tpu.vector_load_idx %arg6[%add3A_492, %gather3A] : memref<32x1000xf32, #tpu.memory_space<vmem>>[vector<16xi32>, vector<16xi32>], vector<16xf32>,
      %add3A_494 = arith.constant 4 : i32
      %add3A_495 = vector.broadcast %add3A_494 : i32 to vector<16xi32>
      %add3A_496 = arith.addi %div3A_9, %add3A_495 : vector<16xi32>
      tpu.vector_store_idx %arg8[%add3A_496, %rem3A_7], %gather3A_493 : memref<32x100xf32, #tpu.memory_space<vmem>>[vector<16xi32>, vector<16xi32>], vector<16xf32>,
      %add3A_497 = arith.constant 4 : i32
      %add3A_498 = vector.broadcast %add3A_497 : i32 to vector<16xi32>
      %add3A_499 = arith.addi %div3A_19, %add3A_498 : vector<16xi32>
      %gather3A_500 = tpu.vector_load_idx %arg6[%add3A_499, %gather3A_20] : memref<32x1000xf32, #tpu.memory_space<vmem>>[vector<16xi32>, vector<16xi32>], vector<16xf32>,
      %add3A_501 = arith.constant 4 : i32
      %add3A_502 = vector.broadcast %add3A_501 : i32 to vector<16xi32>
      %add3A_503 = arith.addi %div3A_19, %add3A_502 : vector<16xi32>
      tpu.vector_store_idx %arg8[%add3A_503, %rem3A_16], %gather3A_500 : memref<32x100xf32, #tpu.memory_space<vmem>>[vector<16xi32>, vector<16xi32>], vector<16xf32>,
      %add3A_504 = arith.constant 4 : i32
      %add3A_505 = vector.broadcast %add3A_504 : i32 to vector<16xi32>
      %add3A_506 = arith.addi %div3A_30, %add3A_505 : vector<16xi32>
      %gather3A_507 = tpu.vector_load_idx %arg6[%add3A_506, %gather3A_31] : memref<32x1000xf32, #tpu.memory_space<vmem>>[vector<16xi32>, vector<16xi32>], vector<16xf32>,
      %add3A_508 = arith.constant 4 : i32
      %add3A_509 = vector.broadcast %add3A_508 : i32 to vector<16xi32>
      %add3A_510 = arith.addi %div3A_30, %add3A_509 : vector<16xi32>
      tpu.vector_store_idx %arg8[%add3A_510, %rem3A_27], %gather3A_507 : memref<32x100xf32, #tpu.memory_space<vmem>>[vector<16xi32>, vector<16xi32>], vector<16xf32>,
      %add3A_511 = arith.constant 4 : i32
      %add3A_512 = vector.broadcast %add3A_511 : i32 to vector<16xi32>
      %add3A_513 = arith.addi %div3A_41, %add3A_512 : vector<16xi32>
      %gather3A_514 = tpu.vector_load_idx %arg6[%add3A_513, %gather3A_42] : memref<32x1000xf32, #tpu.memory_space<vmem>>[vector<16xi32>, vector<16xi32>], vector<16xf32>,
      %add3A_515 = arith.constant 4 : i32
      %add3A_516 = vector.broadcast %add3A_515 : i32 to vector<16xi32>
      %add3A_517 = arith.addi %div3A_41, %add3A_516 : vector<16xi32>
      tpu.vector_store_idx %arg8[%add3A_517, %rem3A_38], %gather3A_514 : memref<32x100xf32, #tpu.memory_space<vmem>>[vector<16xi32>, vector<16xi32>], vector<16xf32>,
      %add3A_518 = arith.constant 4 : i32
      %add3A_519 = vector.broadcast %add3A_518 : i32 to vector<16xi32>
      %add3A_520 = arith.addi %div3A_52, %add3A_519 : vector<16xi32>
      %gather3A_521 = tpu.vector_load_idx %arg6[%add3A_520, %gather3A_53] : memref<32x1000xf32, #tpu.memory_space<vmem>>[vector<16xi32>, vector<16xi32>], vector<16xf32>,
      %add3A_522 = arith.constant 4 : i32
      %add3A_523 = vector.broadcast %add3A_522 : i32 to vector<16xi32>
      %add3A_524 = arith.addi %div3A_52, %add3A_523 : vector<16xi32>
      tpu.vector_store_idx %arg8[%add3A_524, %rem3A_49], %gather3A_521 : memref<32x100xf32, #tpu.memory_space<vmem>>[vector<16xi32>, vector<16xi32>], vector<16xf32>,
      %add3A_525 = arith.constant 4 : i32
      %add3A_526 = vector.broadcast %add3A_525 : i32 to vector<16xi32>
      %add3A_527 = arith.addi %div3A_63, %add3A_526 : vector<16xi32>
      %gather3A_528 = tpu.vector_load_idx %arg6[%add3A_527, %gather3A_64] : memref<32x1000xf32, #tpu.memory_space<vmem>>[vector<16xi32>, vector<16xi32>], vector<16xf32>,
      %add3A_529 = arith.constant 4 : i32
      %add3A_530 = vector.broadcast %add3A_529 : i32 to vector<16xi32>
      %add3A_531 = arith.addi %div3A_63, %add3A_530 : vector<16xi32>
      tpu.vector_store_idx %arg8[%add3A_531, %rem3A_60], %gather3A_528 : memref<32x100xf32, #tpu.memory_space<vmem>>[vector<16xi32>, vector<16xi32>], vector<16xf32>,
      %add3A_532 = arith.constant 4 : i32
      %add3A_533 = vector.broadcast %add3A_532 : i32 to vector<16xi32>
      %add3A_534 = arith.addi %div3A_74, %add3A_533 : vector<16xi32>
      %gather3A_535 = tpu.vector_load_idx %arg6[%add3A_534, %gather3A_75] : memref<32x1000xf32, #tpu.memory_space<vmem>>[vector<16xi32>, vector<16xi32>], vector<16xf32>,
      %add3A_536 = arith.constant 4 : i32
      %add3A_537 = vector.broadcast %add3A_536 : i32 to vector<16xi32>
      %add3A_538 = arith.addi %div3A_74, %add3A_537 : vector<16xi32>
      tpu.vector_store_idx %arg8[%add3A_538, %rem3A_71], %gather3A_535 : memref<32x100xf32, #tpu.memory_space<vmem>>[vector<16xi32>, vector<16xi32>], vector<16xf32>,
      %add3A_539 = arith.constant 4 : i32
      %add3A_540 = vector.broadcast %add3A_539 : i32 to vector<16xi32>
      %add3A_541 = arith.addi %div3A_85, %add3A_540 : vector<16xi32>
      %gather3A_542 = tpu.vector_load_idx %arg6[%add3A_541, %gather3A_86] : memref<32x1000xf32, #tpu.memory_space<vmem>>[vector<16xi32>, vector<16xi32>], vector<16xf32>,
      %add3A_543 = arith.constant 4 : i32
      %add3A_544 = vector.broadcast %add3A_543 : i32 to vector<16xi32>
      %add3A_545 = arith.addi %div3A_85, %add3A_544 : vector<16xi32>
      tpu.vector_store_idx %arg8[%add3A_545, %rem3A_82], %gather3A_542 : memref<32x100xf32, #tpu.memory_space<vmem>>[vector<16xi32>, vector<16xi32>], vector<16xf32>,
      %add3A_546 = arith.constant 4 : i32
      %add3A_547 = vector.broadcast %add3A_546 : i32 to vector<16xi32>
      %add3A_548 = arith.addi %div3A_96, %add3A_547 : vector<16xi32>
      %gather3A_549 = tpu.vector_load_idx %arg6[%add3A_548, %gather3A_97] : memref<32x1000xf32, #tpu.memory_space<vmem>>[vector<16xi32>, vector<16xi32>], vector<16xf32>,
      %add3A_550 = arith.constant 4 : i32
      %add3A_551 = vector.broadcast %add3A_550 : i32 to vector<16xi32>
      %add3A_552 = arith.addi %div3A_96, %add3A_551 : vector<16xi32>
      tpu.vector_store_idx %arg8[%add3A_552, %rem3A_93], %gather3A_549 : memref<32x100xf32, #tpu.memory_space<vmem>>[vector<16xi32>, vector<16xi32>], vector<16xf32>,
      %add3A_553 = arith.constant 4 : i32
      %add3A_554 = vector.broadcast %add3A_553 : i32 to vector<16xi32>
      %add3A_555 = arith.addi %div3A_107, %add3A_554 : vector<16xi32>
      %gather3A_556 = tpu.vector_load_idx %arg6[%add3A_555, %gather3A_108] : memref<32x1000xf32, #tpu.memory_space<vmem>>[vector<16xi32>, vector<16xi32>], vector<16xf32>,
      %add3A_557 = arith.constant 4 : i32
      %add3A_558 = vector.broadcast %add3A_557 : i32 to vector<16xi32>
      %add3A_559 = arith.addi %div3A_107, %add3A_558 : vector<16xi32>
      tpu.vector_store_idx %arg8[%add3A_559, %rem3A_104], %gather3A_556 : memref<32x100xf32, #tpu.memory_space<vmem>>[vector<16xi32>, vector<16xi32>], vector<16xf32>,
      %add3A_560 = arith.constant 4 : i32
      %add3A_561 = vector.broadcast %add3A_560 : i32 to vector<16xi32>
      %add3A_562 = arith.addi %div3A_118, %add3A_561 : vector<16xi32>
      %gather3A_563 = tpu.vector_load_idx %arg6[%add3A_562, %gather3A_119] : memref<32x1000xf32, #tpu.memory_space<vmem>>[vector<16xi32>, vector<16xi32>], vector<16xf32>,
      %add3A_564 = arith.constant 4 : i32
      %add3A_565 = vector.broadcast %add3A_564 : i32 to vector<16xi32>
      %add3A_566 = arith.addi %div3A_118, %add3A_565 : vector<16xi32>
      tpu.vector_store_idx %arg8[%add3A_566, %rem3A_115], %gather3A_563 : memref<32x100xf32, #tpu.memory_space<vmem>>[vector<16xi32>, vector<16xi32>], vector<16xf32>,
      %add3A_567 = arith.constant 4 : i32
      %add3A_568 = vector.broadcast %add3A_567 : i32 to vector<16xi32>
      %add3A_569 = arith.addi %div3A_129, %add3A_568 : vector<16xi32>
      %gather3A_570 = tpu.vector_load_idx %arg6[%add3A_569, %gather3A_130] : memref<32x1000xf32, #tpu.memory_space<vmem>>[vector<16xi32>, vector<16xi32>], vector<16xf32>,
      %add3A_571 = arith.constant 4 : i32
      %add3A_572 = vector.broadcast %add3A_571 : i32 to vector<16xi32>
      %add3A_573 = arith.addi %div3A_129, %add3A_572 : vector<16xi32>
      tpu.vector_store_idx %arg8[%add3A_573, %rem3A_126], %gather3A_570 : memref<32x100xf32, #tpu.memory_space<vmem>>[vector<16xi32>, vector<16xi32>], vector<16xf32>,
      %add3A_574 = arith.constant 4 : i32
      %add3A_575 = vector.broadcast %add3A_574 : i32 to vector<16xi32>
      %add3A_576 = arith.addi %div3A_140, %add3A_575 : vector<16xi32>
      %gather3A_577 = tpu.vector_load_idx %arg6[%add3A_576, %gather3A_141] : memref<32x1000xf32, #tpu.memory_space<vmem>>[vector<16xi32>, vector<16xi32>], vector<16xf32>,
      %add3A_578 = arith.constant 4 : i32
      %add3A_579 = vector.broadcast %add3A_578 : i32 to vector<16xi32>
      %add3A_580 = arith.addi %div3A_140, %add3A_579 : vector<16xi32>
      tpu.vector_store_idx %arg8[%add3A_580, %rem3A_137], %gather3A_577 : memref<32x100xf32, #tpu.memory_space<vmem>>[vector<16xi32>, vector<16xi32>], vector<16xf32>,
      %add3A_581 = arith.constant 4 : i32
      %add3A_582 = vector.broadcast %add3A_581 : i32 to vector<16xi32>
      %add3A_583 = arith.addi %div3A_151, %add3A_582 : vector<16xi32>
      %gather3A_584 = tpu.vector_load_idx %arg6[%add3A_583, %gather3A_152] : memref<32x1000xf32, #tpu.memory_space<vmem>>[vector<16xi32>, vector<16xi32>], vector<16xf32>,
      %add3A_585 = arith.constant 4 : i32
      %add3A_586 = vector.broadcast %add3A_585 : i32 to vector<16xi32>
      %add3A_587 = arith.addi %div3A_151, %add3A_586 : vector<16xi32>
      tpu.vector_store_idx %arg8[%add3A_587, %rem3A_148], %gather3A_584 : memref<32x100xf32, #tpu.memory_space<vmem>>[vector<16xi32>, vector<16xi32>], vector<16xf32>,
      %add3A_588 = arith.constant 4 : i32
      %add3A_589 = vector.broadcast %add3A_588 : i32 to vector<16xi32>
      %add3A_590 = arith.addi %div3A_162, %add3A_589 : vector<16xi32>
      %gather3A_591 = tpu.vector_load_idx %arg6[%add3A_590, %gather3A_163] : memref<32x1000xf32, #tpu.memory_space<vmem>>[vector<16xi32>, vector<16xi32>], vector<16xf32>,
      %add3A_592 = arith.constant 4 : i32
      %add3A_593 = vector.broadcast %add3A_592 : i32 to vector<16xi32>
      %add3A_594 = arith.addi %div3A_162, %add3A_593 : vector<16xi32>
      tpu.vector_store_idx %arg8[%add3A_594, %rem3A_159], %gather3A_591 : memref<32x100xf32, #tpu.memory_space<vmem>>[vector<16xi32>, vector<16xi32>], vector<16xf32>,
      %add3A_595 = arith.constant 4 : i32
      %add3A_596 = vector.broadcast %add3A_595 : i32 to vector<16xi32>
      %add3A_597 = arith.addi %div3A_173, %add3A_596 : vector<16xi32>
      %gather3A_598 = tpu.vector_load_idx %arg6[%add3A_597, %gather3A_174] : memref<32x1000xf32, #tpu.memory_space<vmem>>[vector<16xi32>, vector<16xi32>], vector<16xf32>,
      %add3A_599 = arith.constant 4 : i32
      %add3A_600 = vector.broadcast %add3A_599 : i32 to vector<16xi32>
      %add3A_601 = arith.addi %div3A_173, %add3A_600 : vector<16xi32>
      tpu.vector_store_idx %arg8[%add3A_601, %rem3A_170], %gather3A_598 : memref<32x100xf32, #tpu.memory_space<vmem>>[vector<16xi32>, vector<16xi32>], vector<16xf32>,
      %add3A_602 = arith.constant 4 : i32
      %add3A_603 = vector.broadcast %add3A_602 : i32 to vector<16xi32>
      %add3A_604 = arith.addi %div3A_184, %add3A_603 : vector<16xi32>
      %gather3A_605 = tpu.vector_load_idx %arg6[%add3A_604, %gather3A_185] : memref<32x1000xf32, #tpu.memory_space<vmem>>[vector<16xi32>, vector<16xi32>], vector<16xf32>,
      %add3A_606 = arith.constant 4 : i32
      %add3A_607 = vector.broadcast %add3A_606 : i32 to vector<16xi32>
      %add3A_608 = arith.addi %div3A_184, %add3A_607 : vector<16xi32>
      tpu.vector_store_idx %arg8[%add3A_608, %rem3A_181], %gather3A_605 : memref<32x100xf32, #tpu.memory_space<vmem>>[vector<16xi32>, vector<16xi32>], vector<16xf32>,
      %add3A_609 = arith.constant 4 : i32
      %add3A_610 = vector.broadcast %add3A_609 : i32 to vector<16xi32>
      %add3A_611 = arith.addi %div3A_195, %add3A_610 : vector<16xi32>
      %gather3A_612 = tpu.vector_load_idx %arg6[%add3A_611, %gather3A_196] : memref<32x1000xf32, #tpu.memory_space<vmem>>[vector<16xi32>, vector<16xi32>], vector<16xf32>,
      %add3A_613 = arith.constant 4 : i32
      %add3A_614 = vector.broadcast %add3A_613 : i32 to vector<16xi32>
      %add3A_615 = arith.addi %div3A_195, %add3A_614 : vector<16xi32>
      tpu.vector_store_idx %arg8[%add3A_615, %rem3A_192], %gather3A_612 : memref<32x100xf32, #tpu.memory_space<vmem>>[vector<16xi32>, vector<16xi32>], vector<16xf32>,
      %add3A_616 = arith.constant 4 : i32
      %add3A_617 = vector.broadcast %add3A_616 : i32 to vector<16xi32>
      %add3A_618 = arith.addi %div3A_206, %add3A_617 : vector<16xi32>
      %gather3A_619 = tpu.vector_load_idx %arg6[%add3A_618, %gather3A_207] : memref<32x1000xf32, #tpu.memory_space<vmem>>[vector<16xi32>, vector<16xi32>], vector<16xf32>,
      %add3A_620 = arith.constant 4 : i32
      %add3A_621 = vector.broadcast %add3A_620 : i32 to vector<16xi32>
      %add3A_622 = arith.addi %div3A_206, %add3A_621 : vector<16xi32>
      tpu.vector_store_idx %arg8[%add3A_622, %rem3A_203], %gather3A_619 : memref<32x100xf32, #tpu.memory_space<vmem>>[vector<16xi32>, vector<16xi32>], vector<16xf32>,
      %add3A_623 = arith.constant 4 : i32
      %add3A_624 = vector.broadcast %add3A_623 : i32 to vector<16xi32>
      %add3A_625 = arith.addi %div3A_217, %add3A_624 : vector<16xi32>
      %gather3A_626 = tpu.vector_load_idx %arg6[%add3A_625, %gather3A_218] : memref<32x1000xf32, #tpu.memory_space<vmem>>[vector<16xi32>, vector<16xi32>], vector<16xf32>,
      %add3A_627 = arith.constant 4 : i32
      %add3A_628 = vector.broadcast %add3A_627 : i32 to vector<16xi32>
      %add3A_629 = arith.addi %div3A_217, %add3A_628 : vector<16xi32>
      tpu.vector_store_idx %arg8[%add3A_629, %rem3A_214], %gather3A_626 : memref<32x100xf32, #tpu.memory_space<vmem>>[vector<16xi32>, vector<16xi32>], vector<16xf32>,
      %add3A_630 = arith.constant 4 : i32
      %add3A_631 = vector.broadcast %add3A_630 : i32 to vector<16xi32>
      %add3A_632 = arith.addi %div3A_228, %add3A_631 : vector<16xi32>
      %gather3A_633 = tpu.vector_load_idx %arg6[%add3A_632, %gather3A_229] : memref<32x1000xf32, #tpu.memory_space<vmem>>[vector<16xi32>, vector<16xi32>], vector<16xf32>,
      %add3A_634 = arith.constant 4 : i32
      %add3A_635 = vector.broadcast %add3A_634 : i32 to vector<16xi32>
      %add3A_636 = arith.addi %div3A_228, %add3A_635 : vector<16xi32>
      tpu.vector_store_idx %arg8[%add3A_636, %rem3A_225], %gather3A_633 : memref<32x100xf32, #tpu.memory_space<vmem>>[vector<16xi32>, vector<16xi32>], vector<16xf32>,
      %add3A_637 = arith.constant 4 : i32
      %add3A_638 = vector.broadcast %add3A_637 : i32 to vector<16xi32>
      %add3A_639 = arith.addi %div3A_239, %add3A_638 : vector<16xi32>
      %gather3A_640 = tpu.vector_load_idx %arg6[%add3A_639, %gather3A_240] : memref<32x1000xf32, #tpu.memory_space<vmem>>[vector<16xi32>, vector<16xi32>], vector<16xf32>,
      %add3A_641 = arith.constant 4 : i32
      %add3A_642 = vector.broadcast %add3A_641 : i32 to vector<16xi32>
      %add3A_643 = arith.addi %div3A_239, %add3A_642 : vector<16xi32>
      tpu.vector_store_idx %arg8[%add3A_643, %rem3A_236], %gather3A_640 : memref<32x100xf32, #tpu.memory_space<vmem>>[vector<16xi32>, vector<16xi32>], vector<16xf32>,
      %add3A_644 = arith.constant 4 : i32
      %add3A_645 = vector.broadcast %add3A_644 : i32 to vector<16xi32>
      %add3A_646 = arith.addi %div3A_250, %add3A_645 : vector<16xi32>
      %gather3A_647 = tpu.vector_load_idx %arg6[%add3A_646, %gather3A_251] : memref<32x1000xf32, #tpu.memory_space<vmem>>[vector<16xi32>, vector<16xi32>], vector<16xf32>,
      %add3A_648 = arith.constant 4 : i32
      %add3A_649 = vector.broadcast %add3A_648 : i32 to vector<16xi32>
      %add3A_650 = arith.addi %div3A_250, %add3A_649 : vector<16xi32>
      tpu.vector_store_idx %arg8[%add3A_650, %rem3A_247], %gather3A_647 : memref<32x100xf32, #tpu.memory_space<vmem>>[vector<16xi32>, vector<16xi32>], vector<16xf32>,
      %add3A_651 = arith.constant 4 : i32
      %add3A_652 = vector.broadcast %add3A_651 : i32 to vector<16xi32>
      %add3A_653 = arith.addi %div3A_261, %add3A_652 : vector<16xi32>
      %gather3A_654 = tpu.vector_load_idx %arg6[%add3A_653, %gather3A_262] : memref<32x1000xf32, #tpu.memory_space<vmem>>[vector<16xi32>, vector<16xi32>], vector<16xf32>,
      %add3A_655 = arith.constant 4 : i32
      %add3A_656 = vector.broadcast %add3A_655 : i32 to vector<16xi32>
      %add3A_657 = arith.addi %div3A_261, %add3A_656 : vector<16xi32>
      tpu.vector_store_idx %arg8[%add3A_657, %rem3A_258], %gather3A_654 : memref<32x100xf32, #tpu.memory_space<vmem>>[vector<16xi32>, vector<16xi32>], vector<16xf32>,
      %add3A_658 = arith.constant 4 : i32
      %add3A_659 = vector.broadcast %add3A_658 : i32 to vector<16xi32>
      %add3A_660 = arith.addi %div3A_272, %add3A_659 : vector<16xi32>
      %gather3A_661 = tpu.vector_load_idx %arg6[%add3A_660, %gather3A_273] : memref<32x1000xf32, #tpu.memory_space<vmem>>[vector<16xi32>, vector<16xi32>], vector<16xf32>,
      %add3A_662 = arith.constant 4 : i32
      %add3A_663 = vector.broadcast %add3A_662 : i32 to vector<16xi32>
      %add3A_664 = arith.addi %div3A_272, %add3A_663 : vector<16xi32>
      tpu.vector_store_idx %arg8[%add3A_664, %rem3A_269], %gather3A_661 : memref<32x100xf32, #tpu.memory_space<vmem>>[vector<16xi32>, vector<16xi32>], vector<16xf32>,
      %add3A_665 = arith.constant 8 : i32
      %add3A_666 = vector.broadcast %add3A_665 : i32 to vector<16xi32>
      %add3A_667 = arith.addi %div3A_9, %add3A_666 : vector<16xi32>
      %gather3A_668 = tpu.vector_load_idx %arg6[%add3A_667, %gather3A] : memref<32x1000xf32, #tpu.memory_space<vmem>>[vector<16xi32>, vector<16xi32>], vector<16xf32>,
      %add3A_669 = arith.constant 8 : i32
      %add3A_670 = vector.broadcast %add3A_669 : i32 to vector<16xi32>
      %add3A_671 = arith.addi %div3A_9, %add3A_670 : vector<16xi32>
      tpu.vector_store_idx %arg8[%add3A_671, %rem3A_7], %gather3A_668 : memref<32x100xf32, #tpu.memory_space<vmem>>[vector<16xi32>, vector<16xi32>], vector<16xf32>,
      %add3A_672 = arith.constant 8 : i32
      %add3A_673 = vector.broadcast %add3A_672 : i32 to vector<16xi32>
      %add3A_674 = arith.addi %div3A_19, %add3A_673 : vector<16xi32>
      %gather3A_675 = tpu.vector_load_idx %arg6[%add3A_674, %gather3A_20] : memref<32x1000xf32, #tpu.memory_space<vmem>>[vector<16xi32>, vector<16xi32>], vector<16xf32>,
      %add3A_676 = arith.constant 8 : i32
      %add3A_677 = vector.broadcast %add3A_676 : i32 to vector<16xi32>
      %add3A_678 = arith.addi %div3A_19, %add3A_677 : vector<16xi32>
      tpu.vector_store_idx %arg8[%add3A_678, %rem3A_16], %gather3A_675 : memref<32x100xf32, #tpu.memory_space<vmem>>[vector<16xi32>, vector<16xi32>], vector<16xf32>,
      %add3A_679 = arith.constant 8 : i32
      %add3A_680 = vector.broadcast %add3A_679 : i32 to vector<16xi32>
      %add3A_681 = arith.addi %div3A_30, %add3A_680 : vector<16xi32>
      %gather3A_682 = tpu.vector_load_idx %arg6[%add3A_681, %gather3A_31] : memref<32x1000xf32, #tpu.memory_space<vmem>>[vector<16xi32>, vector<16xi32>], vector<16xf32>,
      %add3A_683 = arith.constant 8 : i32
      %add3A_684 = vector.broadcast %add3A_683 : i32 to vector<16xi32>
      %add3A_685 = arith.addi %div3A_30, %add3A_684 : vector<16xi32>
      tpu.vector_store_idx %arg8[%add3A_685, %rem3A_27], %gather3A_682 : memref<32x100xf32, #tpu.memory_space<vmem>>[vector<16xi32>, vector<16xi32>], vector<16xf32>,
      %add3A_686 = arith.constant 8 : i32
      %add3A_687 = vector.broadcast %add3A_686 : i32 to vector<16xi32>
      %add3A_688 = arith.addi %div3A_41, %add3A_687 : vector<16xi32>
      %gather3A_689 = tpu.vector_load_idx %arg6[%add3A_688, %gather3A_42] : memref<32x1000xf32, #tpu.memory_space<vmem>>[vector<16xi32>, vector<16xi32>], vector<16xf32>,
      %add3A_690 = arith.constant 8 : i32
      %add3A_691 = vector.broadcast %add3A_690 : i32 to vector<16xi32>
      %add3A_692 = arith.addi %div3A_41, %add3A_691 : vector<16xi32>
      tpu.vector_store_idx %arg8[%add3A_692, %rem3A_38], %gather3A_689 : memref<32x100xf32, #tpu.memory_space<vmem>>[vector<16xi32>, vector<16xi32>], vector<16xf32>,
      %add3A_693 = arith.constant 8 : i32
      %add3A_694 = vector.broadcast %add3A_693 : i32 to vector<16xi32>
      %add3A_695 = arith.addi %div3A_52, %add3A_694 : vector<16xi32>
      %gather3A_696 = tpu.vector_load_idx %arg6[%add3A_695, %gather3A_53] : memref<32x1000xf32, #tpu.memory_space<vmem>>[vector<16xi32>, vector<16xi32>], vector<16xf32>,
      %add3A_697 = arith.constant 8 : i32
      %add3A_698 = vector.broadcast %add3A_697 : i32 to vector<16xi32>
      %add3A_699 = arith.addi %div3A_52, %add3A_698 : vector<16xi32>
      tpu.vector_store_idx %arg8[%add3A_699, %rem3A_49], %gather3A_696 : memref<32x100xf32, #tpu.memory_space<vmem>>[vector<16xi32>, vector<16xi32>], vector<16xf32>,
      %add3A_700 = arith.constant 8 : i32
      %add3A_701 = vector.broadcast %add3A_700 : i32 to vector<16xi32>
      %add3A_702 = arith.addi %div3A_63, %add3A_701 : vector<16xi32>
      %gather3A_703 = tpu.vector_load_idx %arg6[%add3A_702, %gather3A_64] : memref<32x1000xf32, #tpu.memory_space<vmem>>[vector<16xi32>, vector<16xi32>], vector<16xf32>,
      %add3A_704 = arith.constant 8 : i32
      %add3A_705 = vector.broadcast %add3A_704 : i32 to vector<16xi32>
      %add3A_706 = arith.addi %div3A_63, %add3A_705 : vector<16xi32>
      tpu.vector_store_idx %arg8[%add3A_706, %rem3A_60], %gather3A_703 : memref<32x100xf32, #tpu.memory_space<vmem>>[vector<16xi32>, vector<16xi32>], vector<16xf32>,
      %add3A_707 = arith.constant 8 : i32
      %add3A_708 = vector.broadcast %add3A_707 : i32 to vector<16xi32>
      %add3A_709 = arith.addi %div3A_74, %add3A_708 : vector<16xi32>
      %gather3A_710 = tpu.vector_load_idx %arg6[%add3A_709, %gather3A_75] : memref<32x1000xf32, #tpu.memory_space<vmem>>[vector<16xi32>, vector<16xi32>], vector<16xf32>,
      %add3A_711 = arith.constant 8 : i32
      %add3A_712 = vector.broadcast %add3A_711 : i32 to vector<16xi32>
      %add3A_713 = arith.addi %div3A_74, %add3A_712 : vector<16xi32>
      tpu.vector_store_idx %arg8[%add3A_713, %rem3A_71], %gather3A_710 : memref<32x100xf32, #tpu.memory_space<vmem>>[vector<16xi32>, vector<16xi32>], vector<16xf32>,
      %add3A_714 = arith.constant 8 : i32
      %add3A_715 = vector.broadcast %add3A_714 : i32 to vector<16xi32>
      %add3A_716 = arith.addi %div3A_85, %add3A_715 : vector<16xi32>
      %gather3A_717 = tpu.vector_load_idx %arg6[%add3A_716, %gather3A_86] : memref<32x1000xf32, #tpu.memory_space<vmem>>[vector<16xi32>, vector<16xi32>], vector<16xf32>,
      %add3A_718 = arith.constant 8 : i32
      %add3A_719 = vector.broadcast %add3A_718 : i32 to vector<16xi32>
      %add3A_720 = arith.addi %div3A_85, %add3A_719 : vector<16xi32>
      tpu.vector_store_idx %arg8[%add3A_720, %rem3A_82], %gather3A_717 : memref<32x100xf32, #tpu.memory_space<vmem>>[vector<16xi32>, vector<16xi32>], vector<16xf32>,
      %add3A_721 = arith.constant 8 : i32
      %add3A_722 = vector.broadcast %add3A_721 : i32 to vector<16xi32>
      %add3A_723 = arith.addi %div3A_96, %add3A_722 : vector<16xi32>
      %gather3A_724 = tpu.vector_load_idx %arg6[%add3A_723, %gather3A_97] : memref<32x1000xf32, #tpu.memory_space<vmem>>[vector<16xi32>, vector<16xi32>], vector<16xf32>,
      %add3A_725 = arith.constant 8 : i32
      %add3A_726 = vector.broadcast %add3A_725 : i32 to vector<16xi32>
      %add3A_727 = arith.addi %div3A_96, %add3A_726 : vector<16xi32>
      tpu.vector_store_idx %arg8[%add3A_727, %rem3A_93], %gather3A_724 : memref<32x100xf32, #tpu.memory_space<vmem>>[vector<16xi32>, vector<16xi32>], vector<16xf32>,
      %add3A_728 = arith.constant 8 : i32
      %add3A_729 = vector.broadcast %add3A_728 : i32 to vector<16xi32>
      %add3A_730 = arith.addi %div3A_107, %add3A_729 : vector<16xi32>
      %gather3A_731 = tpu.vector_load_idx %arg6[%add3A_730, %gather3A_108] : memref<32x1000xf32, #tpu.memory_space<vmem>>[vector<16xi32>, vector<16xi32>], vector<16xf32>,
      %add3A_732 = arith.constant 8 : i32
      %add3A_733 = vector.broadcast %add3A_732 : i32 to vector<16xi32>
      %add3A_734 = arith.addi %div3A_107, %add3A_733 : vector<16xi32>
      tpu.vector_store_idx %arg8[%add3A_734, %rem3A_104], %gather3A_731 : memref<32x100xf32, #tpu.memory_space<vmem>>[vector<16xi32>, vector<16xi32>], vector<16xf32>,
      %add3A_735 = arith.constant 8 : i32
      %add3A_736 = vector.broadcast %add3A_735 : i32 to vector<16xi32>
      %add3A_737 = arith.addi %div3A_118, %add3A_736 : vector<16xi32>
      %gather3A_738 = tpu.vector_load_idx %arg6[%add3A_737, %gather3A_119] : memref<32x1000xf32, #tpu.memory_space<vmem>>[vector<16xi32>, vector<16xi32>], vector<16xf32>,
      %add3A_739 = arith.constant 8 : i32
      %add3A_740 = vector.broadcast %add3A_739 : i32 to vector<16xi32>
      %add3A_741 = arith.addi %div3A_118, %add3A_740 : vector<16xi32>
      tpu.vector_store_idx %arg8[%add3A_741, %rem3A_115], %gather3A_738 : memref<32x100xf32, #tpu.memory_space<vmem>>[vector<16xi32>, vector<16xi32>], vector<16xf32>,
      %add3A_742 = arith.constant 8 : i32
      %add3A_743 = vector.broadcast %add3A_742 : i32 to vector<16xi32>
      %add3A_744 = arith.addi %div3A_129, %add3A_743 : vector<16xi32>
      %gather3A_745 = tpu.vector_load_idx %arg6[%add3A_744, %gather3A_130] : memref<32x1000xf32, #tpu.memory_space<vmem>>[vector<16xi32>, vector<16xi32>], vector<16xf32>,
      %add3A_746 = arith.constant 8 : i32
      %add3A_747 = vector.broadcast %add3A_746 : i32 to vector<16xi32>
      %add3A_748 = arith.addi %div3A_129, %add3A_747 : vector<16xi32>
      tpu.vector_store_idx %arg8[%add3A_748, %rem3A_126], %gather3A_745 : memref<32x100xf32, #tpu.memory_space<vmem>>[vector<16xi32>, vector<16xi32>], vector<16xf32>,
      %add3A_749 = arith.constant 8 : i32
      %add3A_750 = vector.broadcast %add3A_749 : i32 to vector<16xi32>
      %add3A_751 = arith.addi %div3A_140, %add3A_750 : vector<16xi32>
      %gather3A_752 = tpu.vector_load_idx %arg6[%add3A_751, %gather3A_141] : memref<32x1000xf32, #tpu.memory_space<vmem>>[vector<16xi32>, vector<16xi32>], vector<16xf32>,
      %add3A_753 = arith.constant 8 : i32
      %add3A_754 = vector.broadcast %add3A_753 : i32 to vector<16xi32>
      %add3A_755 = arith.addi %div3A_140, %add3A_754 : vector<16xi32>
      tpu.vector_store_idx %arg8[%add3A_755, %rem3A_137], %gather3A_752 : memref<32x100xf32, #tpu.memory_space<vmem>>[vector<16xi32>, vector<16xi32>], vector<16xf32>,
      %add3A_756 = arith.constant 8 : i32
      %add3A_757 = vector.broadcast %add3A_756 : i32 to vector<16xi32>
      %add3A_758 = arith.addi %div3A_151, %add3A_757 : vector<16xi32>
      %gather3A_759 = tpu.vector_load_idx %arg6[%add3A_758, %gather3A_152] : memref<32x1000xf32, #tpu.memory_space<vmem>>[vector<16xi32>, vector<16xi32>], vector<16xf32>,
      %add3A_760 = arith.constant 8 : i32
      %add3A_761 = vector.broadcast %add3A_760 : i32 to vector<16xi32>
      %add3A_762 = arith.addi %div3A_151, %add3A_761 : vector<16xi32>
      tpu.vector_store_idx %arg8[%add3A_762, %rem3A_148], %gather3A_759 : memref<32x100xf32, #tpu.memory_space<vmem>>[vector<16xi32>, vector<16xi32>], vector<16xf32>,
      %add3A_763 = arith.constant 8 : i32
      %add3A_764 = vector.broadcast %add3A_763 : i32 to vector<16xi32>
      %add3A_765 = arith.addi %div3A_162, %add3A_764 : vector<16xi32>
      %gather3A_766 = tpu.vector_load_idx %arg6[%add3A_765, %gather3A_163] : memref<32x1000xf32, #tpu.memory_space<vmem>>[vector<16xi32>, vector<16xi32>], vector<16xf32>,
      %add3A_767 = arith.constant 8 : i32
      %add3A_768 = vector.broadcast %add3A_767 : i32 to vector<16xi32>
      %add3A_769 = arith.addi %div3A_162, %add3A_768 : vector<16xi32>
      tpu.vector_store_idx %arg8[%add3A_769, %rem3A_159], %gather3A_766 : memref<32x100xf32, #tpu.memory_space<vmem>>[vector<16xi32>, vector<16xi32>], vector<16xf32>,
      %add3A_770 = arith.constant 8 : i32
      %add3A_771 = vector.broadcast %add3A_770 : i32 to vector<16xi32>
      %add3A_772 = arith.addi %div3A_173, %add3A_771 : vector<16xi32>
      %gather3A_773 = tpu.vector_load_idx %arg6[%add3A_772, %gather3A_174] : memref<32x1000xf32, #tpu.memory_space<vmem>>[vector<16xi32>, vector<16xi32>], vector<16xf32>,
      %add3A_774 = arith.constant 8 : i32
      %add3A_775 = vector.broadcast %add3A_774 : i32 to vector<16xi32>
      %add3A_776 = arith.addi %div3A_173, %add3A_775 : vector<16xi32>
      tpu.vector_store_idx %arg8[%add3A_776, %rem3A_170], %gather3A_773 : memref<32x100xf32, #tpu.memory_space<vmem>>[vector<16xi32>, vector<16xi32>], vector<16xf32>,
      %add3A_777 = arith.constant 8 : i32
      %add3A_778 = vector.broadcast %add3A_777 : i32 to vector<16xi32>
      %add3A_779 = arith.addi %div3A_184, %add3A_778 : vector<16xi32>
      %gather3A_780 = tpu.vector_load_idx %arg6[%add3A_779, %gather3A_185] : memref<32x1000xf32, #tpu.memory_space<vmem>>[vector<16xi32>, vector<16xi32>], vector<16xf32>,
      %add3A_781 = arith.constant 8 : i32
      %add3A_782 = vector.broadcast %add3A_781 : i32 to vector<16xi32>
      %add3A_783 = arith.addi %div3A_184, %add3A_782 : vector<16xi32>
      tpu.vector_store_idx %arg8[%add3A_783, %rem3A_181], %gather3A_780 : memref<32x100xf32, #tpu.memory_space<vmem>>[vector<16xi32>, vector<16xi32>], vector<16xf32>,
      %add3A_784 = arith.constant 8 : i32
      %add3A_785 = vector.broadcast %add3A_784 : i32 to vector<16xi32>
      %add3A_786 = arith.addi %div3A_195, %add3A_785 : vector<16xi32>
      %gather3A_787 = tpu.vector_load_idx %arg6[%add3A_786, %gather3A_196] : memref<32x1000xf32, #tpu.memory_space<vmem>>[vector<16xi32>, vector<16xi32>], vector<16xf32>,
      %add3A_788 = arith.constant 8 : i32
      %add3A_789 = vector.broadcast %add3A_788 : i32 to vector<16xi32>
      %add3A_790 = arith.addi %div3A_195, %add3A_789 : vector<16xi32>
      tpu.vector_store_idx %arg8[%add3A_790, %rem3A_192], %gather3A_787 : memref<32x100xf32, #tpu.memory_space<vmem>>[vector<16xi32>, vector<16xi32>], vector<16xf32>,
      %add3A_791 = arith.constant 8 : i32
      %add3A_792 = vector.broadcast %add3A_791 : i32 to vector<16xi32>
      %add3A_793 = arith.addi %div3A_206, %add3A_792 : vector<16xi32>
      %gather3A_794 = tpu.vector_load_idx %arg6[%add3A_793, %gather3A_207] : memref<32x1000xf32, #tpu.memory_space<vmem>>[vector<16xi32>, vector<16xi32>], vector<16xf32>,
      %add3A_795 = arith.constant 8 : i32
      %add3A_796 = vector.broadcast %add3A_795 : i32 to vector<16xi32>
      %add3A_797 = arith.addi %div3A_206, %add3A_796 : vector<16xi32>
      tpu.vector_store_idx %arg8[%add3A_797, %rem3A_203], %gather3A_794 : memref<32x100xf32, #tpu.memory_space<vmem>>[vector<16xi32>, vector<16xi32>], vector<16xf32>,
      %add3A_798 = arith.constant 8 : i32
      %add3A_799 = vector.broadcast %add3A_798 : i32 to vector<16xi32>
      %add3A_800 = arith.addi %div3A_217, %add3A_799 : vector<16xi32>
      %gather3A_801 = tpu.vector_load_idx %arg6[%add3A_800, %gather3A_218] : memref<32x1000xf32, #tpu.memory_space<vmem>>[vector<16xi32>, vector<16xi32>], vector<16xf32>,
      %add3A_802 = arith.constant 8 : i32
      %add3A_803 = vector.broadcast %add3A_802 : i32 to vector<16xi32>
      %add3A_804 = arith.addi %div3A_217, %add3A_803 : vector<16xi32>
      tpu.vector_store_idx %arg8[%add3A_804, %rem3A_214], %gather3A_801 : memref<32x100xf32, #tpu.memory_space<vmem>>[vector<16xi32>, vector<16xi32>], vector<16xf32>,
      %add3A_805 = arith.constant 8 : i32
      %add3A_806 = vector.broadcast %add3A_805 : i32 to vector<16xi32>
      %add3A_807 = arith.addi %div3A_228, %add3A_806 : vector<16xi32>
      %gather3A_808 = tpu.vector_load_idx %arg6[%add3A_807, %gather3A_229] : memref<32x1000xf32, #tpu.memory_space<vmem>>[vector<16xi32>, vector<16xi32>], vector<16xf32>,
      %add3A_809 = arith.constant 8 : i32
      %add3A_810 = vector.broadcast %add3A_809 : i32 to vector<16xi32>
      %add3A_811 = arith.addi %div3A_228, %add3A_810 : vector<16xi32>
      tpu.vector_store_idx %arg8[%add3A_811, %rem3A_225], %gather3A_808 : memref<32x100xf32, #tpu.memory_space<vmem>>[vector<16xi32>, vector<16xi32>], vector<16xf32>,
      %add3A_812 = arith.constant 8 : i32
      %add3A_813 = vector.broadcast %add3A_812 : i32 to vector<16xi32>
      %add3A_814 = arith.addi %div3A_239, %add3A_813 : vector<16xi32>
      %gather3A_815 = tpu.vector_load_idx %arg6[%add3A_814, %gather3A_240] : memref<32x1000xf32, #tpu.memory_space<vmem>>[vector<16xi32>, vector<16xi32>], vector<16xf32>,
      %add3A_816 = arith.constant 8 : i32
      %add3A_817 = vector.broadcast %add3A_816 : i32 to vector<16xi32>
      %add3A_818 = arith.addi %div3A_239, %add3A_817 : vector<16xi32>
      tpu.vector_store_idx %arg8[%add3A_818, %rem3A_236], %gather3A_815 : memref<32x100xf32, #tpu.memory_space<vmem>>[vector<16xi32>, vector<16xi32>], vector<16xf32>,
      %add3A_819 = arith.constant 8 : i32
      %add3A_820 = vector.broadcast %add3A_819 : i32 to vector<16xi32>
      %add3A_821 = arith.addi %div3A_250, %add3A_820 : vector<16xi32>
      %gather3A_822 = tpu.vector_load_idx %arg6[%add3A_821, %gather3A_251] : memref<32x1000xf32, #tpu.memory_space<vmem>>[vector<16xi32>, vector<16xi32>], vector<16xf32>,
      %add3A_823 = arith.constant 8 : i32
      %add3A_824 = vector.broadcast %add3A_823 : i32 to vector<16xi32>
      %add3A_825 = arith.addi %div3A_250, %add3A_824 : vector<16xi32>
      tpu.vector_store_idx %arg8[%add3A_825, %rem3A_247], %gather3A_822 : memref<32x100xf32, #tpu.memory_space<vmem>>[vector<16xi32>, vector<16xi32>], vector<16xf32>,
      %add3A_826 = arith.constant 8 : i32
      %add3A_827 = vector.broadcast %add3A_826 : i32 to vector<16xi32>
      %add3A_828 = arith.addi %div3A_261, %add3A_827 : vector<16xi32>
      %gather3A_829 = tpu.vector_load_idx %arg6[%add3A_828, %gather3A_262] : memref<32x1000xf32, #tpu.memory_space<vmem>>[vector<16xi32>, vector<16xi32>], vector<16xf32>,
      %add3A_830 = arith.constant 8 : i32
      %add3A_831 = vector.broadcast %add3A_830 : i32 to vector<16xi32>
      %add3A_832 = arith.addi %div3A_261, %add3A_831 : vector<16xi32>
      tpu.vector_store_idx %arg8[%add3A_832, %rem3A_258], %gather3A_829 : memref<32x100xf32, #tpu.memory_space<vmem>>[vector<16xi32>, vector<16xi32>], vector<16xf32>,
      %add3A_833 = arith.constant 8 : i32
      %add3A_834 = vector.broadcast %add3A_833 : i32 to vector<16xi32>
      %add3A_835 = arith.addi %div3A_272, %add3A_834 : vector<16xi32>
      %gather3A_836 = tpu.vector_load_idx %arg6[%add3A_835, %gather3A_273] : memref<32x1000xf32, #tpu.memory_space<vmem>>[vector<16xi32>, vector<16xi32>], vector<16xf32>,
      %add3A_837 = arith.constant 8 : i32
      %add3A_838 = vector.broadcast %add3A_837 : i32 to vector<16xi32>
      %add3A_839 = arith.addi %div3A_272, %add3A_838 : vector<16xi32>
      tpu.vector_store_idx %arg8[%add3A_839, %rem3A_269], %gather3A_836 : memref<32x100xf32, #tpu.memory_space<vmem>>[vector<16xi32>, vector<16xi32>], vector<16xf32>,
      %add3A_840 = arith.constant 12 : i32
      %add3A_841 = vector.broadcast %add3A_840 : i32 to vector<16xi32>
      %add3A_842 = arith.addi %div3A_9, %add3A_841 : vector<16xi32>
      %gather3A_843 = tpu.vector_load_idx %arg6[%add3A_842, %gather3A] : memref<32x1000xf32, #tpu.memory_space<vmem>>[vector<16xi32>, vector<16xi32>], vector<16xf32>,
      %add3A_844 = arith.constant 12 : i32
      %add3A_845 = vector.broadcast %add3A_844 : i32 to vector<16xi32>
      %add3A_846 = arith.addi %div3A_9, %add3A_845 : vector<16xi32>
      tpu.vector_store_idx %arg8[%add3A_846, %rem3A_7], %gather3A_843 : memref<32x100xf32, #tpu.memory_space<vmem>>[vector<16xi32>, vector<16xi32>], vector<16xf32>,
      %add3A_847 = arith.constant 12 : i32
      %add3A_848 = vector.broadcast %add3A_847 : i32 to vector<16xi32>
      %add3A_849 = arith.addi %div3A_19, %add3A_848 : vector<16xi32>
      %gather3A_850 = tpu.vector_load_idx %arg6[%add3A_849, %gather3A_20] : memref<32x1000xf32, #tpu.memory_space<vmem>>[vector<16xi32>, vector<16xi32>], vector<16xf32>,
      %add3A_851 = arith.constant 12 : i32
      %add3A_852 = vector.broadcast %add3A_851 : i32 to vector<16xi32>
      %add3A_853 = arith.addi %div3A_19, %add3A_852 : vector<16xi32>
      tpu.vector_store_idx %arg8[%add3A_853, %rem3A_16], %gather3A_850 : memref<32x100xf32, #tpu.memory_space<vmem>>[vector<16xi32>, vector<16xi32>], vector<16xf32>,
      %add3A_854 = arith.constant 12 : i32
      %add3A_855 = vector.broadcast %add3A_854 : i32 to vector<16xi32>
      %add3A_856 = arith.addi %div3A_30, %add3A_855 : vector<16xi32>
      %gather3A_857 = tpu.vector_load_idx %arg6[%add3A_856, %gather3A_31] : memref<32x1000xf32, #tpu.memory_space<vmem>>[vector<16xi32>, vector<16xi32>], vector<16xf32>,
      %add3A_858 = arith.constant 12 : i32
      %add3A_859 = vector.broadcast %add3A_858 : i32 to vector<16xi32>
      %add3A_860 = arith.addi %div3A_30, %add3A_859 : vector<16xi32>
      tpu.vector_store_idx %arg8[%add3A_860, %rem3A_27], %gather3A_857 : memref<32x100xf32, #tpu.memory_space<vmem>>[vector<16xi32>, vector<16xi32>], vector<16xf32>,
      %add3A_861 = arith.constant 12 : i32
      %add3A_862 = vector.broadcast %add3A_861 : i32 to vector<16xi32>
      %add3A_863 = arith.addi %div3A_41, %add3A_862 : vector<16xi32>
      %gather3A_864 = tpu.vector_load_idx %arg6[%add3A_863, %gather3A_42] : memref<32x1000xf32, #tpu.memory_space<vmem>>[vector<16xi32>, vector<16xi32>], vector<16xf32>,
      %add3A_865 = arith.constant 12 : i32
      %add3A_866 = vector.broadcast %add3A_865 : i32 to vector<16xi32>
      %add3A_867 = arith.addi %div3A_41, %add3A_866 : vector<16xi32>
      tpu.vector_store_idx %arg8[%add3A_867, %rem3A_38], %gather3A_864 : memref<32x100xf32, #tpu.memory_space<vmem>>[vector<16xi32>, vector<16xi32>], vector<16xf32>,
      %add3A_868 = arith.constant 12 : i32
      %add3A_869 = vector.broadcast %add3A_868 : i32 to vector<16xi32>
      %add3A_870 = arith.addi %div3A_52, %add3A_869 : vector<16xi32>
      %gather3A_871 = tpu.vector_load_idx %arg6[%add3A_870, %gather3A_53] : memref<32x1000xf32, #tpu.memory_space<vmem>>[vector<16xi32>, vector<16xi32>], vector<16xf32>,
      %add3A_872 = arith.constant 12 : i32
      %add3A_873 = vector.broadcast %add3A_872 : i32 to vector<16xi32>
      %add3A_874 = arith.addi %div3A_52, %add3A_873 : vector<16xi32>
      tpu.vector_store_idx %arg8[%add3A_874, %rem3A_49], %gather3A_871 : memref<32x100xf32, #tpu.memory_space<vmem>>[vector<16xi32>, vector<16xi32>], vector<16xf32>,
      %add3A_875 = arith.constant 12 : i32
      %add3A_876 = vector.broadcast %add3A_875 : i32 to vector<16xi32>
      %add3A_877 = arith.addi %div3A_63, %add3A_876 : vector<16xi32>
      %gather3A_878 = tpu.vector_load_idx %arg6[%add3A_877, %gather3A_64] : memref<32x1000xf32, #tpu.memory_space<vmem>>[vector<16xi32>, vector<16xi32>], vector<16xf32>,
      %add3A_879 = arith.constant 12 : i32
      %add3A_880 = vector.broadcast %add3A_879 : i32 to vector<16xi32>
      %add3A_881 = arith.addi %div3A_63, %add3A_880 : vector<16xi32>
      tpu.vector_store_idx %arg8[%add3A_881, %rem3A_60], %gather3A_878 : memref<32x100xf32, #tpu.memory_space<vmem>>[vector<16xi32>, vector<16xi32>], vector<16xf32>,
      %add3A_882 = arith.constant 12 : i32
      %add3A_883 = vector.broadcast %add3A_882 : i32 to vector<16xi32>
      %add3A_884 = arith.addi %div3A_74, %add3A_883 : vector<16xi32>
      %gather3A_885 = tpu.vector_load_idx %arg6[%add3A_884, %gather3A_75] : memref<32x1000xf32, #tpu.memory_space<vmem>>[vector<16xi32>, vector<16xi32>], vector<16xf32>,
      %add3A_886 = arith.constant 12 : i32
      %add3A_887 = vector.broadcast %add3A_886 : i32 to vector<16xi32>
      %add3A_888 = arith.addi %div3A_74, %add3A_887 : vector<16xi32>
      tpu.vector_store_idx %arg8[%add3A_888, %rem3A_71], %gather3A_885 : memref<32x100xf32, #tpu.memory_space<vmem>>[vector<16xi32>, vector<16xi32>], vector<16xf32>,
      %add3A_889 = arith.constant 12 : i32
      %add3A_890 = vector.broadcast %add3A_889 : i32 to vector<16xi32>
      %add3A_891 = arith.addi %div3A_85, %add3A_890 : vector<16xi32>
      %gather3A_892 = tpu.vector_load_idx %arg6[%add3A_891, %gather3A_86] : memref<32x1000xf32, #tpu.memory_space<vmem>>[vector<16xi32>, vector<16xi32>], vector<16xf32>,
      %add3A_893 = arith.constant 12 : i32
      %add3A_894 = vector.broadcast %add3A_893 : i32 to vector<16xi32>
      %add3A_895 = arith.addi %div3A_85, %add3A_894 : vector<16xi32>
      tpu.vector_store_idx %arg8[%add3A_895, %rem3A_82], %gather3A_892 : memref<32x100xf32, #tpu.memory_space<vmem>>[vector<16xi32>, vector<16xi32>], vector<16xf32>,
      %add3A_896 = arith.constant 12 : i32
      %add3A_897 = vector.broadcast %add3A_896 : i32 to vector<16xi32>
      %add3A_898 = arith.addi %div3A_96, %add3A_897 : vector<16xi32>
      %gather3A_899 = tpu.vector_load_idx %arg6[%add3A_898, %gather3A_97] : memref<32x1000xf32, #tpu.memory_space<vmem>>[vector<16xi32>, vector<16xi32>], vector<16xf32>,
      %add3A_900 = arith.constant 12 : i32
      %add3A_901 = vector.broadcast %add3A_900 : i32 to vector<16xi32>
      %add3A_902 = arith.addi %div3A_96, %add3A_901 : vector<16xi32>
      tpu.vector_store_idx %arg8[%add3A_902, %rem3A_93], %gather3A_899 : memref<32x100xf32, #tpu.memory_space<vmem>>[vector<16xi32>, vector<16xi32>], vector<16xf32>,
      %add3A_903 = arith.constant 12 : i32
      %add3A_904 = vector.broadcast %add3A_903 : i32 to vector<16xi32>
      %add3A_905 = arith.addi %div3A_107, %add3A_904 : vector<16xi32>
      %gather3A_906 = tpu.vector_load_idx %arg6[%add3A_905, %gather3A_108] : memref<32x1000xf32, #tpu.memory_space<vmem>>[vector<16xi32>, vector<16xi32>], vector<16xf32>,
      %add3A_907 = arith.constant 12 : i32
      %add3A_908 = vector.broadcast %add3A_907 : i32 to vector<16xi32>
      %add3A_909 = arith.addi %div3A_107, %add3A_908 : vector<16xi32>
      tpu.vector_store_idx %arg8[%add3A_909, %rem3A_104], %gather3A_906 : memref<32x100xf32, #tpu.memory_space<vmem>>[vector<16xi32>, vector<16xi32>], vector<16xf32>,
      %add3A_910 = arith.constant 12 : i32
      %add3A_911 = vector.broadcast %add3A_910 : i32 to vector<16xi32>
      %add3A_912 = arith.addi %div3A_118, %add3A_911 : vector<16xi32>
      %gather3A_913 = tpu.vector_load_idx %arg6[%add3A_912, %gather3A_119] : memref<32x1000xf32, #tpu.memory_space<vmem>>[vector<16xi32>, vector<16xi32>], vector<16xf32>,
      %add3A_914 = arith.constant 12 : i32
      %add3A_915 = vector.broadcast %add3A_914 : i32 to vector<16xi32>
      %add3A_916 = arith.addi %div3A_118, %add3A_915 : vector<16xi32>
      tpu.vector_store_idx %arg8[%add3A_916, %rem3A_115], %gather3A_913 : memref<32x100xf32, #tpu.memory_space<vmem>>[vector<16xi32>, vector<16xi32>], vector<16xf32>,
      %add3A_917 = arith.constant 12 : i32
      %add3A_918 = vector.broadcast %add3A_917 : i32 to vector<16xi32>
      %add3A_919 = arith.addi %div3A_129, %add3A_918 : vector<16xi32>
      %gather3A_920 = tpu.vector_load_idx %arg6[%add3A_919, %gather3A_130] : memref<32x1000xf32, #tpu.memory_space<vmem>>[vector<16xi32>, vector<16xi32>], vector<16xf32>,
      %add3A_921 = arith.constant 12 : i32
      %add3A_922 = vector.broadcast %add3A_921 : i32 to vector<16xi32>
      %add3A_923 = arith.addi %div3A_129, %add3A_922 : vector<16xi32>
      tpu.vector_store_idx %arg8[%add3A_923, %rem3A_126], %gather3A_920 : memref<32x100xf32, #tpu.memory_space<vmem>>[vector<16xi32>, vector<16xi32>], vector<16xf32>,
      %add3A_924 = arith.constant 12 : i32
      %add3A_925 = vector.broadcast %add3A_924 : i32 to vector<16xi32>
      %add3A_926 = arith.addi %div3A_140, %add3A_925 : vector<16xi32>
      %gather3A_927 = tpu.vector_load_idx %arg6[%add3A_926, %gather3A_141] : memref<32x1000xf32, #tpu.memory_space<vmem>>[vector<16xi32>, vector<16xi32>], vector<16xf32>,
      %add3A_928 = arith.constant 12 : i32
      %add3A_929 = vector.broadcast %add3A_928 : i32 to vector<16xi32>
      %add3A_930 = arith.addi %div3A_140, %add3A_929 : vector<16xi32>
      tpu.vector_store_idx %arg8[%add3A_930, %rem3A_137], %gather3A_927 : memref<32x100xf32, #tpu.memory_space<vmem>>[vector<16xi32>, vector<16xi32>], vector<16xf32>,
      %add3A_931 = arith.constant 12 : i32
      %add3A_932 = vector.broadcast %add3A_931 : i32 to vector<16xi32>
      %add3A_933 = arith.addi %div3A_151, %add3A_932 : vector<16xi32>
      %gather3A_934 = tpu.vector_load_idx %arg6[%add3A_933, %gather3A_152] : memref<32x1000xf32, #tpu.memory_space<vmem>>[vector<16xi32>, vector<16xi32>], vector<16xf32>,
      %add3A_935 = arith.constant 12 : i32
      %add3A_936 = vector.broadcast %add3A_935 : i32 to vector<16xi32>
      %add3A_937 = arith.addi %div3A_151, %add3A_936 : vector<16xi32>
      tpu.vector_store_idx %arg8[%add3A_937, %rem3A_148], %gather3A_934 : memref<32x100xf32, #tpu.memory_space<vmem>>[vector<16xi32>, vector<16xi32>], vector<16xf32>,
      %add3A_938 = arith.constant 12 : i32
      %add3A_939 = vector.broadcast %add3A_938 : i32 to vector<16xi32>
      %add3A_940 = arith.addi %div3A_162, %add3A_939 : vector<16xi32>
      %gather3A_941 = tpu.vector_load_idx %arg6[%add3A_940, %gather3A_163] : memref<32x1000xf32, #tpu.memory_space<vmem>>[vector<16xi32>, vector<16xi32>], vector<16xf32>,
      %add3A_942 = arith.constant 12 : i32
      %add3A_943 = vector.broadcast %add3A_942 : i32 to vector<16xi32>
      %add3A_944 = arith.addi %div3A_162, %add3A_943 : vector<16xi32>
      tpu.vector_store_idx %arg8[%add3A_944, %rem3A_159], %gather3A_941 : memref<32x100xf32, #tpu.memory_space<vmem>>[vector<16xi32>, vector<16xi32>], vector<16xf32>,
      %add3A_945 = arith.constant 12 : i32
      %add3A_946 = vector.broadcast %add3A_945 : i32 to vector<16xi32>
      %add3A_947 = arith.addi %div3A_173, %add3A_946 : vector<16xi32>
      %gather3A_948 = tpu.vector_load_idx %arg6[%add3A_947, %gather3A_174] : memref<32x1000xf32, #tpu.memory_space<vmem>>[vector<16xi32>, vector<16xi32>], vector<16xf32>,
      %add3A_949 = arith.constant 12 : i32
      %add3A_950 = vector.broadcast %add3A_949 : i32 to vector<16xi32>
      %add3A_951 = arith.addi %div3A_173, %add3A_950 : vector<16xi32>
      tpu.vector_store_idx %arg8[%add3A_951, %rem3A_170], %gather3A_948 : memref<32x100xf32, #tpu.memory_space<vmem>>[vector<16xi32>, vector<16xi32>], vector<16xf32>,
      %add3A_952 = arith.constant 12 : i32
      %add3A_953 = vector.broadcast %add3A_952 : i32 to vector<16xi32>
      %add3A_954 = arith.addi %div3A_184, %add3A_953 : vector<16xi32>
      %gather3A_955 = tpu.vector_load_idx %arg6[%add3A_954, %gather3A_185] : memref<32x1000xf32, #tpu.memory_space<vmem>>[vector<16xi32>, vector<16xi32>], vector<16xf32>,
      %add3A_956 = arith.constant 12 : i32
      %add3A_957 = vector.broadcast %add3A_956 : i32 to vector<16xi32>
      %add3A_958 = arith.addi %div3A_184, %add3A_957 : vector<16xi32>
      tpu.vector_store_idx %arg8[%add3A_958, %rem3A_181], %gather3A_955 : memref<32x100xf32, #tpu.memory_space<vmem>>[vector<16xi32>, vector<16xi32>], vector<16xf32>,
      %add3A_959 = arith.constant 12 : i32
      %add3A_960 = vector.broadcast %add3A_959 : i32 to vector<16xi32>
      %add3A_961 = arith.addi %div3A_195, %add3A_960 : vector<16xi32>
      %gather3A_962 = tpu.vector_load_idx %arg6[%add3A_961, %gather3A_196] : memref<32x1000xf32, #tpu.memory_space<vmem>>[vector<16xi32>, vector<16xi32>], vector<16xf32>,
      %add3A_963 = arith.constant 12 : i32
      %add3A_964 = vector.broadcast %add3A_963 : i32 to vector<16xi32>
      %add3A_965 = arith.addi %div3A_195, %add3A_964 : vector<16xi32>
      tpu.vector_store_idx %arg8[%add3A_965, %rem3A_192], %gather3A_962 : memref<32x100xf32, #tpu.memory_space<vmem>>[vector<16xi32>, vector<16xi32>], vector<16xf32>,
      %add3A_966 = arith.constant 12 : i32
      %add3A_967 = vector.broadcast %add3A_966 : i32 to vector<16xi32>
      %add3A_968 = arith.addi %div3A_206, %add3A_967 : vector<16xi32>
      %gather3A_969 = tpu.vector_load_idx %arg6[%add3A_968, %gather3A_207] : memref<32x1000xf32, #tpu.memory_space<vmem>>[vector<16xi32>, vector<16xi32>], vector<16xf32>,
      %add3A_970 = arith.constant 12 : i32
      %add3A_971 = vector.broadcast %add3A_970 : i32 to vector<16xi32>
      %add3A_972 = arith.addi %div3A_206, %add3A_971 : vector<16xi32>
      tpu.vector_store_idx %arg8[%add3A_972, %rem3A_203], %gather3A_969 : memref<32x100xf32, #tpu.memory_space<vmem>>[vector<16xi32>, vector<16xi32>], vector<16xf32>,
      %add3A_973 = arith.constant 12 : i32
      %add3A_974 = vector.broadcast %add3A_973 : i32 to vector<16xi32>
      %add3A_975 = arith.addi %div3A_217, %add3A_974 : vector<16xi32>
      %gather3A_976 = tpu.vector_load_idx %arg6[%add3A_975, %gather3A_218] : memref<32x1000xf32, #tpu.memory_space<vmem>>[vector<16xi32>, vector<16xi32>], vector<16xf32>,
      %add3A_977 = arith.constant 12 : i32
      %add3A_978 = vector.broadcast %add3A_977 : i32 to vector<16xi32>
      %add3A_979 = arith.addi %div3A_217, %add3A_978 : vector<16xi32>
      tpu.vector_store_idx %arg8[%add3A_979, %rem3A_214], %gather3A_976 : memref<32x100xf32, #tpu.memory_space<vmem>>[vector<16xi32>, vector<16xi32>], vector<16xf32>,
      %add3A_980 = arith.constant 12 : i32
      %add3A_981 = vector.broadcast %add3A_980 : i32 to vector<16xi32>
      %add3A_982 = arith.addi %div3A_228, %add3A_981 : vector<16xi32>
      %gather3A_983 = tpu.vector_load_idx %arg6[%add3A_982, %gather3A_229] : memref<32x1000xf32, #tpu.memory_space<vmem>>[vector<16xi32>, vector<16xi32>], vector<16xf32>,
      %add3A_984 = arith.constant 12 : i32
      %add3A_985 = vector.broadcast %add3A_984 : i32 to vector<16xi32>
      %add3A_986 = arith.addi %div3A_228, %add3A_985 : vector<16xi32>
      tpu.vector_store_idx %arg8[%add3A_986, %rem3A_225], %gather3A_983 : memref<32x100xf32, #tpu.memory_space<vmem>>[vector<16xi32>, vector<16xi32>], vector<16xf32>,
      %add3A_987 = arith.constant 12 : i32
      %add3A_988 = vector.broadcast %add3A_987 : i32 to vector<16xi32>
      %add3A_989 = arith.addi %div3A_239, %add3A_988 : vector<16xi32>
      %gather3A_990 = tpu.vector_load_idx %arg6[%add3A_989, %gather3A_240] : memref<32x1000xf32, #tpu.memory_space<vmem>>[vector<16xi32>, vector<16xi32>], vector<16xf32>,
      %add3A_991 = arith.constant 12 : i32
      %add3A_992 = vector.broadcast %add3A_991 : i32 to vector<16xi32>
      %add3A_993 = arith.addi %div3A_239, %add3A_992 : vector<16xi32>
      tpu.vector_store_idx %arg8[%add3A_993, %rem3A_236], %gather3A_990 : memref<32x100xf32, #tpu.memory_space<vmem>>[vector<16xi32>, vector<16xi32>], vector<16xf32>,
      %add3A_994 = arith.constant 12 : i32
      %add3A_995 = vector.broadcast %add3A_994 : i32 to vector<16xi32>
      %add3A_996 = arith.addi %div3A_250, %add3A_995 : vector<16xi32>
      %gather3A_997 = tpu.vector_load_idx %arg6[%add3A_996, %gather3A_251] : memref<32x1000xf32, #tpu.memory_space<vmem>>[vector<16xi32>, vector<16xi32>], vector<16xf32>,
      %add3A_998 = arith.constant 12 : i32
      %add3A_999 = vector.broadcast %add3A_998 : i32 to vector<16xi32>
      %add3A_1000 = arith.addi %div3A_250, %add3A_999 : vector<16xi32>
      tpu.vector_store_idx %arg8[%add3A_1000, %rem3A_247], %gather3A_997 : memref<32x100xf32, #tpu.memory_space<vmem>>[vector<16xi32>, vector<16xi32>], vector<16xf32>,
      %add3A_1001 = arith.constant 12 : i32
      %add3A_1002 = vector.broadcast %add3A_1001 : i32 to vector<16xi32>
      %add3A_1003 = arith.addi %div3A_261, %add3A_1002 : vector<16xi32>
      %gather3A_1004 = tpu.vector_load_idx %arg6[%add3A_1003, %gather3A_262] : memref<32x1000xf32, #tpu.memory_space<vmem>>[vector<16xi32>, vector<16xi32>], vector<16xf32>,
      %add3A_1005 = arith.constant 12 : i32
      %add3A_1006 = vector.broadcast %add3A_1005 : i32 to vector<16xi32>
      %add3A_1007 = arith.addi %div3A_261, %add3A_1006 : vector<16xi32>
      tpu.vector_store_idx %arg8[%add3A_1007, %rem3A_258], %gather3A_1004 : memref<32x100xf32, #tpu.memory_space<vmem>>[vector<16xi32>, vector<16xi32>], vector<16xf32>,
      %add3A_1008 = arith.constant 12 : i32
      %add3A_1009 = vector.broadcast %add3A_1008 : i32 to vector<16xi32>
      %add3A_1010 = arith.addi %div3A_272, %add3A_1009 : vector<16xi32>
      %gather3A_1011 = tpu.vector_load_idx %arg6[%add3A_1010, %gather3A_273] : memref<32x1000xf32, #tpu.memory_space<vmem>>[vector<16xi32>, vector<16xi32>], vector<16xf32>,
      %add3A_1012 = arith.constant 12 : i32
      %add3A_1013 = vector.broadcast %add3A_1012 : i32 to vector<16xi32>
      %add3A_1014 = arith.addi %div3A_272, %add3A_1013 : vector<16xi32>
      tpu.vector_store_idx %arg8[%add3A_1014, %rem3A_269], %gather3A_1011 : memref<32x100xf32, #tpu.memory_space<vmem>>[vector<16xi32>, vector<16xi32>], vector<16xf32>,
      %add3A_1015 = arith.constant 16 : i32
      %add3A_1016 = vector.broadcast %add3A_1015 : i32 to vector<16xi32>
      %add3A_1017 = arith.addi %div3A_9, %add3A_1016 : vector<16xi32>
      %gather3A_1018 = tpu.vector_load_idx %arg6[%add3A_1017, %gather3A] : memref<32x1000xf32, #tpu.memory_space<vmem>>[vector<16xi32>, vector<16xi32>], vector<16xf32>,
      %add3A_1019 = arith.constant 16 : i32
      %add3A_1020 = vector.broadcast %add3A_1019 : i32 to vector<16xi32>
      %add3A_1021 = arith.addi %div3A_9, %add3A_1020 : vector<16xi32>
      tpu.vector_store_idx %arg8[%add3A_1021, %rem3A_7], %gather3A_1018 : memref<32x100xf32, #tpu.memory_space<vmem>>[vector<16xi32>, vector<16xi32>], vector<16xf32>,
      %add3A_1022 = arith.constant 16 : i32
      %add3A_1023 = vector.broadcast %add3A_1022 : i32 to vector<16xi32>
      %add3A_1024 = arith.addi %div3A_19, %add3A_1023 : vector<16xi32>
      %gather3A_1025 = tpu.vector_load_idx %arg6[%add3A_1024, %gather3A_20] : memref<32x1000xf32, #tpu.memory_space<vmem>>[vector<16xi32>, vector<16xi32>], vector<16xf32>,
      %add3A_1026 = arith.constant 16 : i32
      %add3A_1027 = vector.broadcast %add3A_1026 : i32 to vector<16xi32>
      %add3A_1028 = arith.addi %div3A_19, %add3A_1027 : vector<16xi32>
      tpu.vector_store_idx %arg8[%add3A_1028, %rem3A_16], %gather3A_1025 : memref<32x100xf32, #tpu.memory_space<vmem>>[vector<16xi32>, vector<16xi32>], vector<16xf32>,
      %add3A_1029 = arith.constant 16 : i32
      %add3A_1030 = vector.broadcast %add3A_1029 : i32 to vector<16xi32>
      %add3A_1031 = arith.addi %div3A_30, %add3A_1030 : vector<16xi32>
      %gather3A_1032 = tpu.vector_load_idx %arg6[%add3A_1031, %gather3A_31] : memref<32x1000xf32, #tpu.memory_space<vmem>>[vector<16xi32>, vector<16xi32>], vector<16xf32>,
      %add3A_1033 = arith.constant 16 : i32
      %add3A_1034 = vector.broadcast %add3A_1033 : i32 to vector<16xi32>
      %add3A_1035 = arith.addi %div3A_30, %add3A_1034 : vector<16xi32>
      tpu.vector_store_idx %arg8[%add3A_1035, %rem3A_27], %gather3A_1032 : memref<32x100xf32, #tpu.memory_space<vmem>>[vector<16xi32>, vector<16xi32>], vector<16xf32>,
      %add3A_1036 = arith.constant 16 : i32
      %add3A_1037 = vector.broadcast %add3A_1036 : i32 to vector<16xi32>
      %add3A_1038 = arith.addi %div3A_41, %add3A_1037 : vector<16xi32>
      %gather3A_1039 = tpu.vector_load_idx %arg6[%add3A_1038, %gather3A_42] : memref<32x1000xf32, #tpu.memory_space<vmem>>[vector<16xi32>, vector<16xi32>], vector<16xf32>,
      %add3A_1040 = arith.constant 16 : i32
      %add3A_1041 = vector.broadcast %add3A_1040 : i32 to vector<16xi32>
      %add3A_1042 = arith.addi %div3A_41, %add3A_1041 : vector<16xi32>
      tpu.vector_store_idx %arg8[%add3A_1042, %rem3A_38], %gather3A_1039 : memref<32x100xf32, #tpu.memory_space<vmem>>[vector<16xi32>, vector<16xi32>], vector<16xf32>,
      %add3A_1043 = arith.constant 16 : i32
      %add3A_1044 = vector.broadcast %add3A_1043 : i32 to vector<16xi32>
      %add3A_1045 = arith.addi %div3A_52, %add3A_1044 : vector<16xi32>
      %gather3A_1046 = tpu.vector_load_idx %arg6[%add3A_1045, %gather3A_53] : memref<32x1000xf32, #tpu.memory_space<vmem>>[vector<16xi32>, vector<16xi32>], vector<16xf32>,
      %add3A_1047 = arith.constant 16 : i32
      %add3A_1048 = vector.broadcast %add3A_1047 : i32 to vector<16xi32>
      %add3A_1049 = arith.addi %div3A_52, %add3A_1048 : vector<16xi32>
      tpu.vector_store_idx %arg8[%add3A_1049, %rem3A_49], %gather3A_1046 : memref<32x100xf32, #tpu.memory_space<vmem>>[vector<16xi32>, vector<16xi32>], vector<16xf32>,
      %add3A_1050 = arith.constant 16 : i32
      %add3A_1051 = vector.broadcast %add3A_1050 : i32 to vector<16xi32>
      %add3A_1052 = arith.addi %div3A_63, %add3A_1051 : vector<16xi32>
      %gather3A_1053 = tpu.vector_load_idx %arg6[%add3A_1052, %gather3A_64] : memref<32x1000xf32, #tpu.memory_space<vmem>>[vector<16xi32>, vector<16xi32>], vector<16xf32>,
      %add3A_1054 = arith.constant 16 : i32
      %add3A_1055 = vector.broadcast %add3A_1054 : i32 to vector<16xi32>
      %add3A_1056 = arith.addi %div3A_63, %add3A_1055 : vector<16xi32>
      tpu.vector_store_idx %arg8[%add3A_1056, %rem3A_60], %gather3A_1053 : memref<32x100xf32, #tpu.memory_space<vmem>>[vector<16xi32>, vector<16xi32>], vector<16xf32>,
      %add3A_1057 = arith.constant 16 : i32
      %add3A_1058 = vector.broadcast %add3A_1057 : i32 to vector<16xi32>
      %add3A_1059 = arith.addi %div3A_74, %add3A_1058 : vector<16xi32>
      %gather3A_1060 = tpu.vector_load_idx %arg6[%add3A_1059, %gather3A_75] : memref<32x1000xf32, #tpu.memory_space<vmem>>[vector<16xi32>, vector<16xi32>], vector<16xf32>,
      %add3A_1061 = arith.constant 16 : i32
      %add3A_1062 = vector.broadcast %add3A_1061 : i32 to vector<16xi32>
      %add3A_1063 = arith.addi %div3A_74, %add3A_1062 : vector<16xi32>
      tpu.vector_store_idx %arg8[%add3A_1063, %rem3A_71], %gather3A_1060 : memref<32x100xf32, #tpu.memory_space<vmem>>[vector<16xi32>, vector<16xi32>], vector<16xf32>,
      %add3A_1064 = arith.constant 16 : i32
      %add3A_1065 = vector.broadcast %add3A_1064 : i32 to vector<16xi32>
      %add3A_1066 = arith.addi %div3A_85, %add3A_1065 : vector<16xi32>
      %gather3A_1067 = tpu.vector_load_idx %arg6[%add3A_1066, %gather3A_86] : memref<32x1000xf32, #tpu.memory_space<vmem>>[vector<16xi32>, vector<16xi32>], vector<16xf32>,
      %add3A_1068 = arith.constant 16 : i32
      %add3A_1069 = vector.broadcast %add3A_1068 : i32 to vector<16xi32>
      %add3A_1070 = arith.addi %div3A_85, %add3A_1069 : vector<16xi32>
      tpu.vector_store_idx %arg8[%add3A_1070, %rem3A_82], %gather3A_1067 : memref<32x100xf32, #tpu.memory_space<vmem>>[vector<16xi32>, vector<16xi32>], vector<16xf32>,
      %add3A_1071 = arith.constant 16 : i32
      %add3A_1072 = vector.broadcast %add3A_1071 : i32 to vector<16xi32>
      %add3A_1073 = arith.addi %div3A_96, %add3A_1072 : vector<16xi32>
      %gather3A_1074 = tpu.vector_load_idx %arg6[%add3A_1073, %gather3A_97] : memref<32x1000xf32, #tpu.memory_space<vmem>>[vector<16xi32>, vector<16xi32>], vector<16xf32>,
      %add3A_1075 = arith.constant 16 : i32
      %add3A_1076 = vector.broadcast %add3A_1075 : i32 to vector<16xi32>
      %add3A_1077 = arith.addi %div3A_96, %add3A_1076 : vector<16xi32>
      tpu.vector_store_idx %arg8[%add3A_1077, %rem3A_93], %gather3A_1074 : memref<32x100xf32, #tpu.memory_space<vmem>>[vector<16xi32>, vector<16xi32>], vector<16xf32>,
      %add3A_1078 = arith.constant 16 : i32
      %add3A_1079 = vector.broadcast %add3A_1078 : i32 to vector<16xi32>
      %add3A_1080 = arith.addi %div3A_107, %add3A_1079 : vector<16xi32>
      %gather3A_1081 = tpu.vector_load_idx %arg6[%add3A_1080, %gather3A_108] : memref<32x1000xf32, #tpu.memory_space<vmem>>[vector<16xi32>, vector<16xi32>], vector<16xf32>,
      %add3A_1082 = arith.constant 16 : i32
      %add3A_1083 = vector.broadcast %add3A_1082 : i32 to vector<16xi32>
      %add3A_1084 = arith.addi %div3A_107, %add3A_1083 : vector<16xi32>
      tpu.vector_store_idx %arg8[%add3A_1084, %rem3A_104], %gather3A_1081 : memref<32x100xf32, #tpu.memory_space<vmem>>[vector<16xi32>, vector<16xi32>], vector<16xf32>,
      %add3A_1085 = arith.constant 16 : i32
      %add3A_1086 = vector.broadcast %add3A_1085 : i32 to vector<16xi32>
      %add3A_1087 = arith.addi %div3A_118, %add3A_1086 : vector<16xi32>
      %gather3A_1088 = tpu.vector_load_idx %arg6[%add3A_1087, %gather3A_119] : memref<32x1000xf32, #tpu.memory_space<vmem>>[vector<16xi32>, vector<16xi32>], vector<16xf32>,
      %add3A_1089 = arith.constant 16 : i32
      %add3A_1090 = vector.broadcast %add3A_1089 : i32 to vector<16xi32>
      %add3A_1091 = arith.addi %div3A_118, %add3A_1090 : vector<16xi32>
      tpu.vector_store_idx %arg8[%add3A_1091, %rem3A_115], %gather3A_1088 : memref<32x100xf32, #tpu.memory_space<vmem>>[vector<16xi32>, vector<16xi32>], vector<16xf32>,
      %add3A_1092 = arith.constant 16 : i32
      %add3A_1093 = vector.broadcast %add3A_1092 : i32 to vector<16xi32>
      %add3A_1094 = arith.addi %div3A_129, %add3A_1093 : vector<16xi32>
      %gather3A_1095 = tpu.vector_load_idx %arg6[%add3A_1094, %gather3A_130] : memref<32x1000xf32, #tpu.memory_space<vmem>>[vector<16xi32>, vector<16xi32>], vector<16xf32>,
      %add3A_1096 = arith.constant 16 : i32
      %add3A_1097 = vector.broadcast %add3A_1096 : i32 to vector<16xi32>
      %add3A_1098 = arith.addi %div3A_129, %add3A_1097 : vector<16xi32>
      tpu.vector_store_idx %arg8[%add3A_1098, %rem3A_126], %gather3A_1095 : memref<32x100xf32, #tpu.memory_space<vmem>>[vector<16xi32>, vector<16xi32>], vector<16xf32>,
      %add3A_1099 = arith.constant 16 : i32
      %add3A_1100 = vector.broadcast %add3A_1099 : i32 to vector<16xi32>
      %add3A_1101 = arith.addi %div3A_140, %add3A_1100 : vector<16xi32>
      %gather3A_1102 = tpu.vector_load_idx %arg6[%add3A_1101, %gather3A_141] : memref<32x1000xf32, #tpu.memory_space<vmem>>[vector<16xi32>, vector<16xi32>], vector<16xf32>,
      %add3A_1103 = arith.constant 16 : i32
      %add3A_1104 = vector.broadcast %add3A_1103 : i32 to vector<16xi32>
      %add3A_1105 = arith.addi %div3A_140, %add3A_1104 : vector<16xi32>
      tpu.vector_store_idx %arg8[%add3A_1105, %rem3A_137], %gather3A_1102 : memref<32x100xf32, #tpu.memory_space<vmem>>[vector<16xi32>, vector<16xi32>], vector<16xf32>,
      %add3A_1106 = arith.constant 16 : i32
      %add3A_1107 = vector.broadcast %add3A_1106 : i32 to vector<16xi32>
      %add3A_1108 = arith.addi %div3A_151, %add3A_1107 : vector<16xi32>
      %gather3A_1109 = tpu.vector_load_idx %arg6[%add3A_1108, %gather3A_152] : memref<32x1000xf32, #tpu.memory_space<vmem>>[vector<16xi32>, vector<16xi32>], vector<16xf32>,
      %add3A_1110 = arith.constant 16 : i32
      %add3A_1111 = vector.broadcast %add3A_1110 : i32 to vector<16xi32>
      %add3A_1112 = arith.addi %div3A_151, %add3A_1111 : vector<16xi32>
      tpu.vector_store_idx %arg8[%add3A_1112, %rem3A_148], %gather3A_1109 : memref<32x100xf32, #tpu.memory_space<vmem>>[vector<16xi32>, vector<16xi32>], vector<16xf32>,
      %add3A_1113 = arith.constant 16 : i32
      %add3A_1114 = vector.broadcast %add3A_1113 : i32 to vector<16xi32>
      %add3A_1115 = arith.addi %div3A_162, %add3A_1114 : vector<16xi32>
      %gather3A_1116 = tpu.vector_load_idx %arg6[%add3A_1115, %gather3A_163] : memref<32x1000xf32, #tpu.memory_space<vmem>>[vector<16xi32>, vector<16xi32>], vector<16xf32>,
      %add3A_1117 = arith.constant 16 : i32
      %add3A_1118 = vector.broadcast %add3A_1117 : i32 to vector<16xi32>
      %add3A_1119 = arith.addi %div3A_162, %add3A_1118 : vector<16xi32>
      tpu.vector_store_idx %arg8[%add3A_1119, %rem3A_159], %gather3A_1116 : memref<32x100xf32, #tpu.memory_space<vmem>>[vector<16xi32>, vector<16xi32>], vector<16xf32>,
      %add3A_1120 = arith.constant 16 : i32
      %add3A_1121 = vector.broadcast %add3A_1120 : i32 to vector<16xi32>
      %add3A_1122 = arith.addi %div3A_173, %add3A_1121 : vector<16xi32>
      %gather3A_1123 = tpu.vector_load_idx %arg6[%add3A_1122, %gather3A_174] : memref<32x1000xf32, #tpu.memory_space<vmem>>[vector<16xi32>, vector<16xi32>], vector<16xf32>,
      %add3A_1124 = arith.constant 16 : i32
      %add3A_1125 = vector.broadcast %add3A_1124 : i32 to vector<16xi32>
      %add3A_1126 = arith.addi %div3A_173, %add3A_1125 : vector<16xi32>
      tpu.vector_store_idx %arg8[%add3A_1126, %rem3A_170], %gather3A_1123 : memref<32x100xf32, #tpu.memory_space<vmem>>[vector<16xi32>, vector<16xi32>], vector<16xf32>,
      %add3A_1127 = arith.constant 16 : i32
      %add3A_1128 = vector.broadcast %add3A_1127 : i32 to vector<16xi32>
      %add3A_1129 = arith.addi %div3A_184, %add3A_1128 : vector<16xi32>
      %gather3A_1130 = tpu.vector_load_idx %arg6[%add3A_1129, %gather3A_185] : memref<32x1000xf32, #tpu.memory_space<vmem>>[vector<16xi32>, vector<16xi32>], vector<16xf32>,
      %add3A_1131 = arith.constant 16 : i32
      %add3A_1132 = vector.broadcast %add3A_1131 : i32 to vector<16xi32>
      %add3A_1133 = arith.addi %div3A_184, %add3A_1132 : vector<16xi32>
      tpu.vector_store_idx %arg8[%add3A_1133, %rem3A_181], %gather3A_1130 : memref<32x100xf32, #tpu.memory_space<vmem>>[vector<16xi32>, vector<16xi32>], vector<16xf32>,
      %add3A_1134 = arith.constant 16 : i32
      %add3A_1135 = vector.broadcast %add3A_1134 : i32 to vector<16xi32>
      %add3A_1136 = arith.addi %div3A_195, %add3A_1135 : vector<16xi32>
      %gather3A_1137 = tpu.vector_load_idx %arg6[%add3A_1136, %gather3A_196] : memref<32x1000xf32, #tpu.memory_space<vmem>>[vector<16xi32>, vector<16xi32>], vector<16xf32>,
      %add3A_1138 = arith.constant 16 : i32
      %add3A_1139 = vector.broadcast %add3A_1138 : i32 to vector<16xi32>
      %add3A_1140 = arith.addi %div3A_195, %add3A_1139 : vector<16xi32>
      tpu.vector_store_idx %arg8[%add3A_1140, %rem3A_192], %gather3A_1137 : memref<32x100xf32, #tpu.memory_space<vmem>>[vector<16xi32>, vector<16xi32>], vector<16xf32>,
      %add3A_1141 = arith.constant 16 : i32
      %add3A_1142 = vector.broadcast %add3A_1141 : i32 to vector<16xi32>
      %add3A_1143 = arith.addi %div3A_206, %add3A_1142 : vector<16xi32>
      %gather3A_1144 = tpu.vector_load_idx %arg6[%add3A_1143, %gather3A_207] : memref<32x1000xf32, #tpu.memory_space<vmem>>[vector<16xi32>, vector<16xi32>], vector<16xf32>,
      %add3A_1145 = arith.constant 16 : i32
      %add3A_1146 = vector.broadcast %add3A_1145 : i32 to vector<16xi32>
      %add3A_1147 = arith.addi %div3A_206, %add3A_1146 : vector<16xi32>
      tpu.vector_store_idx %arg8[%add3A_1147, %rem3A_203], %gather3A_1144 : memref<32x100xf32, #tpu.memory_space<vmem>>[vector<16xi32>, vector<16xi32>], vector<16xf32>,
      %add3A_1148 = arith.constant 16 : i32
      %add3A_1149 = vector.broadcast %add3A_1148 : i32 to vector<16xi32>
      %add3A_1150 = arith.addi %div3A_217, %add3A_1149 : vector<16xi32>
      %gather3A_1151 = tpu.vector_load_idx %arg6[%add3A_1150, %gather3A_218] : memref<32x1000xf32, #tpu.memory_space<vmem>>[vector<16xi32>, vector<16xi32>], vector<16xf32>,
      %add3A_1152 = arith.constant 16 : i32
      %add3A_1153 = vector.broadcast %add3A_1152 : i32 to vector<16xi32>
      %add3A_1154 = arith.addi %div3A_217, %add3A_1153 : vector<16xi32>
      tpu.vector_store_idx %arg8[%add3A_1154, %rem3A_214], %gather3A_1151 : memref<32x100xf32, #tpu.memory_space<vmem>>[vector<16xi32>, vector<16xi32>], vector<16xf32>,
      %add3A_1155 = arith.constant 16 : i32
      %add3A_1156 = vector.broadcast %add3A_1155 : i32 to vector<16xi32>
      %add3A_1157 = arith.addi %div3A_228, %add3A_1156 : vector<16xi32>
      %gather3A_1158 = tpu.vector_load_idx %arg6[%add3A_1157, %gather3A_229] : memref<32x1000xf32, #tpu.memory_space<vmem>>[vector<16xi32>, vector<16xi32>], vector<16xf32>,
      %add3A_1159 = arith.constant 16 : i32
      %add3A_1160 = vector.broadcast %add3A_1159 : i32 to vector<16xi32>
      %add3A_1161 = arith.addi %div3A_228, %add3A_1160 : vector<16xi32>
      tpu.vector_store_idx %arg8[%add3A_1161, %rem3A_225], %gather3A_1158 : memref<32x100xf32, #tpu.memory_space<vmem>>[vector<16xi32>, vector<16xi32>], vector<16xf32>,
      %add3A_1162 = arith.constant 16 : i32
      %add3A_1163 = vector.broadcast %add3A_1162 : i32 to vector<16xi32>
      %add3A_1164 = arith.addi %div3A_239, %add3A_1163 : vector<16xi32>
      %gather3A_1165 = tpu.vector_load_idx %arg6[%add3A_1164, %gather3A_240] : memref<32x1000xf32, #tpu.memory_space<vmem>>[vector<16xi32>, vector<16xi32>], vector<16xf32>,
      %add3A_1166 = arith.constant 16 : i32
      %add3A_1167 = vector.broadcast %add3A_1166 : i32 to vector<16xi32>
      %add3A_1168 = arith.addi %div3A_239, %add3A_1167 : vector<16xi32>
      tpu.vector_store_idx %arg8[%add3A_1168, %rem3A_236], %gather3A_1165 : memref<32x100xf32, #tpu.memory_space<vmem>>[vector<16xi32>, vector<16xi32>], vector<16xf32>,
      %add3A_1169 = arith.constant 16 : i32
      %add3A_1170 = vector.broadcast %add3A_1169 : i32 to vector<16xi32>
      %add3A_1171 = arith.addi %div3A_250, %add3A_1170 : vector<16xi32>
      %gather3A_1172 = tpu.vector_load_idx %arg6[%add3A_1171, %gather3A_251] : memref<32x1000xf32, #tpu.memory_space<vmem>>[vector<16xi32>, vector<16xi32>], vector<16xf32>,
      %add3A_1173 = arith.constant 16 : i32
      %add3A_1174 = vector.broadcast %add3A_1173 : i32 to vector<16xi32>
      %add3A_1175 = arith.addi %div3A_250, %add3A_1174 : vector<16xi32>
      tpu.vector_store_idx %arg8[%add3A_1175, %rem3A_247], %gather3A_1172 : memref<32x100xf32, #tpu.memory_space<vmem>>[vector<16xi32>, vector<16xi32>], vector<16xf32>,
      %add3A_1176 = arith.constant 16 : i32
      %add3A_1177 = vector.broadcast %add3A_1176 : i32 to vector<16xi32>
      %add3A_1178 = arith.addi %div3A_261, %add3A_1177 : vector<16xi32>
      %gather3A_1179 = tpu.vector_load_idx %arg6[%add3A_1178, %gather3A_262] : memref<32x1000xf32, #tpu.memory_space<vmem>>[vector<16xi32>, vector<16xi32>], vector<16xf32>,
      %add3A_1180 = arith.constant 16 : i32
      %add3A_1181 = vector.broadcast %add3A_1180 : i32 to vector<16xi32>
      %add3A_1182 = arith.addi %div3A_261, %add3A_1181 : vector<16xi32>
      tpu.vector_store_idx %arg8[%add3A_1182, %rem3A_258], %gather3A_1179 : memref<32x100xf32, #tpu.memory_space<vmem>>[vector<16xi32>, vector<16xi32>], vector<16xf32>,
      %add3A_1183 = arith.constant 16 : i32
      %add3A_1184 = vector.broadcast %add3A_1183 : i32 to vector<16xi32>
      %add3A_1185 = arith.addi %div3A_272, %add3A_1184 : vector<16xi32>
      %gather3A_1186 = tpu.vector_load_idx %arg6[%add3A_1185, %gather3A_273] : memref<32x1000xf32, #tpu.memory_space<vmem>>[vector<16xi32>, vector<16xi32>], vector<16xf32>,
      %add3A_1187 = arith.constant 16 : i32
      %add3A_1188 = vector.broadcast %add3A_1187 : i32 to vector<16xi32>
      %add3A_1189 = arith.addi %div3A_272, %add3A_1188 : vector<16xi32>
      tpu.vector_store_idx %arg8[%add3A_1189, %rem3A_269], %gather3A_1186 : memref<32x100xf32, #tpu.memory_space<vmem>>[vector<16xi32>, vector<16xi32>], vector<16xf32>,
      %add3A_1190 = arith.constant 20 : i32
      %add3A_1191 = vector.broadcast %add3A_1190 : i32 to vector<16xi32>
      %add3A_1192 = arith.addi %div3A_9, %add3A_1191 : vector<16xi32>
      %gather3A_1193 = tpu.vector_load_idx %arg6[%add3A_1192, %gather3A] : memref<32x1000xf32, #tpu.memory_space<vmem>>[vector<16xi32>, vector<16xi32>], vector<16xf32>,
      %add3A_1194 = arith.constant 20 : i32
      %add3A_1195 = vector.broadcast %add3A_1194 : i32 to vector<16xi32>
      %add3A_1196 = arith.addi %div3A_9, %add3A_1195 : vector<16xi32>
      tpu.vector_store_idx %arg8[%add3A_1196, %rem3A_7], %gather3A_1193 : memref<32x100xf32, #tpu.memory_space<vmem>>[vector<16xi32>, vector<16xi32>], vector<16xf32>,
      %add3A_1197 = arith.constant 20 : i32
      %add3A_1198 = vector.broadcast %add3A_1197 : i32 to vector<16xi32>
      %add3A_1199 = arith.addi %div3A_19, %add3A_1198 : vector<16xi32>
      %gather3A_1200 = tpu.vector_load_idx %arg6[%add3A_1199, %gather3A_20] : memref<32x1000xf32, #tpu.memory_space<vmem>>[vector<16xi32>, vector<16xi32>], vector<16xf32>,
      %add3A_1201 = arith.constant 20 : i32
      %add3A_1202 = vector.broadcast %add3A_1201 : i32 to vector<16xi32>
      %add3A_1203 = arith.addi %div3A_19, %add3A_1202 : vector<16xi32>
      tpu.vector_store_idx %arg8[%add3A_1203, %rem3A_16], %gather3A_1200 : memref<32x100xf32, #tpu.memory_space<vmem>>[vector<16xi32>, vector<16xi32>], vector<16xf32>,
      %add3A_1204 = arith.constant 20 : i32
      %add3A_1205 = vector.broadcast %add3A_1204 : i32 to vector<16xi32>
      %add3A_1206 = arith.addi %div3A_30, %add3A_1205 : vector<16xi32>
      %gather3A_1207 = tpu.vector_load_idx %arg6[%add3A_1206, %gather3A_31] : memref<32x1000xf32, #tpu.memory_space<vmem>>[vector<16xi32>, vector<16xi32>], vector<16xf32>,
      %add3A_1208 = arith.constant 20 : i32
      %add3A_1209 = vector.broadcast %add3A_1208 : i32 to vector<16xi32>
      %add3A_1210 = arith.addi %div3A_30, %add3A_1209 : vector<16xi32>
      tpu.vector_store_idx %arg8[%add3A_1210, %rem3A_27], %gather3A_1207 : memref<32x100xf32, #tpu.memory_space<vmem>>[vector<16xi32>, vector<16xi32>], vector<16xf32>,
      %add3A_1211 = arith.constant 20 : i32
      %add3A_1212 = vector.broadcast %add3A_1211 : i32 to vector<16xi32>
      %add3A_1213 = arith.addi %div3A_41, %add3A_1212 : vector<16xi32>
      %gather3A_1214 = tpu.vector_load_idx %arg6[%add3A_1213, %gather3A_42] : memref<32x1000xf32, #tpu.memory_space<vmem>>[vector<16xi32>, vector<16xi32>], vector<16xf32>,
      %add3A_1215 = arith.constant 20 : i32
      %add3A_1216 = vector.broadcast %add3A_1215 : i32 to vector<16xi32>
      %add3A_1217 = arith.addi %div3A_41, %add3A_1216 : vector<16xi32>
      tpu.vector_store_idx %arg8[%add3A_1217, %rem3A_38], %gather3A_1214 : memref<32x100xf32, #tpu.memory_space<vmem>>[vector<16xi32>, vector<16xi32>], vector<16xf32>,
      %add3A_1218 = arith.constant 20 : i32
      %add3A_1219 = vector.broadcast %add3A_1218 : i32 to vector<16xi32>
      %add3A_1220 = arith.addi %div3A_52, %add3A_1219 : vector<16xi32>
      %gather3A_1221 = tpu.vector_load_idx %arg6[%add3A_1220, %gather3A_53] : memref<32x1000xf32, #tpu.memory_space<vmem>>[vector<16xi32>, vector<16xi32>], vector<16xf32>,
      %add3A_1222 = arith.constant 20 : i32
      %add3A_1223 = vector.broadcast %add3A_1222 : i32 to vector<16xi32>
      %add3A_1224 = arith.addi %div3A_52, %add3A_1223 : vector<16xi32>
      tpu.vector_store_idx %arg8[%add3A_1224, %rem3A_49], %gather3A_1221 : memref<32x100xf32, #tpu.memory_space<vmem>>[vector<16xi32>, vector<16xi32>], vector<16xf32>,
      %add3A_1225 = arith.constant 20 : i32
      %add3A_1226 = vector.broadcast %add3A_1225 : i32 to vector<16xi32>
      %add3A_1227 = arith.addi %div3A_63, %add3A_1226 : vector<16xi32>
      %gather3A_1228 = tpu.vector_load_idx %arg6[%add3A_1227, %gather3A_64] : memref<32x1000xf32, #tpu.memory_space<vmem>>[vector<16xi32>, vector<16xi32>], vector<16xf32>,
      %add3A_1229 = arith.constant 20 : i32
      %add3A_1230 = vector.broadcast %add3A_1229 : i32 to vector<16xi32>
      %add3A_1231 = arith.addi %div3A_63, %add3A_1230 : vector<16xi32>
      tpu.vector_store_idx %arg8[%add3A_1231, %rem3A_60], %gather3A_1228 : memref<32x100xf32, #tpu.memory_space<vmem>>[vector<16xi32>, vector<16xi32>], vector<16xf32>,
      %add3A_1232 = arith.constant 20 : i32
      %add3A_1233 = vector.broadcast %add3A_1232 : i32 to vector<16xi32>
      %add3A_1234 = arith.addi %div3A_74, %add3A_1233 : vector<16xi32>
      %gather3A_1235 = tpu.vector_load_idx %arg6[%add3A_1234, %gather3A_75] : memref<32x1000xf32, #tpu.memory_space<vmem>>[vector<16xi32>, vector<16xi32>], vector<16xf32>,
      %add3A_1236 = arith.constant 20 : i32
      %add3A_1237 = vector.broadcast %add3A_1236 : i32 to vector<16xi32>
      %add3A_1238 = arith.addi %div3A_74, %add3A_1237 : vector<16xi32>
      tpu.vector_store_idx %arg8[%add3A_1238, %rem3A_71], %gather3A_1235 : memref<32x100xf32, #tpu.memory_space<vmem>>[vector<16xi32>, vector<16xi32>], vector<16xf32>,
      %add3A_1239 = arith.constant 20 : i32
      %add3A_1240 = vector.broadcast %add3A_1239 : i32 to vector<16xi32>
      %add3A_1241 = arith.addi %div3A_85, %add3A_1240 : vector<16xi32>
      %gather3A_1242 = tpu.vector_load_idx %arg6[%add3A_1241, %gather3A_86] : memref<32x1000xf32, #tpu.memory_space<vmem>>[vector<16xi32>, vector<16xi32>], vector<16xf32>,
      %add3A_1243 = arith.constant 20 : i32
      %add3A_1244 = vector.broadcast %add3A_1243 : i32 to vector<16xi32>
      %add3A_1245 = arith.addi %div3A_85, %add3A_1244 : vector<16xi32>
      tpu.vector_store_idx %arg8[%add3A_1245, %rem3A_82], %gather3A_1242 : memref<32x100xf32, #tpu.memory_space<vmem>>[vector<16xi32>, vector<16xi32>], vector<16xf32>,
      %add3A_1246 = arith.constant 20 : i32
      %add3A_1247 = vector.broadcast %add3A_1246 : i32 to vector<16xi32>
      %add3A_1248 = arith.addi %div3A_96, %add3A_1247 : vector<16xi32>
      %gather3A_1249 = tpu.vector_load_idx %arg6[%add3A_1248, %gather3A_97] : memref<32x1000xf32, #tpu.memory_space<vmem>>[vector<16xi32>, vector<16xi32>], vector<16xf32>,
      %add3A_1250 = arith.constant 20 : i32
      %add3A_1251 = vector.broadcast %add3A_1250 : i32 to vector<16xi32>
      %add3A_1252 = arith.addi %div3A_96, %add3A_1251 : vector<16xi32>
      tpu.vector_store_idx %arg8[%add3A_1252, %rem3A_93], %gather3A_1249 : memref<32x100xf32, #tpu.memory_space<vmem>>[vector<16xi32>, vector<16xi32>], vector<16xf32>,
      %add3A_1253 = arith.constant 20 : i32
      %add3A_1254 = vector.broadcast %add3A_1253 : i32 to vector<16xi32>
      %add3A_1255 = arith.addi %div3A_107, %add3A_1254 : vector<16xi32>
      %gather3A_1256 = tpu.vector_load_idx %arg6[%add3A_1255, %gather3A_108] : memref<32x1000xf32, #tpu.memory_space<vmem>>[vector<16xi32>, vector<16xi32>], vector<16xf32>,
      %add3A_1257 = arith.constant 20 : i32
      %add3A_1258 = vector.broadcast %add3A_1257 : i32 to vector<16xi32>
      %add3A_1259 = arith.addi %div3A_107, %add3A_1258 : vector<16xi32>
      tpu.vector_store_idx %arg8[%add3A_1259, %rem3A_104], %gather3A_1256 : memref<32x100xf32, #tpu.memory_space<vmem>>[vector<16xi32>, vector<16xi32>], vector<16xf32>,
      %add3A_1260 = arith.constant 20 : i32
      %add3A_1261 = vector.broadcast %add3A_1260 : i32 to vector<16xi32>
      %add3A_1262 = arith.addi %div3A_118, %add3A_1261 : vector<16xi32>
      %gather3A_1263 = tpu.vector_load_idx %arg6[%add3A_1262, %gather3A_119] : memref<32x1000xf32, #tpu.memory_space<vmem>>[vector<16xi32>, vector<16xi32>], vector<16xf32>,
      %add3A_1264 = arith.constant 20 : i32
      %add3A_1265 = vector.broadcast %add3A_1264 : i32 to vector<16xi32>
      %add3A_1266 = arith.addi %div3A_118, %add3A_1265 : vector<16xi32>
      tpu.vector_store_idx %arg8[%add3A_1266, %rem3A_115], %gather3A_1263 : memref<32x100xf32, #tpu.memory_space<vmem>>[vector<16xi32>, vector<16xi32>], vector<16xf32>,
      %add3A_1267 = arith.constant 20 : i32
      %add3A_1268 = vector.broadcast %add3A_1267 : i32 to vector<16xi32>
      %add3A_1269 = arith.addi %div3A_129, %add3A_1268 : vector<16xi32>
      %gather3A_1270 = tpu.vector_load_idx %arg6[%add3A_1269, %gather3A_130] : memref<32x1000xf32, #tpu.memory_space<vmem>>[vector<16xi32>, vector<16xi32>], vector<16xf32>,
      %add3A_1271 = arith.constant 20 : i32
      %add3A_1272 = vector.broadcast %add3A_1271 : i32 to vector<16xi32>
      %add3A_1273 = arith.addi %div3A_129, %add3A_1272 : vector<16xi32>
      tpu.vector_store_idx %arg8[%add3A_1273, %rem3A_126], %gather3A_1270 : memref<32x100xf32, #tpu.memory_space<vmem>>[vector<16xi32>, vector<16xi32>], vector<16xf32>,
      %add3A_1274 = arith.constant 20 : i32
      %add3A_1275 = vector.broadcast %add3A_1274 : i32 to vector<16xi32>
      %add3A_1276 = arith.addi %div3A_140, %add3A_1275 : vector<16xi32>
      %gather3A_1277 = tpu.vector_load_idx %arg6[%add3A_1276, %gather3A_141] : memref<32x1000xf32, #tpu.memory_space<vmem>>[vector<16xi32>, vector<16xi32>], vector<16xf32>,
      %add3A_1278 = arith.constant 20 : i32
      %add3A_1279 = vector.broadcast %add3A_1278 : i32 to vector<16xi32>
      %add3A_1280 = arith.addi %div3A_140, %add3A_1279 : vector<16xi32>
      tpu.vector_store_idx %arg8[%add3A_1280, %rem3A_137], %gather3A_1277 : memref<32x100xf32, #tpu.memory_space<vmem>>[vector<16xi32>, vector<16xi32>], vector<16xf32>,
      %add3A_1281 = arith.constant 20 : i32
      %add3A_1282 = vector.broadcast %add3A_1281 : i32 to vector<16xi32>
      %add3A_1283 = arith.addi %div3A_151, %add3A_1282 : vector<16xi32>
      %gather3A_1284 = tpu.vector_load_idx %arg6[%add3A_1283, %gather3A_152] : memref<32x1000xf32, #tpu.memory_space<vmem>>[vector<16xi32>, vector<16xi32>], vector<16xf32>,
      %add3A_1285 = arith.constant 20 : i32
      %add3A_1286 = vector.broadcast %add3A_1285 : i32 to vector<16xi32>
      %add3A_1287 = arith.addi %div3A_151, %add3A_1286 : vector<16xi32>
      tpu.vector_store_idx %arg8[%add3A_1287, %rem3A_148], %gather3A_1284 : memref<32x100xf32, #tpu.memory_space<vmem>>[vector<16xi32>, vector<16xi32>], vector<16xf32>,
      %add3A_1288 = arith.constant 20 : i32
      %add3A_1289 = vector.broadcast %add3A_1288 : i32 to vector<16xi32>
      %add3A_1290 = arith.addi %div3A_162, %add3A_1289 : vector<16xi32>
      %gather3A_1291 = tpu.vector_load_idx %arg6[%add3A_1290, %gather3A_163] : memref<32x1000xf32, #tpu.memory_space<vmem>>[vector<16xi32>, vector<16xi32>], vector<16xf32>,
      %add3A_1292 = arith.constant 20 : i32
      %add3A_1293 = vector.broadcast %add3A_1292 : i32 to vector<16xi32>
      %add3A_1294 = arith.addi %div3A_162, %add3A_1293 : vector<16xi32>
      tpu.vector_store_idx %arg8[%add3A_1294, %rem3A_159], %gather3A_1291 : memref<32x100xf32, #tpu.memory_space<vmem>>[vector<16xi32>, vector<16xi32>], vector<16xf32>,
      %add3A_1295 = arith.constant 20 : i32
      %add3A_1296 = vector.broadcast %add3A_1295 : i32 to vector<16xi32>
      %add3A_1297 = arith.addi %div3A_173, %add3A_1296 : vector<16xi32>
      %gather3A_1298 = tpu.vector_load_idx %arg6[%add3A_1297, %gather3A_174] : memref<32x1000xf32, #tpu.memory_space<vmem>>[vector<16xi32>, vector<16xi32>], vector<16xf32>,
      %add3A_1299 = arith.constant 20 : i32
      %add3A_1300 = vector.broadcast %add3A_1299 : i32 to vector<16xi32>
      %add3A_1301 = arith.addi %div3A_173, %add3A_1300 : vector<16xi32>
      tpu.vector_store_idx %arg8[%add3A_1301, %rem3A_170], %gather3A_1298 : memref<32x100xf32, #tpu.memory_space<vmem>>[vector<16xi32>, vector<16xi32>], vector<16xf32>,
      %add3A_1302 = arith.constant 20 : i32
      %add3A_1303 = vector.broadcast %add3A_1302 : i32 to vector<16xi32>
      %add3A_1304 = arith.addi %div3A_184, %add3A_1303 : vector<16xi32>
      %gather3A_1305 = tpu.vector_load_idx %arg6[%add3A_1304, %gather3A_185] : memref<32x1000xf32, #tpu.memory_space<vmem>>[vector<16xi32>, vector<16xi32>], vector<16xf32>,
      %add3A_1306 = arith.constant 20 : i32
      %add3A_1307 = vector.broadcast %add3A_1306 : i32 to vector<16xi32>
      %add3A_1308 = arith.addi %div3A_184, %add3A_1307 : vector<16xi32>
      tpu.vector_store_idx %arg8[%add3A_1308, %rem3A_181], %gather3A_1305 : memref<32x100xf32, #tpu.memory_space<vmem>>[vector<16xi32>, vector<16xi32>], vector<16xf32>,
      %add3A_1309 = arith.constant 20 : i32
      %add3A_1310 = vector.broadcast %add3A_1309 : i32 to vector<16xi32>
      %add3A_1311 = arith.addi %div3A_195, %add3A_1310 : vector<16xi32>
      %gather3A_1312 = tpu.vector_load_idx %arg6[%add3A_1311, %gather3A_196] : memref<32x1000xf32, #tpu.memory_space<vmem>>[vector<16xi32>, vector<16xi32>], vector<16xf32>,
      %add3A_1313 = arith.constant 20 : i32
      %add3A_1314 = vector.broadcast %add3A_1313 : i32 to vector<16xi32>
      %add3A_1315 = arith.addi %div3A_195, %add3A_1314 : vector<16xi32>
      tpu.vector_store_idx %arg8[%add3A_1315, %rem3A_192], %gather3A_1312 : memref<32x100xf32, #tpu.memory_space<vmem>>[vector<16xi32>, vector<16xi32>], vector<16xf32>,
      %add3A_1316 = arith.constant 20 : i32
      %add3A_1317 = vector.broadcast %add3A_1316 : i32 to vector<16xi32>
      %add3A_1318 = arith.addi %div3A_206, %add3A_1317 : vector<16xi32>
      %gather3A_1319 = tpu.vector_load_idx %arg6[%add3A_1318, %gather3A_207] : memref<32x1000xf32, #tpu.memory_space<vmem>>[vector<16xi32>, vector<16xi32>], vector<16xf32>,
      %add3A_1320 = arith.constant 20 : i32
      %add3A_1321 = vector.broadcast %add3A_1320 : i32 to vector<16xi32>
      %add3A_1322 = arith.addi %div3A_206, %add3A_1321 : vector<16xi32>
      tpu.vector_store_idx %arg8[%add3A_1322, %rem3A_203], %gather3A_1319 : memref<32x100xf32, #tpu.memory_space<vmem>>[vector<16xi32>, vector<16xi32>], vector<16xf32>,
      %add3A_1323 = arith.constant 20 : i32
      %add3A_1324 = vector.broadcast %add3A_1323 : i32 to vector<16xi32>
      %add3A_1325 = arith.addi %div3A_217, %add3A_1324 : vector<16xi32>
      %gather3A_1326 = tpu.vector_load_idx %arg6[%add3A_1325, %gather3A_218] : memref<32x1000xf32, #tpu.memory_space<vmem>>[vector<16xi32>, vector<16xi32>], vector<16xf32>,
      %add3A_1327 = arith.constant 20 : i32
      %add3A_1328 = vector.broadcast %add3A_1327 : i32 to vector<16xi32>
      %add3A_1329 = arith.addi %div3A_217, %add3A_1328 : vector<16xi32>
      tpu.vector_store_idx %arg8[%add3A_1329, %rem3A_214], %gather3A_1326 : memref<32x100xf32, #tpu.memory_space<vmem>>[vector<16xi32>, vector<16xi32>], vector<16xf32>,
      %add3A_1330 = arith.constant 20 : i32
      %add3A_1331 = vector.broadcast %add3A_1330 : i32 to vector<16xi32>
      %add3A_1332 = arith.addi %div3A_228, %add3A_1331 : vector<16xi32>
      %gather3A_1333 = tpu.vector_load_idx %arg6[%add3A_1332, %gather3A_229] : memref<32x1000xf32, #tpu.memory_space<vmem>>[vector<16xi32>, vector<16xi32>], vector<16xf32>,
      %add3A_1334 = arith.constant 20 : i32
      %add3A_1335 = vector.broadcast %add3A_1334 : i32 to vector<16xi32>
      %add3A_1336 = arith.addi %div3A_228, %add3A_1335 : vector<16xi32>
      tpu.vector_store_idx %arg8[%add3A_1336, %rem3A_225], %gather3A_1333 : memref<32x100xf32, #tpu.memory_space<vmem>>[vector<16xi32>, vector<16xi32>], vector<16xf32>,
      %add3A_1337 = arith.constant 20 : i32
      %add3A_1338 = vector.broadcast %add3A_1337 : i32 to vector<16xi32>
      %add3A_1339 = arith.addi %div3A_239, %add3A_1338 : vector<16xi32>
      %gather3A_1340 = tpu.vector_load_idx %arg6[%add3A_1339, %gather3A_240] : memref<32x1000xf32, #tpu.memory_space<vmem>>[vector<16xi32>, vector<16xi32>], vector<16xf32>,
      %add3A_1341 = arith.constant 20 : i32
      %add3A_1342 = vector.broadcast %add3A_1341 : i32 to vector<16xi32>
      %add3A_1343 = arith.addi %div3A_239, %add3A_1342 : vector<16xi32>
      tpu.vector_store_idx %arg8[%add3A_1343, %rem3A_236], %gather3A_1340 : memref<32x100xf32, #tpu.memory_space<vmem>>[vector<16xi32>, vector<16xi32>], vector<16xf32>,
      %add3A_1344 = arith.constant 20 : i32
      %add3A_1345 = vector.broadcast %add3A_1344 : i32 to vector<16xi32>
      %add3A_1346 = arith.addi %div3A_250, %add3A_1345 : vector<16xi32>
      %gather3A_1347 = tpu.vector_load_idx %arg6[%add3A_1346, %gather3A_251] : memref<32x1000xf32, #tpu.memory_space<vmem>>[vector<16xi32>, vector<16xi32>], vector<16xf32>,
      %add3A_1348 = arith.constant 20 : i32
      %add3A_1349 = vector.broadcast %add3A_1348 : i32 to vector<16xi32>
      %add3A_1350 = arith.addi %div3A_250, %add3A_1349 : vector<16xi32>
      tpu.vector_store_idx %arg8[%add3A_1350, %rem3A_247], %gather3A_1347 : memref<32x100xf32, #tpu.memory_space<vmem>>[vector<16xi32>, vector<16xi32>], vector<16xf32>,
      %add3A_1351 = arith.constant 20 : i32
      %add3A_1352 = vector.broadcast %add3A_1351 : i32 to vector<16xi32>
      %add3A_1353 = arith.addi %div3A_261, %add3A_1352 : vector<16xi32>
      %gather3A_1354 = tpu.vector_load_idx %arg6[%add3A_1353, %gather3A_262] : memref<32x1000xf32, #tpu.memory_space<vmem>>[vector<16xi32>, vector<16xi32>], vector<16xf32>,
      %add3A_1355 = arith.constant 20 : i32
      %add3A_1356 = vector.broadcast %add3A_1355 : i32 to vector<16xi32>
      %add3A_1357 = arith.addi %div3A_261, %add3A_1356 : vector<16xi32>
      tpu.vector_store_idx %arg8[%add3A_1357, %rem3A_258], %gather3A_1354 : memref<32x100xf32, #tpu.memory_space<vmem>>[vector<16xi32>, vector<16xi32>], vector<16xf32>,
      %add3A_1358 = arith.constant 20 : i32
      %add3A_1359 = vector.broadcast %add3A_1358 : i32 to vector<16xi32>
      %add3A_1360 = arith.addi %div3A_272, %add3A_1359 : vector<16xi32>
      %gather3A_1361 = tpu.vector_load_idx %arg6[%add3A_1360, %gather3A_273] : memref<32x1000xf32, #tpu.memory_space<vmem>>[vector<16xi32>, vector<16xi32>], vector<16xf32>,
      %add3A_1362 = arith.constant 20 : i32
      %add3A_1363 = vector.broadcast %add3A_1362 : i32 to vector<16xi32>
      %add3A_1364 = arith.addi %div3A_272, %add3A_1363 : vector<16xi32>
      tpu.vector_store_idx %arg8[%add3A_1364, %rem3A_269], %gather3A_1361 : memref<32x100xf32, #tpu.memory_space<vmem>>[vector<16xi32>, vector<16xi32>], vector<16xf32>,
      %add3A_1365 = arith.constant 24 : i32
      %add3A_1366 = vector.broadcast %add3A_1365 : i32 to vector<16xi32>
      %add3A_1367 = arith.addi %div3A_9, %add3A_1366 : vector<16xi32>
      %gather3A_1368 = tpu.vector_load_idx %arg6[%add3A_1367, %gather3A] : memref<32x1000xf32, #tpu.memory_space<vmem>>[vector<16xi32>, vector<16xi32>], vector<16xf32>,
      %add3A_1369 = arith.constant 24 : i32
      %add3A_1370 = vector.broadcast %add3A_1369 : i32 to vector<16xi32>
      %add3A_1371 = arith.addi %div3A_9, %add3A_1370 : vector<16xi32>
      tpu.vector_store_idx %arg8[%add3A_1371, %rem3A_7], %gather3A_1368 : memref<32x100xf32, #tpu.memory_space<vmem>>[vector<16xi32>, vector<16xi32>], vector<16xf32>,
      %add3A_1372 = arith.constant 24 : i32
      %add3A_1373 = vector.broadcast %add3A_1372 : i32 to vector<16xi32>
      %add3A_1374 = arith.addi %div3A_19, %add3A_1373 : vector<16xi32>
      %gather3A_1375 = tpu.vector_load_idx %arg6[%add3A_1374, %gather3A_20] : memref<32x1000xf32, #tpu.memory_space<vmem>>[vector<16xi32>, vector<16xi32>], vector<16xf32>,
      %add3A_1376 = arith.constant 24 : i32
      %add3A_1377 = vector.broadcast %add3A_1376 : i32 to vector<16xi32>
      %add3A_1378 = arith.addi %div3A_19, %add3A_1377 : vector<16xi32>
      tpu.vector_store_idx %arg8[%add3A_1378, %rem3A_16], %gather3A_1375 : memref<32x100xf32, #tpu.memory_space<vmem>>[vector<16xi32>, vector<16xi32>], vector<16xf32>,
      %add3A_1379 = arith.constant 24 : i32
      %add3A_1380 = vector.broadcast %add3A_1379 : i32 to vector<16xi32>
      %add3A_1381 = arith.addi %div3A_30, %add3A_1380 : vector<16xi32>
      %gather3A_1382 = tpu.vector_load_idx %arg6[%add3A_1381, %gather3A_31] : memref<32x1000xf32, #tpu.memory_space<vmem>>[vector<16xi32>, vector<16xi32>], vector<16xf32>,
      %add3A_1383 = arith.constant 24 : i32
      %add3A_1384 = vector.broadcast %add3A_1383 : i32 to vector<16xi32>
      %add3A_1385 = arith.addi %div3A_30, %add3A_1384 : vector<16xi32>
      tpu.vector_store_idx %arg8[%add3A_1385, %rem3A_27], %gather3A_1382 : memref<32x100xf32, #tpu.memory_space<vmem>>[vector<16xi32>, vector<16xi32>], vector<16xf32>,
      %add3A_1386 = arith.constant 24 : i32
      %add3A_1387 = vector.broadcast %add3A_1386 : i32 to vector<16xi32>
      %add3A_1388 = arith.addi %div3A_41, %add3A_1387 : vector<16xi32>
      %gather3A_1389 = tpu.vector_load_idx %arg6[%add3A_1388, %gather3A_42] : memref<32x1000xf32, #tpu.memory_space<vmem>>[vector<16xi32>, vector<16xi32>], vector<16xf32>,
      %add3A_1390 = arith.constant 24 : i32
      %add3A_1391 = vector.broadcast %add3A_1390 : i32 to vector<16xi32>
      %add3A_1392 = arith.addi %div3A_41, %add3A_1391 : vector<16xi32>
      tpu.vector_store_idx %arg8[%add3A_1392, %rem3A_38], %gather3A_1389 : memref<32x100xf32, #tpu.memory_space<vmem>>[vector<16xi32>, vector<16xi32>], vector<16xf32>,
      %add3A_1393 = arith.constant 24 : i32
      %add3A_1394 = vector.broadcast %add3A_1393 : i32 to vector<16xi32>
      %add3A_1395 = arith.addi %div3A_52, %add3A_1394 : vector<16xi32>
      %gather3A_1396 = tpu.vector_load_idx %arg6[%add3A_1395, %gather3A_53] : memref<32x1000xf32, #tpu.memory_space<vmem>>[vector<16xi32>, vector<16xi32>], vector<16xf32>,
      %add3A_1397 = arith.constant 24 : i32
      %add3A_1398 = vector.broadcast %add3A_1397 : i32 to vector<16xi32>
      %add3A_1399 = arith.addi %div3A_52, %add3A_1398 : vector<16xi32>
      tpu.vector_store_idx %arg8[%add3A_1399, %rem3A_49], %gather3A_1396 : memref<32x100xf32, #tpu.memory_space<vmem>>[vector<16xi32>, vector<16xi32>], vector<16xf32>,
      %add3A_1400 = arith.constant 24 : i32
      %add3A_1401 = vector.broadcast %add3A_1400 : i32 to vector<16xi32>
      %add3A_1402 = arith.addi %div3A_63, %add3A_1401 : vector<16xi32>
      %gather3A_1403 = tpu.vector_load_idx %arg6[%add3A_1402, %gather3A_64] : memref<32x1000xf32, #tpu.memory_space<vmem>>[vector<16xi32>, vector<16xi32>], vector<16xf32>,
      %add3A_1404 = arith.constant 24 : i32
      %add3A_1405 = vector.broadcast %add3A_1404 : i32 to vector<16xi32>
      %add3A_1406 = arith.addi %div3A_63, %add3A_1405 : vector<16xi32>
      tpu.vector_store_idx %arg8[%add3A_1406, %rem3A_60], %gather3A_1403 : memref<32x100xf32, #tpu.memory_space<vmem>>[vector<16xi32>, vector<16xi32>], vector<16xf32>,
      %add3A_1407 = arith.constant 24 : i32
      %add3A_1408 = vector.broadcast %add3A_1407 : i32 to vector<16xi32>
      %add3A_1409 = arith.addi %div3A_74, %add3A_1408 : vector<16xi32>
      %gather3A_1410 = tpu.vector_load_idx %arg6[%add3A_1409, %gather3A_75] : memref<32x1000xf32, #tpu.memory_space<vmem>>[vector<16xi32>, vector<16xi32>], vector<16xf32>,
      %add3A_1411 = arith.constant 24 : i32
      %add3A_1412 = vector.broadcast %add3A_1411 : i32 to vector<16xi32>
      %add3A_1413 = arith.addi %div3A_74, %add3A_1412 : vector<16xi32>
      tpu.vector_store_idx %arg8[%add3A_1413, %rem3A_71], %gather3A_1410 : memref<32x100xf32, #tpu.memory_space<vmem>>[vector<16xi32>, vector<16xi32>], vector<16xf32>,
      %add3A_1414 = arith.constant 24 : i32
      %add3A_1415 = vector.broadcast %add3A_1414 : i32 to vector<16xi32>
      %add3A_1416 = arith.addi %div3A_85, %add3A_1415 : vector<16xi32>
      %gather3A_1417 = tpu.vector_load_idx %arg6[%add3A_1416, %gather3A_86] : memref<32x1000xf32, #tpu.memory_space<vmem>>[vector<16xi32>, vector<16xi32>], vector<16xf32>,
      %add3A_1418 = arith.constant 24 : i32
      %add3A_1419 = vector.broadcast %add3A_1418 : i32 to vector<16xi32>
      %add3A_1420 = arith.addi %div3A_85, %add3A_1419 : vector<16xi32>
      tpu.vector_store_idx %arg8[%add3A_1420, %rem3A_82], %gather3A_1417 : memref<32x100xf32, #tpu.memory_space<vmem>>[vector<16xi32>, vector<16xi32>], vector<16xf32>,
      %add3A_1421 = arith.constant 24 : i32
      %add3A_1422 = vector.broadcast %add3A_1421 : i32 to vector<16xi32>
      %add3A_1423 = arith.addi %div3A_96, %add3A_1422 : vector<16xi32>
      %gather3A_1424 = tpu.vector_load_idx %arg6[%add3A_1423, %gather3A_97] : memref<32x1000xf32, #tpu.memory_space<vmem>>[vector<16xi32>, vector<16xi32>], vector<16xf32>,
      %add3A_1425 = arith.constant 24 : i32
      %add3A_1426 = vector.broadcast %add3A_1425 : i32 to vector<16xi32>
      %add3A_1427 = arith.addi %div3A_96, %add3A_1426 : vector<16xi32>
      tpu.vector_store_idx %arg8[%add3A_1427, %rem3A_93], %gather3A_1424 : memref<32x100xf32, #tpu.memory_space<vmem>>[vector<16xi32>, vector<16xi32>], vector<16xf32>,
      %add3A_1428 = arith.constant 24 : i32
      %add3A_1429 = vector.broadcast %add3A_1428 : i32 to vector<16xi32>
      %add3A_1430 = arith.addi %div3A_107, %add3A_1429 : vector<16xi32>
      %gather3A_1431 = tpu.vector_load_idx %arg6[%add3A_1430, %gather3A_108] : memref<32x1000xf32, #tpu.memory_space<vmem>>[vector<16xi32>, vector<16xi32>], vector<16xf32>,
      %add3A_1432 = arith.constant 24 : i32
      %add3A_1433 = vector.broadcast %add3A_1432 : i32 to vector<16xi32>
      %add3A_1434 = arith.addi %div3A_107, %add3A_1433 : vector<16xi32>
      tpu.vector_store_idx %arg8[%add3A_1434, %rem3A_104], %gather3A_1431 : memref<32x100xf32, #tpu.memory_space<vmem>>[vector<16xi32>, vector<16xi32>], vector<16xf32>,
      %add3A_1435 = arith.constant 24 : i32
      %add3A_1436 = vector.broadcast %add3A_1435 : i32 to vector<16xi32>
      %add3A_1437 = arith.addi %div3A_118, %add3A_1436 : vector<16xi32>
      %gather3A_1438 = tpu.vector_load_idx %arg6[%add3A_1437, %gather3A_119] : memref<32x1000xf32, #tpu.memory_space<vmem>>[vector<16xi32>, vector<16xi32>], vector<16xf32>,
      %add3A_1439 = arith.constant 24 : i32
      %add3A_1440 = vector.broadcast %add3A_1439 : i32 to vector<16xi32>
      %add3A_1441 = arith.addi %div3A_118, %add3A_1440 : vector<16xi32>
      tpu.vector_store_idx %arg8[%add3A_1441, %rem3A_115], %gather3A_1438 : memref<32x100xf32, #tpu.memory_space<vmem>>[vector<16xi32>, vector<16xi32>], vector<16xf32>,
      %add3A_1442 = arith.constant 24 : i32
      %add3A_1443 = vector.broadcast %add3A_1442 : i32 to vector<16xi32>
      %add3A_1444 = arith.addi %div3A_129, %add3A_1443 : vector<16xi32>
      %gather3A_1445 = tpu.vector_load_idx %arg6[%add3A_1444, %gather3A_130] : memref<32x1000xf32, #tpu.memory_space<vmem>>[vector<16xi32>, vector<16xi32>], vector<16xf32>,
      %add3A_1446 = arith.constant 24 : i32
      %add3A_1447 = vector.broadcast %add3A_1446 : i32 to vector<16xi32>
      %add3A_1448 = arith.addi %div3A_129, %add3A_1447 : vector<16xi32>
      tpu.vector_store_idx %arg8[%add3A_1448, %rem3A_126], %gather3A_1445 : memref<32x100xf32, #tpu.memory_space<vmem>>[vector<16xi32>, vector<16xi32>], vector<16xf32>,
      %add3A_1449 = arith.constant 24 : i32
      %add3A_1450 = vector.broadcast %add3A_1449 : i32 to vector<16xi32>
      %add3A_1451 = arith.addi %div3A_140, %add3A_1450 : vector<16xi32>
      %gather3A_1452 = tpu.vector_load_idx %arg6[%add3A_1451, %gather3A_141] : memref<32x1000xf32, #tpu.memory_space<vmem>>[vector<16xi32>, vector<16xi32>], vector<16xf32>,
      %add3A_1453 = arith.constant 24 : i32
      %add3A_1454 = vector.broadcast %add3A_1453 : i32 to vector<16xi32>
      %add3A_1455 = arith.addi %div3A_140, %add3A_1454 : vector<16xi32>
      tpu.vector_store_idx %arg8[%add3A_1455, %rem3A_137], %gather3A_1452 : memref<32x100xf32, #tpu.memory_space<vmem>>[vector<16xi32>, vector<16xi32>], vector<16xf32>,
      %add3A_1456 = arith.constant 24 : i32
      %add3A_1457 = vector.broadcast %add3A_1456 : i32 to vector<16xi32>
      %add3A_1458 = arith.addi %div3A_151, %add3A_1457 : vector<16xi32>
      %gather3A_1459 = tpu.vector_load_idx %arg6[%add3A_1458, %gather3A_152] : memref<32x1000xf32, #tpu.memory_space<vmem>>[vector<16xi32>, vector<16xi32>], vector<16xf32>,
      %add3A_1460 = arith.constant 24 : i32
      %add3A_1461 = vector.broadcast %add3A_1460 : i32 to vector<16xi32>
      %add3A_1462 = arith.addi %div3A_151, %add3A_1461 : vector<16xi32>
      tpu.vector_store_idx %arg8[%add3A_1462, %rem3A_148], %gather3A_1459 : memref<32x100xf32, #tpu.memory_space<vmem>>[vector<16xi32>, vector<16xi32>], vector<16xf32>,
      %add3A_1463 = arith.constant 24 : i32
      %add3A_1464 = vector.broadcast %add3A_1463 : i32 to vector<16xi32>
      %add3A_1465 = arith.addi %div3A_162, %add3A_1464 : vector<16xi32>
      %gather3A_1466 = tpu.vector_load_idx %arg6[%add3A_1465, %gather3A_163] : memref<32x1000xf32, #tpu.memory_space<vmem>>[vector<16xi32>, vector<16xi32>], vector<16xf32>,
      %add3A_1467 = arith.constant 24 : i32
      %add3A_1468 = vector.broadcast %add3A_1467 : i32 to vector<16xi32>
      %add3A_1469 = arith.addi %div3A_162, %add3A_1468 : vector<16xi32>
      tpu.vector_store_idx %arg8[%add3A_1469, %rem3A_159], %gather3A_1466 : memref<32x100xf32, #tpu.memory_space<vmem>>[vector<16xi32>, vector<16xi32>], vector<16xf32>,
      %add3A_1470 = arith.constant 24 : i32
      %add3A_1471 = vector.broadcast %add3A_1470 : i32 to vector<16xi32>
      %add3A_1472 = arith.addi %div3A_173, %add3A_1471 : vector<16xi32>
      %gather3A_1473 = tpu.vector_load_idx %arg6[%add3A_1472, %gather3A_174] : memref<32x1000xf32, #tpu.memory_space<vmem>>[vector<16xi32>, vector<16xi32>], vector<16xf32>,
      %add3A_1474 = arith.constant 24 : i32
      %add3A_1475 = vector.broadcast %add3A_1474 : i32 to vector<16xi32>
      %add3A_1476 = arith.addi %div3A_173, %add3A_1475 : vector<16xi32>
      tpu.vector_store_idx %arg8[%add3A_1476, %rem3A_170], %gather3A_1473 : memref<32x100xf32, #tpu.memory_space<vmem>>[vector<16xi32>, vector<16xi32>], vector<16xf32>,
      %add3A_1477 = arith.constant 24 : i32
      %add3A_1478 = vector.broadcast %add3A_1477 : i32 to vector<16xi32>
      %add3A_1479 = arith.addi %div3A_184, %add3A_1478 : vector<16xi32>
      %gather3A_1480 = tpu.vector_load_idx %arg6[%add3A_1479, %gather3A_185] : memref<32x1000xf32, #tpu.memory_space<vmem>>[vector<16xi32>, vector<16xi32>], vector<16xf32>,
      %add3A_1481 = arith.constant 24 : i32
      %add3A_1482 = vector.broadcast %add3A_1481 : i32 to vector<16xi32>
      %add3A_1483 = arith.addi %div3A_184, %add3A_1482 : vector<16xi32>
      tpu.vector_store_idx %arg8[%add3A_1483, %rem3A_181], %gather3A_1480 : memref<32x100xf32, #tpu.memory_space<vmem>>[vector<16xi32>, vector<16xi32>], vector<16xf32>,
      %add3A_1484 = arith.constant 24 : i32
      %add3A_1485 = vector.broadcast %add3A_1484 : i32 to vector<16xi32>
      %add3A_1486 = arith.addi %div3A_195, %add3A_1485 : vector<16xi32>
      %gather3A_1487 = tpu.vector_load_idx %arg6[%add3A_1486, %gather3A_196] : memref<32x1000xf32, #tpu.memory_space<vmem>>[vector<16xi32>, vector<16xi32>], vector<16xf32>,
      %add3A_1488 = arith.constant 24 : i32
      %add3A_1489 = vector.broadcast %add3A_1488 : i32 to vector<16xi32>
      %add3A_1490 = arith.addi %div3A_195, %add3A_1489 : vector<16xi32>
      tpu.vector_store_idx %arg8[%add3A_1490, %rem3A_192], %gather3A_1487 : memref<32x100xf32, #tpu.memory_space<vmem>>[vector<16xi32>, vector<16xi32>], vector<16xf32>,
      %add3A_1491 = arith.constant 24 : i32
      %add3A_1492 = vector.broadcast %add3A_1491 : i32 to vector<16xi32>
      %add3A_1493 = arith.addi %div3A_206, %add3A_1492 : vector<16xi32>
      %gather3A_1494 = tpu.vector_load_idx %arg6[%add3A_1493, %gather3A_207] : memref<32x1000xf32, #tpu.memory_space<vmem>>[vector<16xi32>, vector<16xi32>], vector<16xf32>,
      %add3A_1495 = arith.constant 24 : i32
      %add3A_1496 = vector.broadcast %add3A_1495 : i32 to vector<16xi32>
      %add3A_1497 = arith.addi %div3A_206, %add3A_1496 : vector<16xi32>
      tpu.vector_store_idx %arg8[%add3A_1497, %rem3A_203], %gather3A_1494 : memref<32x100xf32, #tpu.memory_space<vmem>>[vector<16xi32>, vector<16xi32>], vector<16xf32>,
      %add3A_1498 = arith.constant 24 : i32
      %add3A_1499 = vector.broadcast %add3A_1498 : i32 to vector<16xi32>
      %add3A_1500 = arith.addi %div3A_217, %add3A_1499 : vector<16xi32>
      %gather3A_1501 = tpu.vector_load_idx %arg6[%add3A_1500, %gather3A_218] : memref<32x1000xf32, #tpu.memory_space<vmem>>[vector<16xi32>, vector<16xi32>], vector<16xf32>,
      %add3A_1502 = arith.constant 24 : i32
      %add3A_1503 = vector.broadcast %add3A_1502 : i32 to vector<16xi32>
      %add3A_1504 = arith.addi %div3A_217, %add3A_1503 : vector<16xi32>
      tpu.vector_store_idx %arg8[%add3A_1504, %rem3A_214], %gather3A_1501 : memref<32x100xf32, #tpu.memory_space<vmem>>[vector<16xi32>, vector<16xi32>], vector<16xf32>,
      %add3A_1505 = arith.constant 24 : i32
      %add3A_1506 = vector.broadcast %add3A_1505 : i32 to vector<16xi32>
      %add3A_1507 = arith.addi %div3A_228, %add3A_1506 : vector<16xi32>
      %gather3A_1508 = tpu.vector_load_idx %arg6[%add3A_1507, %gather3A_229] : memref<32x1000xf32, #tpu.memory_space<vmem>>[vector<16xi32>, vector<16xi32>], vector<16xf32>,
      %add3A_1509 = arith.constant 24 : i32
      %add3A_1510 = vector.broadcast %add3A_1509 : i32 to vector<16xi32>
      %add3A_1511 = arith.addi %div3A_228, %add3A_1510 : vector<16xi32>
      tpu.vector_store_idx %arg8[%add3A_1511, %rem3A_225], %gather3A_1508 : memref<32x100xf32, #tpu.memory_space<vmem>>[vector<16xi32>, vector<16xi32>], vector<16xf32>,
      %add3A_1512 = arith.constant 24 : i32
      %add3A_1513 = vector.broadcast %add3A_1512 : i32 to vector<16xi32>
      %add3A_1514 = arith.addi %div3A_239, %add3A_1513 : vector<16xi32>
      %gather3A_1515 = tpu.vector_load_idx %arg6[%add3A_1514, %gather3A_240] : memref<32x1000xf32, #tpu.memory_space<vmem>>[vector<16xi32>, vector<16xi32>], vector<16xf32>,
      %add3A_1516 = arith.constant 24 : i32
      %add3A_1517 = vector.broadcast %add3A_1516 : i32 to vector<16xi32>
      %add3A_1518 = arith.addi %div3A_239, %add3A_1517 : vector<16xi32>
      tpu.vector_store_idx %arg8[%add3A_1518, %rem3A_236], %gather3A_1515 : memref<32x100xf32, #tpu.memory_space<vmem>>[vector<16xi32>, vector<16xi32>], vector<16xf32>,
      %add3A_1519 = arith.constant 24 : i32
      %add3A_1520 = vector.broadcast %add3A_1519 : i32 to vector<16xi32>
      %add3A_1521 = arith.addi %div3A_250, %add3A_1520 : vector<16xi32>
      %gather3A_1522 = tpu.vector_load_idx %arg6[%add3A_1521, %gather3A_251] : memref<32x1000xf32, #tpu.memory_space<vmem>>[vector<16xi32>, vector<16xi32>], vector<16xf32>,
      %add3A_1523 = arith.constant 24 : i32
      %add3A_1524 = vector.broadcast %add3A_1523 : i32 to vector<16xi32>
      %add3A_1525 = arith.addi %div3A_250, %add3A_1524 : vector<16xi32>
      tpu.vector_store_idx %arg8[%add3A_1525, %rem3A_247], %gather3A_1522 : memref<32x100xf32, #tpu.memory_space<vmem>>[vector<16xi32>, vector<16xi32>], vector<16xf32>,
      %add3A_1526 = arith.constant 24 : i32
      %add3A_1527 = vector.broadcast %add3A_1526 : i32 to vector<16xi32>
      %add3A_1528 = arith.addi %div3A_261, %add3A_1527 : vector<16xi32>
      %gather3A_1529 = tpu.vector_load_idx %arg6[%add3A_1528, %gather3A_262] : memref<32x1000xf32, #tpu.memory_space<vmem>>[vector<16xi32>, vector<16xi32>], vector<16xf32>,
      %add3A_1530 = arith.constant 24 : i32
      %add3A_1531 = vector.broadcast %add3A_1530 : i32 to vector<16xi32>
      %add3A_1532 = arith.addi %div3A_261, %add3A_1531 : vector<16xi32>
      tpu.vector_store_idx %arg8[%add3A_1532, %rem3A_258], %gather3A_1529 : memref<32x100xf32, #tpu.memory_space<vmem>>[vector<16xi32>, vector<16xi32>], vector<16xf32>,
      %add3A_1533 = arith.constant 24 : i32
      %add3A_1534 = vector.broadcast %add3A_1533 : i32 to vector<16xi32>
      %add3A_1535 = arith.addi %div3A_272, %add3A_1534 : vector<16xi32>
      %gather3A_1536 = tpu.vector_load_idx %arg6[%add3A_1535, %gather3A_273] : memref<32x1000xf32, #tpu.memory_space<vmem>>[vector<16xi32>, vector<16xi32>], vector<16xf32>,
      %add3A_1537 = arith.constant 24 : i32
      %add3A_1538 = vector.broadcast %add3A_1537 : i32 to vector<16xi32>
      %add3A_1539 = arith.addi %div3A_272, %add3A_1538 : vector<16xi32>
      tpu.vector_store_idx %arg8[%add3A_1539, %rem3A_269], %gather3A_1536 : memref<32x100xf32, #tpu.memory_space<vmem>>[vector<16xi32>, vector<16xi32>], vector<16xf32>,
      %add3A_1540 = arith.constant 28 : i32
      %add3A_1541 = vector.broadcast %add3A_1540 : i32 to vector<16xi32>
      %add3A_1542 = arith.addi %div3A_9, %add3A_1541 : vector<16xi32>
      %gather3A_1543 = tpu.vector_load_idx %arg6[%add3A_1542, %gather3A] : memref<32x1000xf32, #tpu.memory_space<vmem>>[vector<16xi32>, vector<16xi32>], vector<16xf32>,
      %add3A_1544 = arith.constant 28 : i32
      %add3A_1545 = vector.broadcast %add3A_1544 : i32 to vector<16xi32>
      %add3A_1546 = arith.addi %div3A_9, %add3A_1545 : vector<16xi32>
      tpu.vector_store_idx %arg8[%add3A_1546, %rem3A_7], %gather3A_1543 : memref<32x100xf32, #tpu.memory_space<vmem>>[vector<16xi32>, vector<16xi32>], vector<16xf32>,
      %add3A_1547 = arith.constant 28 : i32
      %add3A_1548 = vector.broadcast %add3A_1547 : i32 to vector<16xi32>
      %add3A_1549 = arith.addi %div3A_19, %add3A_1548 : vector<16xi32>
      %gather3A_1550 = tpu.vector_load_idx %arg6[%add3A_1549, %gather3A_20] : memref<32x1000xf32, #tpu.memory_space<vmem>>[vector<16xi32>, vector<16xi32>], vector<16xf32>,
      %add3A_1551 = arith.constant 28 : i32
      %add3A_1552 = vector.broadcast %add3A_1551 : i32 to vector<16xi32>
      %add3A_1553 = arith.addi %div3A_19, %add3A_1552 : vector<16xi32>
      tpu.vector_store_idx %arg8[%add3A_1553, %rem3A_16], %gather3A_1550 : memref<32x100xf32, #tpu.memory_space<vmem>>[vector<16xi32>, vector<16xi32>], vector<16xf32>,
      %add3A_1554 = arith.constant 28 : i32
      %add3A_1555 = vector.broadcast %add3A_1554 : i32 to vector<16xi32>
      %add3A_1556 = arith.addi %div3A_30, %add3A_1555 : vector<16xi32>
      %gather3A_1557 = tpu.vector_load_idx %arg6[%add3A_1556, %gather3A_31] : memref<32x1000xf32, #tpu.memory_space<vmem>>[vector<16xi32>, vector<16xi32>], vector<16xf32>,
      %add3A_1558 = arith.constant 28 : i32
      %add3A_1559 = vector.broadcast %add3A_1558 : i32 to vector<16xi32>
      %add3A_1560 = arith.addi %div3A_30, %add3A_1559 : vector<16xi32>
      tpu.vector_store_idx %arg8[%add3A_1560, %rem3A_27], %gather3A_1557 : memref<32x100xf32, #tpu.memory_space<vmem>>[vector<16xi32>, vector<16xi32>], vector<16xf32>,
      %add3A_1561 = arith.constant 28 : i32
      %add3A_1562 = vector.broadcast %add3A_1561 : i32 to vector<16xi32>
      %add3A_1563 = arith.addi %div3A_41, %add3A_1562 : vector<16xi32>
      %gather3A_1564 = tpu.vector_load_idx %arg6[%add3A_1563, %gather3A_42] : memref<32x1000xf32, #tpu.memory_space<vmem>>[vector<16xi32>, vector<16xi32>], vector<16xf32>,
      %add3A_1565 = arith.constant 28 : i32
      %add3A_1566 = vector.broadcast %add3A_1565 : i32 to vector<16xi32>
      %add3A_1567 = arith.addi %div3A_41, %add3A_1566 : vector<16xi32>
      tpu.vector_store_idx %arg8[%add3A_1567, %rem3A_38], %gather3A_1564 : memref<32x100xf32, #tpu.memory_space<vmem>>[vector<16xi32>, vector<16xi32>], vector<16xf32>,
      %add3A_1568 = arith.constant 28 : i32
      %add3A_1569 = vector.broadcast %add3A_1568 : i32 to vector<16xi32>
      %add3A_1570 = arith.addi %div3A_52, %add3A_1569 : vector<16xi32>
      %gather3A_1571 = tpu.vector_load_idx %arg6[%add3A_1570, %gather3A_53] : memref<32x1000xf32, #tpu.memory_space<vmem>>[vector<16xi32>, vector<16xi32>], vector<16xf32>,
      %add3A_1572 = arith.constant 28 : i32
      %add3A_1573 = vector.broadcast %add3A_1572 : i32 to vector<16xi32>
      %add3A_1574 = arith.addi %div3A_52, %add3A_1573 : vector<16xi32>
      tpu.vector_store_idx %arg8[%add3A_1574, %rem3A_49], %gather3A_1571 : memref<32x100xf32, #tpu.memory_space<vmem>>[vector<16xi32>, vector<16xi32>], vector<16xf32>,
      %add3A_1575 = arith.constant 28 : i32
      %add3A_1576 = vector.broadcast %add3A_1575 : i32 to vector<16xi32>
      %add3A_1577 = arith.addi %div3A_63, %add3A_1576 : vector<16xi32>
      %gather3A_1578 = tpu.vector_load_idx %arg6[%add3A_1577, %gather3A_64] : memref<32x1000xf32, #tpu.memory_space<vmem>>[vector<16xi32>, vector<16xi32>], vector<16xf32>,
      %add3A_1579 = arith.constant 28 : i32
      %add3A_1580 = vector.broadcast %add3A_1579 : i32 to vector<16xi32>
      %add3A_1581 = arith.addi %div3A_63, %add3A_1580 : vector<16xi32>
      tpu.vector_store_idx %arg8[%add3A_1581, %rem3A_60], %gather3A_1578 : memref<32x100xf32, #tpu.memory_space<vmem>>[vector<16xi32>, vector<16xi32>], vector<16xf32>,
      %add3A_1582 = arith.constant 28 : i32
      %add3A_1583 = vector.broadcast %add3A_1582 : i32 to vector<16xi32>
      %add3A_1584 = arith.addi %div3A_74, %add3A_1583 : vector<16xi32>
      %gather3A_1585 = tpu.vector_load_idx %arg6[%add3A_1584, %gather3A_75] : memref<32x1000xf32, #tpu.memory_space<vmem>>[vector<16xi32>, vector<16xi32>], vector<16xf32>,
      %add3A_1586 = arith.constant 28 : i32
      %add3A_1587 = vector.broadcast %add3A_1586 : i32 to vector<16xi32>
      %add3A_1588 = arith.addi %div3A_74, %add3A_1587 : vector<16xi32>
      tpu.vector_store_idx %arg8[%add3A_1588, %rem3A_71], %gather3A_1585 : memref<32x100xf32, #tpu.memory_space<vmem>>[vector<16xi32>, vector<16xi32>], vector<16xf32>,
      %add3A_1589 = arith.constant 28 : i32
      %add3A_1590 = vector.broadcast %add3A_1589 : i32 to vector<16xi32>
      %add3A_1591 = arith.addi %div3A_85, %add3A_1590 : vector<16xi32>
      %gather3A_1592 = tpu.vector_load_idx %arg6[%add3A_1591, %gather3A_86] : memref<32x1000xf32, #tpu.memory_space<vmem>>[vector<16xi32>, vector<16xi32>], vector<16xf32>,
      %add3A_1593 = arith.constant 28 : i32
      %add3A_1594 = vector.broadcast %add3A_1593 : i32 to vector<16xi32>
      %add3A_1595 = arith.addi %div3A_85, %add3A_1594 : vector<16xi32>
      tpu.vector_store_idx %arg8[%add3A_1595, %rem3A_82], %gather3A_1592 : memref<32x100xf32, #tpu.memory_space<vmem>>[vector<16xi32>, vector<16xi32>], vector<16xf32>,
      %add3A_1596 = arith.constant 28 : i32
      %add3A_1597 = vector.broadcast %add3A_1596 : i32 to vector<16xi32>
      %add3A_1598 = arith.addi %div3A_96, %add3A_1597 : vector<16xi32>
      %gather3A_1599 = tpu.vector_load_idx %arg6[%add3A_1598, %gather3A_97] : memref<32x1000xf32, #tpu.memory_space<vmem>>[vector<16xi32>, vector<16xi32>], vector<16xf32>,
      %add3A_1600 = arith.constant 28 : i32
      %add3A_1601 = vector.broadcast %add3A_1600 : i32 to vector<16xi32>
      %add3A_1602 = arith.addi %div3A_96, %add3A_1601 : vector<16xi32>
      tpu.vector_store_idx %arg8[%add3A_1602, %rem3A_93], %gather3A_1599 : memref<32x100xf32, #tpu.memory_space<vmem>>[vector<16xi32>, vector<16xi32>], vector<16xf32>,
      %add3A_1603 = arith.constant 28 : i32
      %add3A_1604 = vector.broadcast %add3A_1603 : i32 to vector<16xi32>
      %add3A_1605 = arith.addi %div3A_107, %add3A_1604 : vector<16xi32>
      %gather3A_1606 = tpu.vector_load_idx %arg6[%add3A_1605, %gather3A_108] : memref<32x1000xf32, #tpu.memory_space<vmem>>[vector<16xi32>, vector<16xi32>], vector<16xf32>,
      %add3A_1607 = arith.constant 28 : i32
      %add3A_1608 = vector.broadcast %add3A_1607 : i32 to vector<16xi32>
      %add3A_1609 = arith.addi %div3A_107, %add3A_1608 : vector<16xi32>
      tpu.vector_store_idx %arg8[%add3A_1609, %rem3A_104], %gather3A_1606 : memref<32x100xf32, #tpu.memory_space<vmem>>[vector<16xi32>, vector<16xi32>], vector<16xf32>,
      %add3A_1610 = arith.constant 28 : i32
      %add3A_1611 = vector.broadcast %add3A_1610 : i32 to vector<16xi32>
      %add3A_1612 = arith.addi %div3A_118, %add3A_1611 : vector<16xi32>
      %gather3A_1613 = tpu.vector_load_idx %arg6[%add3A_1612, %gather3A_119] : memref<32x1000xf32, #tpu.memory_space<vmem>>[vector<16xi32>, vector<16xi32>], vector<16xf32>,
      %add3A_1614 = arith.constant 28 : i32
      %add3A_1615 = vector.broadcast %add3A_1614 : i32 to vector<16xi32>
      %add3A_1616 = arith.addi %div3A_118, %add3A_1615 : vector<16xi32>
      tpu.vector_store_idx %arg8[%add3A_1616, %rem3A_115], %gather3A_1613 : memref<32x100xf32, #tpu.memory_space<vmem>>[vector<16xi32>, vector<16xi32>], vector<16xf32>,
      %add3A_1617 = arith.constant 28 : i32
      %add3A_1618 = vector.broadcast %add3A_1617 : i32 to vector<16xi32>
      %add3A_1619 = arith.addi %div3A_129, %add3A_1618 : vector<16xi32>
      %gather3A_1620 = tpu.vector_load_idx %arg6[%add3A_1619, %gather3A_130] : memref<32x1000xf32, #tpu.memory_space<vmem>>[vector<16xi32>, vector<16xi32>], vector<16xf32>,
      %add3A_1621 = arith.constant 28 : i32
      %add3A_1622 = vector.broadcast %add3A_1621 : i32 to vector<16xi32>
      %add3A_1623 = arith.addi %div3A_129, %add3A_1622 : vector<16xi32>
      tpu.vector_store_idx %arg8[%add3A_1623, %rem3A_126], %gather3A_1620 : memref<32x100xf32, #tpu.memory_space<vmem>>[vector<16xi32>, vector<16xi32>], vector<16xf32>,
      %add3A_1624 = arith.constant 28 : i32
      %add3A_1625 = vector.broadcast %add3A_1624 : i32 to vector<16xi32>
      %add3A_1626 = arith.addi %div3A_140, %add3A_1625 : vector<16xi32>
      %gather3A_1627 = tpu.vector_load_idx %arg6[%add3A_1626, %gather3A_141] : memref<32x1000xf32, #tpu.memory_space<vmem>>[vector<16xi32>, vector<16xi32>], vector<16xf32>,
      %add3A_1628 = arith.constant 28 : i32
      %add3A_1629 = vector.broadcast %add3A_1628 : i32 to vector<16xi32>
      %add3A_1630 = arith.addi %div3A_140, %add3A_1629 : vector<16xi32>
      tpu.vector_store_idx %arg8[%add3A_1630, %rem3A_137], %gather3A_1627 : memref<32x100xf32, #tpu.memory_space<vmem>>[vector<16xi32>, vector<16xi32>], vector<16xf32>,
      %add3A_1631 = arith.constant 28 : i32
      %add3A_1632 = vector.broadcast %add3A_1631 : i32 to vector<16xi32>
      %add3A_1633 = arith.addi %div3A_151, %add3A_1632 : vector<16xi32>
      %gather3A_1634 = tpu.vector_load_idx %arg6[%add3A_1633, %gather3A_152] : memref<32x1000xf32, #tpu.memory_space<vmem>>[vector<16xi32>, vector<16xi32>], vector<16xf32>,
      %add3A_1635 = arith.constant 28 : i32
      %add3A_1636 = vector.broadcast %add3A_1635 : i32 to vector<16xi32>
      %add3A_1637 = arith.addi %div3A_151, %add3A_1636 : vector<16xi32>
      tpu.vector_store_idx %arg8[%add3A_1637, %rem3A_148], %gather3A_1634 : memref<32x100xf32, #tpu.memory_space<vmem>>[vector<16xi32>, vector<16xi32>], vector<16xf32>,
      %add3A_1638 = arith.constant 28 : i32
      %add3A_1639 = vector.broadcast %add3A_1638 : i32 to vector<16xi32>
      %add3A_1640 = arith.addi %div3A_162, %add3A_1639 : vector<16xi32>
      %gather3A_1641 = tpu.vector_load_idx %arg6[%add3A_1640, %gather3A_163] : memref<32x1000xf32, #tpu.memory_space<vmem>>[vector<16xi32>, vector<16xi32>], vector<16xf32>,
      %add3A_1642 = arith.constant 28 : i32
      %add3A_1643 = vector.broadcast %add3A_1642 : i32 to vector<16xi32>
      %add3A_1644 = arith.addi %div3A_162, %add3A_1643 : vector<16xi32>
      tpu.vector_store_idx %arg8[%add3A_1644, %rem3A_159], %gather3A_1641 : memref<32x100xf32, #tpu.memory_space<vmem>>[vector<16xi32>, vector<16xi32>], vector<16xf32>,
      %add3A_1645 = arith.constant 28 : i32
      %add3A_1646 = vector.broadcast %add3A_1645 : i32 to vector<16xi32>
      %add3A_1647 = arith.addi %div3A_173, %add3A_1646 : vector<16xi32>
      %gather3A_1648 = tpu.vector_load_idx %arg6[%add3A_1647, %gather3A_174] : memref<32x1000xf32, #tpu.memory_space<vmem>>[vector<16xi32>, vector<16xi32>], vector<16xf32>,
      %add3A_1649 = arith.constant 28 : i32
      %add3A_1650 = vector.broadcast %add3A_1649 : i32 to vector<16xi32>
      %add3A_1651 = arith.addi %div3A_173, %add3A_1650 : vector<16xi32>
      tpu.vector_store_idx %arg8[%add3A_1651, %rem3A_170], %gather3A_1648 : memref<32x100xf32, #tpu.memory_space<vmem>>[vector<16xi32>, vector<16xi32>], vector<16xf32>,
      %add3A_1652 = arith.constant 28 : i32
      %add3A_1653 = vector.broadcast %add3A_1652 : i32 to vector<16xi32>
      %add3A_1654 = arith.addi %div3A_184, %add3A_1653 : vector<16xi32>
      %gather3A_1655 = tpu.vector_load_idx %arg6[%add3A_1654, %gather3A_185] : memref<32x1000xf32, #tpu.memory_space<vmem>>[vector<16xi32>, vector<16xi32>], vector<16xf32>,
      %add3A_1656 = arith.constant 28 : i32
      %add3A_1657 = vector.broadcast %add3A_1656 : i32 to vector<16xi32>
      %add3A_1658 = arith.addi %div3A_184, %add3A_1657 : vector<16xi32>
      tpu.vector_store_idx %arg8[%add3A_1658, %rem3A_181], %gather3A_1655 : memref<32x100xf32, #tpu.memory_space<vmem>>[vector<16xi32>, vector<16xi32>], vector<16xf32>,
      %add3A_1659 = arith.constant 28 : i32
      %add3A_1660 = vector.broadcast %add3A_1659 : i32 to vector<16xi32>
      %add3A_1661 = arith.addi %div3A_195, %add3A_1660 : vector<16xi32>
      %gather3A_1662 = tpu.vector_load_idx %arg6[%add3A_1661, %gather3A_196] : memref<32x1000xf32, #tpu.memory_space<vmem>>[vector<16xi32>, vector<16xi32>], vector<16xf32>,
      %add3A_1663 = arith.constant 28 : i32
      %add3A_1664 = vector.broadcast %add3A_1663 : i32 to vector<16xi32>
      %add3A_1665 = arith.addi %div3A_195, %add3A_1664 : vector<16xi32>
      tpu.vector_store_idx %arg8[%add3A_1665, %rem3A_192], %gather3A_1662 : memref<32x100xf32, #tpu.memory_space<vmem>>[vector<16xi32>, vector<16xi32>], vector<16xf32>,
      %add3A_1666 = arith.constant 28 : i32
      %add3A_1667 = vector.broadcast %add3A_1666 : i32 to vector<16xi32>
      %add3A_1668 = arith.addi %div3A_206, %add3A_1667 : vector<16xi32>
      %gather3A_1669 = tpu.vector_load_idx %arg6[%add3A_1668, %gather3A_207] : memref<32x1000xf32, #tpu.memory_space<vmem>>[vector<16xi32>, vector<16xi32>], vector<16xf32>,
      %add3A_1670 = arith.constant 28 : i32
      %add3A_1671 = vector.broadcast %add3A_1670 : i32 to vector<16xi32>
      %add3A_1672 = arith.addi %div3A_206, %add3A_1671 : vector<16xi32>
      tpu.vector_store_idx %arg8[%add3A_1672, %rem3A_203], %gather3A_1669 : memref<32x100xf32, #tpu.memory_space<vmem>>[vector<16xi32>, vector<16xi32>], vector<16xf32>,
      %add3A_1673 = arith.constant 28 : i32
      %add3A_1674 = vector.broadcast %add3A_1673 : i32 to vector<16xi32>
      %add3A_1675 = arith.addi %div3A_217, %add3A_1674 : vector<16xi32>
      %gather3A_1676 = tpu.vector_load_idx %arg6[%add3A_1675, %gather3A_218] : memref<32x1000xf32, #tpu.memory_space<vmem>>[vector<16xi32>, vector<16xi32>], vector<16xf32>,
      %add3A_1677 = arith.constant 28 : i32
      %add3A_1678 = vector.broadcast %add3A_1677 : i32 to vector<16xi32>
      %add3A_1679 = arith.addi %div3A_217, %add3A_1678 : vector<16xi32>
      tpu.vector_store_idx %arg8[%add3A_1679, %rem3A_214], %gather3A_1676 : memref<32x100xf32, #tpu.memory_space<vmem>>[vector<16xi32>, vector<16xi32>], vector<16xf32>,
      %add3A_1680 = arith.constant 28 : i32
      %add3A_1681 = vector.broadcast %add3A_1680 : i32 to vector<16xi32>
      %add3A_1682 = arith.addi %div3A_228, %add3A_1681 : vector<16xi32>
      %gather3A_1683 = tpu.vector_load_idx %arg6[%add3A_1682, %gather3A_229] : memref<32x1000xf32, #tpu.memory_space<vmem>>[vector<16xi32>, vector<16xi32>], vector<16xf32>,
      %add3A_1684 = arith.constant 28 : i32
      %add3A_1685 = vector.broadcast %add3A_1684 : i32 to vector<16xi32>
      %add3A_1686 = arith.addi %div3A_228, %add3A_1685 : vector<16xi32>
      tpu.vector_store_idx %arg8[%add3A_1686, %rem3A_225], %gather3A_1683 : memref<32x100xf32, #tpu.memory_space<vmem>>[vector<16xi32>, vector<16xi32>], vector<16xf32>,
      %add3A_1687 = arith.constant 28 : i32
      %add3A_1688 = vector.broadcast %add3A_1687 : i32 to vector<16xi32>
      %add3A_1689 = arith.addi %div3A_239, %add3A_1688 : vector<16xi32>
      %gather3A_1690 = tpu.vector_load_idx %arg6[%add3A_1689, %gather3A_240] : memref<32x1000xf32, #tpu.memory_space<vmem>>[vector<16xi32>, vector<16xi32>], vector<16xf32>,
      %add3A_1691 = arith.constant 28 : i32
      %add3A_1692 = vector.broadcast %add3A_1691 : i32 to vector<16xi32>
      %add3A_1693 = arith.addi %div3A_239, %add3A_1692 : vector<16xi32>
      tpu.vector_store_idx %arg8[%add3A_1693, %rem3A_236], %gather3A_1690 : memref<32x100xf32, #tpu.memory_space<vmem>>[vector<16xi32>, vector<16xi32>], vector<16xf32>,
      %add3A_1694 = arith.constant 28 : i32
      %add3A_1695 = vector.broadcast %add3A_1694 : i32 to vector<16xi32>
      %add3A_1696 = arith.addi %div3A_250, %add3A_1695 : vector<16xi32>
      %gather3A_1697 = tpu.vector_load_idx %arg6[%add3A_1696, %gather3A_251] : memref<32x1000xf32, #tpu.memory_space<vmem>>[vector<16xi32>, vector<16xi32>], vector<16xf32>,
      %add3A_1698 = arith.constant 28 : i32
      %add3A_1699 = vector.broadcast %add3A_1698 : i32 to vector<16xi32>
      %add3A_1700 = arith.addi %div3A_250, %add3A_1699 : vector<16xi32>
      tpu.vector_store_idx %arg8[%add3A_1700, %rem3A_247], %gather3A_1697 : memref<32x100xf32, #tpu.memory_space<vmem>>[vector<16xi32>, vector<16xi32>], vector<16xf32>,
      %add3A_1701 = arith.constant 28 : i32
      %add3A_1702 = vector.broadcast %add3A_1701 : i32 to vector<16xi32>
      %add3A_1703 = arith.addi %div3A_261, %add3A_1702 : vector<16xi32>
      %gather3A_1704 = tpu.vector_load_idx %arg6[%add3A_1703, %gather3A_262] : memref<32x1000xf32, #tpu.memory_space<vmem>>[vector<16xi32>, vector<16xi32>], vector<16xf32>,
      %add3A_1705 = arith.constant 28 : i32
      %add3A_1706 = vector.broadcast %add3A_1705 : i32 to vector<16xi32>
      %add3A_1707 = arith.addi %div3A_261, %add3A_1706 : vector<16xi32>
      tpu.vector_store_idx %arg8[%add3A_1707, %rem3A_258], %gather3A_1704 : memref<32x100xf32, #tpu.memory_space<vmem>>[vector<16xi32>, vector<16xi32>], vector<16xf32>,
      %add3A_1708 = arith.constant 28 : i32
      %add3A_1709 = vector.broadcast %add3A_1708 : i32 to vector<16xi32>
      %add3A_1710 = arith.addi %div3A_272, %add3A_1709 : vector<16xi32>
      %gather3A_1711 = tpu.vector_load_idx %arg6[%add3A_1710, %gather3A_273] : memref<32x1000xf32, #tpu.memory_space<vmem>>[vector<16xi32>, vector<16xi32>], vector<16xf32>,
      %add3A_1712 = arith.constant 28 : i32
      %add3A_1713 = vector.broadcast %add3A_1712 : i32 to vector<16xi32>
      %add3A_1714 = arith.addi %div3A_272, %add3A_1713 : vector<16xi32>
      tpu.vector_store_idx %arg8[%add3A_1714, %rem3A_269], %gather3A_1711 : memref<32x100xf32, #tpu.memory_space<vmem>>[vector<16xi32>, vector<16xi32>], vector<16xf32>,
      %mul3A_1715 = arith.constant 2 : i32
      %mul3A_1716 = arith.muli %mul3A_1715, %scan3A_295 : i32
      %mul3A_1717 = arith.constant 32 : i32
      %mul3A_1718 = arith.muli %mul3A_1716, %mul3A_1717 : i32
      %add3A_1719 = arith.addi %mul3A_2, %mul3A_1718 : i32
      %dma_start3A_1720 = arith.constant 0 : i32
      %dma_start3A_1721 = tpu.memref_slice %arg4[%add3A_1719, %dma_start3A_1720] : memref<16384x100xf32, #tpu.memory_space<hbm>> -> memref<32x100xf32, #tpu.memory_space<hbm>>
      %dma_start3A_1722 = arith.constant 0 : i32
      %dma_start3A_1723 = tpu.memref_slice %arg4[%add3A_1719, %dma_start3A_1722] : memref<16384x100xf32, #tpu.memory_space<hbm>> -> memref<32x100xf32, #tpu.memory_space<hbm>>
      tpu.enqueue_dma source(%arg8 : memref<32x100xf32, #tpu.memory_space<vmem>>) target(%dma_start3A_1723 : memref<32x100xf32, #tpu.memory_space<hbm>>) target_semaphore(%arg12 : memref<!tpu.dma_semaphore, #tpu.memory_space<semaphore_mem>>)
      %lt3A = arith.constant 7 : i32
      %lt3A_1724 = arith.cmpi slt, %scan3A_295, %lt3A : i32
      %convert_element_type3A_1725 = arith.extui %lt3A_1724 : i1 to i32
      %cond3A_1726 = arith.constant 0 : i32
      %cond3A_1727 = arith.cmpi ne, %convert_element_type3A_1725, %cond3A_1726 : i32
      scf.if %cond3A_1727 {
        %mul3A_3150 = arith.constant 2 : i32
        %mul3A_3151 = arith.muli %mul3A_3150, %scan3A_295 : i32
        %add3A_3152 = arith.constant 2 : i32
        %add3A_3153 = arith.addi %mul3A_3151, %add3A_3152 : i32
        %mul3A_3154 = arith.constant 32 : i32
        %mul3A_3155 = arith.muli %add3A_3153, %mul3A_3154 : i32
        %add3A_3156 = arith.addi %mul3A_2, %mul3A_3155 : i32
        %dma_start3A_3157 = arith.constant 0 : i32
        %dma_start3A_3158 = tpu.memref_slice %arg2[%add3A_3156, %dma_start3A_3157] : memref<16384x1000xf32, #tpu.memory_space<hbm>> -> memref<32x1000xf32, #tpu.memory_space<hbm>>
        %dma_start3A_3159 = arith.constant 0 : i32
        %dma_start3A_3160 = tpu.memref_slice %arg2[%add3A_3156, %dma_start3A_3159] : memref<16384x1000xf32, #tpu.memory_space<hbm>> -> memref<32x1000xf32, #tpu.memory_space<hbm>>
        tpu.enqueue_dma source(%dma_start3A_3160 : memref<32x1000xf32, #tpu.memory_space<hbm>>) target(%arg6 : memref<32x1000xf32, #tpu.memory_space<vmem>>) target_semaphore(%arg10 : memref<!tpu.dma_semaphore, #tpu.memory_space<semaphore_mem>>)
      } else {
      }
      %dma_wait3A_1728 = arith.constant 0 : i32
      %dma_wait3A_1729 = arith.constant 0 : i32
      %dma_wait3A_1730 = tpu.memref_slice %arg2[%dma_wait3A_1728, %dma_wait3A_1729] : memref<16384x1000xf32, #tpu.memory_space<hbm>> -> memref<32x1000xf32, #tpu.memory_space<hbm>>
      %dma_wait3A_1731 = arith.constant 0 : i32
      %dma_wait3A_1732 = arith.constant 0 : i32
      %dma_wait3A_1733 = tpu.memref_slice %arg2[%dma_wait3A_1731, %dma_wait3A_1732] : memref<16384x1000xf32, #tpu.memory_space<hbm>> -> memref<32x1000xf32, #tpu.memory_space<hbm>>
      tpu.wait_dma2 semaphore(%arg11 : memref<!tpu.dma_semaphore, #tpu.memory_space<semaphore_mem>>) src(%dma_wait3A_1733 : memref<32x1000xf32, #tpu.memory_space<hbm>>) dst(%arg7 : memref<32x1000xf32, #tpu.memory_space<vmem>>)
      %gt3A_1734 = arith.constant 0 : i32
      %gt3A_1735 = arith.cmpi sgt, %scan3A_295, %gt3A_1734 : i32
      %convert_element_type3A_1736 = arith.extui %gt3A_1735 : i1 to i32
      %cond3A_1737 = arith.constant 0 : i32
      %cond3A_1738 = arith.cmpi ne, %convert_element_type3A_1736, %cond3A_1737 : i32
      scf.if %cond3A_1738 {
        %dma_wait3A_3150 = arith.constant 0 : i32
        %dma_wait3A_3151 = arith.constant 0 : i32
        %dma_wait3A_3152 = tpu.memref_slice %arg4[%dma_wait3A_3150, %dma_wait3A_3151] : memref<16384x100xf32, #tpu.memory_space<hbm>> -> memref<32x100xf32, #tpu.memory_space<hbm>>
        %dma_wait3A_3153 = arith.constant 0 : i32
        %dma_wait3A_3154 = arith.constant 0 : i32
        %dma_wait3A_3155 = tpu.memref_slice %arg4[%dma_wait3A_3153, %dma_wait3A_3154] : memref<16384x100xf32, #tpu.memory_space<hbm>> -> memref<32x100xf32, #tpu.memory_space<hbm>>
        tpu.wait_dma2 semaphore(%arg13 : memref<!tpu.dma_semaphore, #tpu.memory_space<semaphore_mem>>) src(%arg9 : memref<32x100xf32, #tpu.memory_space<vmem>>) dst(%dma_wait3A_3155 : memref<32x100xf32, #tpu.memory_space<hbm>>)
      } else {
      }
      %add3A_1739 = arith.constant 0 : i32
      %add3A_1740 = vector.broadcast %add3A_1739 : i32 to vector<16xi32>
      %add3A_1741 = arith.addi %div3A_9, %add3A_1740 : vector<16xi32>
      %gather3A_1742 = tpu.vector_load_idx %arg7[%add3A_1741, %gather3A] : memref<32x1000xf32, #tpu.memory_space<vmem>>[vector<16xi32>, vector<16xi32>], vector<16xf32>,
      %add3A_1743 = arith.constant 0 : i32
      %add3A_1744 = vector.broadcast %add3A_1743 : i32 to vector<16xi32>
      %add3A_1745 = arith.addi %div3A_9, %add3A_1744 : vector<16xi32>
      tpu.vector_store_idx %arg9[%add3A_1745, %rem3A_7], %gather3A_1742 : memref<32x100xf32, #tpu.memory_space<vmem>>[vector<16xi32>, vector<16xi32>], vector<16xf32>,
      %add3A_1746 = arith.constant 0 : i32
      %add3A_1747 = vector.broadcast %add3A_1746 : i32 to vector<16xi32>
      %add3A_1748 = arith.addi %div3A_19, %add3A_1747 : vector<16xi32>
      %gather3A_1749 = tpu.vector_load_idx %arg7[%add3A_1748, %gather3A_20] : memref<32x1000xf32, #tpu.memory_space<vmem>>[vector<16xi32>, vector<16xi32>], vector<16xf32>,
      %add3A_1750 = arith.constant 0 : i32
      %add3A_1751 = vector.broadcast %add3A_1750 : i32 to vector<16xi32>
      %add3A_1752 = arith.addi %div3A_19, %add3A_1751 : vector<16xi32>
      tpu.vector_store_idx %arg9[%add3A_1752, %rem3A_16], %gather3A_1749 : memref<32x100xf32, #tpu.memory_space<vmem>>[vector<16xi32>, vector<16xi32>], vector<16xf32>,
      %add3A_1753 = arith.constant 0 : i32
      %add3A_1754 = vector.broadcast %add3A_1753 : i32 to vector<16xi32>
      %add3A_1755 = arith.addi %div3A_30, %add3A_1754 : vector<16xi32>
      %gather3A_1756 = tpu.vector_load_idx %arg7[%add3A_1755, %gather3A_31] : memref<32x1000xf32, #tpu.memory_space<vmem>>[vector<16xi32>, vector<16xi32>], vector<16xf32>,
      %add3A_1757 = arith.constant 0 : i32
      %add3A_1758 = vector.broadcast %add3A_1757 : i32 to vector<16xi32>
      %add3A_1759 = arith.addi %div3A_30, %add3A_1758 : vector<16xi32>
      tpu.vector_store_idx %arg9[%add3A_1759, %rem3A_27], %gather3A_1756 : memref<32x100xf32, #tpu.memory_space<vmem>>[vector<16xi32>, vector<16xi32>], vector<16xf32>,
      %add3A_1760 = arith.constant 0 : i32
      %add3A_1761 = vector.broadcast %add3A_1760 : i32 to vector<16xi32>
      %add3A_1762 = arith.addi %div3A_41, %add3A_1761 : vector<16xi32>
      %gather3A_1763 = tpu.vector_load_idx %arg7[%add3A_1762, %gather3A_42] : memref<32x1000xf32, #tpu.memory_space<vmem>>[vector<16xi32>, vector<16xi32>], vector<16xf32>,
      %add3A_1764 = arith.constant 0 : i32
      %add3A_1765 = vector.broadcast %add3A_1764 : i32 to vector<16xi32>
      %add3A_1766 = arith.addi %div3A_41, %add3A_1765 : vector<16xi32>
      tpu.vector_store_idx %arg9[%add3A_1766, %rem3A_38], %gather3A_1763 : memref<32x100xf32, #tpu.memory_space<vmem>>[vector<16xi32>, vector<16xi32>], vector<16xf32>,
      %add3A_1767 = arith.constant 0 : i32
      %add3A_1768 = vector.broadcast %add3A_1767 : i32 to vector<16xi32>
      %add3A_1769 = arith.addi %div3A_52, %add3A_1768 : vector<16xi32>
      %gather3A_1770 = tpu.vector_load_idx %arg7[%add3A_1769, %gather3A_53] : memref<32x1000xf32, #tpu.memory_space<vmem>>[vector<16xi32>, vector<16xi32>], vector<16xf32>,
      %add3A_1771 = arith.constant 0 : i32
      %add3A_1772 = vector.broadcast %add3A_1771 : i32 to vector<16xi32>
      %add3A_1773 = arith.addi %div3A_52, %add3A_1772 : vector<16xi32>
      tpu.vector_store_idx %arg9[%add3A_1773, %rem3A_49], %gather3A_1770 : memref<32x100xf32, #tpu.memory_space<vmem>>[vector<16xi32>, vector<16xi32>], vector<16xf32>,
      %add3A_1774 = arith.constant 0 : i32
      %add3A_1775 = vector.broadcast %add3A_1774 : i32 to vector<16xi32>
      %add3A_1776 = arith.addi %div3A_63, %add3A_1775 : vector<16xi32>
      %gather3A_1777 = tpu.vector_load_idx %arg7[%add3A_1776, %gather3A_64] : memref<32x1000xf32, #tpu.memory_space<vmem>>[vector<16xi32>, vector<16xi32>], vector<16xf32>,
      %add3A_1778 = arith.constant 0 : i32
      %add3A_1779 = vector.broadcast %add3A_1778 : i32 to vector<16xi32>
      %add3A_1780 = arith.addi %div3A_63, %add3A_1779 : vector<16xi32>
      tpu.vector_store_idx %arg9[%add3A_1780, %rem3A_60], %gather3A_1777 : memref<32x100xf32, #tpu.memory_space<vmem>>[vector<16xi32>, vector<16xi32>], vector<16xf32>,
      %add3A_1781 = arith.constant 0 : i32
      %add3A_1782 = vector.broadcast %add3A_1781 : i32 to vector<16xi32>
      %add3A_1783 = arith.addi %div3A_74, %add3A_1782 : vector<16xi32>
      %gather3A_1784 = tpu.vector_load_idx %arg7[%add3A_1783, %gather3A_75] : memref<32x1000xf32, #tpu.memory_space<vmem>>[vector<16xi32>, vector<16xi32>], vector<16xf32>,
      %add3A_1785 = arith.constant 0 : i32
      %add3A_1786 = vector.broadcast %add3A_1785 : i32 to vector<16xi32>
      %add3A_1787 = arith.addi %div3A_74, %add3A_1786 : vector<16xi32>
      tpu.vector_store_idx %arg9[%add3A_1787, %rem3A_71], %gather3A_1784 : memref<32x100xf32, #tpu.memory_space<vmem>>[vector<16xi32>, vector<16xi32>], vector<16xf32>,
      %add3A_1788 = arith.constant 0 : i32
      %add3A_1789 = vector.broadcast %add3A_1788 : i32 to vector<16xi32>
      %add3A_1790 = arith.addi %div3A_85, %add3A_1789 : vector<16xi32>
      %gather3A_1791 = tpu.vector_load_idx %arg7[%add3A_1790, %gather3A_86] : memref<32x1000xf32, #tpu.memory_space<vmem>>[vector<16xi32>, vector<16xi32>], vector<16xf32>,
      %add3A_1792 = arith.constant 0 : i32
      %add3A_1793 = vector.broadcast %add3A_1792 : i32 to vector<16xi32>
      %add3A_1794 = arith.addi %div3A_85, %add3A_1793 : vector<16xi32>
      tpu.vector_store_idx %arg9[%add3A_1794, %rem3A_82], %gather3A_1791 : memref<32x100xf32, #tpu.memory_space<vmem>>[vector<16xi32>, vector<16xi32>], vector<16xf32>,
      %add3A_1795 = arith.constant 0 : i32
      %add3A_1796 = vector.broadcast %add3A_1795 : i32 to vector<16xi32>
      %add3A_1797 = arith.addi %div3A_96, %add3A_1796 : vector<16xi32>
      %gather3A_1798 = tpu.vector_load_idx %arg7[%add3A_1797, %gather3A_97] : memref<32x1000xf32, #tpu.memory_space<vmem>>[vector<16xi32>, vector<16xi32>], vector<16xf32>,
      %add3A_1799 = arith.constant 0 : i32
      %add3A_1800 = vector.broadcast %add3A_1799 : i32 to vector<16xi32>
      %add3A_1801 = arith.addi %div3A_96, %add3A_1800 : vector<16xi32>
      tpu.vector_store_idx %arg9[%add3A_1801, %rem3A_93], %gather3A_1798 : memref<32x100xf32, #tpu.memory_space<vmem>>[vector<16xi32>, vector<16xi32>], vector<16xf32>,
      %add3A_1802 = arith.constant 0 : i32
      %add3A_1803 = vector.broadcast %add3A_1802 : i32 to vector<16xi32>
      %add3A_1804 = arith.addi %div3A_107, %add3A_1803 : vector<16xi32>
      %gather3A_1805 = tpu.vector_load_idx %arg7[%add3A_1804, %gather3A_108] : memref<32x1000xf32, #tpu.memory_space<vmem>>[vector<16xi32>, vector<16xi32>], vector<16xf32>,
      %add3A_1806 = arith.constant 0 : i32
      %add3A_1807 = vector.broadcast %add3A_1806 : i32 to vector<16xi32>
      %add3A_1808 = arith.addi %div3A_107, %add3A_1807 : vector<16xi32>
      tpu.vector_store_idx %arg9[%add3A_1808, %rem3A_104], %gather3A_1805 : memref<32x100xf32, #tpu.memory_space<vmem>>[vector<16xi32>, vector<16xi32>], vector<16xf32>,
      %add3A_1809 = arith.constant 0 : i32
      %add3A_1810 = vector.broadcast %add3A_1809 : i32 to vector<16xi32>
      %add3A_1811 = arith.addi %div3A_118, %add3A_1810 : vector<16xi32>
      %gather3A_1812 = tpu.vector_load_idx %arg7[%add3A_1811, %gather3A_119] : memref<32x1000xf32, #tpu.memory_space<vmem>>[vector<16xi32>, vector<16xi32>], vector<16xf32>,
      %add3A_1813 = arith.constant 0 : i32
      %add3A_1814 = vector.broadcast %add3A_1813 : i32 to vector<16xi32>
      %add3A_1815 = arith.addi %div3A_118, %add3A_1814 : vector<16xi32>
      tpu.vector_store_idx %arg9[%add3A_1815, %rem3A_115], %gather3A_1812 : memref<32x100xf32, #tpu.memory_space<vmem>>[vector<16xi32>, vector<16xi32>], vector<16xf32>,
      %add3A_1816 = arith.constant 0 : i32
      %add3A_1817 = vector.broadcast %add3A_1816 : i32 to vector<16xi32>
      %add3A_1818 = arith.addi %div3A_129, %add3A_1817 : vector<16xi32>
      %gather3A_1819 = tpu.vector_load_idx %arg7[%add3A_1818, %gather3A_130] : memref<32x1000xf32, #tpu.memory_space<vmem>>[vector<16xi32>, vector<16xi32>], vector<16xf32>,
      %add3A_1820 = arith.constant 0 : i32
      %add3A_1821 = vector.broadcast %add3A_1820 : i32 to vector<16xi32>
      %add3A_1822 = arith.addi %div3A_129, %add3A_1821 : vector<16xi32>
      tpu.vector_store_idx %arg9[%add3A_1822, %rem3A_126], %gather3A_1819 : memref<32x100xf32, #tpu.memory_space<vmem>>[vector<16xi32>, vector<16xi32>], vector<16xf32>,
      %add3A_1823 = arith.constant 0 : i32
      %add3A_1824 = vector.broadcast %add3A_1823 : i32 to vector<16xi32>
      %add3A_1825 = arith.addi %div3A_140, %add3A_1824 : vector<16xi32>
      %gather3A_1826 = tpu.vector_load_idx %arg7[%add3A_1825, %gather3A_141] : memref<32x1000xf32, #tpu.memory_space<vmem>>[vector<16xi32>, vector<16xi32>], vector<16xf32>,
      %add3A_1827 = arith.constant 0 : i32
      %add3A_1828 = vector.broadcast %add3A_1827 : i32 to vector<16xi32>
      %add3A_1829 = arith.addi %div3A_140, %add3A_1828 : vector<16xi32>
      tpu.vector_store_idx %arg9[%add3A_1829, %rem3A_137], %gather3A_1826 : memref<32x100xf32, #tpu.memory_space<vmem>>[vector<16xi32>, vector<16xi32>], vector<16xf32>,
      %add3A_1830 = arith.constant 0 : i32
      %add3A_1831 = vector.broadcast %add3A_1830 : i32 to vector<16xi32>
      %add3A_1832 = arith.addi %div3A_151, %add3A_1831 : vector<16xi32>
      %gather3A_1833 = tpu.vector_load_idx %arg7[%add3A_1832, %gather3A_152] : memref<32x1000xf32, #tpu.memory_space<vmem>>[vector<16xi32>, vector<16xi32>], vector<16xf32>,
      %add3A_1834 = arith.constant 0 : i32
      %add3A_1835 = vector.broadcast %add3A_1834 : i32 to vector<16xi32>
      %add3A_1836 = arith.addi %div3A_151, %add3A_1835 : vector<16xi32>
      tpu.vector_store_idx %arg9[%add3A_1836, %rem3A_148], %gather3A_1833 : memref<32x100xf32, #tpu.memory_space<vmem>>[vector<16xi32>, vector<16xi32>], vector<16xf32>,
      %add3A_1837 = arith.constant 0 : i32
      %add3A_1838 = vector.broadcast %add3A_1837 : i32 to vector<16xi32>
      %add3A_1839 = arith.addi %div3A_162, %add3A_1838 : vector<16xi32>
      %gather3A_1840 = tpu.vector_load_idx %arg7[%add3A_1839, %gather3A_163] : memref<32x1000xf32, #tpu.memory_space<vmem>>[vector<16xi32>, vector<16xi32>], vector<16xf32>,
      %add3A_1841 = arith.constant 0 : i32
      %add3A_1842 = vector.broadcast %add3A_1841 : i32 to vector<16xi32>
      %add3A_1843 = arith.addi %div3A_162, %add3A_1842 : vector<16xi32>
      tpu.vector_store_idx %arg9[%add3A_1843, %rem3A_159], %gather3A_1840 : memref<32x100xf32, #tpu.memory_space<vmem>>[vector<16xi32>, vector<16xi32>], vector<16xf32>,
      %add3A_1844 = arith.constant 0 : i32
      %add3A_1845 = vector.broadcast %add3A_1844 : i32 to vector<16xi32>
      %add3A_1846 = arith.addi %div3A_173, %add3A_1845 : vector<16xi32>
      %gather3A_1847 = tpu.vector_load_idx %arg7[%add3A_1846, %gather3A_174] : memref<32x1000xf32, #tpu.memory_space<vmem>>[vector<16xi32>, vector<16xi32>], vector<16xf32>,
      %add3A_1848 = arith.constant 0 : i32
      %add3A_1849 = vector.broadcast %add3A_1848 : i32 to vector<16xi32>
      %add3A_1850 = arith.addi %div3A_173, %add3A_1849 : vector<16xi32>
      tpu.vector_store_idx %arg9[%add3A_1850, %rem3A_170], %gather3A_1847 : memref<32x100xf32, #tpu.memory_space<vmem>>[vector<16xi32>, vector<16xi32>], vector<16xf32>,
      %add3A_1851 = arith.constant 0 : i32
      %add3A_1852 = vector.broadcast %add3A_1851 : i32 to vector<16xi32>
      %add3A_1853 = arith.addi %div3A_184, %add3A_1852 : vector<16xi32>
      %gather3A_1854 = tpu.vector_load_idx %arg7[%add3A_1853, %gather3A_185] : memref<32x1000xf32, #tpu.memory_space<vmem>>[vector<16xi32>, vector<16xi32>], vector<16xf32>,
      %add3A_1855 = arith.constant 0 : i32
      %add3A_1856 = vector.broadcast %add3A_1855 : i32 to vector<16xi32>
      %add3A_1857 = arith.addi %div3A_184, %add3A_1856 : vector<16xi32>
      tpu.vector_store_idx %arg9[%add3A_1857, %rem3A_181], %gather3A_1854 : memref<32x100xf32, #tpu.memory_space<vmem>>[vector<16xi32>, vector<16xi32>], vector<16xf32>,
      %add3A_1858 = arith.constant 0 : i32
      %add3A_1859 = vector.broadcast %add3A_1858 : i32 to vector<16xi32>
      %add3A_1860 = arith.addi %div3A_195, %add3A_1859 : vector<16xi32>
      %gather3A_1861 = tpu.vector_load_idx %arg7[%add3A_1860, %gather3A_196] : memref<32x1000xf32, #tpu.memory_space<vmem>>[vector<16xi32>, vector<16xi32>], vector<16xf32>,
      %add3A_1862 = arith.constant 0 : i32
      %add3A_1863 = vector.broadcast %add3A_1862 : i32 to vector<16xi32>
      %add3A_1864 = arith.addi %div3A_195, %add3A_1863 : vector<16xi32>
      tpu.vector_store_idx %arg9[%add3A_1864, %rem3A_192], %gather3A_1861 : memref<32x100xf32, #tpu.memory_space<vmem>>[vector<16xi32>, vector<16xi32>], vector<16xf32>,
      %add3A_1865 = arith.constant 0 : i32
      %add3A_1866 = vector.broadcast %add3A_1865 : i32 to vector<16xi32>
      %add3A_1867 = arith.addi %div3A_206, %add3A_1866 : vector<16xi32>
      %gather3A_1868 = tpu.vector_load_idx %arg7[%add3A_1867, %gather3A_207] : memref<32x1000xf32, #tpu.memory_space<vmem>>[vector<16xi32>, vector<16xi32>], vector<16xf32>,
      %add3A_1869 = arith.constant 0 : i32
      %add3A_1870 = vector.broadcast %add3A_1869 : i32 to vector<16xi32>
      %add3A_1871 = arith.addi %div3A_206, %add3A_1870 : vector<16xi32>
      tpu.vector_store_idx %arg9[%add3A_1871, %rem3A_203], %gather3A_1868 : memref<32x100xf32, #tpu.memory_space<vmem>>[vector<16xi32>, vector<16xi32>], vector<16xf32>,
      %add3A_1872 = arith.constant 0 : i32
      %add3A_1873 = vector.broadcast %add3A_1872 : i32 to vector<16xi32>
      %add3A_1874 = arith.addi %div3A_217, %add3A_1873 : vector<16xi32>
      %gather3A_1875 = tpu.vector_load_idx %arg7[%add3A_1874, %gather3A_218] : memref<32x1000xf32, #tpu.memory_space<vmem>>[vector<16xi32>, vector<16xi32>], vector<16xf32>,
      %add3A_1876 = arith.constant 0 : i32
      %add3A_1877 = vector.broadcast %add3A_1876 : i32 to vector<16xi32>
      %add3A_1878 = arith.addi %div3A_217, %add3A_1877 : vector<16xi32>
      tpu.vector_store_idx %arg9[%add3A_1878, %rem3A_214], %gather3A_1875 : memref<32x100xf32, #tpu.memory_space<vmem>>[vector<16xi32>, vector<16xi32>], vector<16xf32>,
      %add3A_1879 = arith.constant 0 : i32
      %add3A_1880 = vector.broadcast %add3A_1879 : i32 to vector<16xi32>
      %add3A_1881 = arith.addi %div3A_228, %add3A_1880 : vector<16xi32>
      %gather3A_1882 = tpu.vector_load_idx %arg7[%add3A_1881, %gather3A_229] : memref<32x1000xf32, #tpu.memory_space<vmem>>[vector<16xi32>, vector<16xi32>], vector<16xf32>,
      %add3A_1883 = arith.constant 0 : i32
      %add3A_1884 = vector.broadcast %add3A_1883 : i32 to vector<16xi32>
      %add3A_1885 = arith.addi %div3A_228, %add3A_1884 : vector<16xi32>
      tpu.vector_store_idx %arg9[%add3A_1885, %rem3A_225], %gather3A_1882 : memref<32x100xf32, #tpu.memory_space<vmem>>[vector<16xi32>, vector<16xi32>], vector<16xf32>,
      %add3A_1886 = arith.constant 0 : i32
      %add3A_1887 = vector.broadcast %add3A_1886 : i32 to vector<16xi32>
      %add3A_1888 = arith.addi %div3A_239, %add3A_1887 : vector<16xi32>
      %gather3A_1889 = tpu.vector_load_idx %arg7[%add3A_1888, %gather3A_240] : memref<32x1000xf32, #tpu.memory_space<vmem>>[vector<16xi32>, vector<16xi32>], vector<16xf32>,
      %add3A_1890 = arith.constant 0 : i32
      %add3A_1891 = vector.broadcast %add3A_1890 : i32 to vector<16xi32>
      %add3A_1892 = arith.addi %div3A_239, %add3A_1891 : vector<16xi32>
      tpu.vector_store_idx %arg9[%add3A_1892, %rem3A_236], %gather3A_1889 : memref<32x100xf32, #tpu.memory_space<vmem>>[vector<16xi32>, vector<16xi32>], vector<16xf32>,
      %add3A_1893 = arith.constant 0 : i32
      %add3A_1894 = vector.broadcast %add3A_1893 : i32 to vector<16xi32>
      %add3A_1895 = arith.addi %div3A_250, %add3A_1894 : vector<16xi32>
      %gather3A_1896 = tpu.vector_load_idx %arg7[%add3A_1895, %gather3A_251] : memref<32x1000xf32, #tpu.memory_space<vmem>>[vector<16xi32>, vector<16xi32>], vector<16xf32>,
      %add3A_1897 = arith.constant 0 : i32
      %add3A_1898 = vector.broadcast %add3A_1897 : i32 to vector<16xi32>
      %add3A_1899 = arith.addi %div3A_250, %add3A_1898 : vector<16xi32>
      tpu.vector_store_idx %arg9[%add3A_1899, %rem3A_247], %gather3A_1896 : memref<32x100xf32, #tpu.memory_space<vmem>>[vector<16xi32>, vector<16xi32>], vector<16xf32>,
      %add3A_1900 = arith.constant 0 : i32
      %add3A_1901 = vector.broadcast %add3A_1900 : i32 to vector<16xi32>
      %add3A_1902 = arith.addi %div3A_261, %add3A_1901 : vector<16xi32>
      %gather3A_1903 = tpu.vector_load_idx %arg7[%add3A_1902, %gather3A_262] : memref<32x1000xf32, #tpu.memory_space<vmem>>[vector<16xi32>, vector<16xi32>], vector<16xf32>,
      %add3A_1904 = arith.constant 0 : i32
      %add3A_1905 = vector.broadcast %add3A_1904 : i32 to vector<16xi32>
      %add3A_1906 = arith.addi %div3A_261, %add3A_1905 : vector<16xi32>
      tpu.vector_store_idx %arg9[%add3A_1906, %rem3A_258], %gather3A_1903 : memref<32x100xf32, #tpu.memory_space<vmem>>[vector<16xi32>, vector<16xi32>], vector<16xf32>,
      %add3A_1907 = arith.constant 0 : i32
      %add3A_1908 = vector.broadcast %add3A_1907 : i32 to vector<16xi32>
      %add3A_1909 = arith.addi %div3A_272, %add3A_1908 : vector<16xi32>
      %gather3A_1910 = tpu.vector_load_idx %arg7[%add3A_1909, %gather3A_273] : memref<32x1000xf32, #tpu.memory_space<vmem>>[vector<16xi32>, vector<16xi32>], vector<16xf32>,
      %add3A_1911 = arith.constant 0 : i32
      %add3A_1912 = vector.broadcast %add3A_1911 : i32 to vector<16xi32>
      %add3A_1913 = arith.addi %div3A_272, %add3A_1912 : vector<16xi32>
      tpu.vector_store_idx %arg9[%add3A_1913, %rem3A_269], %gather3A_1910 : memref<32x100xf32, #tpu.memory_space<vmem>>[vector<16xi32>, vector<16xi32>], vector<16xf32>,
      %add3A_1914 = arith.constant 4 : i32
      %add3A_1915 = vector.broadcast %add3A_1914 : i32 to vector<16xi32>
      %add3A_1916 = arith.addi %div3A_9, %add3A_1915 : vector<16xi32>
      %gather3A_1917 = tpu.vector_load_idx %arg7[%add3A_1916, %gather3A] : memref<32x1000xf32, #tpu.memory_space<vmem>>[vector<16xi32>, vector<16xi32>], vector<16xf32>,
      %add3A_1918 = arith.constant 4 : i32
      %add3A_1919 = vector.broadcast %add3A_1918 : i32 to vector<16xi32>
      %add3A_1920 = arith.addi %div3A_9, %add3A_1919 : vector<16xi32>
      tpu.vector_store_idx %arg9[%add3A_1920, %rem3A_7], %gather3A_1917 : memref<32x100xf32, #tpu.memory_space<vmem>>[vector<16xi32>, vector<16xi32>], vector<16xf32>,
      %add3A_1921 = arith.constant 4 : i32
      %add3A_1922 = vector.broadcast %add3A_1921 : i32 to vector<16xi32>
      %add3A_1923 = arith.addi %div3A_19, %add3A_1922 : vector<16xi32>
      %gather3A_1924 = tpu.vector_load_idx %arg7[%add3A_1923, %gather3A_20] : memref<32x1000xf32, #tpu.memory_space<vmem>>[vector<16xi32>, vector<16xi32>], vector<16xf32>,
      %add3A_1925 = arith.constant 4 : i32
      %add3A_1926 = vector.broadcast %add3A_1925 : i32 to vector<16xi32>
      %add3A_1927 = arith.addi %div3A_19, %add3A_1926 : vector<16xi32>
      tpu.vector_store_idx %arg9[%add3A_1927, %rem3A_16], %gather3A_1924 : memref<32x100xf32, #tpu.memory_space<vmem>>[vector<16xi32>, vector<16xi32>], vector<16xf32>,
      %add3A_1928 = arith.constant 4 : i32
      %add3A_1929 = vector.broadcast %add3A_1928 : i32 to vector<16xi32>
      %add3A_1930 = arith.addi %div3A_30, %add3A_1929 : vector<16xi32>
      %gather3A_1931 = tpu.vector_load_idx %arg7[%add3A_1930, %gather3A_31] : memref<32x1000xf32, #tpu.memory_space<vmem>>[vector<16xi32>, vector<16xi32>], vector<16xf32>,
      %add3A_1932 = arith.constant 4 : i32
      %add3A_1933 = vector.broadcast %add3A_1932 : i32 to vector<16xi32>
      %add3A_1934 = arith.addi %div3A_30, %add3A_1933 : vector<16xi32>
      tpu.vector_store_idx %arg9[%add3A_1934, %rem3A_27], %gather3A_1931 : memref<32x100xf32, #tpu.memory_space<vmem>>[vector<16xi32>, vector<16xi32>], vector<16xf32>,
      %add3A_1935 = arith.constant 4 : i32
      %add3A_1936 = vector.broadcast %add3A_1935 : i32 to vector<16xi32>
      %add3A_1937 = arith.addi %div3A_41, %add3A_1936 : vector<16xi32>
      %gather3A_1938 = tpu.vector_load_idx %arg7[%add3A_1937, %gather3A_42] : memref<32x1000xf32, #tpu.memory_space<vmem>>[vector<16xi32>, vector<16xi32>], vector<16xf32>,
      %add3A_1939 = arith.constant 4 : i32
      %add3A_1940 = vector.broadcast %add3A_1939 : i32 to vector<16xi32>
      %add3A_1941 = arith.addi %div3A_41, %add3A_1940 : vector<16xi32>
      tpu.vector_store_idx %arg9[%add3A_1941, %rem3A_38], %gather3A_1938 : memref<32x100xf32, #tpu.memory_space<vmem>>[vector<16xi32>, vector<16xi32>], vector<16xf32>,
      %add3A_1942 = arith.constant 4 : i32
      %add3A_1943 = vector.broadcast %add3A_1942 : i32 to vector<16xi32>
      %add3A_1944 = arith.addi %div3A_52, %add3A_1943 : vector<16xi32>
      %gather3A_1945 = tpu.vector_load_idx %arg7[%add3A_1944, %gather3A_53] : memref<32x1000xf32, #tpu.memory_space<vmem>>[vector<16xi32>, vector<16xi32>], vector<16xf32>,
      %add3A_1946 = arith.constant 4 : i32
      %add3A_1947 = vector.broadcast %add3A_1946 : i32 to vector<16xi32>
      %add3A_1948 = arith.addi %div3A_52, %add3A_1947 : vector<16xi32>
      tpu.vector_store_idx %arg9[%add3A_1948, %rem3A_49], %gather3A_1945 : memref<32x100xf32, #tpu.memory_space<vmem>>[vector<16xi32>, vector<16xi32>], vector<16xf32>,
      %add3A_1949 = arith.constant 4 : i32
      %add3A_1950 = vector.broadcast %add3A_1949 : i32 to vector<16xi32>
      %add3A_1951 = arith.addi %div3A_63, %add3A_1950 : vector<16xi32>
      %gather3A_1952 = tpu.vector_load_idx %arg7[%add3A_1951, %gather3A_64] : memref<32x1000xf32, #tpu.memory_space<vmem>>[vector<16xi32>, vector<16xi32>], vector<16xf32>,
      %add3A_1953 = arith.constant 4 : i32
      %add3A_1954 = vector.broadcast %add3A_1953 : i32 to vector<16xi32>
      %add3A_1955 = arith.addi %div3A_63, %add3A_1954 : vector<16xi32>
      tpu.vector_store_idx %arg9[%add3A_1955, %rem3A_60], %gather3A_1952 : memref<32x100xf32, #tpu.memory_space<vmem>>[vector<16xi32>, vector<16xi32>], vector<16xf32>,
      %add3A_1956 = arith.constant 4 : i32
      %add3A_1957 = vector.broadcast %add3A_1956 : i32 to vector<16xi32>
      %add3A_1958 = arith.addi %div3A_74, %add3A_1957 : vector<16xi32>
      %gather3A_1959 = tpu.vector_load_idx %arg7[%add3A_1958, %gather3A_75] : memref<32x1000xf32, #tpu.memory_space<vmem>>[vector<16xi32>, vector<16xi32>], vector<16xf32>,
      %add3A_1960 = arith.constant 4 : i32
      %add3A_1961 = vector.broadcast %add3A_1960 : i32 to vector<16xi32>
      %add3A_1962 = arith.addi %div3A_74, %add3A_1961 : vector<16xi32>
      tpu.vector_store_idx %arg9[%add3A_1962, %rem3A_71], %gather3A_1959 : memref<32x100xf32, #tpu.memory_space<vmem>>[vector<16xi32>, vector<16xi32>], vector<16xf32>,
      %add3A_1963 = arith.constant 4 : i32
      %add3A_1964 = vector.broadcast %add3A_1963 : i32 to vector<16xi32>
      %add3A_1965 = arith.addi %div3A_85, %add3A_1964 : vector<16xi32>
      %gather3A_1966 = tpu.vector_load_idx %arg7[%add3A_1965, %gather3A_86] : memref<32x1000xf32, #tpu.memory_space<vmem>>[vector<16xi32>, vector<16xi32>], vector<16xf32>,
      %add3A_1967 = arith.constant 4 : i32
      %add3A_1968 = vector.broadcast %add3A_1967 : i32 to vector<16xi32>
      %add3A_1969 = arith.addi %div3A_85, %add3A_1968 : vector<16xi32>
      tpu.vector_store_idx %arg9[%add3A_1969, %rem3A_82], %gather3A_1966 : memref<32x100xf32, #tpu.memory_space<vmem>>[vector<16xi32>, vector<16xi32>], vector<16xf32>,
      %add3A_1970 = arith.constant 4 : i32
      %add3A_1971 = vector.broadcast %add3A_1970 : i32 to vector<16xi32>
      %add3A_1972 = arith.addi %div3A_96, %add3A_1971 : vector<16xi32>
      %gather3A_1973 = tpu.vector_load_idx %arg7[%add3A_1972, %gather3A_97] : memref<32x1000xf32, #tpu.memory_space<vmem>>[vector<16xi32>, vector<16xi32>], vector<16xf32>,
      %add3A_1974 = arith.constant 4 : i32
      %add3A_1975 = vector.broadcast %add3A_1974 : i32 to vector<16xi32>
      %add3A_1976 = arith.addi %div3A_96, %add3A_1975 : vector<16xi32>
      tpu.vector_store_idx %arg9[%add3A_1976, %rem3A_93], %gather3A_1973 : memref<32x100xf32, #tpu.memory_space<vmem>>[vector<16xi32>, vector<16xi32>], vector<16xf32>,
      %add3A_1977 = arith.constant 4 : i32
      %add3A_1978 = vector.broadcast %add3A_1977 : i32 to vector<16xi32>
      %add3A_1979 = arith.addi %div3A_107, %add3A_1978 : vector<16xi32>
      %gather3A_1980 = tpu.vector_load_idx %arg7[%add3A_1979, %gather3A_108] : memref<32x1000xf32, #tpu.memory_space<vmem>>[vector<16xi32>, vector<16xi32>], vector<16xf32>,
      %add3A_1981 = arith.constant 4 : i32
      %add3A_1982 = vector.broadcast %add3A_1981 : i32 to vector<16xi32>
      %add3A_1983 = arith.addi %div3A_107, %add3A_1982 : vector<16xi32>
      tpu.vector_store_idx %arg9[%add3A_1983, %rem3A_104], %gather3A_1980 : memref<32x100xf32, #tpu.memory_space<vmem>>[vector<16xi32>, vector<16xi32>], vector<16xf32>,
      %add3A_1984 = arith.constant 4 : i32
      %add3A_1985 = vector.broadcast %add3A_1984 : i32 to vector<16xi32>
      %add3A_1986 = arith.addi %div3A_118, %add3A_1985 : vector<16xi32>
      %gather3A_1987 = tpu.vector_load_idx %arg7[%add3A_1986, %gather3A_119] : memref<32x1000xf32, #tpu.memory_space<vmem>>[vector<16xi32>, vector<16xi32>], vector<16xf32>,
      %add3A_1988 = arith.constant 4 : i32
      %add3A_1989 = vector.broadcast %add3A_1988 : i32 to vector<16xi32>
      %add3A_1990 = arith.addi %div3A_118, %add3A_1989 : vector<16xi32>
      tpu.vector_store_idx %arg9[%add3A_1990, %rem3A_115], %gather3A_1987 : memref<32x100xf32, #tpu.memory_space<vmem>>[vector<16xi32>, vector<16xi32>], vector<16xf32>,
      %add3A_1991 = arith.constant 4 : i32
      %add3A_1992 = vector.broadcast %add3A_1991 : i32 to vector<16xi32>
      %add3A_1993 = arith.addi %div3A_129, %add3A_1992 : vector<16xi32>
      %gather3A_1994 = tpu.vector_load_idx %arg7[%add3A_1993, %gather3A_130] : memref<32x1000xf32, #tpu.memory_space<vmem>>[vector<16xi32>, vector<16xi32>], vector<16xf32>,
      %add3A_1995 = arith.constant 4 : i32
      %add3A_1996 = vector.broadcast %add3A_1995 : i32 to vector<16xi32>
      %add3A_1997 = arith.addi %div3A_129, %add3A_1996 : vector<16xi32>
      tpu.vector_store_idx %arg9[%add3A_1997, %rem3A_126], %gather3A_1994 : memref<32x100xf32, #tpu.memory_space<vmem>>[vector<16xi32>, vector<16xi32>], vector<16xf32>,
      %add3A_1998 = arith.constant 4 : i32
      %add3A_1999 = vector.broadcast %add3A_1998 : i32 to vector<16xi32>
      %add3A_2000 = arith.addi %div3A_140, %add3A_1999 : vector<16xi32>
      %gather3A_2001 = tpu.vector_load_idx %arg7[%add3A_2000, %gather3A_141] : memref<32x1000xf32, #tpu.memory_space<vmem>>[vector<16xi32>, vector<16xi32>], vector<16xf32>,
      %add3A_2002 = arith.constant 4 : i32
      %add3A_2003 = vector.broadcast %add3A_2002 : i32 to vector<16xi32>
      %add3A_2004 = arith.addi %div3A_140, %add3A_2003 : vector<16xi32>
      tpu.vector_store_idx %arg9[%add3A_2004, %rem3A_137], %gather3A_2001 : memref<32x100xf32, #tpu.memory_space<vmem>>[vector<16xi32>, vector<16xi32>], vector<16xf32>,
      %add3A_2005 = arith.constant 4 : i32
      %add3A_2006 = vector.broadcast %add3A_2005 : i32 to vector<16xi32>
      %add3A_2007 = arith.addi %div3A_151, %add3A_2006 : vector<16xi32>
      %gather3A_2008 = tpu.vector_load_idx %arg7[%add3A_2007, %gather3A_152] : memref<32x1000xf32, #tpu.memory_space<vmem>>[vector<16xi32>, vector<16xi32>], vector<16xf32>,
      %add3A_2009 = arith.constant 4 : i32
      %add3A_2010 = vector.broadcast %add3A_2009 : i32 to vector<16xi32>
      %add3A_2011 = arith.addi %div3A_151, %add3A_2010 : vector<16xi32>
      tpu.vector_store_idx %arg9[%add3A_2011, %rem3A_148], %gather3A_2008 : memref<32x100xf32, #tpu.memory_space<vmem>>[vector<16xi32>, vector<16xi32>], vector<16xf32>,
      %add3A_2012 = arith.constant 4 : i32
      %add3A_2013 = vector.broadcast %add3A_2012 : i32 to vector<16xi32>
      %add3A_2014 = arith.addi %div3A_162, %add3A_2013 : vector<16xi32>
      %gather3A_2015 = tpu.vector_load_idx %arg7[%add3A_2014, %gather3A_163] : memref<32x1000xf32, #tpu.memory_space<vmem>>[vector<16xi32>, vector<16xi32>], vector<16xf32>,
      %add3A_2016 = arith.constant 4 : i32
      %add3A_2017 = vector.broadcast %add3A_2016 : i32 to vector<16xi32>
      %add3A_2018 = arith.addi %div3A_162, %add3A_2017 : vector<16xi32>
      tpu.vector_store_idx %arg9[%add3A_2018, %rem3A_159], %gather3A_2015 : memref<32x100xf32, #tpu.memory_space<vmem>>[vector<16xi32>, vector<16xi32>], vector<16xf32>,
      %add3A_2019 = arith.constant 4 : i32
      %add3A_2020 = vector.broadcast %add3A_2019 : i32 to vector<16xi32>
      %add3A_2021 = arith.addi %div3A_173, %add3A_2020 : vector<16xi32>
      %gather3A_2022 = tpu.vector_load_idx %arg7[%add3A_2021, %gather3A_174] : memref<32x1000xf32, #tpu.memory_space<vmem>>[vector<16xi32>, vector<16xi32>], vector<16xf32>,
      %add3A_2023 = arith.constant 4 : i32
      %add3A_2024 = vector.broadcast %add3A_2023 : i32 to vector<16xi32>
      %add3A_2025 = arith.addi %div3A_173, %add3A_2024 : vector<16xi32>
      tpu.vector_store_idx %arg9[%add3A_2025, %rem3A_170], %gather3A_2022 : memref<32x100xf32, #tpu.memory_space<vmem>>[vector<16xi32>, vector<16xi32>], vector<16xf32>,
      %add3A_2026 = arith.constant 4 : i32
      %add3A_2027 = vector.broadcast %add3A_2026 : i32 to vector<16xi32>
      %add3A_2028 = arith.addi %div3A_184, %add3A_2027 : vector<16xi32>
      %gather3A_2029 = tpu.vector_load_idx %arg7[%add3A_2028, %gather3A_185] : memref<32x1000xf32, #tpu.memory_space<vmem>>[vector<16xi32>, vector<16xi32>], vector<16xf32>,
      %add3A_2030 = arith.constant 4 : i32
      %add3A_2031 = vector.broadcast %add3A_2030 : i32 to vector<16xi32>
      %add3A_2032 = arith.addi %div3A_184, %add3A_2031 : vector<16xi32>
      tpu.vector_store_idx %arg9[%add3A_2032, %rem3A_181], %gather3A_2029 : memref<32x100xf32, #tpu.memory_space<vmem>>[vector<16xi32>, vector<16xi32>], vector<16xf32>,
      %add3A_2033 = arith.constant 4 : i32
      %add3A_2034 = vector.broadcast %add3A_2033 : i32 to vector<16xi32>
      %add3A_2035 = arith.addi %div3A_195, %add3A_2034 : vector<16xi32>
      %gather3A_2036 = tpu.vector_load_idx %arg7[%add3A_2035, %gather3A_196] : memref<32x1000xf32, #tpu.memory_space<vmem>>[vector<16xi32>, vector<16xi32>], vector<16xf32>,
      %add3A_2037 = arith.constant 4 : i32
      %add3A_2038 = vector.broadcast %add3A_2037 : i32 to vector<16xi32>
      %add3A_2039 = arith.addi %div3A_195, %add3A_2038 : vector<16xi32>
      tpu.vector_store_idx %arg9[%add3A_2039, %rem3A_192], %gather3A_2036 : memref<32x100xf32, #tpu.memory_space<vmem>>[vector<16xi32>, vector<16xi32>], vector<16xf32>,
      %add3A_2040 = arith.constant 4 : i32
      %add3A_2041 = vector.broadcast %add3A_2040 : i32 to vector<16xi32>
      %add3A_2042 = arith.addi %div3A_206, %add3A_2041 : vector<16xi32>
      %gather3A_2043 = tpu.vector_load_idx %arg7[%add3A_2042, %gather3A_207] : memref<32x1000xf32, #tpu.memory_space<vmem>>[vector<16xi32>, vector<16xi32>], vector<16xf32>,
      %add3A_2044 = arith.constant 4 : i32
      %add3A_2045 = vector.broadcast %add3A_2044 : i32 to vector<16xi32>
      %add3A_2046 = arith.addi %div3A_206, %add3A_2045 : vector<16xi32>
      tpu.vector_store_idx %arg9[%add3A_2046, %rem3A_203], %gather3A_2043 : memref<32x100xf32, #tpu.memory_space<vmem>>[vector<16xi32>, vector<16xi32>], vector<16xf32>,
      %add3A_2047 = arith.constant 4 : i32
      %add3A_2048 = vector.broadcast %add3A_2047 : i32 to vector<16xi32>
      %add3A_2049 = arith.addi %div3A_217, %add3A_2048 : vector<16xi32>
      %gather3A_2050 = tpu.vector_load_idx %arg7[%add3A_2049, %gather3A_218] : memref<32x1000xf32, #tpu.memory_space<vmem>>[vector<16xi32>, vector<16xi32>], vector<16xf32>,
      %add3A_2051 = arith.constant 4 : i32
      %add3A_2052 = vector.broadcast %add3A_2051 : i32 to vector<16xi32>
      %add3A_2053 = arith.addi %div3A_217, %add3A_2052 : vector<16xi32>
      tpu.vector_store_idx %arg9[%add3A_2053, %rem3A_214], %gather3A_2050 : memref<32x100xf32, #tpu.memory_space<vmem>>[vector<16xi32>, vector<16xi32>], vector<16xf32>,
      %add3A_2054 = arith.constant 4 : i32
      %add3A_2055 = vector.broadcast %add3A_2054 : i32 to vector<16xi32>
      %add3A_2056 = arith.addi %div3A_228, %add3A_2055 : vector<16xi32>
      %gather3A_2057 = tpu.vector_load_idx %arg7[%add3A_2056, %gather3A_229] : memref<32x1000xf32, #tpu.memory_space<vmem>>[vector<16xi32>, vector<16xi32>], vector<16xf32>,
      %add3A_2058 = arith.constant 4 : i32
      %add3A_2059 = vector.broadcast %add3A_2058 : i32 to vector<16xi32>
      %add3A_2060 = arith.addi %div3A_228, %add3A_2059 : vector<16xi32>
      tpu.vector_store_idx %arg9[%add3A_2060, %rem3A_225], %gather3A_2057 : memref<32x100xf32, #tpu.memory_space<vmem>>[vector<16xi32>, vector<16xi32>], vector<16xf32>,
      %add3A_2061 = arith.constant 4 : i32
      %add3A_2062 = vector.broadcast %add3A_2061 : i32 to vector<16xi32>
      %add3A_2063 = arith.addi %div3A_239, %add3A_2062 : vector<16xi32>
      %gather3A_2064 = tpu.vector_load_idx %arg7[%add3A_2063, %gather3A_240] : memref<32x1000xf32, #tpu.memory_space<vmem>>[vector<16xi32>, vector<16xi32>], vector<16xf32>,
      %add3A_2065 = arith.constant 4 : i32
      %add3A_2066 = vector.broadcast %add3A_2065 : i32 to vector<16xi32>
      %add3A_2067 = arith.addi %div3A_239, %add3A_2066 : vector<16xi32>
      tpu.vector_store_idx %arg9[%add3A_2067, %rem3A_236], %gather3A_2064 : memref<32x100xf32, #tpu.memory_space<vmem>>[vector<16xi32>, vector<16xi32>], vector<16xf32>,
      %add3A_2068 = arith.constant 4 : i32
      %add3A_2069 = vector.broadcast %add3A_2068 : i32 to vector<16xi32>
      %add3A_2070 = arith.addi %div3A_250, %add3A_2069 : vector<16xi32>
      %gather3A_2071 = tpu.vector_load_idx %arg7[%add3A_2070, %gather3A_251] : memref<32x1000xf32, #tpu.memory_space<vmem>>[vector<16xi32>, vector<16xi32>], vector<16xf32>,
      %add3A_2072 = arith.constant 4 : i32
      %add3A_2073 = vector.broadcast %add3A_2072 : i32 to vector<16xi32>
      %add3A_2074 = arith.addi %div3A_250, %add3A_2073 : vector<16xi32>
      tpu.vector_store_idx %arg9[%add3A_2074, %rem3A_247], %gather3A_2071 : memref<32x100xf32, #tpu.memory_space<vmem>>[vector<16xi32>, vector<16xi32>], vector<16xf32>,
      %add3A_2075 = arith.constant 4 : i32
      %add3A_2076 = vector.broadcast %add3A_2075 : i32 to vector<16xi32>
      %add3A_2077 = arith.addi %div3A_261, %add3A_2076 : vector<16xi32>
      %gather3A_2078 = tpu.vector_load_idx %arg7[%add3A_2077, %gather3A_262] : memref<32x1000xf32, #tpu.memory_space<vmem>>[vector<16xi32>, vector<16xi32>], vector<16xf32>,
      %add3A_2079 = arith.constant 4 : i32
      %add3A_2080 = vector.broadcast %add3A_2079 : i32 to vector<16xi32>
      %add3A_2081 = arith.addi %div3A_261, %add3A_2080 : vector<16xi32>
      tpu.vector_store_idx %arg9[%add3A_2081, %rem3A_258], %gather3A_2078 : memref<32x100xf32, #tpu.memory_space<vmem>>[vector<16xi32>, vector<16xi32>], vector<16xf32>,
      %add3A_2082 = arith.constant 4 : i32
      %add3A_2083 = vector.broadcast %add3A_2082 : i32 to vector<16xi32>
      %add3A_2084 = arith.addi %div3A_272, %add3A_2083 : vector<16xi32>
      %gather3A_2085 = tpu.vector_load_idx %arg7[%add3A_2084, %gather3A_273] : memref<32x1000xf32, #tpu.memory_space<vmem>>[vector<16xi32>, vector<16xi32>], vector<16xf32>,
      %add3A_2086 = arith.constant 4 : i32
      %add3A_2087 = vector.broadcast %add3A_2086 : i32 to vector<16xi32>
      %add3A_2088 = arith.addi %div3A_272, %add3A_2087 : vector<16xi32>
      tpu.vector_store_idx %arg9[%add3A_2088, %rem3A_269], %gather3A_2085 : memref<32x100xf32, #tpu.memory_space<vmem>>[vector<16xi32>, vector<16xi32>], vector<16xf32>,
      %add3A_2089 = arith.constant 8 : i32
      %add3A_2090 = vector.broadcast %add3A_2089 : i32 to vector<16xi32>
      %add3A_2091 = arith.addi %div3A_9, %add3A_2090 : vector<16xi32>
      %gather3A_2092 = tpu.vector_load_idx %arg7[%add3A_2091, %gather3A] : memref<32x1000xf32, #tpu.memory_space<vmem>>[vector<16xi32>, vector<16xi32>], vector<16xf32>,
      %add3A_2093 = arith.constant 8 : i32
      %add3A_2094 = vector.broadcast %add3A_2093 : i32 to vector<16xi32>
      %add3A_2095 = arith.addi %div3A_9, %add3A_2094 : vector<16xi32>
      tpu.vector_store_idx %arg9[%add3A_2095, %rem3A_7], %gather3A_2092 : memref<32x100xf32, #tpu.memory_space<vmem>>[vector<16xi32>, vector<16xi32>], vector<16xf32>,
      %add3A_2096 = arith.constant 8 : i32
      %add3A_2097 = vector.broadcast %add3A_2096 : i32 to vector<16xi32>
      %add3A_2098 = arith.addi %div3A_19, %add3A_2097 : vector<16xi32>
      %gather3A_2099 = tpu.vector_load_idx %arg7[%add3A_2098, %gather3A_20] : memref<32x1000xf32, #tpu.memory_space<vmem>>[vector<16xi32>, vector<16xi32>], vector<16xf32>,
      %add3A_2100 = arith.constant 8 : i32
      %add3A_2101 = vector.broadcast %add3A_2100 : i32 to vector<16xi32>
      %add3A_2102 = arith.addi %div3A_19, %add3A_2101 : vector<16xi32>
      tpu.vector_store_idx %arg9[%add3A_2102, %rem3A_16], %gather3A_2099 : memref<32x100xf32, #tpu.memory_space<vmem>>[vector<16xi32>, vector<16xi32>], vector<16xf32>,
      %add3A_2103 = arith.constant 8 : i32
      %add3A_2104 = vector.broadcast %add3A_2103 : i32 to vector<16xi32>
      %add3A_2105 = arith.addi %div3A_30, %add3A_2104 : vector<16xi32>
      %gather3A_2106 = tpu.vector_load_idx %arg7[%add3A_2105, %gather3A_31] : memref<32x1000xf32, #tpu.memory_space<vmem>>[vector<16xi32>, vector<16xi32>], vector<16xf32>,
      %add3A_2107 = arith.constant 8 : i32
      %add3A_2108 = vector.broadcast %add3A_2107 : i32 to vector<16xi32>
      %add3A_2109 = arith.addi %div3A_30, %add3A_2108 : vector<16xi32>
      tpu.vector_store_idx %arg9[%add3A_2109, %rem3A_27], %gather3A_2106 : memref<32x100xf32, #tpu.memory_space<vmem>>[vector<16xi32>, vector<16xi32>], vector<16xf32>,
      %add3A_2110 = arith.constant 8 : i32
      %add3A_2111 = vector.broadcast %add3A_2110 : i32 to vector<16xi32>
      %add3A_2112 = arith.addi %div3A_41, %add3A_2111 : vector<16xi32>
      %gather3A_2113 = tpu.vector_load_idx %arg7[%add3A_2112, %gather3A_42] : memref<32x1000xf32, #tpu.memory_space<vmem>>[vector<16xi32>, vector<16xi32>], vector<16xf32>,
      %add3A_2114 = arith.constant 8 : i32
      %add3A_2115 = vector.broadcast %add3A_2114 : i32 to vector<16xi32>
      %add3A_2116 = arith.addi %div3A_41, %add3A_2115 : vector<16xi32>
      tpu.vector_store_idx %arg9[%add3A_2116, %rem3A_38], %gather3A_2113 : memref<32x100xf32, #tpu.memory_space<vmem>>[vector<16xi32>, vector<16xi32>], vector<16xf32>,
      %add3A_2117 = arith.constant 8 : i32
      %add3A_2118 = vector.broadcast %add3A_2117 : i32 to vector<16xi32>
      %add3A_2119 = arith.addi %div3A_52, %add3A_2118 : vector<16xi32>
      %gather3A_2120 = tpu.vector_load_idx %arg7[%add3A_2119, %gather3A_53] : memref<32x1000xf32, #tpu.memory_space<vmem>>[vector<16xi32>, vector<16xi32>], vector<16xf32>,
      %add3A_2121 = arith.constant 8 : i32
      %add3A_2122 = vector.broadcast %add3A_2121 : i32 to vector<16xi32>
      %add3A_2123 = arith.addi %div3A_52, %add3A_2122 : vector<16xi32>
      tpu.vector_store_idx %arg9[%add3A_2123, %rem3A_49], %gather3A_2120 : memref<32x100xf32, #tpu.memory_space<vmem>>[vector<16xi32>, vector<16xi32>], vector<16xf32>,
      %add3A_2124 = arith.constant 8 : i32
      %add3A_2125 = vector.broadcast %add3A_2124 : i32 to vector<16xi32>
      %add3A_2126 = arith.addi %div3A_63, %add3A_2125 : vector<16xi32>
      %gather3A_2127 = tpu.vector_load_idx %arg7[%add3A_2126, %gather3A_64] : memref<32x1000xf32, #tpu.memory_space<vmem>>[vector<16xi32>, vector<16xi32>], vector<16xf32>,
      %add3A_2128 = arith.constant 8 : i32
      %add3A_2129 = vector.broadcast %add3A_2128 : i32 to vector<16xi32>
      %add3A_2130 = arith.addi %div3A_63, %add3A_2129 : vector<16xi32>
      tpu.vector_store_idx %arg9[%add3A_2130, %rem3A_60], %gather3A_2127 : memref<32x100xf32, #tpu.memory_space<vmem>>[vector<16xi32>, vector<16xi32>], vector<16xf32>,
      %add3A_2131 = arith.constant 8 : i32
      %add3A_2132 = vector.broadcast %add3A_2131 : i32 to vector<16xi32>
      %add3A_2133 = arith.addi %div3A_74, %add3A_2132 : vector<16xi32>
      %gather3A_2134 = tpu.vector_load_idx %arg7[%add3A_2133, %gather3A_75] : memref<32x1000xf32, #tpu.memory_space<vmem>>[vector<16xi32>, vector<16xi32>], vector<16xf32>,
      %add3A_2135 = arith.constant 8 : i32
      %add3A_2136 = vector.broadcast %add3A_2135 : i32 to vector<16xi32>
      %add3A_2137 = arith.addi %div3A_74, %add3A_2136 : vector<16xi32>
      tpu.vector_store_idx %arg9[%add3A_2137, %rem3A_71], %gather3A_2134 : memref<32x100xf32, #tpu.memory_space<vmem>>[vector<16xi32>, vector<16xi32>], vector<16xf32>,
      %add3A_2138 = arith.constant 8 : i32
      %add3A_2139 = vector.broadcast %add3A_2138 : i32 to vector<16xi32>
      %add3A_2140 = arith.addi %div3A_85, %add3A_2139 : vector<16xi32>
      %gather3A_2141 = tpu.vector_load_idx %arg7[%add3A_2140, %gather3A_86] : memref<32x1000xf32, #tpu.memory_space<vmem>>[vector<16xi32>, vector<16xi32>], vector<16xf32>,
      %add3A_2142 = arith.constant 8 : i32
      %add3A_2143 = vector.broadcast %add3A_2142 : i32 to vector<16xi32>
      %add3A_2144 = arith.addi %div3A_85, %add3A_2143 : vector<16xi32>
      tpu.vector_store_idx %arg9[%add3A_2144, %rem3A_82], %gather3A_2141 : memref<32x100xf32, #tpu.memory_space<vmem>>[vector<16xi32>, vector<16xi32>], vector<16xf32>,
      %add3A_2145 = arith.constant 8 : i32
      %add3A_2146 = vector.broadcast %add3A_2145 : i32 to vector<16xi32>
      %add3A_2147 = arith.addi %div3A_96, %add3A_2146 : vector<16xi32>
      %gather3A_2148 = tpu.vector_load_idx %arg7[%add3A_2147, %gather3A_97] : memref<32x1000xf32, #tpu.memory_space<vmem>>[vector<16xi32>, vector<16xi32>], vector<16xf32>,
      %add3A_2149 = arith.constant 8 : i32
      %add3A_2150 = vector.broadcast %add3A_2149 : i32 to vector<16xi32>
      %add3A_2151 = arith.addi %div3A_96, %add3A_2150 : vector<16xi32>
      tpu.vector_store_idx %arg9[%add3A_2151, %rem3A_93], %gather3A_2148 : memref<32x100xf32, #tpu.memory_space<vmem>>[vector<16xi32>, vector<16xi32>], vector<16xf32>,
      %add3A_2152 = arith.constant 8 : i32
      %add3A_2153 = vector.broadcast %add3A_2152 : i32 to vector<16xi32>
      %add3A_2154 = arith.addi %div3A_107, %add3A_2153 : vector<16xi32>
      %gather3A_2155 = tpu.vector_load_idx %arg7[%add3A_2154, %gather3A_108] : memref<32x1000xf32, #tpu.memory_space<vmem>>[vector<16xi32>, vector<16xi32>], vector<16xf32>,
      %add3A_2156 = arith.constant 8 : i32
      %add3A_2157 = vector.broadcast %add3A_2156 : i32 to vector<16xi32>
      %add3A_2158 = arith.addi %div3A_107, %add3A_2157 : vector<16xi32>
      tpu.vector_store_idx %arg9[%add3A_2158, %rem3A_104], %gather3A_2155 : memref<32x100xf32, #tpu.memory_space<vmem>>[vector<16xi32>, vector<16xi32>], vector<16xf32>,
      %add3A_2159 = arith.constant 8 : i32
      %add3A_2160 = vector.broadcast %add3A_2159 : i32 to vector<16xi32>
      %add3A_2161 = arith.addi %div3A_118, %add3A_2160 : vector<16xi32>
      %gather3A_2162 = tpu.vector_load_idx %arg7[%add3A_2161, %gather3A_119] : memref<32x1000xf32, #tpu.memory_space<vmem>>[vector<16xi32>, vector<16xi32>], vector<16xf32>,
      %add3A_2163 = arith.constant 8 : i32
      %add3A_2164 = vector.broadcast %add3A_2163 : i32 to vector<16xi32>
      %add3A_2165 = arith.addi %div3A_118, %add3A_2164 : vector<16xi32>
      tpu.vector_store_idx %arg9[%add3A_2165, %rem3A_115], %gather3A_2162 : memref<32x100xf32, #tpu.memory_space<vmem>>[vector<16xi32>, vector<16xi32>], vector<16xf32>,
      %add3A_2166 = arith.constant 8 : i32
      %add3A_2167 = vector.broadcast %add3A_2166 : i32 to vector<16xi32>
      %add3A_2168 = arith.addi %div3A_129, %add3A_2167 : vector<16xi32>
      %gather3A_2169 = tpu.vector_load_idx %arg7[%add3A_2168, %gather3A_130] : memref<32x1000xf32, #tpu.memory_space<vmem>>[vector<16xi32>, vector<16xi32>], vector<16xf32>,
      %add3A_2170 = arith.constant 8 : i32
      %add3A_2171 = vector.broadcast %add3A_2170 : i32 to vector<16xi32>
      %add3A_2172 = arith.addi %div3A_129, %add3A_2171 : vector<16xi32>
      tpu.vector_store_idx %arg9[%add3A_2172, %rem3A_126], %gather3A_2169 : memref<32x100xf32, #tpu.memory_space<vmem>>[vector<16xi32>, vector<16xi32>], vector<16xf32>,
      %add3A_2173 = arith.constant 8 : i32
      %add3A_2174 = vector.broadcast %add3A_2173 : i32 to vector<16xi32>
      %add3A_2175 = arith.addi %div3A_140, %add3A_2174 : vector<16xi32>
      %gather3A_2176 = tpu.vector_load_idx %arg7[%add3A_2175, %gather3A_141] : memref<32x1000xf32, #tpu.memory_space<vmem>>[vector<16xi32>, vector<16xi32>], vector<16xf32>,
      %add3A_2177 = arith.constant 8 : i32
      %add3A_2178 = vector.broadcast %add3A_2177 : i32 to vector<16xi32>
      %add3A_2179 = arith.addi %div3A_140, %add3A_2178 : vector<16xi32>
      tpu.vector_store_idx %arg9[%add3A_2179, %rem3A_137], %gather3A_2176 : memref<32x100xf32, #tpu.memory_space<vmem>>[vector<16xi32>, vector<16xi32>], vector<16xf32>,
      %add3A_2180 = arith.constant 8 : i32
      %add3A_2181 = vector.broadcast %add3A_2180 : i32 to vector<16xi32>
      %add3A_2182 = arith.addi %div3A_151, %add3A_2181 : vector<16xi32>
      %gather3A_2183 = tpu.vector_load_idx %arg7[%add3A_2182, %gather3A_152] : memref<32x1000xf32, #tpu.memory_space<vmem>>[vector<16xi32>, vector<16xi32>], vector<16xf32>,
      %add3A_2184 = arith.constant 8 : i32
      %add3A_2185 = vector.broadcast %add3A_2184 : i32 to vector<16xi32>
      %add3A_2186 = arith.addi %div3A_151, %add3A_2185 : vector<16xi32>
      tpu.vector_store_idx %arg9[%add3A_2186, %rem3A_148], %gather3A_2183 : memref<32x100xf32, #tpu.memory_space<vmem>>[vector<16xi32>, vector<16xi32>], vector<16xf32>,
      %add3A_2187 = arith.constant 8 : i32
      %add3A_2188 = vector.broadcast %add3A_2187 : i32 to vector<16xi32>
      %add3A_2189 = arith.addi %div3A_162, %add3A_2188 : vector<16xi32>
      %gather3A_2190 = tpu.vector_load_idx %arg7[%add3A_2189, %gather3A_163] : memref<32x1000xf32, #tpu.memory_space<vmem>>[vector<16xi32>, vector<16xi32>], vector<16xf32>,
      %add3A_2191 = arith.constant 8 : i32
      %add3A_2192 = vector.broadcast %add3A_2191 : i32 to vector<16xi32>
      %add3A_2193 = arith.addi %div3A_162, %add3A_2192 : vector<16xi32>
      tpu.vector_store_idx %arg9[%add3A_2193, %rem3A_159], %gather3A_2190 : memref<32x100xf32, #tpu.memory_space<vmem>>[vector<16xi32>, vector<16xi32>], vector<16xf32>,
      %add3A_2194 = arith.constant 8 : i32
      %add3A_2195 = vector.broadcast %add3A_2194 : i32 to vector<16xi32>
      %add3A_2196 = arith.addi %div3A_173, %add3A_2195 : vector<16xi32>
      %gather3A_2197 = tpu.vector_load_idx %arg7[%add3A_2196, %gather3A_174] : memref<32x1000xf32, #tpu.memory_space<vmem>>[vector<16xi32>, vector<16xi32>], vector<16xf32>,
      %add3A_2198 = arith.constant 8 : i32
      %add3A_2199 = vector.broadcast %add3A_2198 : i32 to vector<16xi32>
      %add3A_2200 = arith.addi %div3A_173, %add3A_2199 : vector<16xi32>
      tpu.vector_store_idx %arg9[%add3A_2200, %rem3A_170], %gather3A_2197 : memref<32x100xf32, #tpu.memory_space<vmem>>[vector<16xi32>, vector<16xi32>], vector<16xf32>,
      %add3A_2201 = arith.constant 8 : i32
      %add3A_2202 = vector.broadcast %add3A_2201 : i32 to vector<16xi32>
      %add3A_2203 = arith.addi %div3A_184, %add3A_2202 : vector<16xi32>
      %gather3A_2204 = tpu.vector_load_idx %arg7[%add3A_2203, %gather3A_185] : memref<32x1000xf32, #tpu.memory_space<vmem>>[vector<16xi32>, vector<16xi32>], vector<16xf32>,
      %add3A_2205 = arith.constant 8 : i32
      %add3A_2206 = vector.broadcast %add3A_2205 : i32 to vector<16xi32>
      %add3A_2207 = arith.addi %div3A_184, %add3A_2206 : vector<16xi32>
      tpu.vector_store_idx %arg9[%add3A_2207, %rem3A_181], %gather3A_2204 : memref<32x100xf32, #tpu.memory_space<vmem>>[vector<16xi32>, vector<16xi32>], vector<16xf32>,
      %add3A_2208 = arith.constant 8 : i32
      %add3A_2209 = vector.broadcast %add3A_2208 : i32 to vector<16xi32>
      %add3A_2210 = arith.addi %div3A_195, %add3A_2209 : vector<16xi32>
      %gather3A_2211 = tpu.vector_load_idx %arg7[%add3A_2210, %gather3A_196] : memref<32x1000xf32, #tpu.memory_space<vmem>>[vector<16xi32>, vector<16xi32>], vector<16xf32>,
      %add3A_2212 = arith.constant 8 : i32
      %add3A_2213 = vector.broadcast %add3A_2212 : i32 to vector<16xi32>
      %add3A_2214 = arith.addi %div3A_195, %add3A_2213 : vector<16xi32>
      tpu.vector_store_idx %arg9[%add3A_2214, %rem3A_192], %gather3A_2211 : memref<32x100xf32, #tpu.memory_space<vmem>>[vector<16xi32>, vector<16xi32>], vector<16xf32>,
      %add3A_2215 = arith.constant 8 : i32
      %add3A_2216 = vector.broadcast %add3A_2215 : i32 to vector<16xi32>
      %add3A_2217 = arith.addi %div3A_206, %add3A_2216 : vector<16xi32>
      %gather3A_2218 = tpu.vector_load_idx %arg7[%add3A_2217, %gather3A_207] : memref<32x1000xf32, #tpu.memory_space<vmem>>[vector<16xi32>, vector<16xi32>], vector<16xf32>,
      %add3A_2219 = arith.constant 8 : i32
      %add3A_2220 = vector.broadcast %add3A_2219 : i32 to vector<16xi32>
      %add3A_2221 = arith.addi %div3A_206, %add3A_2220 : vector<16xi32>
      tpu.vector_store_idx %arg9[%add3A_2221, %rem3A_203], %gather3A_2218 : memref<32x100xf32, #tpu.memory_space<vmem>>[vector<16xi32>, vector<16xi32>], vector<16xf32>,
      %add3A_2222 = arith.constant 8 : i32
      %add3A_2223 = vector.broadcast %add3A_2222 : i32 to vector<16xi32>
      %add3A_2224 = arith.addi %div3A_217, %add3A_2223 : vector<16xi32>
      %gather3A_2225 = tpu.vector_load_idx %arg7[%add3A_2224, %gather3A_218] : memref<32x1000xf32, #tpu.memory_space<vmem>>[vector<16xi32>, vector<16xi32>], vector<16xf32>,
      %add3A_2226 = arith.constant 8 : i32
      %add3A_2227 = vector.broadcast %add3A_2226 : i32 to vector<16xi32>
      %add3A_2228 = arith.addi %div3A_217, %add3A_2227 : vector<16xi32>
      tpu.vector_store_idx %arg9[%add3A_2228, %rem3A_214], %gather3A_2225 : memref<32x100xf32, #tpu.memory_space<vmem>>[vector<16xi32>, vector<16xi32>], vector<16xf32>,
      %add3A_2229 = arith.constant 8 : i32
      %add3A_2230 = vector.broadcast %add3A_2229 : i32 to vector<16xi32>
      %add3A_2231 = arith.addi %div3A_228, %add3A_2230 : vector<16xi32>
      %gather3A_2232 = tpu.vector_load_idx %arg7[%add3A_2231, %gather3A_229] : memref<32x1000xf32, #tpu.memory_space<vmem>>[vector<16xi32>, vector<16xi32>], vector<16xf32>,
      %add3A_2233 = arith.constant 8 : i32
      %add3A_2234 = vector.broadcast %add3A_2233 : i32 to vector<16xi32>
      %add3A_2235 = arith.addi %div3A_228, %add3A_2234 : vector<16xi32>
      tpu.vector_store_idx %arg9[%add3A_2235, %rem3A_225], %gather3A_2232 : memref<32x100xf32, #tpu.memory_space<vmem>>[vector<16xi32>, vector<16xi32>], vector<16xf32>,
      %add3A_2236 = arith.constant 8 : i32
      %add3A_2237 = vector.broadcast %add3A_2236 : i32 to vector<16xi32>
      %add3A_2238 = arith.addi %div3A_239, %add3A_2237 : vector<16xi32>
      %gather3A_2239 = tpu.vector_load_idx %arg7[%add3A_2238, %gather3A_240] : memref<32x1000xf32, #tpu.memory_space<vmem>>[vector<16xi32>, vector<16xi32>], vector<16xf32>,
      %add3A_2240 = arith.constant 8 : i32
      %add3A_2241 = vector.broadcast %add3A_2240 : i32 to vector<16xi32>
      %add3A_2242 = arith.addi %div3A_239, %add3A_2241 : vector<16xi32>
      tpu.vector_store_idx %arg9[%add3A_2242, %rem3A_236], %gather3A_2239 : memref<32x100xf32, #tpu.memory_space<vmem>>[vector<16xi32>, vector<16xi32>], vector<16xf32>,
      %add3A_2243 = arith.constant 8 : i32
      %add3A_2244 = vector.broadcast %add3A_2243 : i32 to vector<16xi32>
      %add3A_2245 = arith.addi %div3A_250, %add3A_2244 : vector<16xi32>
      %gather3A_2246 = tpu.vector_load_idx %arg7[%add3A_2245, %gather3A_251] : memref<32x1000xf32, #tpu.memory_space<vmem>>[vector<16xi32>, vector<16xi32>], vector<16xf32>,
      %add3A_2247 = arith.constant 8 : i32
      %add3A_2248 = vector.broadcast %add3A_2247 : i32 to vector<16xi32>
      %add3A_2249 = arith.addi %div3A_250, %add3A_2248 : vector<16xi32>
      tpu.vector_store_idx %arg9[%add3A_2249, %rem3A_247], %gather3A_2246 : memref<32x100xf32, #tpu.memory_space<vmem>>[vector<16xi32>, vector<16xi32>], vector<16xf32>,
      %add3A_2250 = arith.constant 8 : i32
      %add3A_2251 = vector.broadcast %add3A_2250 : i32 to vector<16xi32>
      %add3A_2252 = arith.addi %div3A_261, %add3A_2251 : vector<16xi32>
      %gather3A_2253 = tpu.vector_load_idx %arg7[%add3A_2252, %gather3A_262] : memref<32x1000xf32, #tpu.memory_space<vmem>>[vector<16xi32>, vector<16xi32>], vector<16xf32>,
      %add3A_2254 = arith.constant 8 : i32
      %add3A_2255 = vector.broadcast %add3A_2254 : i32 to vector<16xi32>
      %add3A_2256 = arith.addi %div3A_261, %add3A_2255 : vector<16xi32>
      tpu.vector_store_idx %arg9[%add3A_2256, %rem3A_258], %gather3A_2253 : memref<32x100xf32, #tpu.memory_space<vmem>>[vector<16xi32>, vector<16xi32>], vector<16xf32>,
      %add3A_2257 = arith.constant 8 : i32
      %add3A_2258 = vector.broadcast %add3A_2257 : i32 to vector<16xi32>
      %add3A_2259 = arith.addi %div3A_272, %add3A_2258 : vector<16xi32>
      %gather3A_2260 = tpu.vector_load_idx %arg7[%add3A_2259, %gather3A_273] : memref<32x1000xf32, #tpu.memory_space<vmem>>[vector<16xi32>, vector<16xi32>], vector<16xf32>,
      %add3A_2261 = arith.constant 8 : i32
      %add3A_2262 = vector.broadcast %add3A_2261 : i32 to vector<16xi32>
      %add3A_2263 = arith.addi %div3A_272, %add3A_2262 : vector<16xi32>
      tpu.vector_store_idx %arg9[%add3A_2263, %rem3A_269], %gather3A_2260 : memref<32x100xf32, #tpu.memory_space<vmem>>[vector<16xi32>, vector<16xi32>], vector<16xf32>,
      %add3A_2264 = arith.constant 12 : i32
      %add3A_2265 = vector.broadcast %add3A_2264 : i32 to vector<16xi32>
      %add3A_2266 = arith.addi %div3A_9, %add3A_2265 : vector<16xi32>
      %gather3A_2267 = tpu.vector_load_idx %arg7[%add3A_2266, %gather3A] : memref<32x1000xf32, #tpu.memory_space<vmem>>[vector<16xi32>, vector<16xi32>], vector<16xf32>,
      %add3A_2268 = arith.constant 12 : i32
      %add3A_2269 = vector.broadcast %add3A_2268 : i32 to vector<16xi32>
      %add3A_2270 = arith.addi %div3A_9, %add3A_2269 : vector<16xi32>
      tpu.vector_store_idx %arg9[%add3A_2270, %rem3A_7], %gather3A_2267 : memref<32x100xf32, #tpu.memory_space<vmem>>[vector<16xi32>, vector<16xi32>], vector<16xf32>,
      %add3A_2271 = arith.constant 12 : i32
      %add3A_2272 = vector.broadcast %add3A_2271 : i32 to vector<16xi32>
      %add3A_2273 = arith.addi %div3A_19, %add3A_2272 : vector<16xi32>
      %gather3A_2274 = tpu.vector_load_idx %arg7[%add3A_2273, %gather3A_20] : memref<32x1000xf32, #tpu.memory_space<vmem>>[vector<16xi32>, vector<16xi32>], vector<16xf32>,
      %add3A_2275 = arith.constant 12 : i32
      %add3A_2276 = vector.broadcast %add3A_2275 : i32 to vector<16xi32>
      %add3A_2277 = arith.addi %div3A_19, %add3A_2276 : vector<16xi32>
      tpu.vector_store_idx %arg9[%add3A_2277, %rem3A_16], %gather3A_2274 : memref<32x100xf32, #tpu.memory_space<vmem>>[vector<16xi32>, vector<16xi32>], vector<16xf32>,
      %add3A_2278 = arith.constant 12 : i32
      %add3A_2279 = vector.broadcast %add3A_2278 : i32 to vector<16xi32>
      %add3A_2280 = arith.addi %div3A_30, %add3A_2279 : vector<16xi32>
      %gather3A_2281 = tpu.vector_load_idx %arg7[%add3A_2280, %gather3A_31] : memref<32x1000xf32, #tpu.memory_space<vmem>>[vector<16xi32>, vector<16xi32>], vector<16xf32>,
      %add3A_2282 = arith.constant 12 : i32
      %add3A_2283 = vector.broadcast %add3A_2282 : i32 to vector<16xi32>
      %add3A_2284 = arith.addi %div3A_30, %add3A_2283 : vector<16xi32>
      tpu.vector_store_idx %arg9[%add3A_2284, %rem3A_27], %gather3A_2281 : memref<32x100xf32, #tpu.memory_space<vmem>>[vector<16xi32>, vector<16xi32>], vector<16xf32>,
      %add3A_2285 = arith.constant 12 : i32
      %add3A_2286 = vector.broadcast %add3A_2285 : i32 to vector<16xi32>
      %add3A_2287 = arith.addi %div3A_41, %add3A_2286 : vector<16xi32>
      %gather3A_2288 = tpu.vector_load_idx %arg7[%add3A_2287, %gather3A_42] : memref<32x1000xf32, #tpu.memory_space<vmem>>[vector<16xi32>, vector<16xi32>], vector<16xf32>,
      %add3A_2289 = arith.constant 12 : i32
      %add3A_2290 = vector.broadcast %add3A_2289 : i32 to vector<16xi32>
      %add3A_2291 = arith.addi %div3A_41, %add3A_2290 : vector<16xi32>
      tpu.vector_store_idx %arg9[%add3A_2291, %rem3A_38], %gather3A_2288 : memref<32x100xf32, #tpu.memory_space<vmem>>[vector<16xi32>, vector<16xi32>], vector<16xf32>,
      %add3A_2292 = arith.constant 12 : i32
      %add3A_2293 = vector.broadcast %add3A_2292 : i32 to vector<16xi32>
      %add3A_2294 = arith.addi %div3A_52, %add3A_2293 : vector<16xi32>
      %gather3A_2295 = tpu.vector_load_idx %arg7[%add3A_2294, %gather3A_53] : memref<32x1000xf32, #tpu.memory_space<vmem>>[vector<16xi32>, vector<16xi32>], vector<16xf32>,
      %add3A_2296 = arith.constant 12 : i32
      %add3A_2297 = vector.broadcast %add3A_2296 : i32 to vector<16xi32>
      %add3A_2298 = arith.addi %div3A_52, %add3A_2297 : vector<16xi32>
      tpu.vector_store_idx %arg9[%add3A_2298, %rem3A_49], %gather3A_2295 : memref<32x100xf32, #tpu.memory_space<vmem>>[vector<16xi32>, vector<16xi32>], vector<16xf32>,
      %add3A_2299 = arith.constant 12 : i32
      %add3A_2300 = vector.broadcast %add3A_2299 : i32 to vector<16xi32>
      %add3A_2301 = arith.addi %div3A_63, %add3A_2300 : vector<16xi32>
      %gather3A_2302 = tpu.vector_load_idx %arg7[%add3A_2301, %gather3A_64] : memref<32x1000xf32, #tpu.memory_space<vmem>>[vector<16xi32>, vector<16xi32>], vector<16xf32>,
      %add3A_2303 = arith.constant 12 : i32
      %add3A_2304 = vector.broadcast %add3A_2303 : i32 to vector<16xi32>
      %add3A_2305 = arith.addi %div3A_63, %add3A_2304 : vector<16xi32>
      tpu.vector_store_idx %arg9[%add3A_2305, %rem3A_60], %gather3A_2302 : memref<32x100xf32, #tpu.memory_space<vmem>>[vector<16xi32>, vector<16xi32>], vector<16xf32>,
      %add3A_2306 = arith.constant 12 : i32
      %add3A_2307 = vector.broadcast %add3A_2306 : i32 to vector<16xi32>
      %add3A_2308 = arith.addi %div3A_74, %add3A_2307 : vector<16xi32>
      %gather3A_2309 = tpu.vector_load_idx %arg7[%add3A_2308, %gather3A_75] : memref<32x1000xf32, #tpu.memory_space<vmem>>[vector<16xi32>, vector<16xi32>], vector<16xf32>,
      %add3A_2310 = arith.constant 12 : i32
      %add3A_2311 = vector.broadcast %add3A_2310 : i32 to vector<16xi32>
      %add3A_2312 = arith.addi %div3A_74, %add3A_2311 : vector<16xi32>
      tpu.vector_store_idx %arg9[%add3A_2312, %rem3A_71], %gather3A_2309 : memref<32x100xf32, #tpu.memory_space<vmem>>[vector<16xi32>, vector<16xi32>], vector<16xf32>,
      %add3A_2313 = arith.constant 12 : i32
      %add3A_2314 = vector.broadcast %add3A_2313 : i32 to vector<16xi32>
      %add3A_2315 = arith.addi %div3A_85, %add3A_2314 : vector<16xi32>
      %gather3A_2316 = tpu.vector_load_idx %arg7[%add3A_2315, %gather3A_86] : memref<32x1000xf32, #tpu.memory_space<vmem>>[vector<16xi32>, vector<16xi32>], vector<16xf32>,
      %add3A_2317 = arith.constant 12 : i32
      %add3A_2318 = vector.broadcast %add3A_2317 : i32 to vector<16xi32>
      %add3A_2319 = arith.addi %div3A_85, %add3A_2318 : vector<16xi32>
      tpu.vector_store_idx %arg9[%add3A_2319, %rem3A_82], %gather3A_2316 : memref<32x100xf32, #tpu.memory_space<vmem>>[vector<16xi32>, vector<16xi32>], vector<16xf32>,
      %add3A_2320 = arith.constant 12 : i32
      %add3A_2321 = vector.broadcast %add3A_2320 : i32 to vector<16xi32>
      %add3A_2322 = arith.addi %div3A_96, %add3A_2321 : vector<16xi32>
      %gather3A_2323 = tpu.vector_load_idx %arg7[%add3A_2322, %gather3A_97] : memref<32x1000xf32, #tpu.memory_space<vmem>>[vector<16xi32>, vector<16xi32>], vector<16xf32>,
      %add3A_2324 = arith.constant 12 : i32
      %add3A_2325 = vector.broadcast %add3A_2324 : i32 to vector<16xi32>
      %add3A_2326 = arith.addi %div3A_96, %add3A_2325 : vector<16xi32>
      tpu.vector_store_idx %arg9[%add3A_2326, %rem3A_93], %gather3A_2323 : memref<32x100xf32, #tpu.memory_space<vmem>>[vector<16xi32>, vector<16xi32>], vector<16xf32>,
      %add3A_2327 = arith.constant 12 : i32
      %add3A_2328 = vector.broadcast %add3A_2327 : i32 to vector<16xi32>
      %add3A_2329 = arith.addi %div3A_107, %add3A_2328 : vector<16xi32>
      %gather3A_2330 = tpu.vector_load_idx %arg7[%add3A_2329, %gather3A_108] : memref<32x1000xf32, #tpu.memory_space<vmem>>[vector<16xi32>, vector<16xi32>], vector<16xf32>,
      %add3A_2331 = arith.constant 12 : i32
      %add3A_2332 = vector.broadcast %add3A_2331 : i32 to vector<16xi32>
      %add3A_2333 = arith.addi %div3A_107, %add3A_2332 : vector<16xi32>
      tpu.vector_store_idx %arg9[%add3A_2333, %rem3A_104], %gather3A_2330 : memref<32x100xf32, #tpu.memory_space<vmem>>[vector<16xi32>, vector<16xi32>], vector<16xf32>,
      %add3A_2334 = arith.constant 12 : i32
      %add3A_2335 = vector.broadcast %add3A_2334 : i32 to vector<16xi32>
      %add3A_2336 = arith.addi %div3A_118, %add3A_2335 : vector<16xi32>
      %gather3A_2337 = tpu.vector_load_idx %arg7[%add3A_2336, %gather3A_119] : memref<32x1000xf32, #tpu.memory_space<vmem>>[vector<16xi32>, vector<16xi32>], vector<16xf32>,
      %add3A_2338 = arith.constant 12 : i32
      %add3A_2339 = vector.broadcast %add3A_2338 : i32 to vector<16xi32>
      %add3A_2340 = arith.addi %div3A_118, %add3A_2339 : vector<16xi32>
      tpu.vector_store_idx %arg9[%add3A_2340, %rem3A_115], %gather3A_2337 : memref<32x100xf32, #tpu.memory_space<vmem>>[vector<16xi32>, vector<16xi32>], vector<16xf32>,
      %add3A_2341 = arith.constant 12 : i32
      %add3A_2342 = vector.broadcast %add3A_2341 : i32 to vector<16xi32>
      %add3A_2343 = arith.addi %div3A_129, %add3A_2342 : vector<16xi32>
      %gather3A_2344 = tpu.vector_load_idx %arg7[%add3A_2343, %gather3A_130] : memref<32x1000xf32, #tpu.memory_space<vmem>>[vector<16xi32>, vector<16xi32>], vector<16xf32>,
      %add3A_2345 = arith.constant 12 : i32
      %add3A_2346 = vector.broadcast %add3A_2345 : i32 to vector<16xi32>
      %add3A_2347 = arith.addi %div3A_129, %add3A_2346 : vector<16xi32>
      tpu.vector_store_idx %arg9[%add3A_2347, %rem3A_126], %gather3A_2344 : memref<32x100xf32, #tpu.memory_space<vmem>>[vector<16xi32>, vector<16xi32>], vector<16xf32>,
      %add3A_2348 = arith.constant 12 : i32
      %add3A_2349 = vector.broadcast %add3A_2348 : i32 to vector<16xi32>
      %add3A_2350 = arith.addi %div3A_140, %add3A_2349 : vector<16xi32>
      %gather3A_2351 = tpu.vector_load_idx %arg7[%add3A_2350, %gather3A_141] : memref<32x1000xf32, #tpu.memory_space<vmem>>[vector<16xi32>, vector<16xi32>], vector<16xf32>,
      %add3A_2352 = arith.constant 12 : i32
      %add3A_2353 = vector.broadcast %add3A_2352 : i32 to vector<16xi32>
      %add3A_2354 = arith.addi %div3A_140, %add3A_2353 : vector<16xi32>
      tpu.vector_store_idx %arg9[%add3A_2354, %rem3A_137], %gather3A_2351 : memref<32x100xf32, #tpu.memory_space<vmem>>[vector<16xi32>, vector<16xi32>], vector<16xf32>,
      %add3A_2355 = arith.constant 12 : i32
      %add3A_2356 = vector.broadcast %add3A_2355 : i32 to vector<16xi32>
      %add3A_2357 = arith.addi %div3A_151, %add3A_2356 : vector<16xi32>
      %gather3A_2358 = tpu.vector_load_idx %arg7[%add3A_2357, %gather3A_152] : memref<32x1000xf32, #tpu.memory_space<vmem>>[vector<16xi32>, vector<16xi32>], vector<16xf32>,
      %add3A_2359 = arith.constant 12 : i32
      %add3A_2360 = vector.broadcast %add3A_2359 : i32 to vector<16xi32>
      %add3A_2361 = arith.addi %div3A_151, %add3A_2360 : vector<16xi32>
      tpu.vector_store_idx %arg9[%add3A_2361, %rem3A_148], %gather3A_2358 : memref<32x100xf32, #tpu.memory_space<vmem>>[vector<16xi32>, vector<16xi32>], vector<16xf32>,
      %add3A_2362 = arith.constant 12 : i32
      %add3A_2363 = vector.broadcast %add3A_2362 : i32 to vector<16xi32>
      %add3A_2364 = arith.addi %div3A_162, %add3A_2363 : vector<16xi32>
      %gather3A_2365 = tpu.vector_load_idx %arg7[%add3A_2364, %gather3A_163] : memref<32x1000xf32, #tpu.memory_space<vmem>>[vector<16xi32>, vector<16xi32>], vector<16xf32>,
      %add3A_2366 = arith.constant 12 : i32
      %add3A_2367 = vector.broadcast %add3A_2366 : i32 to vector<16xi32>
      %add3A_2368 = arith.addi %div3A_162, %add3A_2367 : vector<16xi32>
      tpu.vector_store_idx %arg9[%add3A_2368, %rem3A_159], %gather3A_2365 : memref<32x100xf32, #tpu.memory_space<vmem>>[vector<16xi32>, vector<16xi32>], vector<16xf32>,
      %add3A_2369 = arith.constant 12 : i32
      %add3A_2370 = vector.broadcast %add3A_2369 : i32 to vector<16xi32>
      %add3A_2371 = arith.addi %div3A_173, %add3A_2370 : vector<16xi32>
      %gather3A_2372 = tpu.vector_load_idx %arg7[%add3A_2371, %gather3A_174] : memref<32x1000xf32, #tpu.memory_space<vmem>>[vector<16xi32>, vector<16xi32>], vector<16xf32>,
      %add3A_2373 = arith.constant 12 : i32
      %add3A_2374 = vector.broadcast %add3A_2373 : i32 to vector<16xi32>
      %add3A_2375 = arith.addi %div3A_173, %add3A_2374 : vector<16xi32>
      tpu.vector_store_idx %arg9[%add3A_2375, %rem3A_170], %gather3A_2372 : memref<32x100xf32, #tpu.memory_space<vmem>>[vector<16xi32>, vector<16xi32>], vector<16xf32>,
      %add3A_2376 = arith.constant 12 : i32
      %add3A_2377 = vector.broadcast %add3A_2376 : i32 to vector<16xi32>
      %add3A_2378 = arith.addi %div3A_184, %add3A_2377 : vector<16xi32>
      %gather3A_2379 = tpu.vector_load_idx %arg7[%add3A_2378, %gather3A_185] : memref<32x1000xf32, #tpu.memory_space<vmem>>[vector<16xi32>, vector<16xi32>], vector<16xf32>,
      %add3A_2380 = arith.constant 12 : i32
      %add3A_2381 = vector.broadcast %add3A_2380 : i32 to vector<16xi32>
      %add3A_2382 = arith.addi %div3A_184, %add3A_2381 : vector<16xi32>
      tpu.vector_store_idx %arg9[%add3A_2382, %rem3A_181], %gather3A_2379 : memref<32x100xf32, #tpu.memory_space<vmem>>[vector<16xi32>, vector<16xi32>], vector<16xf32>,
      %add3A_2383 = arith.constant 12 : i32
      %add3A_2384 = vector.broadcast %add3A_2383 : i32 to vector<16xi32>
      %add3A_2385 = arith.addi %div3A_195, %add3A_2384 : vector<16xi32>
      %gather3A_2386 = tpu.vector_load_idx %arg7[%add3A_2385, %gather3A_196] : memref<32x1000xf32, #tpu.memory_space<vmem>>[vector<16xi32>, vector<16xi32>], vector<16xf32>,
      %add3A_2387 = arith.constant 12 : i32
      %add3A_2388 = vector.broadcast %add3A_2387 : i32 to vector<16xi32>
      %add3A_2389 = arith.addi %div3A_195, %add3A_2388 : vector<16xi32>
      tpu.vector_store_idx %arg9[%add3A_2389, %rem3A_192], %gather3A_2386 : memref<32x100xf32, #tpu.memory_space<vmem>>[vector<16xi32>, vector<16xi32>], vector<16xf32>,
      %add3A_2390 = arith.constant 12 : i32
      %add3A_2391 = vector.broadcast %add3A_2390 : i32 to vector<16xi32>
      %add3A_2392 = arith.addi %div3A_206, %add3A_2391 : vector<16xi32>
      %gather3A_2393 = tpu.vector_load_idx %arg7[%add3A_2392, %gather3A_207] : memref<32x1000xf32, #tpu.memory_space<vmem>>[vector<16xi32>, vector<16xi32>], vector<16xf32>,
      %add3A_2394 = arith.constant 12 : i32
      %add3A_2395 = vector.broadcast %add3A_2394 : i32 to vector<16xi32>
      %add3A_2396 = arith.addi %div3A_206, %add3A_2395 : vector<16xi32>
      tpu.vector_store_idx %arg9[%add3A_2396, %rem3A_203], %gather3A_2393 : memref<32x100xf32, #tpu.memory_space<vmem>>[vector<16xi32>, vector<16xi32>], vector<16xf32>,
      %add3A_2397 = arith.constant 12 : i32
      %add3A_2398 = vector.broadcast %add3A_2397 : i32 to vector<16xi32>
      %add3A_2399 = arith.addi %div3A_217, %add3A_2398 : vector<16xi32>
      %gather3A_2400 = tpu.vector_load_idx %arg7[%add3A_2399, %gather3A_218] : memref<32x1000xf32, #tpu.memory_space<vmem>>[vector<16xi32>, vector<16xi32>], vector<16xf32>,
      %add3A_2401 = arith.constant 12 : i32
      %add3A_2402 = vector.broadcast %add3A_2401 : i32 to vector<16xi32>
      %add3A_2403 = arith.addi %div3A_217, %add3A_2402 : vector<16xi32>
      tpu.vector_store_idx %arg9[%add3A_2403, %rem3A_214], %gather3A_2400 : memref<32x100xf32, #tpu.memory_space<vmem>>[vector<16xi32>, vector<16xi32>], vector<16xf32>,
      %add3A_2404 = arith.constant 12 : i32
      %add3A_2405 = vector.broadcast %add3A_2404 : i32 to vector<16xi32>
      %add3A_2406 = arith.addi %div3A_228, %add3A_2405 : vector<16xi32>
      %gather3A_2407 = tpu.vector_load_idx %arg7[%add3A_2406, %gather3A_229] : memref<32x1000xf32, #tpu.memory_space<vmem>>[vector<16xi32>, vector<16xi32>], vector<16xf32>,
      %add3A_2408 = arith.constant 12 : i32
      %add3A_2409 = vector.broadcast %add3A_2408 : i32 to vector<16xi32>
      %add3A_2410 = arith.addi %div3A_228, %add3A_2409 : vector<16xi32>
      tpu.vector_store_idx %arg9[%add3A_2410, %rem3A_225], %gather3A_2407 : memref<32x100xf32, #tpu.memory_space<vmem>>[vector<16xi32>, vector<16xi32>], vector<16xf32>,
      %add3A_2411 = arith.constant 12 : i32
      %add3A_2412 = vector.broadcast %add3A_2411 : i32 to vector<16xi32>
      %add3A_2413 = arith.addi %div3A_239, %add3A_2412 : vector<16xi32>
      %gather3A_2414 = tpu.vector_load_idx %arg7[%add3A_2413, %gather3A_240] : memref<32x1000xf32, #tpu.memory_space<vmem>>[vector<16xi32>, vector<16xi32>], vector<16xf32>,
      %add3A_2415 = arith.constant 12 : i32
      %add3A_2416 = vector.broadcast %add3A_2415 : i32 to vector<16xi32>
      %add3A_2417 = arith.addi %div3A_239, %add3A_2416 : vector<16xi32>
      tpu.vector_store_idx %arg9[%add3A_2417, %rem3A_236], %gather3A_2414 : memref<32x100xf32, #tpu.memory_space<vmem>>[vector<16xi32>, vector<16xi32>], vector<16xf32>,
      %add3A_2418 = arith.constant 12 : i32
      %add3A_2419 = vector.broadcast %add3A_2418 : i32 to vector<16xi32>
      %add3A_2420 = arith.addi %div3A_250, %add3A_2419 : vector<16xi32>
      %gather3A_2421 = tpu.vector_load_idx %arg7[%add3A_2420, %gather3A_251] : memref<32x1000xf32, #tpu.memory_space<vmem>>[vector<16xi32>, vector<16xi32>], vector<16xf32>,
      %add3A_2422 = arith.constant 12 : i32
      %add3A_2423 = vector.broadcast %add3A_2422 : i32 to vector<16xi32>
      %add3A_2424 = arith.addi %div3A_250, %add3A_2423 : vector<16xi32>
      tpu.vector_store_idx %arg9[%add3A_2424, %rem3A_247], %gather3A_2421 : memref<32x100xf32, #tpu.memory_space<vmem>>[vector<16xi32>, vector<16xi32>], vector<16xf32>,
      %add3A_2425 = arith.constant 12 : i32
      %add3A_2426 = vector.broadcast %add3A_2425 : i32 to vector<16xi32>
      %add3A_2427 = arith.addi %div3A_261, %add3A_2426 : vector<16xi32>
      %gather3A_2428 = tpu.vector_load_idx %arg7[%add3A_2427, %gather3A_262] : memref<32x1000xf32, #tpu.memory_space<vmem>>[vector<16xi32>, vector<16xi32>], vector<16xf32>,
      %add3A_2429 = arith.constant 12 : i32
      %add3A_2430 = vector.broadcast %add3A_2429 : i32 to vector<16xi32>
      %add3A_2431 = arith.addi %div3A_261, %add3A_2430 : vector<16xi32>
      tpu.vector_store_idx %arg9[%add3A_2431, %rem3A_258], %gather3A_2428 : memref<32x100xf32, #tpu.memory_space<vmem>>[vector<16xi32>, vector<16xi32>], vector<16xf32>,
      %add3A_2432 = arith.constant 12 : i32
      %add3A_2433 = vector.broadcast %add3A_2432 : i32 to vector<16xi32>
      %add3A_2434 = arith.addi %div3A_272, %add3A_2433 : vector<16xi32>
      %gather3A_2435 = tpu.vector_load_idx %arg7[%add3A_2434, %gather3A_273] : memref<32x1000xf32, #tpu.memory_space<vmem>>[vector<16xi32>, vector<16xi32>], vector<16xf32>,
      %add3A_2436 = arith.constant 12 : i32
      %add3A_2437 = vector.broadcast %add3A_2436 : i32 to vector<16xi32>
      %add3A_2438 = arith.addi %div3A_272, %add3A_2437 : vector<16xi32>
      tpu.vector_store_idx %arg9[%add3A_2438, %rem3A_269], %gather3A_2435 : memref<32x100xf32, #tpu.memory_space<vmem>>[vector<16xi32>, vector<16xi32>], vector<16xf32>,
      %add3A_2439 = arith.constant 16 : i32
      %add3A_2440 = vector.broadcast %add3A_2439 : i32 to vector<16xi32>
      %add3A_2441 = arith.addi %div3A_9, %add3A_2440 : vector<16xi32>
      %gather3A_2442 = tpu.vector_load_idx %arg7[%add3A_2441, %gather3A] : memref<32x1000xf32, #tpu.memory_space<vmem>>[vector<16xi32>, vector<16xi32>], vector<16xf32>,
      %add3A_2443 = arith.constant 16 : i32
      %add3A_2444 = vector.broadcast %add3A_2443 : i32 to vector<16xi32>
      %add3A_2445 = arith.addi %div3A_9, %add3A_2444 : vector<16xi32>
      tpu.vector_store_idx %arg9[%add3A_2445, %rem3A_7], %gather3A_2442 : memref<32x100xf32, #tpu.memory_space<vmem>>[vector<16xi32>, vector<16xi32>], vector<16xf32>,
      %add3A_2446 = arith.constant 16 : i32
      %add3A_2447 = vector.broadcast %add3A_2446 : i32 to vector<16xi32>
      %add3A_2448 = arith.addi %div3A_19, %add3A_2447 : vector<16xi32>
      %gather3A_2449 = tpu.vector_load_idx %arg7[%add3A_2448, %gather3A_20] : memref<32x1000xf32, #tpu.memory_space<vmem>>[vector<16xi32>, vector<16xi32>], vector<16xf32>,
      %add3A_2450 = arith.constant 16 : i32
      %add3A_2451 = vector.broadcast %add3A_2450 : i32 to vector<16xi32>
      %add3A_2452 = arith.addi %div3A_19, %add3A_2451 : vector<16xi32>
      tpu.vector_store_idx %arg9[%add3A_2452, %rem3A_16], %gather3A_2449 : memref<32x100xf32, #tpu.memory_space<vmem>>[vector<16xi32>, vector<16xi32>], vector<16xf32>,
      %add3A_2453 = arith.constant 16 : i32
      %add3A_2454 = vector.broadcast %add3A_2453 : i32 to vector<16xi32>
      %add3A_2455 = arith.addi %div3A_30, %add3A_2454 : vector<16xi32>
      %gather3A_2456 = tpu.vector_load_idx %arg7[%add3A_2455, %gather3A_31] : memref<32x1000xf32, #tpu.memory_space<vmem>>[vector<16xi32>, vector<16xi32>], vector<16xf32>,
      %add3A_2457 = arith.constant 16 : i32
      %add3A_2458 = vector.broadcast %add3A_2457 : i32 to vector<16xi32>
      %add3A_2459 = arith.addi %div3A_30, %add3A_2458 : vector<16xi32>
      tpu.vector_store_idx %arg9[%add3A_2459, %rem3A_27], %gather3A_2456 : memref<32x100xf32, #tpu.memory_space<vmem>>[vector<16xi32>, vector<16xi32>], vector<16xf32>,
      %add3A_2460 = arith.constant 16 : i32
      %add3A_2461 = vector.broadcast %add3A_2460 : i32 to vector<16xi32>
      %add3A_2462 = arith.addi %div3A_41, %add3A_2461 : vector<16xi32>
      %gather3A_2463 = tpu.vector_load_idx %arg7[%add3A_2462, %gather3A_42] : memref<32x1000xf32, #tpu.memory_space<vmem>>[vector<16xi32>, vector<16xi32>], vector<16xf32>,
      %add3A_2464 = arith.constant 16 : i32
      %add3A_2465 = vector.broadcast %add3A_2464 : i32 to vector<16xi32>
      %add3A_2466 = arith.addi %div3A_41, %add3A_2465 : vector<16xi32>
      tpu.vector_store_idx %arg9[%add3A_2466, %rem3A_38], %gather3A_2463 : memref<32x100xf32, #tpu.memory_space<vmem>>[vector<16xi32>, vector<16xi32>], vector<16xf32>,
      %add3A_2467 = arith.constant 16 : i32
      %add3A_2468 = vector.broadcast %add3A_2467 : i32 to vector<16xi32>
      %add3A_2469 = arith.addi %div3A_52, %add3A_2468 : vector<16xi32>
      %gather3A_2470 = tpu.vector_load_idx %arg7[%add3A_2469, %gather3A_53] : memref<32x1000xf32, #tpu.memory_space<vmem>>[vector<16xi32>, vector<16xi32>], vector<16xf32>,
      %add3A_2471 = arith.constant 16 : i32
      %add3A_2472 = vector.broadcast %add3A_2471 : i32 to vector<16xi32>
      %add3A_2473 = arith.addi %div3A_52, %add3A_2472 : vector<16xi32>
      tpu.vector_store_idx %arg9[%add3A_2473, %rem3A_49], %gather3A_2470 : memref<32x100xf32, #tpu.memory_space<vmem>>[vector<16xi32>, vector<16xi32>], vector<16xf32>,
      %add3A_2474 = arith.constant 16 : i32
      %add3A_2475 = vector.broadcast %add3A_2474 : i32 to vector<16xi32>
      %add3A_2476 = arith.addi %div3A_63, %add3A_2475 : vector<16xi32>
      %gather3A_2477 = tpu.vector_load_idx %arg7[%add3A_2476, %gather3A_64] : memref<32x1000xf32, #tpu.memory_space<vmem>>[vector<16xi32>, vector<16xi32>], vector<16xf32>,
      %add3A_2478 = arith.constant 16 : i32
      %add3A_2479 = vector.broadcast %add3A_2478 : i32 to vector<16xi32>
      %add3A_2480 = arith.addi %div3A_63, %add3A_2479 : vector<16xi32>
      tpu.vector_store_idx %arg9[%add3A_2480, %rem3A_60], %gather3A_2477 : memref<32x100xf32, #tpu.memory_space<vmem>>[vector<16xi32>, vector<16xi32>], vector<16xf32>,
      %add3A_2481 = arith.constant 16 : i32
      %add3A_2482 = vector.broadcast %add3A_2481 : i32 to vector<16xi32>
      %add3A_2483 = arith.addi %div3A_74, %add3A_2482 : vector<16xi32>
      %gather3A_2484 = tpu.vector_load_idx %arg7[%add3A_2483, %gather3A_75] : memref<32x1000xf32, #tpu.memory_space<vmem>>[vector<16xi32>, vector<16xi32>], vector<16xf32>,
      %add3A_2485 = arith.constant 16 : i32
      %add3A_2486 = vector.broadcast %add3A_2485 : i32 to vector<16xi32>
      %add3A_2487 = arith.addi %div3A_74, %add3A_2486 : vector<16xi32>
      tpu.vector_store_idx %arg9[%add3A_2487, %rem3A_71], %gather3A_2484 : memref<32x100xf32, #tpu.memory_space<vmem>>[vector<16xi32>, vector<16xi32>], vector<16xf32>,
      %add3A_2488 = arith.constant 16 : i32
      %add3A_2489 = vector.broadcast %add3A_2488 : i32 to vector<16xi32>
      %add3A_2490 = arith.addi %div3A_85, %add3A_2489 : vector<16xi32>
      %gather3A_2491 = tpu.vector_load_idx %arg7[%add3A_2490, %gather3A_86] : memref<32x1000xf32, #tpu.memory_space<vmem>>[vector<16xi32>, vector<16xi32>], vector<16xf32>,
      %add3A_2492 = arith.constant 16 : i32
      %add3A_2493 = vector.broadcast %add3A_2492 : i32 to vector<16xi32>
      %add3A_2494 = arith.addi %div3A_85, %add3A_2493 : vector<16xi32>
      tpu.vector_store_idx %arg9[%add3A_2494, %rem3A_82], %gather3A_2491 : memref<32x100xf32, #tpu.memory_space<vmem>>[vector<16xi32>, vector<16xi32>], vector<16xf32>,
      %add3A_2495 = arith.constant 16 : i32
      %add3A_2496 = vector.broadcast %add3A_2495 : i32 to vector<16xi32>
      %add3A_2497 = arith.addi %div3A_96, %add3A_2496 : vector<16xi32>
      %gather3A_2498 = tpu.vector_load_idx %arg7[%add3A_2497, %gather3A_97] : memref<32x1000xf32, #tpu.memory_space<vmem>>[vector<16xi32>, vector<16xi32>], vector<16xf32>,
      %add3A_2499 = arith.constant 16 : i32
      %add3A_2500 = vector.broadcast %add3A_2499 : i32 to vector<16xi32>
      %add3A_2501 = arith.addi %div3A_96, %add3A_2500 : vector<16xi32>
      tpu.vector_store_idx %arg9[%add3A_2501, %rem3A_93], %gather3A_2498 : memref<32x100xf32, #tpu.memory_space<vmem>>[vector<16xi32>, vector<16xi32>], vector<16xf32>,
      %add3A_2502 = arith.constant 16 : i32
      %add3A_2503 = vector.broadcast %add3A_2502 : i32 to vector<16xi32>
      %add3A_2504 = arith.addi %div3A_107, %add3A_2503 : vector<16xi32>
      %gather3A_2505 = tpu.vector_load_idx %arg7[%add3A_2504, %gather3A_108] : memref<32x1000xf32, #tpu.memory_space<vmem>>[vector<16xi32>, vector<16xi32>], vector<16xf32>,
      %add3A_2506 = arith.constant 16 : i32
      %add3A_2507 = vector.broadcast %add3A_2506 : i32 to vector<16xi32>
      %add3A_2508 = arith.addi %div3A_107, %add3A_2507 : vector<16xi32>
      tpu.vector_store_idx %arg9[%add3A_2508, %rem3A_104], %gather3A_2505 : memref<32x100xf32, #tpu.memory_space<vmem>>[vector<16xi32>, vector<16xi32>], vector<16xf32>,
      %add3A_2509 = arith.constant 16 : i32
      %add3A_2510 = vector.broadcast %add3A_2509 : i32 to vector<16xi32>
      %add3A_2511 = arith.addi %div3A_118, %add3A_2510 : vector<16xi32>
      %gather3A_2512 = tpu.vector_load_idx %arg7[%add3A_2511, %gather3A_119] : memref<32x1000xf32, #tpu.memory_space<vmem>>[vector<16xi32>, vector<16xi32>], vector<16xf32>,
      %add3A_2513 = arith.constant 16 : i32
      %add3A_2514 = vector.broadcast %add3A_2513 : i32 to vector<16xi32>
      %add3A_2515 = arith.addi %div3A_118, %add3A_2514 : vector<16xi32>
      tpu.vector_store_idx %arg9[%add3A_2515, %rem3A_115], %gather3A_2512 : memref<32x100xf32, #tpu.memory_space<vmem>>[vector<16xi32>, vector<16xi32>], vector<16xf32>,
      %add3A_2516 = arith.constant 16 : i32
      %add3A_2517 = vector.broadcast %add3A_2516 : i32 to vector<16xi32>
      %add3A_2518 = arith.addi %div3A_129, %add3A_2517 : vector<16xi32>
      %gather3A_2519 = tpu.vector_load_idx %arg7[%add3A_2518, %gather3A_130] : memref<32x1000xf32, #tpu.memory_space<vmem>>[vector<16xi32>, vector<16xi32>], vector<16xf32>,
      %add3A_2520 = arith.constant 16 : i32
      %add3A_2521 = vector.broadcast %add3A_2520 : i32 to vector<16xi32>
      %add3A_2522 = arith.addi %div3A_129, %add3A_2521 : vector<16xi32>
      tpu.vector_store_idx %arg9[%add3A_2522, %rem3A_126], %gather3A_2519 : memref<32x100xf32, #tpu.memory_space<vmem>>[vector<16xi32>, vector<16xi32>], vector<16xf32>,
      %add3A_2523 = arith.constant 16 : i32
      %add3A_2524 = vector.broadcast %add3A_2523 : i32 to vector<16xi32>
      %add3A_2525 = arith.addi %div3A_140, %add3A_2524 : vector<16xi32>
      %gather3A_2526 = tpu.vector_load_idx %arg7[%add3A_2525, %gather3A_141] : memref<32x1000xf32, #tpu.memory_space<vmem>>[vector<16xi32>, vector<16xi32>], vector<16xf32>,
      %add3A_2527 = arith.constant 16 : i32
      %add3A_2528 = vector.broadcast %add3A_2527 : i32 to vector<16xi32>
      %add3A_2529 = arith.addi %div3A_140, %add3A_2528 : vector<16xi32>
      tpu.vector_store_idx %arg9[%add3A_2529, %rem3A_137], %gather3A_2526 : memref<32x100xf32, #tpu.memory_space<vmem>>[vector<16xi32>, vector<16xi32>], vector<16xf32>,
      %add3A_2530 = arith.constant 16 : i32
      %add3A_2531 = vector.broadcast %add3A_2530 : i32 to vector<16xi32>
      %add3A_2532 = arith.addi %div3A_151, %add3A_2531 : vector<16xi32>
      %gather3A_2533 = tpu.vector_load_idx %arg7[%add3A_2532, %gather3A_152] : memref<32x1000xf32, #tpu.memory_space<vmem>>[vector<16xi32>, vector<16xi32>], vector<16xf32>,
      %add3A_2534 = arith.constant 16 : i32
      %add3A_2535 = vector.broadcast %add3A_2534 : i32 to vector<16xi32>
      %add3A_2536 = arith.addi %div3A_151, %add3A_2535 : vector<16xi32>
      tpu.vector_store_idx %arg9[%add3A_2536, %rem3A_148], %gather3A_2533 : memref<32x100xf32, #tpu.memory_space<vmem>>[vector<16xi32>, vector<16xi32>], vector<16xf32>,
      %add3A_2537 = arith.constant 16 : i32
      %add3A_2538 = vector.broadcast %add3A_2537 : i32 to vector<16xi32>
      %add3A_2539 = arith.addi %div3A_162, %add3A_2538 : vector<16xi32>
      %gather3A_2540 = tpu.vector_load_idx %arg7[%add3A_2539, %gather3A_163] : memref<32x1000xf32, #tpu.memory_space<vmem>>[vector<16xi32>, vector<16xi32>], vector<16xf32>,
      %add3A_2541 = arith.constant 16 : i32
      %add3A_2542 = vector.broadcast %add3A_2541 : i32 to vector<16xi32>
      %add3A_2543 = arith.addi %div3A_162, %add3A_2542 : vector<16xi32>
      tpu.vector_store_idx %arg9[%add3A_2543, %rem3A_159], %gather3A_2540 : memref<32x100xf32, #tpu.memory_space<vmem>>[vector<16xi32>, vector<16xi32>], vector<16xf32>,
      %add3A_2544 = arith.constant 16 : i32
      %add3A_2545 = vector.broadcast %add3A_2544 : i32 to vector<16xi32>
      %add3A_2546 = arith.addi %div3A_173, %add3A_2545 : vector<16xi32>
      %gather3A_2547 = tpu.vector_load_idx %arg7[%add3A_2546, %gather3A_174] : memref<32x1000xf32, #tpu.memory_space<vmem>>[vector<16xi32>, vector<16xi32>], vector<16xf32>,
      %add3A_2548 = arith.constant 16 : i32
      %add3A_2549 = vector.broadcast %add3A_2548 : i32 to vector<16xi32>
      %add3A_2550 = arith.addi %div3A_173, %add3A_2549 : vector<16xi32>
      tpu.vector_store_idx %arg9[%add3A_2550, %rem3A_170], %gather3A_2547 : memref<32x100xf32, #tpu.memory_space<vmem>>[vector<16xi32>, vector<16xi32>], vector<16xf32>,
      %add3A_2551 = arith.constant 16 : i32
      %add3A_2552 = vector.broadcast %add3A_2551 : i32 to vector<16xi32>
      %add3A_2553 = arith.addi %div3A_184, %add3A_2552 : vector<16xi32>
      %gather3A_2554 = tpu.vector_load_idx %arg7[%add3A_2553, %gather3A_185] : memref<32x1000xf32, #tpu.memory_space<vmem>>[vector<16xi32>, vector<16xi32>], vector<16xf32>,
      %add3A_2555 = arith.constant 16 : i32
      %add3A_2556 = vector.broadcast %add3A_2555 : i32 to vector<16xi32>
      %add3A_2557 = arith.addi %div3A_184, %add3A_2556 : vector<16xi32>
      tpu.vector_store_idx %arg9[%add3A_2557, %rem3A_181], %gather3A_2554 : memref<32x100xf32, #tpu.memory_space<vmem>>[vector<16xi32>, vector<16xi32>], vector<16xf32>,
      %add3A_2558 = arith.constant 16 : i32
      %add3A_2559 = vector.broadcast %add3A_2558 : i32 to vector<16xi32>
      %add3A_2560 = arith.addi %div3A_195, %add3A_2559 : vector<16xi32>
      %gather3A_2561 = tpu.vector_load_idx %arg7[%add3A_2560, %gather3A_196] : memref<32x1000xf32, #tpu.memory_space<vmem>>[vector<16xi32>, vector<16xi32>], vector<16xf32>,
      %add3A_2562 = arith.constant 16 : i32
      %add3A_2563 = vector.broadcast %add3A_2562 : i32 to vector<16xi32>
      %add3A_2564 = arith.addi %div3A_195, %add3A_2563 : vector<16xi32>
      tpu.vector_store_idx %arg9[%add3A_2564, %rem3A_192], %gather3A_2561 : memref<32x100xf32, #tpu.memory_space<vmem>>[vector<16xi32>, vector<16xi32>], vector<16xf32>,
      %add3A_2565 = arith.constant 16 : i32
      %add3A_2566 = vector.broadcast %add3A_2565 : i32 to vector<16xi32>
      %add3A_2567 = arith.addi %div3A_206, %add3A_2566 : vector<16xi32>
      %gather3A_2568 = tpu.vector_load_idx %arg7[%add3A_2567, %gather3A_207] : memref<32x1000xf32, #tpu.memory_space<vmem>>[vector<16xi32>, vector<16xi32>], vector<16xf32>,
      %add3A_2569 = arith.constant 16 : i32
      %add3A_2570 = vector.broadcast %add3A_2569 : i32 to vector<16xi32>
      %add3A_2571 = arith.addi %div3A_206, %add3A_2570 : vector<16xi32>
      tpu.vector_store_idx %arg9[%add3A_2571, %rem3A_203], %gather3A_2568 : memref<32x100xf32, #tpu.memory_space<vmem>>[vector<16xi32>, vector<16xi32>], vector<16xf32>,
      %add3A_2572 = arith.constant 16 : i32
      %add3A_2573 = vector.broadcast %add3A_2572 : i32 to vector<16xi32>
      %add3A_2574 = arith.addi %div3A_217, %add3A_2573 : vector<16xi32>
      %gather3A_2575 = tpu.vector_load_idx %arg7[%add3A_2574, %gather3A_218] : memref<32x1000xf32, #tpu.memory_space<vmem>>[vector<16xi32>, vector<16xi32>], vector<16xf32>,
      %add3A_2576 = arith.constant 16 : i32
      %add3A_2577 = vector.broadcast %add3A_2576 : i32 to vector<16xi32>
      %add3A_2578 = arith.addi %div3A_217, %add3A_2577 : vector<16xi32>
      tpu.vector_store_idx %arg9[%add3A_2578, %rem3A_214], %gather3A_2575 : memref<32x100xf32, #tpu.memory_space<vmem>>[vector<16xi32>, vector<16xi32>], vector<16xf32>,
      %add3A_2579 = arith.constant 16 : i32
      %add3A_2580 = vector.broadcast %add3A_2579 : i32 to vector<16xi32>
      %add3A_2581 = arith.addi %div3A_228, %add3A_2580 : vector<16xi32>
      %gather3A_2582 = tpu.vector_load_idx %arg7[%add3A_2581, %gather3A_229] : memref<32x1000xf32, #tpu.memory_space<vmem>>[vector<16xi32>, vector<16xi32>], vector<16xf32>,
      %add3A_2583 = arith.constant 16 : i32
      %add3A_2584 = vector.broadcast %add3A_2583 : i32 to vector<16xi32>
      %add3A_2585 = arith.addi %div3A_228, %add3A_2584 : vector<16xi32>
      tpu.vector_store_idx %arg9[%add3A_2585, %rem3A_225], %gather3A_2582 : memref<32x100xf32, #tpu.memory_space<vmem>>[vector<16xi32>, vector<16xi32>], vector<16xf32>,
      %add3A_2586 = arith.constant 16 : i32
      %add3A_2587 = vector.broadcast %add3A_2586 : i32 to vector<16xi32>
      %add3A_2588 = arith.addi %div3A_239, %add3A_2587 : vector<16xi32>
      %gather3A_2589 = tpu.vector_load_idx %arg7[%add3A_2588, %gather3A_240] : memref<32x1000xf32, #tpu.memory_space<vmem>>[vector<16xi32>, vector<16xi32>], vector<16xf32>,
      %add3A_2590 = arith.constant 16 : i32
      %add3A_2591 = vector.broadcast %add3A_2590 : i32 to vector<16xi32>
      %add3A_2592 = arith.addi %div3A_239, %add3A_2591 : vector<16xi32>
      tpu.vector_store_idx %arg9[%add3A_2592, %rem3A_236], %gather3A_2589 : memref<32x100xf32, #tpu.memory_space<vmem>>[vector<16xi32>, vector<16xi32>], vector<16xf32>,
      %add3A_2593 = arith.constant 16 : i32
      %add3A_2594 = vector.broadcast %add3A_2593 : i32 to vector<16xi32>
      %add3A_2595 = arith.addi %div3A_250, %add3A_2594 : vector<16xi32>
      %gather3A_2596 = tpu.vector_load_idx %arg7[%add3A_2595, %gather3A_251] : memref<32x1000xf32, #tpu.memory_space<vmem>>[vector<16xi32>, vector<16xi32>], vector<16xf32>,
      %add3A_2597 = arith.constant 16 : i32
      %add3A_2598 = vector.broadcast %add3A_2597 : i32 to vector<16xi32>
      %add3A_2599 = arith.addi %div3A_250, %add3A_2598 : vector<16xi32>
      tpu.vector_store_idx %arg9[%add3A_2599, %rem3A_247], %gather3A_2596 : memref<32x100xf32, #tpu.memory_space<vmem>>[vector<16xi32>, vector<16xi32>], vector<16xf32>,
      %add3A_2600 = arith.constant 16 : i32
      %add3A_2601 = vector.broadcast %add3A_2600 : i32 to vector<16xi32>
      %add3A_2602 = arith.addi %div3A_261, %add3A_2601 : vector<16xi32>
      %gather3A_2603 = tpu.vector_load_idx %arg7[%add3A_2602, %gather3A_262] : memref<32x1000xf32, #tpu.memory_space<vmem>>[vector<16xi32>, vector<16xi32>], vector<16xf32>,
      %add3A_2604 = arith.constant 16 : i32
      %add3A_2605 = vector.broadcast %add3A_2604 : i32 to vector<16xi32>
      %add3A_2606 = arith.addi %div3A_261, %add3A_2605 : vector<16xi32>
      tpu.vector_store_idx %arg9[%add3A_2606, %rem3A_258], %gather3A_2603 : memref<32x100xf32, #tpu.memory_space<vmem>>[vector<16xi32>, vector<16xi32>], vector<16xf32>,
      %add3A_2607 = arith.constant 16 : i32
      %add3A_2608 = vector.broadcast %add3A_2607 : i32 to vector<16xi32>
      %add3A_2609 = arith.addi %div3A_272, %add3A_2608 : vector<16xi32>
      %gather3A_2610 = tpu.vector_load_idx %arg7[%add3A_2609, %gather3A_273] : memref<32x1000xf32, #tpu.memory_space<vmem>>[vector<16xi32>, vector<16xi32>], vector<16xf32>,
      %add3A_2611 = arith.constant 16 : i32
      %add3A_2612 = vector.broadcast %add3A_2611 : i32 to vector<16xi32>
      %add3A_2613 = arith.addi %div3A_272, %add3A_2612 : vector<16xi32>
      tpu.vector_store_idx %arg9[%add3A_2613, %rem3A_269], %gather3A_2610 : memref<32x100xf32, #tpu.memory_space<vmem>>[vector<16xi32>, vector<16xi32>], vector<16xf32>,
      %add3A_2614 = arith.constant 20 : i32
      %add3A_2615 = vector.broadcast %add3A_2614 : i32 to vector<16xi32>
      %add3A_2616 = arith.addi %div3A_9, %add3A_2615 : vector<16xi32>
      %gather3A_2617 = tpu.vector_load_idx %arg7[%add3A_2616, %gather3A] : memref<32x1000xf32, #tpu.memory_space<vmem>>[vector<16xi32>, vector<16xi32>], vector<16xf32>,
      %add3A_2618 = arith.constant 20 : i32
      %add3A_2619 = vector.broadcast %add3A_2618 : i32 to vector<16xi32>
      %add3A_2620 = arith.addi %div3A_9, %add3A_2619 : vector<16xi32>
      tpu.vector_store_idx %arg9[%add3A_2620, %rem3A_7], %gather3A_2617 : memref<32x100xf32, #tpu.memory_space<vmem>>[vector<16xi32>, vector<16xi32>], vector<16xf32>,
      %add3A_2621 = arith.constant 20 : i32
      %add3A_2622 = vector.broadcast %add3A_2621 : i32 to vector<16xi32>
      %add3A_2623 = arith.addi %div3A_19, %add3A_2622 : vector<16xi32>
      %gather3A_2624 = tpu.vector_load_idx %arg7[%add3A_2623, %gather3A_20] : memref<32x1000xf32, #tpu.memory_space<vmem>>[vector<16xi32>, vector<16xi32>], vector<16xf32>,
      %add3A_2625 = arith.constant 20 : i32
      %add3A_2626 = vector.broadcast %add3A_2625 : i32 to vector<16xi32>
      %add3A_2627 = arith.addi %div3A_19, %add3A_2626 : vector<16xi32>
      tpu.vector_store_idx %arg9[%add3A_2627, %rem3A_16], %gather3A_2624 : memref<32x100xf32, #tpu.memory_space<vmem>>[vector<16xi32>, vector<16xi32>], vector<16xf32>,
      %add3A_2628 = arith.constant 20 : i32
      %add3A_2629 = vector.broadcast %add3A_2628 : i32 to vector<16xi32>
      %add3A_2630 = arith.addi %div3A_30, %add3A_2629 : vector<16xi32>
      %gather3A_2631 = tpu.vector_load_idx %arg7[%add3A_2630, %gather3A_31] : memref<32x1000xf32, #tpu.memory_space<vmem>>[vector<16xi32>, vector<16xi32>], vector<16xf32>,
      %add3A_2632 = arith.constant 20 : i32
      %add3A_2633 = vector.broadcast %add3A_2632 : i32 to vector<16xi32>
      %add3A_2634 = arith.addi %div3A_30, %add3A_2633 : vector<16xi32>
      tpu.vector_store_idx %arg9[%add3A_2634, %rem3A_27], %gather3A_2631 : memref<32x100xf32, #tpu.memory_space<vmem>>[vector<16xi32>, vector<16xi32>], vector<16xf32>,
      %add3A_2635 = arith.constant 20 : i32
      %add3A_2636 = vector.broadcast %add3A_2635 : i32 to vector<16xi32>
      %add3A_2637 = arith.addi %div3A_41, %add3A_2636 : vector<16xi32>
      %gather3A_2638 = tpu.vector_load_idx %arg7[%add3A_2637, %gather3A_42] : memref<32x1000xf32, #tpu.memory_space<vmem>>[vector<16xi32>, vector<16xi32>], vector<16xf32>,
      %add3A_2639 = arith.constant 20 : i32
      %add3A_2640 = vector.broadcast %add3A_2639 : i32 to vector<16xi32>
      %add3A_2641 = arith.addi %div3A_41, %add3A_2640 : vector<16xi32>
      tpu.vector_store_idx %arg9[%add3A_2641, %rem3A_38], %gather3A_2638 : memref<32x100xf32, #tpu.memory_space<vmem>>[vector<16xi32>, vector<16xi32>], vector<16xf32>,
      %add3A_2642 = arith.constant 20 : i32
      %add3A_2643 = vector.broadcast %add3A_2642 : i32 to vector<16xi32>
      %add3A_2644 = arith.addi %div3A_52, %add3A_2643 : vector<16xi32>
      %gather3A_2645 = tpu.vector_load_idx %arg7[%add3A_2644, %gather3A_53] : memref<32x1000xf32, #tpu.memory_space<vmem>>[vector<16xi32>, vector<16xi32>], vector<16xf32>,
      %add3A_2646 = arith.constant 20 : i32
      %add3A_2647 = vector.broadcast %add3A_2646 : i32 to vector<16xi32>
      %add3A_2648 = arith.addi %div3A_52, %add3A_2647 : vector<16xi32>
      tpu.vector_store_idx %arg9[%add3A_2648, %rem3A_49], %gather3A_2645 : memref<32x100xf32, #tpu.memory_space<vmem>>[vector<16xi32>, vector<16xi32>], vector<16xf32>,
      %add3A_2649 = arith.constant 20 : i32
      %add3A_2650 = vector.broadcast %add3A_2649 : i32 to vector<16xi32>
      %add3A_2651 = arith.addi %div3A_63, %add3A_2650 : vector<16xi32>
      %gather3A_2652 = tpu.vector_load_idx %arg7[%add3A_2651, %gather3A_64] : memref<32x1000xf32, #tpu.memory_space<vmem>>[vector<16xi32>, vector<16xi32>], vector<16xf32>,
      %add3A_2653 = arith.constant 20 : i32
      %add3A_2654 = vector.broadcast %add3A_2653 : i32 to vector<16xi32>
      %add3A_2655 = arith.addi %div3A_63, %add3A_2654 : vector<16xi32>
      tpu.vector_store_idx %arg9[%add3A_2655, %rem3A_60], %gather3A_2652 : memref<32x100xf32, #tpu.memory_space<vmem>>[vector<16xi32>, vector<16xi32>], vector<16xf32>,
      %add3A_2656 = arith.constant 20 : i32
      %add3A_2657 = vector.broadcast %add3A_2656 : i32 to vector<16xi32>
      %add3A_2658 = arith.addi %div3A_74, %add3A_2657 : vector<16xi32>
      %gather3A_2659 = tpu.vector_load_idx %arg7[%add3A_2658, %gather3A_75] : memref<32x1000xf32, #tpu.memory_space<vmem>>[vector<16xi32>, vector<16xi32>], vector<16xf32>,
      %add3A_2660 = arith.constant 20 : i32
      %add3A_2661 = vector.broadcast %add3A_2660 : i32 to vector<16xi32>
      %add3A_2662 = arith.addi %div3A_74, %add3A_2661 : vector<16xi32>
      tpu.vector_store_idx %arg9[%add3A_2662, %rem3A_71], %gather3A_2659 : memref<32x100xf32, #tpu.memory_space<vmem>>[vector<16xi32>, vector<16xi32>], vector<16xf32>,
      %add3A_2663 = arith.constant 20 : i32
      %add3A_2664 = vector.broadcast %add3A_2663 : i32 to vector<16xi32>
      %add3A_2665 = arith.addi %div3A_85, %add3A_2664 : vector<16xi32>
      %gather3A_2666 = tpu.vector_load_idx %arg7[%add3A_2665, %gather3A_86] : memref<32x1000xf32, #tpu.memory_space<vmem>>[vector<16xi32>, vector<16xi32>], vector<16xf32>,
      %add3A_2667 = arith.constant 20 : i32
      %add3A_2668 = vector.broadcast %add3A_2667 : i32 to vector<16xi32>
      %add3A_2669 = arith.addi %div3A_85, %add3A_2668 : vector<16xi32>
      tpu.vector_store_idx %arg9[%add3A_2669, %rem3A_82], %gather3A_2666 : memref<32x100xf32, #tpu.memory_space<vmem>>[vector<16xi32>, vector<16xi32>], vector<16xf32>,
      %add3A_2670 = arith.constant 20 : i32
      %add3A_2671 = vector.broadcast %add3A_2670 : i32 to vector<16xi32>
      %add3A_2672 = arith.addi %div3A_96, %add3A_2671 : vector<16xi32>
      %gather3A_2673 = tpu.vector_load_idx %arg7[%add3A_2672, %gather3A_97] : memref<32x1000xf32, #tpu.memory_space<vmem>>[vector<16xi32>, vector<16xi32>], vector<16xf32>,
      %add3A_2674 = arith.constant 20 : i32
      %add3A_2675 = vector.broadcast %add3A_2674 : i32 to vector<16xi32>
      %add3A_2676 = arith.addi %div3A_96, %add3A_2675 : vector<16xi32>
      tpu.vector_store_idx %arg9[%add3A_2676, %rem3A_93], %gather3A_2673 : memref<32x100xf32, #tpu.memory_space<vmem>>[vector<16xi32>, vector<16xi32>], vector<16xf32>,
      %add3A_2677 = arith.constant 20 : i32
      %add3A_2678 = vector.broadcast %add3A_2677 : i32 to vector<16xi32>
      %add3A_2679 = arith.addi %div3A_107, %add3A_2678 : vector<16xi32>
      %gather3A_2680 = tpu.vector_load_idx %arg7[%add3A_2679, %gather3A_108] : memref<32x1000xf32, #tpu.memory_space<vmem>>[vector<16xi32>, vector<16xi32>], vector<16xf32>,
      %add3A_2681 = arith.constant 20 : i32
      %add3A_2682 = vector.broadcast %add3A_2681 : i32 to vector<16xi32>
      %add3A_2683 = arith.addi %div3A_107, %add3A_2682 : vector<16xi32>
      tpu.vector_store_idx %arg9[%add3A_2683, %rem3A_104], %gather3A_2680 : memref<32x100xf32, #tpu.memory_space<vmem>>[vector<16xi32>, vector<16xi32>], vector<16xf32>,
      %add3A_2684 = arith.constant 20 : i32
      %add3A_2685 = vector.broadcast %add3A_2684 : i32 to vector<16xi32>
      %add3A_2686 = arith.addi %div3A_118, %add3A_2685 : vector<16xi32>
      %gather3A_2687 = tpu.vector_load_idx %arg7[%add3A_2686, %gather3A_119] : memref<32x1000xf32, #tpu.memory_space<vmem>>[vector<16xi32>, vector<16xi32>], vector<16xf32>,
      %add3A_2688 = arith.constant 20 : i32
      %add3A_2689 = vector.broadcast %add3A_2688 : i32 to vector<16xi32>
      %add3A_2690 = arith.addi %div3A_118, %add3A_2689 : vector<16xi32>
      tpu.vector_store_idx %arg9[%add3A_2690, %rem3A_115], %gather3A_2687 : memref<32x100xf32, #tpu.memory_space<vmem>>[vector<16xi32>, vector<16xi32>], vector<16xf32>,
      %add3A_2691 = arith.constant 20 : i32
      %add3A_2692 = vector.broadcast %add3A_2691 : i32 to vector<16xi32>
      %add3A_2693 = arith.addi %div3A_129, %add3A_2692 : vector<16xi32>
      %gather3A_2694 = tpu.vector_load_idx %arg7[%add3A_2693, %gather3A_130] : memref<32x1000xf32, #tpu.memory_space<vmem>>[vector<16xi32>, vector<16xi32>], vector<16xf32>,
      %add3A_2695 = arith.constant 20 : i32
      %add3A_2696 = vector.broadcast %add3A_2695 : i32 to vector<16xi32>
      %add3A_2697 = arith.addi %div3A_129, %add3A_2696 : vector<16xi32>
      tpu.vector_store_idx %arg9[%add3A_2697, %rem3A_126], %gather3A_2694 : memref<32x100xf32, #tpu.memory_space<vmem>>[vector<16xi32>, vector<16xi32>], vector<16xf32>,
      %add3A_2698 = arith.constant 20 : i32
      %add3A_2699 = vector.broadcast %add3A_2698 : i32 to vector<16xi32>
      %add3A_2700 = arith.addi %div3A_140, %add3A_2699 : vector<16xi32>
      %gather3A_2701 = tpu.vector_load_idx %arg7[%add3A_2700, %gather3A_141] : memref<32x1000xf32, #tpu.memory_space<vmem>>[vector<16xi32>, vector<16xi32>], vector<16xf32>,
      %add3A_2702 = arith.constant 20 : i32
      %add3A_2703 = vector.broadcast %add3A_2702 : i32 to vector<16xi32>
      %add3A_2704 = arith.addi %div3A_140, %add3A_2703 : vector<16xi32>
      tpu.vector_store_idx %arg9[%add3A_2704, %rem3A_137], %gather3A_2701 : memref<32x100xf32, #tpu.memory_space<vmem>>[vector<16xi32>, vector<16xi32>], vector<16xf32>,
      %add3A_2705 = arith.constant 20 : i32
      %add3A_2706 = vector.broadcast %add3A_2705 : i32 to vector<16xi32>
      %add3A_2707 = arith.addi %div3A_151, %add3A_2706 : vector<16xi32>
      %gather3A_2708 = tpu.vector_load_idx %arg7[%add3A_2707, %gather3A_152] : memref<32x1000xf32, #tpu.memory_space<vmem>>[vector<16xi32>, vector<16xi32>], vector<16xf32>,
      %add3A_2709 = arith.constant 20 : i32
      %add3A_2710 = vector.broadcast %add3A_2709 : i32 to vector<16xi32>
      %add3A_2711 = arith.addi %div3A_151, %add3A_2710 : vector<16xi32>
      tpu.vector_store_idx %arg9[%add3A_2711, %rem3A_148], %gather3A_2708 : memref<32x100xf32, #tpu.memory_space<vmem>>[vector<16xi32>, vector<16xi32>], vector<16xf32>,
      %add3A_2712 = arith.constant 20 : i32
      %add3A_2713 = vector.broadcast %add3A_2712 : i32 to vector<16xi32>
      %add3A_2714 = arith.addi %div3A_162, %add3A_2713 : vector<16xi32>
      %gather3A_2715 = tpu.vector_load_idx %arg7[%add3A_2714, %gather3A_163] : memref<32x1000xf32, #tpu.memory_space<vmem>>[vector<16xi32>, vector<16xi32>], vector<16xf32>,
      %add3A_2716 = arith.constant 20 : i32
      %add3A_2717 = vector.broadcast %add3A_2716 : i32 to vector<16xi32>
      %add3A_2718 = arith.addi %div3A_162, %add3A_2717 : vector<16xi32>
      tpu.vector_store_idx %arg9[%add3A_2718, %rem3A_159], %gather3A_2715 : memref<32x100xf32, #tpu.memory_space<vmem>>[vector<16xi32>, vector<16xi32>], vector<16xf32>,
      %add3A_2719 = arith.constant 20 : i32
      %add3A_2720 = vector.broadcast %add3A_2719 : i32 to vector<16xi32>
      %add3A_2721 = arith.addi %div3A_173, %add3A_2720 : vector<16xi32>
      %gather3A_2722 = tpu.vector_load_idx %arg7[%add3A_2721, %gather3A_174] : memref<32x1000xf32, #tpu.memory_space<vmem>>[vector<16xi32>, vector<16xi32>], vector<16xf32>,
      %add3A_2723 = arith.constant 20 : i32
      %add3A_2724 = vector.broadcast %add3A_2723 : i32 to vector<16xi32>
      %add3A_2725 = arith.addi %div3A_173, %add3A_2724 : vector<16xi32>
      tpu.vector_store_idx %arg9[%add3A_2725, %rem3A_170], %gather3A_2722 : memref<32x100xf32, #tpu.memory_space<vmem>>[vector<16xi32>, vector<16xi32>], vector<16xf32>,
      %add3A_2726 = arith.constant 20 : i32
      %add3A_2727 = vector.broadcast %add3A_2726 : i32 to vector<16xi32>
      %add3A_2728 = arith.addi %div3A_184, %add3A_2727 : vector<16xi32>
      %gather3A_2729 = tpu.vector_load_idx %arg7[%add3A_2728, %gather3A_185] : memref<32x1000xf32, #tpu.memory_space<vmem>>[vector<16xi32>, vector<16xi32>], vector<16xf32>,
      %add3A_2730 = arith.constant 20 : i32
      %add3A_2731 = vector.broadcast %add3A_2730 : i32 to vector<16xi32>
      %add3A_2732 = arith.addi %div3A_184, %add3A_2731 : vector<16xi32>
      tpu.vector_store_idx %arg9[%add3A_2732, %rem3A_181], %gather3A_2729 : memref<32x100xf32, #tpu.memory_space<vmem>>[vector<16xi32>, vector<16xi32>], vector<16xf32>,
      %add3A_2733 = arith.constant 20 : i32
      %add3A_2734 = vector.broadcast %add3A_2733 : i32 to vector<16xi32>
      %add3A_2735 = arith.addi %div3A_195, %add3A_2734 : vector<16xi32>
      %gather3A_2736 = tpu.vector_load_idx %arg7[%add3A_2735, %gather3A_196] : memref<32x1000xf32, #tpu.memory_space<vmem>>[vector<16xi32>, vector<16xi32>], vector<16xf32>,
      %add3A_2737 = arith.constant 20 : i32
      %add3A_2738 = vector.broadcast %add3A_2737 : i32 to vector<16xi32>
      %add3A_2739 = arith.addi %div3A_195, %add3A_2738 : vector<16xi32>
      tpu.vector_store_idx %arg9[%add3A_2739, %rem3A_192], %gather3A_2736 : memref<32x100xf32, #tpu.memory_space<vmem>>[vector<16xi32>, vector<16xi32>], vector<16xf32>,
      %add3A_2740 = arith.constant 20 : i32
      %add3A_2741 = vector.broadcast %add3A_2740 : i32 to vector<16xi32>
      %add3A_2742 = arith.addi %div3A_206, %add3A_2741 : vector<16xi32>
      %gather3A_2743 = tpu.vector_load_idx %arg7[%add3A_2742, %gather3A_207] : memref<32x1000xf32, #tpu.memory_space<vmem>>[vector<16xi32>, vector<16xi32>], vector<16xf32>,
      %add3A_2744 = arith.constant 20 : i32
      %add3A_2745 = vector.broadcast %add3A_2744 : i32 to vector<16xi32>
      %add3A_2746 = arith.addi %div3A_206, %add3A_2745 : vector<16xi32>
      tpu.vector_store_idx %arg9[%add3A_2746, %rem3A_203], %gather3A_2743 : memref<32x100xf32, #tpu.memory_space<vmem>>[vector<16xi32>, vector<16xi32>], vector<16xf32>,
      %add3A_2747 = arith.constant 20 : i32
      %add3A_2748 = vector.broadcast %add3A_2747 : i32 to vector<16xi32>
      %add3A_2749 = arith.addi %div3A_217, %add3A_2748 : vector<16xi32>
      %gather3A_2750 = tpu.vector_load_idx %arg7[%add3A_2749, %gather3A_218] : memref<32x1000xf32, #tpu.memory_space<vmem>>[vector<16xi32>, vector<16xi32>], vector<16xf32>,
      %add3A_2751 = arith.constant 20 : i32
      %add3A_2752 = vector.broadcast %add3A_2751 : i32 to vector<16xi32>
      %add3A_2753 = arith.addi %div3A_217, %add3A_2752 : vector<16xi32>
      tpu.vector_store_idx %arg9[%add3A_2753, %rem3A_214], %gather3A_2750 : memref<32x100xf32, #tpu.memory_space<vmem>>[vector<16xi32>, vector<16xi32>], vector<16xf32>,
      %add3A_2754 = arith.constant 20 : i32
      %add3A_2755 = vector.broadcast %add3A_2754 : i32 to vector<16xi32>
      %add3A_2756 = arith.addi %div3A_228, %add3A_2755 : vector<16xi32>
      %gather3A_2757 = tpu.vector_load_idx %arg7[%add3A_2756, %gather3A_229] : memref<32x1000xf32, #tpu.memory_space<vmem>>[vector<16xi32>, vector<16xi32>], vector<16xf32>,
      %add3A_2758 = arith.constant 20 : i32
      %add3A_2759 = vector.broadcast %add3A_2758 : i32 to vector<16xi32>
      %add3A_2760 = arith.addi %div3A_228, %add3A_2759 : vector<16xi32>
      tpu.vector_store_idx %arg9[%add3A_2760, %rem3A_225], %gather3A_2757 : memref<32x100xf32, #tpu.memory_space<vmem>>[vector<16xi32>, vector<16xi32>], vector<16xf32>,
      %add3A_2761 = arith.constant 20 : i32
      %add3A_2762 = vector.broadcast %add3A_2761 : i32 to vector<16xi32>
      %add3A_2763 = arith.addi %div3A_239, %add3A_2762 : vector<16xi32>
      %gather3A_2764 = tpu.vector_load_idx %arg7[%add3A_2763, %gather3A_240] : memref<32x1000xf32, #tpu.memory_space<vmem>>[vector<16xi32>, vector<16xi32>], vector<16xf32>,
      %add3A_2765 = arith.constant 20 : i32
      %add3A_2766 = vector.broadcast %add3A_2765 : i32 to vector<16xi32>
      %add3A_2767 = arith.addi %div3A_239, %add3A_2766 : vector<16xi32>
      tpu.vector_store_idx %arg9[%add3A_2767, %rem3A_236], %gather3A_2764 : memref<32x100xf32, #tpu.memory_space<vmem>>[vector<16xi32>, vector<16xi32>], vector<16xf32>,
      %add3A_2768 = arith.constant 20 : i32
      %add3A_2769 = vector.broadcast %add3A_2768 : i32 to vector<16xi32>
      %add3A_2770 = arith.addi %div3A_250, %add3A_2769 : vector<16xi32>
      %gather3A_2771 = tpu.vector_load_idx %arg7[%add3A_2770, %gather3A_251] : memref<32x1000xf32, #tpu.memory_space<vmem>>[vector<16xi32>, vector<16xi32>], vector<16xf32>,
      %add3A_2772 = arith.constant 20 : i32
      %add3A_2773 = vector.broadcast %add3A_2772 : i32 to vector<16xi32>
      %add3A_2774 = arith.addi %div3A_250, %add3A_2773 : vector<16xi32>
      tpu.vector_store_idx %arg9[%add3A_2774, %rem3A_247], %gather3A_2771 : memref<32x100xf32, #tpu.memory_space<vmem>>[vector<16xi32>, vector<16xi32>], vector<16xf32>,
      %add3A_2775 = arith.constant 20 : i32
      %add3A_2776 = vector.broadcast %add3A_2775 : i32 to vector<16xi32>
      %add3A_2777 = arith.addi %div3A_261, %add3A_2776 : vector<16xi32>
      %gather3A_2778 = tpu.vector_load_idx %arg7[%add3A_2777, %gather3A_262] : memref<32x1000xf32, #tpu.memory_space<vmem>>[vector<16xi32>, vector<16xi32>], vector<16xf32>,
      %add3A_2779 = arith.constant 20 : i32
      %add3A_2780 = vector.broadcast %add3A_2779 : i32 to vector<16xi32>
      %add3A_2781 = arith.addi %div3A_261, %add3A_2780 : vector<16xi32>
      tpu.vector_store_idx %arg9[%add3A_2781, %rem3A_258], %gather3A_2778 : memref<32x100xf32, #tpu.memory_space<vmem>>[vector<16xi32>, vector<16xi32>], vector<16xf32>,
      %add3A_2782 = arith.constant 20 : i32
      %add3A_2783 = vector.broadcast %add3A_2782 : i32 to vector<16xi32>
      %add3A_2784 = arith.addi %div3A_272, %add3A_2783 : vector<16xi32>
      %gather3A_2785 = tpu.vector_load_idx %arg7[%add3A_2784, %gather3A_273] : memref<32x1000xf32, #tpu.memory_space<vmem>>[vector<16xi32>, vector<16xi32>], vector<16xf32>,
      %add3A_2786 = arith.constant 20 : i32
      %add3A_2787 = vector.broadcast %add3A_2786 : i32 to vector<16xi32>
      %add3A_2788 = arith.addi %div3A_272, %add3A_2787 : vector<16xi32>
      tpu.vector_store_idx %arg9[%add3A_2788, %rem3A_269], %gather3A_2785 : memref<32x100xf32, #tpu.memory_space<vmem>>[vector<16xi32>, vector<16xi32>], vector<16xf32>,
      %add3A_2789 = arith.constant 24 : i32
      %add3A_2790 = vector.broadcast %add3A_2789 : i32 to vector<16xi32>
      %add3A_2791 = arith.addi %div3A_9, %add3A_2790 : vector<16xi32>
      %gather3A_2792 = tpu.vector_load_idx %arg7[%add3A_2791, %gather3A] : memref<32x1000xf32, #tpu.memory_space<vmem>>[vector<16xi32>, vector<16xi32>], vector<16xf32>,
      %add3A_2793 = arith.constant 24 : i32
      %add3A_2794 = vector.broadcast %add3A_2793 : i32 to vector<16xi32>
      %add3A_2795 = arith.addi %div3A_9, %add3A_2794 : vector<16xi32>
      tpu.vector_store_idx %arg9[%add3A_2795, %rem3A_7], %gather3A_2792 : memref<32x100xf32, #tpu.memory_space<vmem>>[vector<16xi32>, vector<16xi32>], vector<16xf32>,
      %add3A_2796 = arith.constant 24 : i32
      %add3A_2797 = vector.broadcast %add3A_2796 : i32 to vector<16xi32>
      %add3A_2798 = arith.addi %div3A_19, %add3A_2797 : vector<16xi32>
      %gather3A_2799 = tpu.vector_load_idx %arg7[%add3A_2798, %gather3A_20] : memref<32x1000xf32, #tpu.memory_space<vmem>>[vector<16xi32>, vector<16xi32>], vector<16xf32>,
      %add3A_2800 = arith.constant 24 : i32
      %add3A_2801 = vector.broadcast %add3A_2800 : i32 to vector<16xi32>
      %add3A_2802 = arith.addi %div3A_19, %add3A_2801 : vector<16xi32>
      tpu.vector_store_idx %arg9[%add3A_2802, %rem3A_16], %gather3A_2799 : memref<32x100xf32, #tpu.memory_space<vmem>>[vector<16xi32>, vector<16xi32>], vector<16xf32>,
      %add3A_2803 = arith.constant 24 : i32
      %add3A_2804 = vector.broadcast %add3A_2803 : i32 to vector<16xi32>
      %add3A_2805 = arith.addi %div3A_30, %add3A_2804 : vector<16xi32>
      %gather3A_2806 = tpu.vector_load_idx %arg7[%add3A_2805, %gather3A_31] : memref<32x1000xf32, #tpu.memory_space<vmem>>[vector<16xi32>, vector<16xi32>], vector<16xf32>,
      %add3A_2807 = arith.constant 24 : i32
      %add3A_2808 = vector.broadcast %add3A_2807 : i32 to vector<16xi32>
      %add3A_2809 = arith.addi %div3A_30, %add3A_2808 : vector<16xi32>
      tpu.vector_store_idx %arg9[%add3A_2809, %rem3A_27], %gather3A_2806 : memref<32x100xf32, #tpu.memory_space<vmem>>[vector<16xi32>, vector<16xi32>], vector<16xf32>,
      %add3A_2810 = arith.constant 24 : i32
      %add3A_2811 = vector.broadcast %add3A_2810 : i32 to vector<16xi32>
      %add3A_2812 = arith.addi %div3A_41, %add3A_2811 : vector<16xi32>
      %gather3A_2813 = tpu.vector_load_idx %arg7[%add3A_2812, %gather3A_42] : memref<32x1000xf32, #tpu.memory_space<vmem>>[vector<16xi32>, vector<16xi32>], vector<16xf32>,
      %add3A_2814 = arith.constant 24 : i32
      %add3A_2815 = vector.broadcast %add3A_2814 : i32 to vector<16xi32>
      %add3A_2816 = arith.addi %div3A_41, %add3A_2815 : vector<16xi32>
      tpu.vector_store_idx %arg9[%add3A_2816, %rem3A_38], %gather3A_2813 : memref<32x100xf32, #tpu.memory_space<vmem>>[vector<16xi32>, vector<16xi32>], vector<16xf32>,
      %add3A_2817 = arith.constant 24 : i32
      %add3A_2818 = vector.broadcast %add3A_2817 : i32 to vector<16xi32>
      %add3A_2819 = arith.addi %div3A_52, %add3A_2818 : vector<16xi32>
      %gather3A_2820 = tpu.vector_load_idx %arg7[%add3A_2819, %gather3A_53] : memref<32x1000xf32, #tpu.memory_space<vmem>>[vector<16xi32>, vector<16xi32>], vector<16xf32>,
      %add3A_2821 = arith.constant 24 : i32
      %add3A_2822 = vector.broadcast %add3A_2821 : i32 to vector<16xi32>
      %add3A_2823 = arith.addi %div3A_52, %add3A_2822 : vector<16xi32>
      tpu.vector_store_idx %arg9[%add3A_2823, %rem3A_49], %gather3A_2820 : memref<32x100xf32, #tpu.memory_space<vmem>>[vector<16xi32>, vector<16xi32>], vector<16xf32>,
      %add3A_2824 = arith.constant 24 : i32
      %add3A_2825 = vector.broadcast %add3A_2824 : i32 to vector<16xi32>
      %add3A_2826 = arith.addi %div3A_63, %add3A_2825 : vector<16xi32>
      %gather3A_2827 = tpu.vector_load_idx %arg7[%add3A_2826, %gather3A_64] : memref<32x1000xf32, #tpu.memory_space<vmem>>[vector<16xi32>, vector<16xi32>], vector<16xf32>,
      %add3A_2828 = arith.constant 24 : i32
      %add3A_2829 = vector.broadcast %add3A_2828 : i32 to vector<16xi32>
      %add3A_2830 = arith.addi %div3A_63, %add3A_2829 : vector<16xi32>
      tpu.vector_store_idx %arg9[%add3A_2830, %rem3A_60], %gather3A_2827 : memref<32x100xf32, #tpu.memory_space<vmem>>[vector<16xi32>, vector<16xi32>], vector<16xf32>,
      %add3A_2831 = arith.constant 24 : i32
      %add3A_2832 = vector.broadcast %add3A_2831 : i32 to vector<16xi32>
      %add3A_2833 = arith.addi %div3A_74, %add3A_2832 : vector<16xi32>
      %gather3A_2834 = tpu.vector_load_idx %arg7[%add3A_2833, %gather3A_75] : memref<32x1000xf32, #tpu.memory_space<vmem>>[vector<16xi32>, vector<16xi32>], vector<16xf32>,
      %add3A_2835 = arith.constant 24 : i32
      %add3A_2836 = vector.broadcast %add3A_2835 : i32 to vector<16xi32>
      %add3A_2837 = arith.addi %div3A_74, %add3A_2836 : vector<16xi32>
      tpu.vector_store_idx %arg9[%add3A_2837, %rem3A_71], %gather3A_2834 : memref<32x100xf32, #tpu.memory_space<vmem>>[vector<16xi32>, vector<16xi32>], vector<16xf32>,
      %add3A_2838 = arith.constant 24 : i32
      %add3A_2839 = vector.broadcast %add3A_2838 : i32 to vector<16xi32>
      %add3A_2840 = arith.addi %div3A_85, %add3A_2839 : vector<16xi32>
      %gather3A_2841 = tpu.vector_load_idx %arg7[%add3A_2840, %gather3A_86] : memref<32x1000xf32, #tpu.memory_space<vmem>>[vector<16xi32>, vector<16xi32>], vector<16xf32>,
      %add3A_2842 = arith.constant 24 : i32
      %add3A_2843 = vector.broadcast %add3A_2842 : i32 to vector<16xi32>
      %add3A_2844 = arith.addi %div3A_85, %add3A_2843 : vector<16xi32>
      tpu.vector_store_idx %arg9[%add3A_2844, %rem3A_82], %gather3A_2841 : memref<32x100xf32, #tpu.memory_space<vmem>>[vector<16xi32>, vector<16xi32>], vector<16xf32>,
      %add3A_2845 = arith.constant 24 : i32
      %add3A_2846 = vector.broadcast %add3A_2845 : i32 to vector<16xi32>
      %add3A_2847 = arith.addi %div3A_96, %add3A_2846 : vector<16xi32>
      %gather3A_2848 = tpu.vector_load_idx %arg7[%add3A_2847, %gather3A_97] : memref<32x1000xf32, #tpu.memory_space<vmem>>[vector<16xi32>, vector<16xi32>], vector<16xf32>,
      %add3A_2849 = arith.constant 24 : i32
      %add3A_2850 = vector.broadcast %add3A_2849 : i32 to vector<16xi32>
      %add3A_2851 = arith.addi %div3A_96, %add3A_2850 : vector<16xi32>
      tpu.vector_store_idx %arg9[%add3A_2851, %rem3A_93], %gather3A_2848 : memref<32x100xf32, #tpu.memory_space<vmem>>[vector<16xi32>, vector<16xi32>], vector<16xf32>,
      %add3A_2852 = arith.constant 24 : i32
      %add3A_2853 = vector.broadcast %add3A_2852 : i32 to vector<16xi32>
      %add3A_2854 = arith.addi %div3A_107, %add3A_2853 : vector<16xi32>
      %gather3A_2855 = tpu.vector_load_idx %arg7[%add3A_2854, %gather3A_108] : memref<32x1000xf32, #tpu.memory_space<vmem>>[vector<16xi32>, vector<16xi32>], vector<16xf32>,
      %add3A_2856 = arith.constant 24 : i32
      %add3A_2857 = vector.broadcast %add3A_2856 : i32 to vector<16xi32>
      %add3A_2858 = arith.addi %div3A_107, %add3A_2857 : vector<16xi32>
      tpu.vector_store_idx %arg9[%add3A_2858, %rem3A_104], %gather3A_2855 : memref<32x100xf32, #tpu.memory_space<vmem>>[vector<16xi32>, vector<16xi32>], vector<16xf32>,
      %add3A_2859 = arith.constant 24 : i32
      %add3A_2860 = vector.broadcast %add3A_2859 : i32 to vector<16xi32>
      %add3A_2861 = arith.addi %div3A_118, %add3A_2860 : vector<16xi32>
      %gather3A_2862 = tpu.vector_load_idx %arg7[%add3A_2861, %gather3A_119] : memref<32x1000xf32, #tpu.memory_space<vmem>>[vector<16xi32>, vector<16xi32>], vector<16xf32>,
      %add3A_2863 = arith.constant 24 : i32
      %add3A_2864 = vector.broadcast %add3A_2863 : i32 to vector<16xi32>
      %add3A_2865 = arith.addi %div3A_118, %add3A_2864 : vector<16xi32>
      tpu.vector_store_idx %arg9[%add3A_2865, %rem3A_115], %gather3A_2862 : memref<32x100xf32, #tpu.memory_space<vmem>>[vector<16xi32>, vector<16xi32>], vector<16xf32>,
      %add3A_2866 = arith.constant 24 : i32
      %add3A_2867 = vector.broadcast %add3A_2866 : i32 to vector<16xi32>
      %add3A_2868 = arith.addi %div3A_129, %add3A_2867 : vector<16xi32>
      %gather3A_2869 = tpu.vector_load_idx %arg7[%add3A_2868, %gather3A_130] : memref<32x1000xf32, #tpu.memory_space<vmem>>[vector<16xi32>, vector<16xi32>], vector<16xf32>,
      %add3A_2870 = arith.constant 24 : i32
      %add3A_2871 = vector.broadcast %add3A_2870 : i32 to vector<16xi32>
      %add3A_2872 = arith.addi %div3A_129, %add3A_2871 : vector<16xi32>
      tpu.vector_store_idx %arg9[%add3A_2872, %rem3A_126], %gather3A_2869 : memref<32x100xf32, #tpu.memory_space<vmem>>[vector<16xi32>, vector<16xi32>], vector<16xf32>,
      %add3A_2873 = arith.constant 24 : i32
      %add3A_2874 = vector.broadcast %add3A_2873 : i32 to vector<16xi32>
      %add3A_2875 = arith.addi %div3A_140, %add3A_2874 : vector<16xi32>
      %gather3A_2876 = tpu.vector_load_idx %arg7[%add3A_2875, %gather3A_141] : memref<32x1000xf32, #tpu.memory_space<vmem>>[vector<16xi32>, vector<16xi32>], vector<16xf32>,
      %add3A_2877 = arith.constant 24 : i32
      %add3A_2878 = vector.broadcast %add3A_2877 : i32 to vector<16xi32>
      %add3A_2879 = arith.addi %div3A_140, %add3A_2878 : vector<16xi32>
      tpu.vector_store_idx %arg9[%add3A_2879, %rem3A_137], %gather3A_2876 : memref<32x100xf32, #tpu.memory_space<vmem>>[vector<16xi32>, vector<16xi32>], vector<16xf32>,
      %add3A_2880 = arith.constant 24 : i32
      %add3A_2881 = vector.broadcast %add3A_2880 : i32 to vector<16xi32>
      %add3A_2882 = arith.addi %div3A_151, %add3A_2881 : vector<16xi32>
      %gather3A_2883 = tpu.vector_load_idx %arg7[%add3A_2882, %gather3A_152] : memref<32x1000xf32, #tpu.memory_space<vmem>>[vector<16xi32>, vector<16xi32>], vector<16xf32>,
      %add3A_2884 = arith.constant 24 : i32
      %add3A_2885 = vector.broadcast %add3A_2884 : i32 to vector<16xi32>
      %add3A_2886 = arith.addi %div3A_151, %add3A_2885 : vector<16xi32>
      tpu.vector_store_idx %arg9[%add3A_2886, %rem3A_148], %gather3A_2883 : memref<32x100xf32, #tpu.memory_space<vmem>>[vector<16xi32>, vector<16xi32>], vector<16xf32>,
      %add3A_2887 = arith.constant 24 : i32
      %add3A_2888 = vector.broadcast %add3A_2887 : i32 to vector<16xi32>
      %add3A_2889 = arith.addi %div3A_162, %add3A_2888 : vector<16xi32>
      %gather3A_2890 = tpu.vector_load_idx %arg7[%add3A_2889, %gather3A_163] : memref<32x1000xf32, #tpu.memory_space<vmem>>[vector<16xi32>, vector<16xi32>], vector<16xf32>,
      %add3A_2891 = arith.constant 24 : i32
      %add3A_2892 = vector.broadcast %add3A_2891 : i32 to vector<16xi32>
      %add3A_2893 = arith.addi %div3A_162, %add3A_2892 : vector<16xi32>
      tpu.vector_store_idx %arg9[%add3A_2893, %rem3A_159], %gather3A_2890 : memref<32x100xf32, #tpu.memory_space<vmem>>[vector<16xi32>, vector<16xi32>], vector<16xf32>,
      %add3A_2894 = arith.constant 24 : i32
      %add3A_2895 = vector.broadcast %add3A_2894 : i32 to vector<16xi32>
      %add3A_2896 = arith.addi %div3A_173, %add3A_2895 : vector<16xi32>
      %gather3A_2897 = tpu.vector_load_idx %arg7[%add3A_2896, %gather3A_174] : memref<32x1000xf32, #tpu.memory_space<vmem>>[vector<16xi32>, vector<16xi32>], vector<16xf32>,
      %add3A_2898 = arith.constant 24 : i32
      %add3A_2899 = vector.broadcast %add3A_2898 : i32 to vector<16xi32>
      %add3A_2900 = arith.addi %div3A_173, %add3A_2899 : vector<16xi32>
      tpu.vector_store_idx %arg9[%add3A_2900, %rem3A_170], %gather3A_2897 : memref<32x100xf32, #tpu.memory_space<vmem>>[vector<16xi32>, vector<16xi32>], vector<16xf32>,
      %add3A_2901 = arith.constant 24 : i32
      %add3A_2902 = vector.broadcast %add3A_2901 : i32 to vector<16xi32>
      %add3A_2903 = arith.addi %div3A_184, %add3A_2902 : vector<16xi32>
      %gather3A_2904 = tpu.vector_load_idx %arg7[%add3A_2903, %gather3A_185] : memref<32x1000xf32, #tpu.memory_space<vmem>>[vector<16xi32>, vector<16xi32>], vector<16xf32>,
      %add3A_2905 = arith.constant 24 : i32
      %add3A_2906 = vector.broadcast %add3A_2905 : i32 to vector<16xi32>
      %add3A_2907 = arith.addi %div3A_184, %add3A_2906 : vector<16xi32>
      tpu.vector_store_idx %arg9[%add3A_2907, %rem3A_181], %gather3A_2904 : memref<32x100xf32, #tpu.memory_space<vmem>>[vector<16xi32>, vector<16xi32>], vector<16xf32>,
      %add3A_2908 = arith.constant 24 : i32
      %add3A_2909 = vector.broadcast %add3A_2908 : i32 to vector<16xi32>
      %add3A_2910 = arith.addi %div3A_195, %add3A_2909 : vector<16xi32>
      %gather3A_2911 = tpu.vector_load_idx %arg7[%add3A_2910, %gather3A_196] : memref<32x1000xf32, #tpu.memory_space<vmem>>[vector<16xi32>, vector<16xi32>], vector<16xf32>,
      %add3A_2912 = arith.constant 24 : i32
      %add3A_2913 = vector.broadcast %add3A_2912 : i32 to vector<16xi32>
      %add3A_2914 = arith.addi %div3A_195, %add3A_2913 : vector<16xi32>
      tpu.vector_store_idx %arg9[%add3A_2914, %rem3A_192], %gather3A_2911 : memref<32x100xf32, #tpu.memory_space<vmem>>[vector<16xi32>, vector<16xi32>], vector<16xf32>,
      %add3A_2915 = arith.constant 24 : i32
      %add3A_2916 = vector.broadcast %add3A_2915 : i32 to vector<16xi32>
      %add3A_2917 = arith.addi %div3A_206, %add3A_2916 : vector<16xi32>
      %gather3A_2918 = tpu.vector_load_idx %arg7[%add3A_2917, %gather3A_207] : memref<32x1000xf32, #tpu.memory_space<vmem>>[vector<16xi32>, vector<16xi32>], vector<16xf32>,
      %add3A_2919 = arith.constant 24 : i32
      %add3A_2920 = vector.broadcast %add3A_2919 : i32 to vector<16xi32>
      %add3A_2921 = arith.addi %div3A_206, %add3A_2920 : vector<16xi32>
      tpu.vector_store_idx %arg9[%add3A_2921, %rem3A_203], %gather3A_2918 : memref<32x100xf32, #tpu.memory_space<vmem>>[vector<16xi32>, vector<16xi32>], vector<16xf32>,
      %add3A_2922 = arith.constant 24 : i32
      %add3A_2923 = vector.broadcast %add3A_2922 : i32 to vector<16xi32>
      %add3A_2924 = arith.addi %div3A_217, %add3A_2923 : vector<16xi32>
      %gather3A_2925 = tpu.vector_load_idx %arg7[%add3A_2924, %gather3A_218] : memref<32x1000xf32, #tpu.memory_space<vmem>>[vector<16xi32>, vector<16xi32>], vector<16xf32>,
      %add3A_2926 = arith.constant 24 : i32
      %add3A_2927 = vector.broadcast %add3A_2926 : i32 to vector<16xi32>
      %add3A_2928 = arith.addi %div3A_217, %add3A_2927 : vector<16xi32>
      tpu.vector_store_idx %arg9[%add3A_2928, %rem3A_214], %gather3A_2925 : memref<32x100xf32, #tpu.memory_space<vmem>>[vector<16xi32>, vector<16xi32>], vector<16xf32>,
      %add3A_2929 = arith.constant 24 : i32
      %add3A_2930 = vector.broadcast %add3A_2929 : i32 to vector<16xi32>
      %add3A_2931 = arith.addi %div3A_228, %add3A_2930 : vector<16xi32>
      %gather3A_2932 = tpu.vector_load_idx %arg7[%add3A_2931, %gather3A_229] : memref<32x1000xf32, #tpu.memory_space<vmem>>[vector<16xi32>, vector<16xi32>], vector<16xf32>,
      %add3A_2933 = arith.constant 24 : i32
      %add3A_2934 = vector.broadcast %add3A_2933 : i32 to vector<16xi32>
      %add3A_2935 = arith.addi %div3A_228, %add3A_2934 : vector<16xi32>
      tpu.vector_store_idx %arg9[%add3A_2935, %rem3A_225], %gather3A_2932 : memref<32x100xf32, #tpu.memory_space<vmem>>[vector<16xi32>, vector<16xi32>], vector<16xf32>,
      %add3A_2936 = arith.constant 24 : i32
      %add3A_2937 = vector.broadcast %add3A_2936 : i32 to vector<16xi32>
      %add3A_2938 = arith.addi %div3A_239, %add3A_2937 : vector<16xi32>
      %gather3A_2939 = tpu.vector_load_idx %arg7[%add3A_2938, %gather3A_240] : memref<32x1000xf32, #tpu.memory_space<vmem>>[vector<16xi32>, vector<16xi32>], vector<16xf32>,
      %add3A_2940 = arith.constant 24 : i32
      %add3A_2941 = vector.broadcast %add3A_2940 : i32 to vector<16xi32>
      %add3A_2942 = arith.addi %div3A_239, %add3A_2941 : vector<16xi32>
      tpu.vector_store_idx %arg9[%add3A_2942, %rem3A_236], %gather3A_2939 : memref<32x100xf32, #tpu.memory_space<vmem>>[vector<16xi32>, vector<16xi32>], vector<16xf32>,
      %add3A_2943 = arith.constant 24 : i32
      %add3A_2944 = vector.broadcast %add3A_2943 : i32 to vector<16xi32>
      %add3A_2945 = arith.addi %div3A_250, %add3A_2944 : vector<16xi32>
      %gather3A_2946 = tpu.vector_load_idx %arg7[%add3A_2945, %gather3A_251] : memref<32x1000xf32, #tpu.memory_space<vmem>>[vector<16xi32>, vector<16xi32>], vector<16xf32>,
      %add3A_2947 = arith.constant 24 : i32
      %add3A_2948 = vector.broadcast %add3A_2947 : i32 to vector<16xi32>
      %add3A_2949 = arith.addi %div3A_250, %add3A_2948 : vector<16xi32>
      tpu.vector_store_idx %arg9[%add3A_2949, %rem3A_247], %gather3A_2946 : memref<32x100xf32, #tpu.memory_space<vmem>>[vector<16xi32>, vector<16xi32>], vector<16xf32>,
      %add3A_2950 = arith.constant 24 : i32
      %add3A_2951 = vector.broadcast %add3A_2950 : i32 to vector<16xi32>
      %add3A_2952 = arith.addi %div3A_261, %add3A_2951 : vector<16xi32>
      %gather3A_2953 = tpu.vector_load_idx %arg7[%add3A_2952, %gather3A_262] : memref<32x1000xf32, #tpu.memory_space<vmem>>[vector<16xi32>, vector<16xi32>], vector<16xf32>,
      %add3A_2954 = arith.constant 24 : i32
      %add3A_2955 = vector.broadcast %add3A_2954 : i32 to vector<16xi32>
      %add3A_2956 = arith.addi %div3A_261, %add3A_2955 : vector<16xi32>
      tpu.vector_store_idx %arg9[%add3A_2956, %rem3A_258], %gather3A_2953 : memref<32x100xf32, #tpu.memory_space<vmem>>[vector<16xi32>, vector<16xi32>], vector<16xf32>,
      %add3A_2957 = arith.constant 24 : i32
      %add3A_2958 = vector.broadcast %add3A_2957 : i32 to vector<16xi32>
      %add3A_2959 = arith.addi %div3A_272, %add3A_2958 : vector<16xi32>
      %gather3A_2960 = tpu.vector_load_idx %arg7[%add3A_2959, %gather3A_273] : memref<32x1000xf32, #tpu.memory_space<vmem>>[vector<16xi32>, vector<16xi32>], vector<16xf32>,
      %add3A_2961 = arith.constant 24 : i32
      %add3A_2962 = vector.broadcast %add3A_2961 : i32 to vector<16xi32>
      %add3A_2963 = arith.addi %div3A_272, %add3A_2962 : vector<16xi32>
      tpu.vector_store_idx %arg9[%add3A_2963, %rem3A_269], %gather3A_2960 : memref<32x100xf32, #tpu.memory_space<vmem>>[vector<16xi32>, vector<16xi32>], vector<16xf32>,
      %add3A_2964 = arith.constant 28 : i32
      %add3A_2965 = vector.broadcast %add3A_2964 : i32 to vector<16xi32>
      %add3A_2966 = arith.addi %div3A_9, %add3A_2965 : vector<16xi32>
      %gather3A_2967 = tpu.vector_load_idx %arg7[%add3A_2966, %gather3A] : memref<32x1000xf32, #tpu.memory_space<vmem>>[vector<16xi32>, vector<16xi32>], vector<16xf32>,
      %add3A_2968 = arith.constant 28 : i32
      %add3A_2969 = vector.broadcast %add3A_2968 : i32 to vector<16xi32>
      %add3A_2970 = arith.addi %div3A_9, %add3A_2969 : vector<16xi32>
      tpu.vector_store_idx %arg9[%add3A_2970, %rem3A_7], %gather3A_2967 : memref<32x100xf32, #tpu.memory_space<vmem>>[vector<16xi32>, vector<16xi32>], vector<16xf32>,
      %add3A_2971 = arith.constant 28 : i32
      %add3A_2972 = vector.broadcast %add3A_2971 : i32 to vector<16xi32>
      %add3A_2973 = arith.addi %div3A_19, %add3A_2972 : vector<16xi32>
      %gather3A_2974 = tpu.vector_load_idx %arg7[%add3A_2973, %gather3A_20] : memref<32x1000xf32, #tpu.memory_space<vmem>>[vector<16xi32>, vector<16xi32>], vector<16xf32>,
      %add3A_2975 = arith.constant 28 : i32
      %add3A_2976 = vector.broadcast %add3A_2975 : i32 to vector<16xi32>
      %add3A_2977 = arith.addi %div3A_19, %add3A_2976 : vector<16xi32>
      tpu.vector_store_idx %arg9[%add3A_2977, %rem3A_16], %gather3A_2974 : memref<32x100xf32, #tpu.memory_space<vmem>>[vector<16xi32>, vector<16xi32>], vector<16xf32>,
      %add3A_2978 = arith.constant 28 : i32
      %add3A_2979 = vector.broadcast %add3A_2978 : i32 to vector<16xi32>
      %add3A_2980 = arith.addi %div3A_30, %add3A_2979 : vector<16xi32>
      %gather3A_2981 = tpu.vector_load_idx %arg7[%add3A_2980, %gather3A_31] : memref<32x1000xf32, #tpu.memory_space<vmem>>[vector<16xi32>, vector<16xi32>], vector<16xf32>,
      %add3A_2982 = arith.constant 28 : i32
      %add3A_2983 = vector.broadcast %add3A_2982 : i32 to vector<16xi32>
      %add3A_2984 = arith.addi %div3A_30, %add3A_2983 : vector<16xi32>
      tpu.vector_store_idx %arg9[%add3A_2984, %rem3A_27], %gather3A_2981 : memref<32x100xf32, #tpu.memory_space<vmem>>[vector<16xi32>, vector<16xi32>], vector<16xf32>,
      %add3A_2985 = arith.constant 28 : i32
      %add3A_2986 = vector.broadcast %add3A_2985 : i32 to vector<16xi32>
      %add3A_2987 = arith.addi %div3A_41, %add3A_2986 : vector<16xi32>
      %gather3A_2988 = tpu.vector_load_idx %arg7[%add3A_2987, %gather3A_42] : memref<32x1000xf32, #tpu.memory_space<vmem>>[vector<16xi32>, vector<16xi32>], vector<16xf32>,
      %add3A_2989 = arith.constant 28 : i32
      %add3A_2990 = vector.broadcast %add3A_2989 : i32 to vector<16xi32>
      %add3A_2991 = arith.addi %div3A_41, %add3A_2990 : vector<16xi32>
      tpu.vector_store_idx %arg9[%add3A_2991, %rem3A_38], %gather3A_2988 : memref<32x100xf32, #tpu.memory_space<vmem>>[vector<16xi32>, vector<16xi32>], vector<16xf32>,
      %add3A_2992 = arith.constant 28 : i32
      %add3A_2993 = vector.broadcast %add3A_2992 : i32 to vector<16xi32>
      %add3A_2994 = arith.addi %div3A_52, %add3A_2993 : vector<16xi32>
      %gather3A_2995 = tpu.vector_load_idx %arg7[%add3A_2994, %gather3A_53] : memref<32x1000xf32, #tpu.memory_space<vmem>>[vector<16xi32>, vector<16xi32>], vector<16xf32>,
      %add3A_2996 = arith.constant 28 : i32
      %add3A_2997 = vector.broadcast %add3A_2996 : i32 to vector<16xi32>
      %add3A_2998 = arith.addi %div3A_52, %add3A_2997 : vector<16xi32>
      tpu.vector_store_idx %arg9[%add3A_2998, %rem3A_49], %gather3A_2995 : memref<32x100xf32, #tpu.memory_space<vmem>>[vector<16xi32>, vector<16xi32>], vector<16xf32>,
      %add3A_2999 = arith.constant 28 : i32
      %add3A_3000 = vector.broadcast %add3A_2999 : i32 to vector<16xi32>
      %add3A_3001 = arith.addi %div3A_63, %add3A_3000 : vector<16xi32>
      %gather3A_3002 = tpu.vector_load_idx %arg7[%add3A_3001, %gather3A_64] : memref<32x1000xf32, #tpu.memory_space<vmem>>[vector<16xi32>, vector<16xi32>], vector<16xf32>,
      %add3A_3003 = arith.constant 28 : i32
      %add3A_3004 = vector.broadcast %add3A_3003 : i32 to vector<16xi32>
      %add3A_3005 = arith.addi %div3A_63, %add3A_3004 : vector<16xi32>
      tpu.vector_store_idx %arg9[%add3A_3005, %rem3A_60], %gather3A_3002 : memref<32x100xf32, #tpu.memory_space<vmem>>[vector<16xi32>, vector<16xi32>], vector<16xf32>,
      %add3A_3006 = arith.constant 28 : i32
      %add3A_3007 = vector.broadcast %add3A_3006 : i32 to vector<16xi32>
      %add3A_3008 = arith.addi %div3A_74, %add3A_3007 : vector<16xi32>
      %gather3A_3009 = tpu.vector_load_idx %arg7[%add3A_3008, %gather3A_75] : memref<32x1000xf32, #tpu.memory_space<vmem>>[vector<16xi32>, vector<16xi32>], vector<16xf32>,
      %add3A_3010 = arith.constant 28 : i32
      %add3A_3011 = vector.broadcast %add3A_3010 : i32 to vector<16xi32>
      %add3A_3012 = arith.addi %div3A_74, %add3A_3011 : vector<16xi32>
      tpu.vector_store_idx %arg9[%add3A_3012, %rem3A_71], %gather3A_3009 : memref<32x100xf32, #tpu.memory_space<vmem>>[vector<16xi32>, vector<16xi32>], vector<16xf32>,
      %add3A_3013 = arith.constant 28 : i32
      %add3A_3014 = vector.broadcast %add3A_3013 : i32 to vector<16xi32>
      %add3A_3015 = arith.addi %div3A_85, %add3A_3014 : vector<16xi32>
      %gather3A_3016 = tpu.vector_load_idx %arg7[%add3A_3015, %gather3A_86] : memref<32x1000xf32, #tpu.memory_space<vmem>>[vector<16xi32>, vector<16xi32>], vector<16xf32>,
      %add3A_3017 = arith.constant 28 : i32
      %add3A_3018 = vector.broadcast %add3A_3017 : i32 to vector<16xi32>
      %add3A_3019 = arith.addi %div3A_85, %add3A_3018 : vector<16xi32>
      tpu.vector_store_idx %arg9[%add3A_3019, %rem3A_82], %gather3A_3016 : memref<32x100xf32, #tpu.memory_space<vmem>>[vector<16xi32>, vector<16xi32>], vector<16xf32>,
      %add3A_3020 = arith.constant 28 : i32
      %add3A_3021 = vector.broadcast %add3A_3020 : i32 to vector<16xi32>
      %add3A_3022 = arith.addi %div3A_96, %add3A_3021 : vector<16xi32>
      %gather3A_3023 = tpu.vector_load_idx %arg7[%add3A_3022, %gather3A_97] : memref<32x1000xf32, #tpu.memory_space<vmem>>[vector<16xi32>, vector<16xi32>], vector<16xf32>,
      %add3A_3024 = arith.constant 28 : i32
      %add3A_3025 = vector.broadcast %add3A_3024 : i32 to vector<16xi32>
      %add3A_3026 = arith.addi %div3A_96, %add3A_3025 : vector<16xi32>
      tpu.vector_store_idx %arg9[%add3A_3026, %rem3A_93], %gather3A_3023 : memref<32x100xf32, #tpu.memory_space<vmem>>[vector<16xi32>, vector<16xi32>], vector<16xf32>,
      %add3A_3027 = arith.constant 28 : i32
      %add3A_3028 = vector.broadcast %add3A_3027 : i32 to vector<16xi32>
      %add3A_3029 = arith.addi %div3A_107, %add3A_3028 : vector<16xi32>
      %gather3A_3030 = tpu.vector_load_idx %arg7[%add3A_3029, %gather3A_108] : memref<32x1000xf32, #tpu.memory_space<vmem>>[vector<16xi32>, vector<16xi32>], vector<16xf32>,
      %add3A_3031 = arith.constant 28 : i32
      %add3A_3032 = vector.broadcast %add3A_3031 : i32 to vector<16xi32>
      %add3A_3033 = arith.addi %div3A_107, %add3A_3032 : vector<16xi32>
      tpu.vector_store_idx %arg9[%add3A_3033, %rem3A_104], %gather3A_3030 : memref<32x100xf32, #tpu.memory_space<vmem>>[vector<16xi32>, vector<16xi32>], vector<16xf32>,
      %add3A_3034 = arith.constant 28 : i32
      %add3A_3035 = vector.broadcast %add3A_3034 : i32 to vector<16xi32>
      %add3A_3036 = arith.addi %div3A_118, %add3A_3035 : vector<16xi32>
      %gather3A_3037 = tpu.vector_load_idx %arg7[%add3A_3036, %gather3A_119] : memref<32x1000xf32, #tpu.memory_space<vmem>>[vector<16xi32>, vector<16xi32>], vector<16xf32>,
      %add3A_3038 = arith.constant 28 : i32
      %add3A_3039 = vector.broadcast %add3A_3038 : i32 to vector<16xi32>
      %add3A_3040 = arith.addi %div3A_118, %add3A_3039 : vector<16xi32>
      tpu.vector_store_idx %arg9[%add3A_3040, %rem3A_115], %gather3A_3037 : memref<32x100xf32, #tpu.memory_space<vmem>>[vector<16xi32>, vector<16xi32>], vector<16xf32>,
      %add3A_3041 = arith.constant 28 : i32
      %add3A_3042 = vector.broadcast %add3A_3041 : i32 to vector<16xi32>
      %add3A_3043 = arith.addi %div3A_129, %add3A_3042 : vector<16xi32>
      %gather3A_3044 = tpu.vector_load_idx %arg7[%add3A_3043, %gather3A_130] : memref<32x1000xf32, #tpu.memory_space<vmem>>[vector<16xi32>, vector<16xi32>], vector<16xf32>,
      %add3A_3045 = arith.constant 28 : i32
      %add3A_3046 = vector.broadcast %add3A_3045 : i32 to vector<16xi32>
      %add3A_3047 = arith.addi %div3A_129, %add3A_3046 : vector<16xi32>
      tpu.vector_store_idx %arg9[%add3A_3047, %rem3A_126], %gather3A_3044 : memref<32x100xf32, #tpu.memory_space<vmem>>[vector<16xi32>, vector<16xi32>], vector<16xf32>,
      %add3A_3048 = arith.constant 28 : i32
      %add3A_3049 = vector.broadcast %add3A_3048 : i32 to vector<16xi32>
      %add3A_3050 = arith.addi %div3A_140, %add3A_3049 : vector<16xi32>
      %gather3A_3051 = tpu.vector_load_idx %arg7[%add3A_3050, %gather3A_141] : memref<32x1000xf32, #tpu.memory_space<vmem>>[vector<16xi32>, vector<16xi32>], vector<16xf32>,
      %add3A_3052 = arith.constant 28 : i32
      %add3A_3053 = vector.broadcast %add3A_3052 : i32 to vector<16xi32>
      %add3A_3054 = arith.addi %div3A_140, %add3A_3053 : vector<16xi32>
      tpu.vector_store_idx %arg9[%add3A_3054, %rem3A_137], %gather3A_3051 : memref<32x100xf32, #tpu.memory_space<vmem>>[vector<16xi32>, vector<16xi32>], vector<16xf32>,
      %add3A_3055 = arith.constant 28 : i32
      %add3A_3056 = vector.broadcast %add3A_3055 : i32 to vector<16xi32>
      %add3A_3057 = arith.addi %div3A_151, %add3A_3056 : vector<16xi32>
      %gather3A_3058 = tpu.vector_load_idx %arg7[%add3A_3057, %gather3A_152] : memref<32x1000xf32, #tpu.memory_space<vmem>>[vector<16xi32>, vector<16xi32>], vector<16xf32>,
      %add3A_3059 = arith.constant 28 : i32
      %add3A_3060 = vector.broadcast %add3A_3059 : i32 to vector<16xi32>
      %add3A_3061 = arith.addi %div3A_151, %add3A_3060 : vector<16xi32>
      tpu.vector_store_idx %arg9[%add3A_3061, %rem3A_148], %gather3A_3058 : memref<32x100xf32, #tpu.memory_space<vmem>>[vector<16xi32>, vector<16xi32>], vector<16xf32>,
      %add3A_3062 = arith.constant 28 : i32
      %add3A_3063 = vector.broadcast %add3A_3062 : i32 to vector<16xi32>
      %add3A_3064 = arith.addi %div3A_162, %add3A_3063 : vector<16xi32>
      %gather3A_3065 = tpu.vector_load_idx %arg7[%add3A_3064, %gather3A_163] : memref<32x1000xf32, #tpu.memory_space<vmem>>[vector<16xi32>, vector<16xi32>], vector<16xf32>,
      %add3A_3066 = arith.constant 28 : i32
      %add3A_3067 = vector.broadcast %add3A_3066 : i32 to vector<16xi32>
      %add3A_3068 = arith.addi %div3A_162, %add3A_3067 : vector<16xi32>
      tpu.vector_store_idx %arg9[%add3A_3068, %rem3A_159], %gather3A_3065 : memref<32x100xf32, #tpu.memory_space<vmem>>[vector<16xi32>, vector<16xi32>], vector<16xf32>,
      %add3A_3069 = arith.constant 28 : i32
      %add3A_3070 = vector.broadcast %add3A_3069 : i32 to vector<16xi32>
      %add3A_3071 = arith.addi %div3A_173, %add3A_3070 : vector<16xi32>
      %gather3A_3072 = tpu.vector_load_idx %arg7[%add3A_3071, %gather3A_174] : memref<32x1000xf32, #tpu.memory_space<vmem>>[vector<16xi32>, vector<16xi32>], vector<16xf32>,
      %add3A_3073 = arith.constant 28 : i32
      %add3A_3074 = vector.broadcast %add3A_3073 : i32 to vector<16xi32>
      %add3A_3075 = arith.addi %div3A_173, %add3A_3074 : vector<16xi32>
      tpu.vector_store_idx %arg9[%add3A_3075, %rem3A_170], %gather3A_3072 : memref<32x100xf32, #tpu.memory_space<vmem>>[vector<16xi32>, vector<16xi32>], vector<16xf32>,
      %add3A_3076 = arith.constant 28 : i32
      %add3A_3077 = vector.broadcast %add3A_3076 : i32 to vector<16xi32>
      %add3A_3078 = arith.addi %div3A_184, %add3A_3077 : vector<16xi32>
      %gather3A_3079 = tpu.vector_load_idx %arg7[%add3A_3078, %gather3A_185] : memref<32x1000xf32, #tpu.memory_space<vmem>>[vector<16xi32>, vector<16xi32>], vector<16xf32>,
      %add3A_3080 = arith.constant 28 : i32
      %add3A_3081 = vector.broadcast %add3A_3080 : i32 to vector<16xi32>
      %add3A_3082 = arith.addi %div3A_184, %add3A_3081 : vector<16xi32>
      tpu.vector_store_idx %arg9[%add3A_3082, %rem3A_181], %gather3A_3079 : memref<32x100xf32, #tpu.memory_space<vmem>>[vector<16xi32>, vector<16xi32>], vector<16xf32>,
      %add3A_3083 = arith.constant 28 : i32
      %add3A_3084 = vector.broadcast %add3A_3083 : i32 to vector<16xi32>
      %add3A_3085 = arith.addi %div3A_195, %add3A_3084 : vector<16xi32>
      %gather3A_3086 = tpu.vector_load_idx %arg7[%add3A_3085, %gather3A_196] : memref<32x1000xf32, #tpu.memory_space<vmem>>[vector<16xi32>, vector<16xi32>], vector<16xf32>,
      %add3A_3087 = arith.constant 28 : i32
      %add3A_3088 = vector.broadcast %add3A_3087 : i32 to vector<16xi32>
      %add3A_3089 = arith.addi %div3A_195, %add3A_3088 : vector<16xi32>
      tpu.vector_store_idx %arg9[%add3A_3089, %rem3A_192], %gather3A_3086 : memref<32x100xf32, #tpu.memory_space<vmem>>[vector<16xi32>, vector<16xi32>], vector<16xf32>,
      %add3A_3090 = arith.constant 28 : i32
      %add3A_3091 = vector.broadcast %add3A_3090 : i32 to vector<16xi32>
      %add3A_3092 = arith.addi %div3A_206, %add3A_3091 : vector<16xi32>
      %gather3A_3093 = tpu.vector_load_idx %arg7[%add3A_3092, %gather3A_207] : memref<32x1000xf32, #tpu.memory_space<vmem>>[vector<16xi32>, vector<16xi32>], vector<16xf32>,
      %add3A_3094 = arith.constant 28 : i32
      %add3A_3095 = vector.broadcast %add3A_3094 : i32 to vector<16xi32>
      %add3A_3096 = arith.addi %div3A_206, %add3A_3095 : vector<16xi32>
      tpu.vector_store_idx %arg9[%add3A_3096, %rem3A_203], %gather3A_3093 : memref<32x100xf32, #tpu.memory_space<vmem>>[vector<16xi32>, vector<16xi32>], vector<16xf32>,
      %add3A_3097 = arith.constant 28 : i32
      %add3A_3098 = vector.broadcast %add3A_3097 : i32 to vector<16xi32>
      %add3A_3099 = arith.addi %div3A_217, %add3A_3098 : vector<16xi32>
      %gather3A_3100 = tpu.vector_load_idx %arg7[%add3A_3099, %gather3A_218] : memref<32x1000xf32, #tpu.memory_space<vmem>>[vector<16xi32>, vector<16xi32>], vector<16xf32>,
      %add3A_3101 = arith.constant 28 : i32
      %add3A_3102 = vector.broadcast %add3A_3101 : i32 to vector<16xi32>
      %add3A_3103 = arith.addi %div3A_217, %add3A_3102 : vector<16xi32>
      tpu.vector_store_idx %arg9[%add3A_3103, %rem3A_214], %gather3A_3100 : memref<32x100xf32, #tpu.memory_space<vmem>>[vector<16xi32>, vector<16xi32>], vector<16xf32>,
      %add3A_3104 = arith.constant 28 : i32
      %add3A_3105 = vector.broadcast %add3A_3104 : i32 to vector<16xi32>
      %add3A_3106 = arith.addi %div3A_228, %add3A_3105 : vector<16xi32>
      %gather3A_3107 = tpu.vector_load_idx %arg7[%add3A_3106, %gather3A_229] : memref<32x1000xf32, #tpu.memory_space<vmem>>[vector<16xi32>, vector<16xi32>], vector<16xf32>,
      %add3A_3108 = arith.constant 28 : i32
      %add3A_3109 = vector.broadcast %add3A_3108 : i32 to vector<16xi32>
      %add3A_3110 = arith.addi %div3A_228, %add3A_3109 : vector<16xi32>
      tpu.vector_store_idx %arg9[%add3A_3110, %rem3A_225], %gather3A_3107 : memref<32x100xf32, #tpu.memory_space<vmem>>[vector<16xi32>, vector<16xi32>], vector<16xf32>,
      %add3A_3111 = arith.constant 28 : i32
      %add3A_3112 = vector.broadcast %add3A_3111 : i32 to vector<16xi32>
      %add3A_3113 = arith.addi %div3A_239, %add3A_3112 : vector<16xi32>
      %gather3A_3114 = tpu.vector_load_idx %arg7[%add3A_3113, %gather3A_240] : memref<32x1000xf32, #tpu.memory_space<vmem>>[vector<16xi32>, vector<16xi32>], vector<16xf32>,
      %add3A_3115 = arith.constant 28 : i32
      %add3A_3116 = vector.broadcast %add3A_3115 : i32 to vector<16xi32>
      %add3A_3117 = arith.addi %div3A_239, %add3A_3116 : vector<16xi32>
      tpu.vector_store_idx %arg9[%add3A_3117, %rem3A_236], %gather3A_3114 : memref<32x100xf32, #tpu.memory_space<vmem>>[vector<16xi32>, vector<16xi32>], vector<16xf32>,
      %add3A_3118 = arith.constant 28 : i32
      %add3A_3119 = vector.broadcast %add3A_3118 : i32 to vector<16xi32>
      %add3A_3120 = arith.addi %div3A_250, %add3A_3119 : vector<16xi32>
      %gather3A_3121 = tpu.vector_load_idx %arg7[%add3A_3120, %gather3A_251] : memref<32x1000xf32, #tpu.memory_space<vmem>>[vector<16xi32>, vector<16xi32>], vector<16xf32>,
      %add3A_3122 = arith.constant 28 : i32
      %add3A_3123 = vector.broadcast %add3A_3122 : i32 to vector<16xi32>
      %add3A_3124 = arith.addi %div3A_250, %add3A_3123 : vector<16xi32>
      tpu.vector_store_idx %arg9[%add3A_3124, %rem3A_247], %gather3A_3121 : memref<32x100xf32, #tpu.memory_space<vmem>>[vector<16xi32>, vector<16xi32>], vector<16xf32>,
      %add3A_3125 = arith.constant 28 : i32
      %add3A_3126 = vector.broadcast %add3A_3125 : i32 to vector<16xi32>
      %add3A_3127 = arith.addi %div3A_261, %add3A_3126 : vector<16xi32>
      %gather3A_3128 = tpu.vector_load_idx %arg7[%add3A_3127, %gather3A_262] : memref<32x1000xf32, #tpu.memory_space<vmem>>[vector<16xi32>, vector<16xi32>], vector<16xf32>,
      %add3A_3129 = arith.constant 28 : i32
      %add3A_3130 = vector.broadcast %add3A_3129 : i32 to vector<16xi32>
      %add3A_3131 = arith.addi %div3A_261, %add3A_3130 : vector<16xi32>
      tpu.vector_store_idx %arg9[%add3A_3131, %rem3A_258], %gather3A_3128 : memref<32x100xf32, #tpu.memory_space<vmem>>[vector<16xi32>, vector<16xi32>], vector<16xf32>,
      %add3A_3132 = arith.constant 28 : i32
      %add3A_3133 = vector.broadcast %add3A_3132 : i32 to vector<16xi32>
      %add3A_3134 = arith.addi %div3A_272, %add3A_3133 : vector<16xi32>
      %gather3A_3135 = tpu.vector_load_idx %arg7[%add3A_3134, %gather3A_273] : memref<32x1000xf32, #tpu.memory_space<vmem>>[vector<16xi32>, vector<16xi32>], vector<16xf32>,
      %add3A_3136 = arith.constant 28 : i32
      %add3A_3137 = vector.broadcast %add3A_3136 : i32 to vector<16xi32>
      %add3A_3138 = arith.addi %div3A_272, %add3A_3137 : vector<16xi32>
      tpu.vector_store_idx %arg9[%add3A_3138, %rem3A_269], %gather3A_3135 : memref<32x100xf32, #tpu.memory_space<vmem>>[vector<16xi32>, vector<16xi32>], vector<16xf32>,
      %mul3A_3139 = arith.constant 2 : i32
      %mul3A_3140 = arith.muli %mul3A_3139, %scan3A_295 : i32
      %add3A_3141 = arith.constant 1 : i32
      %add3A_3142 = arith.addi %mul3A_3140, %add3A_3141 : i32
      %mul3A_3143 = arith.constant 32 : i32
      %mul3A_3144 = arith.muli %add3A_3142, %mul3A_3143 : i32
      %add3A_3145 = arith.addi %mul3A_2, %mul3A_3144 : i32
      %dma_start3A_3146 = arith.constant 0 : i32
      %dma_start3A_3147 = tpu.memref_slice %arg4[%add3A_3145, %dma_start3A_3146] : memref<16384x100xf32, #tpu.memory_space<hbm>> -> memref<32x100xf32, #tpu.memory_space<hbm>>
      %dma_start3A_3148 = arith.constant 0 : i32
      %dma_start3A_3149 = tpu.memref_slice %arg4[%add3A_3145, %dma_start3A_3148] : memref<16384x100xf32, #tpu.memory_space<hbm>> -> memref<32x100xf32, #tpu.memory_space<hbm>>
      tpu.enqueue_dma source(%arg9 : memref<32x100xf32, #tpu.memory_space<vmem>>) target(%dma_start3A_3149 : memref<32x100xf32, #tpu.memory_space<hbm>>) target_semaphore(%arg13 : memref<!tpu.dma_semaphore, #tpu.memory_space<semaphore_mem>>)
    }
    %scan3A_283 = arith.constant 8 : i32
    %dma_wait3A = arith.constant 0 : i32
    %dma_wait3A_284 = arith.constant 0 : i32
    %dma_wait3A_285 = tpu.memref_slice %arg4[%dma_wait3A, %dma_wait3A_284] : memref<16384x100xf32, #tpu.memory_space<hbm>> -> memref<32x100xf32, #tpu.memory_space<hbm>>
    %dma_wait3A_286 = arith.constant 0 : i32
    %dma_wait3A_287 = arith.constant 0 : i32
    %dma_wait3A_288 = tpu.memref_slice %arg4[%dma_wait3A_286, %dma_wait3A_287] : memref<16384x100xf32, #tpu.memory_space<hbm>> -> memref<32x100xf32, #tpu.memory_space<hbm>>
    tpu.wait_dma2 semaphore(%arg12 : memref<!tpu.dma_semaphore, #tpu.memory_space<semaphore_mem>>) src(%arg8 : memref<32x100xf32, #tpu.memory_space<vmem>>) dst(%dma_wait3A_288 : memref<32x100xf32, #tpu.memory_space<hbm>>)
    %dma_wait3A_289 = arith.constant 0 : i32
    %dma_wait3A_290 = arith.constant 0 : i32
    %dma_wait3A_291 = tpu.memref_slice %arg4[%dma_wait3A_289, %dma_wait3A_290] : memref<16384x100xf32, #tpu.memory_space<hbm>> -> memref<32x100xf32, #tpu.memory_space<hbm>>
    %dma_wait3A_292 = arith.constant 0 : i32
    %dma_wait3A_293 = arith.constant 0 : i32
    %dma_wait3A_294 = tpu.memref_slice %arg4[%dma_wait3A_292, %dma_wait3A_293] : memref<16384x100xf32, #tpu.memory_space<hbm>> -> memref<32x100xf32, #tpu.memory_space<hbm>>
    tpu.wait_dma2 semaphore(%arg13 : memref<!tpu.dma_semaphore, #tpu.memory_space<semaphore_mem>>) src(%arg9 : memref<32x100xf32, #tpu.memory_space<vmem>>) dst(%dma_wait3A_294 : memref<32x100xf32, #tpu.memory_space<hbm>>)
    return
  }
}

</mosaic_0001>

<sc_bundles>
// kernel: kernel.3.cloned.1.call-start
scs
__scs_entry_jumppad:
0x0: {  	(pc) =	sbr.rel $0x88, $3  }
0x1: {  	(tag) =	ssettag $0x0;
	lr =	simm.s32 $0x1  }
0x2: {  	[smem:$0x3F9F] =	sst lr;
	_ =	strace $0xD0000000  }
0x3: {  	_ = 	snop  }
0x4: {  	_ = 	snop  }
0x5: {  	_ = 	snop  }
0x6: {  	_ = 	snop  }
0x7: {  	_ = 	snop  }
__scs_overlays_trampoline_lowered:
0x8: {  	[smem:$0x3FAE] =	sst s0  }
0x9: {  	[smem:$0x3FAF] =	sst s1  }
0xa: {  	[smem:$0x3FB0] =	sst s2  }
0xb: {  	[smem:$0x3FB1] =	sst s3  }
0xc: {  	[smem:$0x3FB2] =	sst s4  }
0xd: {  	[smem:$0x3FB3] =	sst s5  }
0xe: {  	[smem:$0x3FB4] =	sst s6  }
0xf: {  	[smem:$0x3FB5] =	sst s7  }
0x10: {  	[smem:$0x3FB6] =	sst s8  }
0x11: {  	[smem:$0x3FB7] =	sst s9;
	s0 =	simm.s32 @!p0 $0x0  }
0x12: {  	s1 =	sld [smem:$0x3F9D];
	s0 =	simm.s32 @p0 $0x1  }
0x13: {  	[smem:$0x3FB8] =	sst s0;
	s0 =	simm.s32 @!p1 $0x0  }
0x14: {  	s2 =	sld [smem:$0x3F9C];
	s0 =	simm.s32 @p1 $0x1  }
0x15: {  	[smem:$0x3FB9] =	sst s0;
	s0 =	simm.s32 @!p2 $0x0  }
0x16: {  	s3 =	sld [smem:$0x3FDB];
	s0 =	simm.s32 @p2 $0x1  }
0x17: {  	s4 =	simm.s32 $0x1BF5;
	[smem:$0x3FBB] =	sst s0  }
0x18: {  	s0 =	sld [smem:$0x3F9E];
	_ =	swait.ge [sflag:s4], $0x0  }
0x19: {  	s7 =	sld [smem:$0x3F9F]  }
0x1a: {  	s8 =	sadd.s32 $0xFFFFE003, lr  }
0x1b: {  	s9 =	sadd.s32 $0xFFFFFEF7, lr;
	s5 =	simm.s32 $0xFFFFFFFF;
	p2 =	slt.u32 s8, $0xFFFFF086  }
0x1c: {  	p1 =	slt.u32 s9, $0xF7A;
	s5 =	simm.s32 @!p2 $0x0  }
0x1d: {  	s5 =	simm.s32 @p1 $0x1;
	p0 =	seq.s32 s7, s2  }
0x1e: {  	s7 =	smul.u32 @!p0 $0xF7A, s2;
	p2 =	seq.s32 @!p0 s5, $0x0  }
0x1f: {  	s9 =	smul.u32 $0xF7A, s1;
	s8 =	simm.s32 @!p0 $0x1BF5;
	p2 =	por !p2, p0  }
0x20: {  	[sflag:s8] =	ssyncset.s32 @!p0 $0xFFFFF086;
	s6 =	sadd.s32 @!p0 s3, s7;
	s7 =	simm.s32 @!p0 $0x108  }
0x21: {  	s3 =	sadd.s32 s3, s9;
	s6 =	sadd.s32 @!p0 $0x88, s6;
	s7 =	simm.s32 @p2 $0x1082  }
0x22: {  	[simem:s7], [sflag:s8] =	dma.local @!p0 [hbm:s6], $0xF7A  }
0x23: {  	s9 =	sor.u32 $0xD0000000, s2;
	s6 =	simm.s32 $0x108;
	_ =	swait.ge @!p0 [sflag:s8], $0x0  }
0x24: {  	s3 =	sadd.s32 $0x88, s3;
	s6 =	simm.s32 @!p1 $0x1082;
	[sflag:s4] =	ssyncset.s32 $0xFFFFF086  }
0x25: {  	[simem:s6], [sflag:s4] =	dma.local [hbm:s3], $0xF7A  }
0x26: {  	[smem:$0x3F9F] =	sst s1;
	(tag) =	ssettag s2;
	_ =	strace s9  }
0x27: {  	s1 =	sld [smem:$0x3FAF]  }
0x28: {  	s2 =	sld [smem:$0x3FB0]  }
0x29: {  	s4 =	sld [smem:$0x3FB2]  }
0x2a: {  	p0 =	seq.s32 s5, $0x0;
	s5 =	sld [smem:$0x3FB3]  }
0x2b: {  	s6 =	sld [smem:$0x3FB4]  }
0x2c: {  	s7 =	sld [smem:$0x3FB5]  }
0x2d: {  	s3 =	simm.s32 $0x108;
	s8 =	sld [smem:$0x3FB6]  }
0x2e: {  	s3 =	simm.s32 @!p0 $0x1082;
	s9 =	sld [smem:$0x3FB7]  }
0x2f: {  	lr =	sadd.s32 s0, s3;
	s0 =	sld [smem:$0x3FAE]  }
0x30: {  	s3 =	sld [smem:$0x3FB1]  }
0x31: {  	[smem:$0x3FBA] =	sst s10  }
0x32: {  	s10 =	sld [smem:$0x3FB8];
	_ =	sdelay $0x3  }
0x33: {  	p0 =	seq.s32 s10, $0x1;
	s10 =	sld [smem:$0x3FBA];
	_ =	sdelay $0x3  }
0x34: {  	[smem:$0x3FBA] =	sst s10  }
0x35: {  	s10 =	sld [smem:$0x3FB9];
	_ =	sdelay $0x3  }
0x36: {  	p1 =	seq.s32 s10, $0x1;
	s10 =	sld [smem:$0x3FBA];
	_ =	sdelay $0x3  }
0x37: {  	[smem:$0x3FBA] =	sst s10  }
0x38: {  	s10 =	sld [smem:$0x3FBB]  }
0x39: {  	_ = 	snop;
	(pc) =	sbr.ind lr, $3  }
0x3a: {  	_ = 	snop  }
0x3b: {  	_ = 	snop  }
0x3c: {  	p2 =	seq.s32 s10, $0x1;
	s10 =	sld [smem:$0x3FBA]  }
0x3d: {  	_ =	shalt  }
0x3e: {  	_ =	shalt  }
0x3f: {  	_ =	shalt  }
0x40: {  	_ =	shalt  }
0x41: {  	_ =	shalt  }
0x42: {  	_ =	shalt  }
0x43: {  	_ =	shalt  }
0x44: {  	_ =	shalt  }
0x45: {  	_ =	shalt  }
0x46: {  	_ =	shalt  }
0x47: {  	_ =	shalt  }
0x48: {  	_ =	shalt  }
0x49: {  	_ =	shalt  }
0x4a: {  	_ =	shalt  }
0x4b: {  	_ =	shalt  }
0x4c: {  	_ =	shalt  }
0x4d: {  	_ =	shalt  }
0x4e: {  	_ =	shalt  }
0x4f: {  	_ =	shalt  }
0x50: {  	_ =	shalt  }
0x51: {  	_ =	shalt  }
0x52: {  	_ =	shalt  }
0x53: {  	_ =	shalt  }
0x54: {  	_ =	shalt  }
0x55: {  	_ =	shalt  }
0x56: {  	_ =	shalt  }
0x57: {  	_ =	shalt  }
0x58: {  	_ =	shalt  }
0x59: {  	_ =	shalt  }
0x5a: {  	_ =	shalt  }
0x5b: {  	_ =	shalt  }
0x5c: {  	_ =	shalt  }
0x5d: {  	_ =	shalt  }
0x5e: {  	_ =	shalt  }
0x5f: {  	_ =	shalt  }
0x60: {  	_ =	shalt  }
0x61: {  	_ =	shalt  }
0x62: {  	_ =	shalt  }
0x63: {  	_ =	shalt  }
0x64: {  	_ =	shalt  }
0x65: {  	_ =	shalt  }
0x66: {  	_ =	shalt  }
0x67: {  	_ =	shalt  }
0x68: {  	_ =	shalt  }
0x69: {  	_ =	shalt  }
0x6a: {  	_ =	shalt  }
0x6b: {  	_ =	shalt  }
0x6c: {  	_ =	shalt  }
0x6d: {  	_ =	shalt  }
0x6e: {  	_ =	shalt  }
0x6f: {  	_ =	shalt  }
0x70: {  	_ =	shalt  }
0x71: {  	_ =	shalt  }
0x72: {  	_ =	shalt  }
0x73: {  	_ =	shalt  }
0x74: {  	_ =	shalt  }
0x75: {  	_ =	shalt  }
0x76: {  	_ =	shalt  }
0x77: {  	_ =	shalt  }
0x78: {  	_ =	shalt  }
0x79: {  	_ =	shalt  }
0x7a: {  	_ =	shalt  }
0x7b: {  	_ =	shalt  }
0x7c: {  	_ =	shalt  }
0x7d: {  	_ =	shalt  }
0x7e: {  	_ =	shalt  }
0x7f: {  	_ =	shalt  }
0x80: {  	_ =	shalt  }
0x81: {  	_ =	shalt  }
0x82: {  	_ =	shalt  }
0x83: {  	_ =	shalt  }
0x84: {  	_ =	shalt  }
0x85: {  	_ =	shalt  }
0x86: {  	_ =	shalt  }
0x87: {  	_ =	shalt  }
.Lfunc_end0:
.L_simem_size_0:
called_computation_lowered:
.L_overlay_start_0:
0x88: {  	s2 =	sld [smem:$0x3FD9]  }
0x89: {  	s3 =	sld [smem:$0x3FFE];
	_ =	sdelay $0x1  }
0x8a: {  	s1 =	srdreg.scid  }
0x8b: {  	s0 =	sand.u32 $0x1, s1  }
0x8c: {  	s17 =	sshll.u32 s0, $0xA;
	s2 =	sadd.s32 s3, s2  }
0x8d: {  	s2 =	sadd.s32 s2, s17  }
0x8e: {  	[smem:$0x3FC6] =	sst s2  }
0x8f: {  	_ = 	snop  }
0x90: {  	s2 =	sld [smem:$0x3FC8];
	(tm) =	ssettm $0x1  }
0x91: {  	s18 =	sld [smem:$0x3FFB];
	_ =	sdelay $0x3  }
0x92: {  	_ =	strace s18  }
0x93: {  	s3 =	sld [smem:$0x3FFC];
	_ =	sdelay $0x3  }
0x94: {  	_ =	strace s3  }
0x95: {  	s3 =	sld [smem:$0x3FFD];
	_ =	sdelay $0x3  }
0x96: {  	_ =	strace s3  }
0x97: {  	_ =	strace $0x8FFFFFFF  }
0x98: {  	s19 =	sld [smem:$0x3FDB];
	_ =	sdelay $0x1  }
0x99: {  	s4 =	simm.s32 $_scs_section_size  }
0x9a: {  	s5 =	simm.s32 $_size__tile_overlayer_lowered;
	s6 =	simm.s32 $_tile_overlayer_lowered  }
0x9b: {  	s22 =	simm.s32 $0x1BFF;
	s21 =	sshll.u32 s6, $0x1;
	s3 =	sadd.s32 s4, s19  }
0x9c: {  	s7 =	simm.s32 $0x0;
	s20 =	sshll.u32 s5, $0x1;
	s5 =	sadd.s32 s21, s3  }
0x9d: {  	[timem:s7], [sflag:s22] =	dma.local [hbm:s5], s20  }
0x9e: {  	_ =	swait.ge [sflag:s22], s20  }
0x9f: {  	s4 =	ssub.s32 $0x0, s20;
	[sflag:s22] =	ssyncset.done $0x0  }
0xa0: {  	[sflag:s22] =	ssyncadd.s32 s4;
	_ =	sdelay $0x1  }
0xa1: {  	s23 =	simm.s32 $0x1B8B  }
0xa2: {  	_ =	swait.ge [sflag:s23], $0x1  }
0xa3: {  	[sflag:s23] =	ssyncset.done $0x0  }
0xa4: {  	s25 =	simm.s32 $0x1B8E;
	s24 =	sld [smem:$0x3FFE];
	[sflag:s23] =	ssyncadd.s32 $0xFFFFFFFF  }
0xa5: {  	s26 =	simm.s32 $execute0_lowered;
	[smem:$0x3FD2] =	sst s25  }
0xa6: {  	s5 =	sshll.u32 s26, $0x1;
	_ =	strace $0x80000046;
	[dreg:$0x1] =	wrdreg $0xFFFFFFFF  }
0xa7: {  	s28 =	simm.s32 $_size_execute0_lowered;
	s3 =	sadd.s32 s3, s5;
	[dreg:$0x0] =	wrdreg $0x0  }
0xa8: {  	s5 =	sshll.u32 s28, $0x1;
	[dreg:$0x2] =	wrdreg s3  }
0xa9: {  	[dreg:$0x3] =	wrdreg s5  }
0xaa: {  	[dreg:$0x4] =	wrdreg $0xC0  }
0xab: {  	_ =	task [dreg:s7], $0x5FFFF  }
0xac: {  	[dreg:$0x1] =	wrdreg $0xFFFFFFFF  }
0xad: {  	[dreg:$0x0] =	wrdreg $0x60  }
0xae: {  	[dreg:$0x2] =	wrdreg s24  }
0xaf: {  	[dreg:$0x3] =	wrdreg s2  }
0xb0: {  	[dreg:$0x4] =	wrdreg $0x9  }
0xb1: {  	_ =	task.clear_ibuf [dreg:s7], $0x5FFFF;
	_ =	strace $0x90000046  }
0xb2: {  	s29 =	simm.s32 $0x9;
	_ =	strace $0x80000048  }
0xb3: {  	_ =	swait.ge [sflag:s29], $0x1  }
0xb4: {  	[sflag:s29] =	ssyncadd.s32 $0xFFFFFFFF  }
0xb5: {  	_ =	strace $0x90000048  }
0xb6: {  	_ =	sfence  }
0xb7: {  	s30 =	sld [smem:$0x0];
	_ =	sdelay $0x2  }
0xb8: {  	s31 =	sshll.u32 s1, $0xD;
	s1 =	sshrl.u32 s1, $0x2  }
0xb9: {  	s3 =	sand.u32 $0x4000, s31;
	s1 =	sadd.s32 s1, s30  }
0xba: {  	s0 =	sor.u32 s3, s0;
	s1 =	sshll.u32 s1, $0x11  }
0xbb: {  	s0 =	sor.u32 s1, s0  }
0xbc: {  	s0 =	sadd.s32 $0x8F2B, s0  }
0xbd: {  	[sflag:s0] =	ssyncadd.remote.s32 $0x1  }
0xbe: {  	_ =	sfence.sel $0xFFFF  }
0xbf: {  	[dreg:$0x0] =	wrdreg $0xFFFFFFFF;
	(pc) =	sbr.abs _section_cstart, $3  }
0xc0: {  	[dreg:$0x1] =	wrdreg $0xFFFFFFFF  }
0xc1: {  	_ =	task.clear_ibuf [dreg:s7], $0x2FFFF;
	_ =	strace $0x9FFFFFFF  }
0xc2: {  	(tm) =	ssettm $0x7FFFFFFF  }
0xc3: {  	_ =	shalt  }
tec
execute0_lowered:
.L_overlay_start_1:
0x0: {  	(tag) =	ssettag $0x1  }
0x1: {  	v1 =	vimm.s32 $0x32107654  }
0x2: {  	v1 =	vunpack.c.l.s4.s8 v1;
	_ =	sdelay $0x1  }
0x3: {  	v2 =	vimm.s32 $0x63626160;
	v1 =	vunpack.c.0.s8.s32 v1  }
0x4: {  	v7 =	vunpack.c.0.s8.s32 v2;
	v2 =	vimm.s32 $0xB0A0908  }
0x5: {  	vm0 =	vcmask $0x2F10;
	v2 =	vunpack.c.0.s8.s32 v2;
	v1 =	vand.u32 $0xF, v1  }
0x6: {  	v1 =	vsel vm0, v1, v7;
	vm0 =	vcmask $0x3F30  }
0x7: {  	v0 =	vlaneseq.u32;
	v1 =	vsel vm0, v2, v1  }
0x8: {  	[tilespmem:$0x1FB60] =	vst v1;
	v1 =	vadd.s32 $0xC, v0  }
0x9: {  	[tilespmem:$0x1FB70] =	vst v1;
	v1 =	vadd.s32 $0x1C, v0  }
0xa: {  	[tilespmem:$0x1FB80] =	vst v1;
	v1 =	vadd.s32 $0x2C, v0  }
0xb: {  	[tilespmem:$0x1FB90] =	vst v1;
	v1 =	vadd.s32 $0x3C, v0  }
0xc: {  	v2 =	vadd.s32 $0x4C, v0;
	[tilespmem:$0x1FBA0] =	vst v1;
	v1 =	vimm.s32 $0x76543210  }
0xd: {  	[tilespmem:$0x1FBB0] =	vst v2;
	v2 =	vimm.s32 $0x5F5E5D5C;
	v1 =	vunpack.c.l.s4.s8 v1  }
0xe: {  	v2 =	vunpack.c.0.s8.s32 v2  }
0xf: {  	vm0 =	vcmask $0x1F10;
	v1 =	vunpack.c.0.s8.s32 v1  }
0x10: {  	v3 =	vimm.s32 $0x3020100;
	v4 =	vimm.s32 $0x5B5A5958;
	v5 =	vsel vm0, v7, v2  }
0x11: {  	v3 =	vunpack.c.0.s8.s32 v3;
	v4 =	vunpack.c.0.s8.s32 v4;
	v1 =	vcombine.low v5, v1;
	_ =	sdelay $0x1  }
0x12: {  	v2 =	vsel vm0, v2, v4;
	[tilespmem:$0x1FBC0] =	vst v1;
	v1 =	vsel vm0, v3, v7  }
0x13: {  	v6 =	vshrl.u32 v0, $0x3;
	v1 =	vcombine.low v2, v1  }
0x14: {  	vm1 =	vcmask $0xF00;
	v57 =	vimm.s32 $0x80;
	v3 =	vmul.u32 $0x80, v6  }
0x15: {  	[tilespmem:$0x1FBE0] =	vst v1;
	v1 =	vsel vm1, $0x0, v57  }
0x16: {  	[tilespmem:$0x1FBF0] =	vst v1;
	v1 =	vadd.s32 $0x80, v3  }
0x17: {  	vm2 =	vcmask $0x2F00;
	[tilespmem:$0x1FC00] =	vst v1;
	v1 =	vimm.s32 $0x180  }
0x18: {  	v2 =	vimm.s32 $0x280;
	v1 =	vsel vm2, $0x100, v1  }
0x19: {  	[tilespmem:$0x1FC10] =	vst v1;
	v1 =	vsel vm1, $0x200, v2  }
0x1a: {  	[tilespmem:$0x1FC20] =	vst v1;
	v1 =	vimm.s32 $0x380  }
0x1b: {  	v1 =	vsel vm2, $0x300, v1  }
0x1c: {  	[tilespmem:$0x1FC40] =	vst v1;
	v1 =	vimm.s32 $0x2080  }
0x1d: {  	v1 =	vsel vm1, $0x2000, v1  }
0x1e: {  	v2 =	vadd.s32 $0x280, v3;
	[tilespmem:$0x1FC50] =	vst v1;
	v1 =	vimm.s32 $0x2180  }
0x1f: {  	[tilespmem:$0x1FC30] =	vst v2;
	v2 =	vimm.s32 $0x2280;
	v1 =	vsel vm2, $0x2100, v1  }
0x20: {  	[tilespmem:$0x1FC70] =	vst v1;
	v1 =	vsel vm1, $0x2200, v2  }
0x21: {  	[tilespmem:$0x1FC80] =	vst v1;
	v1 =	vadd.s32 $0x2280, v3  }
0x22: {  	[tilespmem:$0x1FC90] =	vst v1;
	v1 =	vimm.s32 $0x2380  }
0x23: {  	v2 =	vimm.s32 $0x4080;
	v1 =	vsel vm2, $0x2300, v1  }
0x24: {  	[tilespmem:$0x1FCA0] =	vst v1;
	v1 =	vsel vm1, $0x4000, v2  }
0x25: {  	[tilespmem:$0x1FCB0] =	vst v1;
	v1 =	vimm.s32 $0x4180  }
0x26: {  	v1 =	vsel vm2, $0x4100, v1  }
0x27: {  	[tilespmem:$0x1FCD0] =	vst v1;
	v1 =	vimm.s32 $0x4280  }
0x28: {  	v1 =	vsel vm1, $0x4200, v1  }
0x29: {  	[tilespmem:$0x1FCE0] =	vst v1;
	v1 =	vadd.s32 $0x4280, v3  }
0x2a: {  	[tilespmem:$0x1FCF0] =	vst v1;
	v1 =	vimm.s32 $0x4380  }
0x2b: {  	v1 =	vsel vm2, $0x4300, v1  }
0x2c: {  	v2 =	vadd.s32 $0x4080, v3;
	[tilespmem:$0x1FD00] =	vst v1;
	v1 =	vimm.s32 $0x6080  }
0x2d: {  	v60 =	vimm.s32 $0x8B8A8988;
	v61 =	vimm.s32 $0xDFDEDDDC;
	[tilespmem:$0x1FCC0] =	vst v2;
	v1 =	vsel vm1, $0x6000, v1  }
0x2e: {  	vm12 =	vcmask $0x300;
	v2 =	vimm.s32 $0x6180;
	[tilespmem:$0x1FD10] =	vst v1;
	v1 =	vadd.s32 $0x6080, v3  }
0x2f: {  	vm13 =	vcmask $0x704;
	v62 =	vimm.s32 $0xE3E2E1E0;
	[tilespmem:$0x1FD20] =	vst v1;
	v1 =	vsel vm2, $0x6100, v2  }
0x30: {  	v59 =	vadd.s32 $0x2080, v3;
	v3 =	vadd.s32 $0x6280, v3;
	[tilespmem:$0x1FD30] =	vst v1;
	v1 =	vimm.s32 $0x6280  }
0x31: {  	v2 =	vimm.s32 $0x87868584;
	[tilespmem:$0x1FD50] =	vst v3;
	v3 =	vimm.s32 $0x6380;
	v1 =	vsel vm1, $0x6200, v1  }
0x32: {  	v3 =	vsel vm2, $0x6300, v3;
	[tilespmem:$0x1FD40] =	vst v1;
	v1 =	vunpack.c.0.s8.s32 v2;
	v2 =	vunpack.c.0.s8.s32 v60  }
0x33: {  	vm14 =	vcmask $0xB08;
	vm15 =	vcmask $0xF0C;
	[tilespmem:$0x1FD60] =	vst v3;
	v3 =	vimm.s32 $0x183  }
0x34: {  	vm11 =	vcmask $0x1310;
	v3 =	vsel vm12, $0x158, v3;
	v1 =	vsel vm0, v2, v1  }
0x35: {  	vm10 =	vcmask $0x1714;
	v3 =	vsel vm13, $0x159, v3;
	[tilespmem:$0x1FD70] =	vst v1;
	v1 =	vunpack.c.0.s8.s32 v61  }
0x36: {  	vm9 =	vcmask $0x1B18;
	v4 =	vunpack.c.0.s8.s32 v62;
	v3 =	vsel vm14, $0x15A, v3  }
0x37: {  	vm7 =	vcmask $0x2320;
	v3 =	vsel vm15, $0x15B, v3;
	v1 =	vand.u32 $0xFF, v1  }
0x38: {  	v4 =	vand.u32 $0xFF, v4;
	v3 =	vsel vm11, $0x15C, v3;
	v1 =	vnsel vm1, $0x107, v1  }
0x39: {  	vm8 =	vcmask $0x1F1C;
	v3 =	vsel vm10, $0x15D, v3;
	v1 =	vsel vm0, v4, v1  }
0x3a: {  	vm6 =	vcmask $0x2724;
	v3 =	vsel vm9, $0x15E, v3;
	v1 =	vsel vm7, $0x100, v1  }
0x3b: {  	vm5 =	vcmask $0x2B28;
	v3 =	vsel vm8, $0x15F, v3;
	v1 =	vsel vm6, $0x101, v1  }
0x3c: {  	vm4 =	vcmask $0x2F2C;
	v3 =	vsel vm7, $0x160, v3;
	v1 =	vsel vm5, $0x102, v1  }
0x3d: {  	vm3 =	vcmask $0x3330;
	v3 =	vsel vm6, $0x161, v3;
	v1 =	vsel vm4, $0x103, v1  }
0x3e: {  	vm2 =	vcmask $0x3734;
	v3 =	vsel vm5, $0x162, v3;
	v1 =	vsel vm3, $0x104, v1  }
0x3f: {  	vm1 =	vcmask $0x3B38;
	v3 =	vsel vm4, $0x163, v3;
	v1 =	vsel vm2, $0x105, v1  }
0x40: {  	v3 =	vsel vm3, $0x180, v3;
	v1 =	vsel vm1, $0x106, v1  }
0x41: {  	v2 =	vimm.s32 $0x83828180;
	[tilespmem:$0x1FD90] =	vst v1;
	v1 =	vsel vm2, $0x181, v3  }
0x42: {  	v2 =	vunpack.c.0.s8.s32 v2;
	v1 =	vsel vm1, $0x182, v1  }
0x43: {  	[tilespmem:$0x1FDA0] =	vst v1;
	v1 =	vimm.s32 $0x28B  }
0x44: {  	[tilespmem:$0x1FD80] =	vst v2;
	v2 =	vimm.s32 $0x307;
	v1 =	vsel vm12, $0x260, v1  }
0x45: {  	v2 =	vsel vm12, $0x2DC, v2;
	v1 =	vsel vm13, $0x261, v1  }
0x46: {  	v2 =	vsel vm13, $0x2DD, v2;
	v3 =	vimm.s32 $0x383;
	v1 =	vsel vm14, $0x262, v1  }
0x47: {  	v2 =	vsel vm14, $0x2DE, v2;
	v3 =	vsel vm12, $0x358, v3;
	v1 =	vsel vm15, $0x263, v1  }
0x48: {  	v2 =	vsel vm15, $0x2DF, v2;
	v3 =	vsel vm13, $0x359, v3;
	v1 =	vsel vm11, $0x280, v1  }
0x49: {  	v2 =	vsel vm11, $0x2E0, v2;
	v3 =	vsel vm14, $0x35A, v3;
	v1 =	vsel vm10, $0x281, v1  }
0x4a: {  	v2 =	vsel vm10, $0x2E1, v2;
	v3 =	vsel vm15, $0x35B, v3;
	v1 =	vsel vm9, $0x282, v1  }
0x4b: {  	v2 =	vsel vm9, $0x2E2, v2;
	v3 =	vsel vm11, $0x35C, v3;
	v1 =	vsel vm8, $0x283, v1  }
0x4c: {  	v2 =	vsel vm8, $0x2E3, v2;
	v3 =	vsel vm10, $0x35D, v3;
	v1 =	vsel vm7, $0x284, v1  }
0x4d: {  	v2 =	vsel vm7, $0x300, v2;
	v3 =	vsel vm9, $0x35E, v3;
	v1 =	vsel vm6, $0x285, v1  }
0x4e: {  	v2 =	vsel vm6, $0x301, v2;
	v3 =	vsel vm8, $0x35F, v3;
	v1 =	vsel vm5, $0x286, v1  }
0x4f: {  	v2 =	vsel vm5, $0x302, v2;
	v3 =	vsel vm7, $0x360, v3;
	v1 =	vsel vm4, $0x287, v1  }
0x50: {  	v2 =	vsel vm4, $0x303, v2;
	v3 =	vsel vm6, $0x361, v3;
	v1 =	vsel vm3, $0x288, v1  }
0x51: {  	v2 =	vsel vm3, $0x304, v2;
	v3 =	vsel vm5, $0x362, v3;
	v1 =	vsel vm2, $0x289, v1  }
0x52: {  	v2 =	vsel vm2, $0x305, v2;
	v3 =	vsel vm4, $0x363, v3;
	v1 =	vsel vm1, $0x28A, v1  }
0x53: {  	v3 =	vsel vm3, $0x380, v3;
	[tilespmem:$0x1FDB0] =	vst v1;
	v1 =	vsel vm1, $0x306, v2  }
0x54: {  	[tilespmem:$0x1FDC0] =	vst v1;
	v1 =	vsel vm2, $0x381, v3  }
0x55: {  	v1 =	vsel vm1, $0x382, v1  }
0x56: {  	[tilespmem:$0x1FDD0] =	vst v1;
	v1 =	vimm.s32 $0x48B  }
0x57: {  	v2 =	vimm.s32 $0x507;
	v1 =	vsel vm12, $0x460, v1  }
0x58: {  	v2 =	vsel vm12, $0x4DC, v2;
	v1 =	vsel vm13, $0x461, v1  }
0x59: {  	v3 =	vimm.s32 $0x583;
	v2 =	vsel vm13, $0x4DD, v2;
	v1 =	vsel vm14, $0x462, v1  }
0x5a: {  	v3 =	vsel vm12, $0x558, v3;
	v2 =	vsel vm14, $0x4DE, v2;
	v1 =	vsel vm15, $0x463, v1  }
0x5b: {  	v3 =	vsel vm13, $0x559, v3;
	v2 =	vsel vm15, $0x4DF, v2;
	v1 =	vsel vm11, $0x480, v1  }
0x5c: {  	v3 =	vsel vm14, $0x55A, v3;
	v2 =	vsel vm11, $0x4E0, v2;
	v1 =	vsel vm10, $0x481, v1  }
0x5d: {  	v3 =	vsel vm15, $0x55B, v3;
	v2 =	vsel vm10, $0x4E1, v2;
	v1 =	vsel vm9, $0x482, v1  }
0x5e: {  	v3 =	vsel vm11, $0x55C, v3;
	v2 =	vsel vm9, $0x4E2, v2;
	v1 =	vsel vm8, $0x483, v1  }
0x5f: {  	v3 =	vsel vm10, $0x55D, v3;
	v2 =	vsel vm8, $0x4E3, v2;
	v1 =	vsel vm7, $0x484, v1  }
0x60: {  	v3 =	vsel vm9, $0x55E, v3;
	v2 =	vsel vm7, $0x500, v2;
	v1 =	vsel vm6, $0x485, v1  }
0x61: {  	v3 =	vsel vm8, $0x55F, v3;
	v2 =	vsel vm6, $0x501, v2;
	v1 =	vsel vm5, $0x486, v1  }
0x62: {  	v3 =	vsel vm7, $0x560, v3;
	v2 =	vsel vm5, $0x502, v2;
	v1 =	vsel vm4, $0x487, v1  }
0x63: {  	v3 =	vsel vm6, $0x561, v3;
	v2 =	vsel vm4, $0x503, v2;
	v1 =	vsel vm3, $0x488, v1  }
0x64: {  	v3 =	vsel vm5, $0x562, v3;
	v2 =	vsel vm3, $0x504, v2;
	v1 =	vsel vm2, $0x489, v1  }
0x65: {  	v3 =	vsel vm4, $0x563, v3;
	v2 =	vsel vm2, $0x505, v2;
	v1 =	vsel vm1, $0x48A, v1  }
0x66: {  	v3 =	vsel vm3, $0x580, v3;
	[tilespmem:$0x1FDE0] =	vst v1;
	v1 =	vsel vm1, $0x506, v2  }
0x67: {  	[tilespmem:$0x1FDF0] =	vst v1;
	v1 =	vsel vm2, $0x581, v3  }
0x68: {  	v1 =	vsel vm1, $0x582, v1  }
0x69: {  	[tilespmem:$0x1FE00] =	vst v1;
	v1 =	vimm.s32 $0x68B  }
0x6a: {  	v2 =	vimm.s32 $0x707;
	v1 =	vsel vm12, $0x660, v1  }
0x6b: {  	v2 =	vsel vm12, $0x6DC, v2;
	v1 =	vsel vm13, $0x661, v1  }
0x6c: {  	v3 =	vimm.s32 $0x783;
	v2 =	vsel vm13, $0x6DD, v2;
	v1 =	vsel vm14, $0x662, v1  }
0x6d: {  	v3 =	vsel vm12, $0x758, v3;
	v2 =	vsel vm14, $0x6DE, v2;
	v1 =	vsel vm15, $0x663, v1  }
0x6e: {  	v3 =	vsel vm13, $0x759, v3;
	v2 =	vsel vm15, $0x6DF, v2;
	v1 =	vsel vm11, $0x680, v1  }
0x6f: {  	v3 =	vsel vm14, $0x75A, v3;
	v2 =	vsel vm11, $0x6E0, v2;
	v1 =	vsel vm10, $0x681, v1  }
0x70: {  	v3 =	vsel vm15, $0x75B, v3;
	v2 =	vsel vm10, $0x6E1, v2;
	v1 =	vsel vm9, $0x682, v1  }
0x71: {  	v3 =	vsel vm11, $0x75C, v3;
	v2 =	vsel vm9, $0x6E2, v2;
	v1 =	vsel vm8, $0x683, v1  }
0x72: {  	v3 =	vsel vm10, $0x75D, v3;
	v2 =	vsel vm8, $0x6E3, v2;
	v1 =	vsel vm7, $0x684, v1  }
0x73: {  	v3 =	vsel vm9, $0x75E, v3;
	v2 =	vsel vm7, $0x700, v2;
	v1 =	vsel vm6, $0x685, v1  }
0x74: {  	v3 =	vsel vm8, $0x75F, v3;
	v2 =	vsel vm6, $0x701, v2;
	v1 =	vsel vm5, $0x686, v1  }
0x75: {  	v3 =	vsel vm7, $0x760, v3;
	v2 =	vsel vm5, $0x702, v2;
	v1 =	vsel vm4, $0x687, v1  }
0x76: {  	v3 =	vsel vm6, $0x761, v3;
	v2 =	vsel vm4, $0x703, v2;
	v1 =	vsel vm3, $0x688, v1  }
0x77: {  	v3 =	vsel vm5, $0x762, v3;
	v2 =	vsel vm3, $0x704, v2;
	v1 =	vsel vm2, $0x689, v1  }
0x78: {  	v3 =	vsel vm4, $0x763, v3;
	v2 =	vsel vm2, $0x705, v2;
	v1 =	vsel vm1, $0x68A, v1  }
0x79: {  	v3 =	vsel vm3, $0x780, v3;
	[tilespmem:$0x1FE10] =	vst v1;
	v1 =	vsel vm1, $0x706, v2  }
0x7a: {  	[tilespmem:$0x1FE20] =	vst v1;
	v1 =	vsel vm2, $0x781, v3  }
0x7b: {  	v1 =	vsel vm1, $0x782, v1  }
0x7c: {  	[tilespmem:$0x1FE30] =	vst v1;
	v1 =	vimm.s32 $0x88B  }
0x7d: {  	v2 =	vimm.s32 $0x907;
	v1 =	vsel vm12, $0x860, v1  }
0x7e: {  	v2 =	vsel vm12, $0x8DC, v2;
	v1 =	vsel vm13, $0x861, v1  }
0x7f: {  	v3 =	vimm.s32 $0x983;
	v2 =	vsel vm13, $0x8DD, v2;
	v1 =	vsel vm14, $0x862, v1  }
0x80: {  	v3 =	vsel vm12, $0x958, v3;
	v2 =	vsel vm14, $0x8DE, v2;
	v1 =	vsel vm15, $0x863, v1  }
0x81: {  	v3 =	vsel vm13, $0x959, v3;
	v2 =	vsel vm15, $0x8DF, v2;
	v1 =	vsel vm11, $0x880, v1  }
0x82: {  	v3 =	vsel vm14, $0x95A, v3;
	v2 =	vsel vm11, $0x8E0, v2;
	v1 =	vsel vm10, $0x881, v1  }
0x83: {  	v3 =	vsel vm15, $0x95B, v3;
	v2 =	vsel vm10, $0x8E1, v2;
	v1 =	vsel vm9, $0x882, v1  }
0x84: {  	v3 =	vsel vm11, $0x95C, v3;
	v2 =	vsel vm9, $0x8E2, v2;
	v1 =	vsel vm8, $0x883, v1  }
0x85: {  	v3 =	vsel vm10, $0x95D, v3;
	v2 =	vsel vm8, $0x8E3, v2;
	v1 =	vsel vm7, $0x884, v1  }
0x86: {  	v3 =	vsel vm9, $0x95E, v3;
	v2 =	vsel vm7, $0x900, v2;
	v1 =	vsel vm6, $0x885, v1  }
0x87: {  	v3 =	vsel vm8, $0x95F, v3;
	v2 =	vsel vm6, $0x901, v2;
	v1 =	vsel vm5, $0x886, v1  }
0x88: {  	v3 =	vsel vm7, $0x960, v3;
	v2 =	vsel vm5, $0x902, v2;
	v1 =	vsel vm4, $0x887, v1  }
0x89: {  	v3 =	vsel vm6, $0x961, v3;
	v2 =	vsel vm4, $0x903, v2;
	v1 =	vsel vm3, $0x888, v1  }
0x8a: {  	v3 =	vsel vm5, $0x962, v3;
	v2 =	vsel vm3, $0x904, v2;
	v1 =	vsel vm2, $0x889, v1  }
0x8b: {  	v3 =	vsel vm4, $0x963, v3;
	v2 =	vsel vm2, $0x905, v2;
	v1 =	vsel vm1, $0x88A, v1  }
0x8c: {  	v3 =	vsel vm3, $0x980, v3;
	[tilespmem:$0x1FE40] =	vst v1;
	v1 =	vsel vm1, $0x906, v2  }
0x8d: {  	[tilespmem:$0x1FE50] =	vst v1;
	v1 =	vsel vm2, $0x981, v3  }
0x8e: {  	v1 =	vsel vm1, $0x982, v1  }
0x8f: {  	[tilespmem:$0x1FE60] =	vst v1;
	v1 =	vimm.s32 $0xA8B  }
0x90: {  	v2 =	vimm.s32 $0xB07;
	v1 =	vsel vm12, $0xA60, v1  }
0x91: {  	v2 =	vsel vm12, $0xADC, v2;
	v1 =	vsel vm13, $0xA61, v1  }
0x92: {  	v3 =	vimm.s32 $0xB83;
	v2 =	vsel vm13, $0xADD, v2;
	v1 =	vsel vm14, $0xA62, v1  }
0x93: {  	v3 =	vsel vm12, $0xB58, v3;
	v2 =	vsel vm14, $0xADE, v2;
	v1 =	vsel vm15, $0xA63, v1  }
0x94: {  	v3 =	vsel vm13, $0xB59, v3;
	v2 =	vsel vm15, $0xADF, v2;
	v1 =	vsel vm11, $0xA80, v1  }
0x95: {  	v3 =	vsel vm14, $0xB5A, v3;
	v2 =	vsel vm11, $0xAE0, v2;
	v1 =	vsel vm10, $0xA81, v1  }
0x96: {  	v3 =	vsel vm15, $0xB5B, v3;
	v2 =	vsel vm10, $0xAE1, v2;
	v1 =	vsel vm9, $0xA82, v1  }
0x97: {  	v3 =	vsel vm11, $0xB5C, v3;
	v2 =	vsel vm9, $0xAE2, v2;
	v1 =	vsel vm8, $0xA83, v1  }
0x98: {  	v3 =	vsel vm10, $0xB5D, v3;
	v2 =	vsel vm8, $0xAE3, v2;
	v1 =	vsel vm7, $0xA84, v1  }
0x99: {  	v3 =	vsel vm9, $0xB5E, v3;
	v2 =	vsel vm7, $0xB00, v2;
	v1 =	vsel vm6, $0xA85, v1  }
0x9a: {  	v3 =	vsel vm8, $0xB5F, v3;
	v2 =	vsel vm6, $0xB01, v2;
	v1 =	vsel vm5, $0xA86, v1  }
0x9b: {  	v3 =	vsel vm7, $0xB60, v3;
	v2 =	vsel vm5, $0xB02, v2;
	v1 =	vsel vm4, $0xA87, v1  }
0x9c: {  	v3 =	vsel vm6, $0xB61, v3;
	v2 =	vsel vm4, $0xB03, v2;
	v1 =	vsel vm3, $0xA88, v1  }
0x9d: {  	v3 =	vsel vm5, $0xB62, v3;
	v2 =	vsel vm3, $0xB04, v2;
	v1 =	vsel vm2, $0xA89, v1  }
0x9e: {  	v3 =	vsel vm4, $0xB63, v3;
	v2 =	vsel vm2, $0xB05, v2;
	v1 =	vsel vm1, $0xA8A, v1  }
0x9f: {  	v3 =	vsel vm3, $0xB80, v3;
	[tilespmem:$0x1FE70] =	vst v1;
	v1 =	vsel vm1, $0xB06, v2  }
0xa0: {  	[tilespmem:$0x1FE80] =	vst v1;
	v1 =	vsel vm2, $0xB81, v3  }
0xa1: {  	v1 =	vsel vm1, $0xB82, v1  }
0xa2: {  	v2 =	vimm.s32 $0xD07;
	[tilespmem:$0x1FE90] =	vst v1;
	v1 =	vimm.s32 $0xC8B  }
0xa3: {  	v2 =	vsel vm12, $0xCDC, v2;
	v1 =	vsel vm12, $0xC60, v1  }
0xa4: {  	v3 =	vimm.s32 $0xD83;
	v2 =	vsel vm13, $0xCDD, v2;
	v1 =	vsel vm13, $0xC61, v1  }
0xa5: {  	v3 =	vsel vm12, $0xD58, v3;
	v2 =	vsel vm14, $0xCDE, v2;
	v1 =	vsel vm14, $0xC62, v1  }
0xa6: {  	v3 =	vsel vm13, $0xD59, v3;
	v2 =	vsel vm15, $0xCDF, v2;
	v1 =	vsel vm15, $0xC63, v1  }
0xa7: {  	v3 =	vsel vm14, $0xD5A, v3;
	v2 =	vsel vm11, $0xCE0, v2;
	v1 =	vsel vm11, $0xC80, v1  }
0xa8: {  	v3 =	vsel vm15, $0xD5B, v3;
	v2 =	vsel vm10, $0xCE1, v2;
	v1 =	vsel vm10, $0xC81, v1  }
0xa9: {  	v3 =	vsel vm11, $0xD5C, v3;
	v2 =	vsel vm9, $0xCE2, v2;
	v1 =	vsel vm9, $0xC82, v1  }
0xaa: {  	v3 =	vsel vm10, $0xD5D, v3;
	v2 =	vsel vm8, $0xCE3, v2;
	v1 =	vsel vm8, $0xC83, v1  }
0xab: {  	v3 =	vsel vm9, $0xD5E, v3;
	v2 =	vsel vm7, $0xD00, v2;
	v1 =	vsel vm7, $0xC84, v1  }
0xac: {  	v3 =	vsel vm8, $0xD5F, v3;
	v2 =	vsel vm6, $0xD01, v2;
	v1 =	vsel vm6, $0xC85, v1  }
0xad: {  	v3 =	vsel vm7, $0xD60, v3;
	v2 =	vsel vm5, $0xD02, v2;
	v1 =	vsel vm5, $0xC86, v1  }
0xae: {  	v3 =	vsel vm6, $0xD61, v3;
	v2 =	vsel vm4, $0xD03, v2;
	v1 =	vsel vm4, $0xC87, v1  }
0xaf: {  	v3 =	vsel vm5, $0xD62, v3;
	v2 =	vsel vm3, $0xD04, v2;
	v1 =	vsel vm3, $0xC88, v1  }
0xb0: {  	v3 =	vsel vm4, $0xD63, v3;
	v2 =	vsel vm2, $0xD05, v2;
	v1 =	vsel vm2, $0xC89, v1  }
0xb1: {  	v3 =	vsel vm3, $0xD80, v3;
	v63 =	vsel vm1, $0xC8A, v1;
	v1 =	vsel vm1, $0xD06, v2  }
0xb2: {  	[tilespmem:$0x1FEA0] =	vst v1;
	v1 =	vsel vm2, $0xD81, v3  }
0xb3: {  	v1 =	vsel vm1, $0xD82, v1  }
0xb4: {  	v58 =	vor.u32 $0x10, v0;
	v25 =	vor.u32 $0x20, v0;
	[tilespmem:$0x1FEB0] =	vst v1;
	v1 =	vimm.s32 $0xE8B  }
0xb5: {  	v26 =	vor.u32 $0x30, v0;
	v2 =	vimm.s32 $0xF07;
	v1 =	vsel vm12, $0xE60, v1  }
0xb6: {  	v27 =	vor.u32 $0x40, v0;
	v2 =	vsel vm12, $0xEDC, v2;
	v1 =	vsel vm13, $0xE61, v1  }
0xb7: {  	v3 =	vimm.s32 $0xF83;
	v2 =	vsel vm13, $0xEDD, v2;
	v1 =	vsel vm14, $0xE62, v1  }
0xb8: {  	v3 =	vsel vm12, $0xF58, v3;
	v2 =	vsel vm14, $0xEDE, v2;
	v1 =	vsel vm15, $0xE63, v1  }
0xb9: {  	v3 =	vsel vm13, $0xF59, v3;
	v2 =	vsel vm15, $0xEDF, v2;
	v1 =	vsel vm11, $0xE80, v1  }
0xba: {  	v3 =	vsel vm14, $0xF5A, v3;
	v2 =	vsel vm11, $0xEE0, v2;
	v1 =	vsel vm10, $0xE81, v1  }
0xbb: {  	v3 =	vsel vm15, $0xF5B, v3;
	v2 =	vsel vm10, $0xEE1, v2;
	v1 =	vsel vm9, $0xE82, v1  }
0xbc: {  	s4 =	rddreg [dreg:$0x0];
	v3 =	vsel vm11, $0xF5C, v3;
	v2 =	vsel vm9, $0xEE2, v2;
	v1 =	vsel vm8, $0xE83, v1  }
0xbd: {  	s1 =	rddreg [dreg:$0x1];
	s2 =	simm.s32 $0x0;
	[tilespmem:$0x1FBD0] =	vst v7;
	v3 =	vsel vm10, $0xF5D, v3;
	v2 =	vsel vm8, $0xEE3, v2;
	v1 =	vsel vm7, $0xE84, v1  }
0xbe: {  	[smem:$0x7FF] =	sst s2;
	[tilespmem:$0x1FC60] =	vst v59;
	v3 =	vsel vm9, $0xF5E, v3;
	v2 =	vsel vm7, $0xF00, v2;
	v1 =	vsel vm6, $0xE85, v1  }
0xbf: {  	s0 =	rddreg [dreg:$0x2];
	_ =	strace $0x80000047;
	[tilespmem:$0x1FFA0] =	vst v63;
	v3 =	vsel vm8, $0xF5F, v3;
	v2 =	vsel vm6, $0xF01, v2;
	v1 =	vsel vm5, $0xE86, v1  }
0xc0: {  	[tilespmem:$0x1FFB0] =	vst v58;
	v3 =	vsel vm7, $0xF60, v3;
	v2 =	vsel vm5, $0xF02, v2;
	v1 =	vsel vm4, $0xE87, v1  }
0xc1: {  	[tilespmem:$0x1FFC0] =	vst v25;
	v3 =	vsel vm6, $0xF61, v3;
	v2 =	vsel vm4, $0xF03, v2;
	v1 =	vsel vm3, $0xE88, v1  }
0xc2: {  	[tilespmem:$0x1FFD0] =	vst v26;
	v3 =	vsel vm5, $0xF62, v3;
	v2 =	vsel vm3, $0xF04, v2;
	v1 =	vsel vm2, $0xE89, v1  }
0xc3: {  	[tilespmem:$0x1FFE0] =	vst v27;
	v3 =	vsel vm4, $0xF63, v3;
	v2 =	vsel vm2, $0xF05, v2;
	v1 =	vsel vm1, $0xE8A, v1  }
0xc4: {  	v3 =	vsel vm3, $0xF80, v3;
	[tilespmem:$0x1FEC0] =	vst v1;
	v1 =	vsel vm1, $0xF06, v2  }
0xc5: {  	v28 =	vor.u32 $0x50, v0;
	[tilespmem:$0x1FED0] =	vst v1;
	v1 =	vsel vm2, $0xF81, v3  }
0xc6: {  	[tilespmem:$0x1FFF0] =	vst v28;
	v1 =	vsel vm1, $0xF82, v1  }
0xc7: {  	[tilespmem:$0x1FEE0] =	vst v1;
	v1 =	vadd.s32 $0x8, v0  }
0xc8: {  	s5 =	srdreg.scid;
	[tilespmem:$0x1FEF0] =	vst v1;
	v1 =	vadd.s32 $0x18, v0  }
0xc9: {  	s3 =	stileid.u32;
	s12 =	simm.s32 $0x10080;
	s13 =	simm.s32 $0x2;
	[tilespmem:$0x1FF00] =	vst v1;
	v1 =	vadd.s32 $0x28, v0  }
0xca: {  	s14 =	simm.s32 $0x4;
	s15 =	simm.s32 $0x11080;
	s16 =	simm.s32 $0x3;
	[tilespmem:$0x1FF10] =	vst v1;
	v1 =	vadd.s32 $0x38, v0  }
0xcb: {  	s17 =	simm.s32 $0x0;
	s5 =	sand.u32 $0x1, s5;
	s6 =	sadd.s32 $0x400, s4;
	[tilespmem:$0x1FF20] =	vst v1;
	v1 =	vadd.s32 $0x48, v0  }
0xcc: {  	s7 =	sshll.u32 s3, $0xE;
	s10 =	sshll.u32 s3, $0x11;
	s8 =	ssub.s32 $0x2, s5;
	[tilespmem:$0x1FF30] =	vst v1;
	v1 =	vadd.s32 $0x4, v0  }
0xcd: {  	s11 =	sshll.u32 s5, $0x10;
	s7 =	sadd.s32 s7, s4;
	s30 =	sshll.u32 s5, $0xD;
	[tilespmem:$0x1FF40] =	vst v1;
	v1 =	vadd.s32 $0x14, v0  }
.Ltmp0:
0xce: {  	s9 =	sshrl.u32 s8, $0x1;
	s29 =	sor.u32 s11, s10;
	[tilespmem:$0x1FF50] =	vst v1;
	v1 =	vadd.s32 $0x24, v0;
	(pc) =	sbr.rel .LBB2_1-.Ltmp0, $4  }
0xcf: {  	s7 =	sadd.s32 s30, s7;
	s8 =	ssub.s32 s8, s9;
	s4 =	sadd.s32 s6, s29;
	[tilespmem:$0x1FF60] =	vst v1;
	v1 =	vadd.s32 $0x34, v0  }
0xd0: {  	s6 =	sadd.s32 s10, s6;
	s9 =	simm.s32 $0x80;
	s10 =	simm.s32 $0x8080;
	[tilespmem:$0x1FF70] =	vst v1;
	v1 =	vadd.s32 $0x44, v0  }
0xd1: {  	s5 =	smax.u32 s8, $0x1;
	s31 =	sadd.s32 s11, s6;
	s6 =	sadd.s32 $0x200400, s7;
	[tilespmem:$0x1FF80] =	vst v1;
	v1 =	vadd.s32 $0x54, v0  }
0xd2: {  	s8 =	simm.s32 $0x5;
	s11 =	simm.s32 $0x1;
	s7 =	sadd.s32 $0x1000, s31;
	[tilespmem:$0x1FF90] =	vst v1  }
.LBB2_7:
0xd3: {  	s17 =	sadd.s32 $0x1, s17  }
0xd4: {  	_ =	swait.ge [sflag:s16], $0x1000;
	p0 =	sne.s32 s17, s5  }
.Ltmp1:
0xd5: {  	[sflag:s16] =	ssyncset.done $0x0;
	(pc) =	sbr.rel @!p0 .LBB2_8-.Ltmp1, $4  }
0xd6: {  	[sflag:s16] =	ssyncadd.s32 $0xFFFFF000  }
0xd7: {  	_ =	swait.ge [sflag:s14], $0x1000  }
0xd8: {  	[sflag:s14] =	ssyncset.done $0x0  }
0xd9: {  	[sflag:s14] =	ssyncadd.s32 $0xFFFFF000  }
.LBB2_1:
0xda: {  	[tilespmem:s2], [sflag:$0x5] =	stream.linear.gather [hbm4b:s1+s2], $0x80, $0x38;
	[tilespmem:$0x12080] =	vst v63  }
0xdb: {  	_ =	swait.ge [sflag:s8], $0x80  }
0xdc: {  	[sflag:s8] =	ssyncset.done $0x0  }
0xdd: {  	[sflag:s8] =	ssyncadd.s32 $0xFFFFFF80  }
0xde: {  	v1 =	vld.idx.msk [tilespmem:v0+s2+$0x0], $0xffff  }
0xdf: {  	v2 =	vld.idx.msk [tilespmem:v58+s2+$0x0], $0xffff  }
0xe0: {  	v10 =	vld [tilespmem:$0x1FB60]  }
0xe1: {  	v4 =	vld.idx.msk [tilespmem:v26+s2+$0x0], $0xffff  }
0xe2: {  	v11 =	vld [tilespmem:$0x1FB70]  }
0xe3: {  	v6 =	vshll.u32 v1, $0x3;
	v1 =	vand.u32 $0x7F, v1  }
0xe4: {  	v3 =	vld.idx.msk [tilespmem:v25+s2+$0x0], $0xffff;
	v8 =	vand.u32 $0x7F, v2;
	v2 =	vshll.u32 v2, $0x3;
	v6 =	vand.u32 $0xFFFFFC00, v6  }
0xe5: {  	v7 =	vld.idx.msk [tilespmem:v28+s2+$0x0], $0xffff;
	v2 =	vand.u32 $0xFFFFFC00, v2;
	v50 =	vor.u32 v1, v6  }
0xe6: {  	v51 =	vor.u32 v8, v2;
	v1 =	vand.u32 $0x7F, v4;
	v2 =	vshll.u32 v4, $0x3;
	v4 =	vld [tilespmem:$0x1FB80]  }
0xe7: {  	v5 =	vld.idx.msk [tilespmem:v27+s2+$0x0], $0xffff;
	_ =	sdelay $0x1  }
0xe8: {  	v9 =	vshll.u32 v3, $0x3;
	v10 =	vld.idx.msk [tilespmem:v10+s2+$0x0], $0xffff  }
0xe9: {  	v3 =	vand.u32 $0x7F, v3;
	v9 =	vand.u32 $0xFFFFFC00, v9;
	v11 =	vld.idx.msk [tilespmem:v11+s2+$0x0], $0xffff;
	v2 =	vand.u32 $0xFFFFFC00, v2  }
0xea: {  	v52 =	vor.u32 v3, v9;
	v53 =	vor.u32 v1, v2;
	v1 =	vshll.u32 v7, $0x3  }
0xeb: {  	v3 =	vshll.u32 v5, $0x3;
	v6 =	vld [tilespmem:$0x1FB90];
	v2 =	vand.u32 $0x7F, v7;
	v1 =	vand.u32 $0xFFFFFC00, v1  }
0xec: {  	v5 =	vand.u32 $0x7F, v5;
	v3 =	vand.u32 $0xFFFFFC00, v3;
	v55 =	vor.u32 v2, v1;
	v1 =	vld [tilespmem:$0x1FBF0]  }
0xed: {  	v54 =	vor.u32 v5, v3;
	v3 =	vshll.u32 v10, $0x3;
	v4 =	vld.idx.msk [tilespmem:v4+s2+$0x0], $0xffff  }
0xee: {  	v8 =	vld [tilespmem:$0x1FBA0];
	v5 =	vand.u32 $0x7F, v10;
	v7 =	vshll.u32 v11, $0x3;
	v3 =	vand.u32 $0xFFFFFC00, v3  }
0xef: {  	v12 =	vor.u32 v5, v3;
	v5 =	vand.u32 $0xFFFFFC00, v7;
	v7 =	vld [tilespmem:$0x1FBB0];
	_ =	sdelay $0x2  }
0xf0: {  	v56 =	vor.u32 v1, v12;
	v1 =	vand.u32 $0x7F, v4;
	v2 =	vshll.u32 v4, $0x3;
	v4 =	vld [tilespmem:$0x1FBC0]  }
0xf1: {  	v6 =	vld.idx.msk [tilespmem:v6+s2+$0x0], $0xffff;
	_ =	sdelay $0x2  }
0xf2: {  	v3 =	vand.u32 $0x7F, v11;
	v8 =	vld.idx.msk [tilespmem:v8+s2+$0x0], $0xffff  }
0xf3: {  	v11 =	vor.u32 v3, v5;
	v7 =	vld.idx.msk [tilespmem:v7+s2+$0x0], $0xffff  }
0xf4: {  	v3 =	vshll.u32 v6, $0x3;
	v5 =	vand.u32 $0x7F, v6;
	v6 =	vld [tilespmem:$0x1FEF0];
	v2 =	vand.u32 $0xFFFFFC00, v2  }
0xf5: {  	v13 =	vor.u32 v1, v2;
	v1 =	vld [tilespmem:$0x1FF00]  }
0xf6: {  	v3 =	vand.u32 $0xFFFFFC00, v3;
	v4 =	vld.idx.msk [tilespmem:v4+s2+$0x0], $0xffff  }
0xf7: {  	v18 =	vor.u32 v5, v3;
	v2 =	vshll.u32 v8, $0x3  }
0xf8: {  	v3 =	vand.u32 $0x7F, v8;
	v8 =	vld [tilespmem:$0x1FF10];
	v2 =	vand.u32 $0xFFFFFC00, v2;
	v5 =	vshll.u32 v7, $0x3  }
0xf9: {  	v10 =	vor.u32 v3, v2;
	v3 =	vand.u32 $0xFFFFFC00, v5;
	v5 =	vld [tilespmem:$0x1FF20]  }
0xfa: {  	v2 =	vand.u32 $0x7F, v7  }
0xfb: {  	v7 =	vor.u32 v2, v3;
	v2 =	vshll.u32 v4, $0x3;
	v3 =	vand.u32 $0x7F, v4;
	v4 =	vld [tilespmem:$0x1FF30]  }
0xfc: {  	v16 =	vld [tilespmem:$0x1FBE0]  }
0xfd: {  	v6 =	vld.idx.msk [tilespmem:v6+s2+$0x0], $0xffff  }
0xfe: {  	v1 =	vld.idx.msk [tilespmem:v1+s2+$0x0], $0xffff;
	_ =	sdelay $0x1  }
0xff: {  	v8 =	vld.idx.msk [tilespmem:v8+s2+$0x0], $0xffff  }
0x100: {  	v5 =	vld.idx.msk [tilespmem:v5+s2+$0x0], $0xffff  }
0x101: {  	v14 =	vand.u32 $0x7F, v6  }
0x102: {  	v6 =	vshll.u32 v6, $0x3;
	v2 =	vand.u32 $0xFFFFFC00, v2;
	v15 =	vshll.u32 v1, $0x3;
	v4 =	vld.idx.msk [tilespmem:v4+s2+$0x0], $0xffff  }
0x103: {  	v16 =	vld.idx.msk [tilespmem:v16+s2+$0x0], $0xffff;
	v9 =	vand.u32 $0xFFFFFC00, v6;
	v1 =	vand.u32 $0x7F, v1;
	v15 =	vand.u32 $0xFFFFFC00, v15  }
0x104: {  	v6 =	vor.u32 v3, v2;
	v9 =	vor.u32 v14, v9;
	v14 =	vor.u32 v1, v15;
	v1 =	vld [tilespmem:$0x1FF50]  }
0x105: {  	v2 =	vand.u32 $0x7F, v8;
	v3 =	vshll.u32 v8, $0x3;
	v8 =	vshll.u32 v5, $0x3  }
0x106: {  	v3 =	vand.u32 $0xFFFFFC00, v3;
	v15 =	vld [tilespmem:$0x1FF60];
	v5 =	vand.u32 $0x7F, v5;
	v8 =	vand.u32 $0xFFFFFC00, v8  }
0x107: {  	v31 =	vor.u32 v2, v3;
	v3 =	vld [tilespmem:$0x1FF70];
	v20 =	vor.u32 v5, v8;
	v2 =	vshll.u32 v4, $0x3  }
0x108: {  	v5 =	vshll.u32 v16, $0x3;
	v4 =	vand.u32 $0x7F, v4;
	v2 =	vand.u32 $0xFFFFFC00, v2  }
0x109: {  	v30 =	vor.u32 v4, v2;
	v4 =	vand.u32 $0xFFFFFC00, v5;
	v5 =	vld [tilespmem:$0x1FF80]  }
0x10a: {  	v22 =	vld [tilespmem:$0x1FF90];
	_ =	sdelay $0x1  }
0x10b: {  	v1 =	vld.idx.msk [tilespmem:v1+s2+$0x0], $0xffff;
	_ =	sdelay $0x1  }
0x10c: {  	v15 =	vld.idx.msk [tilespmem:v15+s2+$0x0], $0xffff  }
0x10d: {  	v3 =	vld.idx.msk [tilespmem:v3+s2+$0x0], $0xffff;
	_ =	sdelay $0x1  }
0x10e: {  	v2 =	vand.u32 $0x7F, v16;
	v21 =	vshll.u32 v1, $0x3;
	v16 =	vld.idx.msk [tilespmem:v5+s2+$0x0], $0xffff  }
0x10f: {  	v22 =	vld.idx.msk [tilespmem:v22+s2+$0x0], $0xffff;
	v1 =	vand.u32 $0x7F, v1;
	v21 =	vand.u32 $0xFFFFFC00, v21  }
0x110: {  	v29 =	vor.u32 v1, v21;
	v1 =	vand.u32 $0x7F, v15  }
0x111: {  	v5 =	vor.u32 v2, v4;
	v2 =	vshll.u32 v15, $0x3;
	v4 =	vshll.u32 v3, $0x3  }
0x112: {  	v3 =	vand.u32 $0x7F, v3;
	v2 =	vand.u32 $0xFFFFFC00, v2;
	v15 =	vand.u32 $0xFFFFFC00, v4  }
0x113: {  	v24 =	vor.u32 v1, v2;
	v3 =	vor.u32 v3, v15;
	v1 =	vshll.u32 v16, $0x3  }
0x114: {  	v15 =	vshll.u32 v22, $0x3;
	v2 =	vand.u32 $0x7F, v16;
	v1 =	vand.u32 $0xFFFFFC00, v1  }
0x115: {  	v15 =	vand.u32 $0xFFFFFC00, v15;
	v2 =	vor.u32 v2, v1;
	v1 =	vand.u32 $0x7F, v22  }
0x116: {  	v1 =	vor.u32 v1, v15;
	v15 =	vld [tilespmem:$0x1FC20];
	_ =	sdelay $0x2  }
0x117: {  	[tilespmem:$0x1FA30] =	vst v50  }
0x118: {  	[tilespmem:$0x1FA40] =	vst v51  }
0x119: {  	v44 =	vadd.s32 $0x4200, v50;
	[tilespmem:$0x1FA50] =	vst v52;
	v16 =	vor.u32 v15, v12;
	v15 =	vld [tilespmem:$0x1FC50]  }
0x11a: {  	v43 =	vadd.s32 $0x4200, v51;
	[tilespmem:$0x1F910] =	vst v44  }
0x11b: {  	[tilespmem:$0x1F920] =	vst v43;
	v4 =	vor.u32 $0x280, v18  }
0x11c: {  	[tilespmem:$0x1EEE0] =	vst v4;
	v4 =	vor.u32 $0x280, v10  }
0x11d: {  	[tilespmem:$0x1EEF0] =	vst v4;
	v4 =	vor.u32 $0x280, v7  }
0x11e: {  	[tilespmem:$0x1EF00] =	vst v4;
	v4 =	vadd.s32 v15, v12  }
0x11f: {  	v15 =	vld [tilespmem:$0x1FC80];
	[tilespmem:$0x1EF10] =	vst v4;
	v4 =	vadd.s32 $0x2080, v11  }
0x120: {  	[tilespmem:$0x1EF20] =	vst v4;
	v4 =	vadd.s32 $0x2080, v13  }
0x121: {  	[tilespmem:$0x1EF30] =	vst v4;
	v4 =	vadd.s32 $0x2080, v18  }
0x122: {  	[tilespmem:$0x1EF40] =	vst v4;
	v4 =	vadd.s32 $0x2080, v10  }
0x123: {  	[tilespmem:$0x1EF50] =	vst v4;
	v4 =	vadd.s32 $0x2080, v7  }
0x124: {  	[tilespmem:$0x1EF60] =	vst v4;
	v4 =	vadd.s32 v15, v12  }
0x125: {  	v15 =	vld [tilespmem:$0x1FCB0];
	[tilespmem:$0x1EF70] =	vst v4;
	v4 =	vadd.s32 $0x2280, v11  }
0x126: {  	[tilespmem:$0x1EF80] =	vst v4;
	v4 =	vadd.s32 $0x2280, v13  }
0x127: {  	[tilespmem:$0x1EF90] =	vst v4;
	v4 =	vadd.s32 $0x2280, v18  }
0x128: {  	[tilespmem:$0x1EFA0] =	vst v4;
	v4 =	vadd.s32 $0x2280, v10  }
0x129: {  	[tilespmem:$0x1EFB0] =	vst v4;
	v4 =	vadd.s32 $0x2280, v7  }
0x12a: {  	[tilespmem:$0x1EFC0] =	vst v4;
	v4 =	vadd.s32 v15, v12;
	v15 =	vld [tilespmem:$0x1FCE0]  }
0x12b: {  	[tilespmem:$0x1EFD0] =	vst v4;
	v4 =	vadd.s32 $0x4080, v11  }
0x12c: {  	[tilespmem:$0x1EFE0] =	vst v4;
	v4 =	vadd.s32 $0x4080, v13  }
0x12d: {  	[tilespmem:$0x1EFF0] =	vst v4;
	v4 =	vadd.s32 $0x4080, v18  }
0x12e: {  	[tilespmem:$0x1F000] =	vst v4;
	v4 =	vadd.s32 $0x4080, v10  }
0x12f: {  	[tilespmem:$0x1F010] =	vst v4;
	v4 =	vadd.s32 v15, v12;
	v15 =	vld [tilespmem:$0x1FD10]  }
0x130: {  	[tilespmem:$0x1F020] =	vst v4;
	v4 =	vadd.s32 $0x4280, v11  }
0x131: {  	[tilespmem:$0x1F030] =	vst v4;
	v4 =	vadd.s32 $0x4280, v13  }
0x132: {  	[tilespmem:$0x1F040] =	vst v4;
	v4 =	vadd.s32 $0x4280, v18  }
0x133: {  	[tilespmem:$0x1F050] =	vst v4;
	v4 =	vadd.s32 $0x4280, v10  }
0x134: {  	[tilespmem:$0x1F060] =	vst v4;
	v4 =	vadd.s32 v15, v12;
	v15 =	vld [tilespmem:$0x1FD40]  }
0x135: {  	[tilespmem:$0x1F070] =	vst v4;
	v4 =	vadd.s32 $0x6080, v11  }
0x136: {  	[tilespmem:$0x1F080] =	vst v4;
	v4 =	vadd.s32 $0x6080, v13  }
0x137: {  	[tilespmem:$0x1F090] =	vst v4;
	v4 =	vadd.s32 $0x6080, v18  }
0x138: {  	[tilespmem:$0x1F0A0] =	vst v4;
	v4 =	vadd.s32 $0x6080, v10  }
0x139: {  	[tilespmem:$0x1F0B0] =	vst v4;
	v4 =	vadd.s32 v15, v12  }
0x13a: {  	[tilespmem:$0x1F0C0] =	vst v4;
	v4 =	vadd.s32 $0x6280, v11  }
0x13b: {  	[tilespmem:$0x1F0D0] =	vst v4;
	v4 =	vadd.s32 $0x6280, v18  }
0x13c: {  	[tilespmem:$0x1F0E0] =	vst v4;
	v4 =	vadd.s32 $0x6280, v10  }
0x13d: {  	[tilespmem:$0x1F0F0] =	vst v4;
	v4 =	vadd.s32 $0x4280, v7  }
0x13e: {  	v42 =	vadd.s32 $0x4200, v52;
	v63 =	vor.u32 $0x80, v10;
	[tilespmem:$0x1F100] =	vst v4;
	v4 =	vadd.s32 $0x6080, v7  }
0x13f: {  	v62 =	vor.u32 $0x80, v7;
	v10 =	vadd.s32 $0x4080, v7;
	[tilespmem:$0x1F110] =	vst v4;
	v4 =	vadd.s32 $0x6280, v7;
	v7 =	vld [tilespmem:$0x1FC00]  }
0x140: {  	v37 =	vadd.s32 $0x6000, v50;
	[tilespmem:$0x1F930] =	vst v42  }
0x141: {  	v36 =	vadd.s32 $0x6000, v51;
	[tilespmem:$0x1F970] =	vst v37  }
0x142: {  	v35 =	vadd.s32 $0x6000, v52;
	[tilespmem:$0x1F980] =	vst v36  }
0x143: {  	[tilespmem:$0x1F990] =	vst v35  }
0x144: {  	[tilespmem:$0x1FA60] =	vst v53;
	v15 =	vor.u32 v7, v6;
	v7 =	vld [tilespmem:$0x1FC30]  }
0x145: {  	v40 =	vadd.s32 $0x4200, v53;
	[tilespmem:$0x1FA70] =	vst v54  }
0x146: {  	v39 =	vadd.s32 $0x4200, v54;
	[tilespmem:$0x1F940] =	vst v40  }
0x147: {  	v34 =	vadd.s32 $0x6000, v53;
	[tilespmem:$0x1F950] =	vst v39  }
0x148: {  	[tilespmem:$0x1F9A0] =	vst v34  }
0x149: {  	v33 =	vadd.s32 $0x6000, v54;
	[tilespmem:$0x1F120] =	vst v4;
	v4 =	vor.u32 v7, v6;
	v7 =	vld [tilespmem:$0x1FC60]  }
0x14a: {  	[tilespmem:$0x1F9B0] =	vst v33  }
0x14b: {  	v57 =	vadd.s32 $0x4000, v55;
	[tilespmem:$0x1FA80] =	vst v55  }
0x14c: {  	v38 =	vadd.s32 $0x4200, v55;
	[tilespmem:$0x1F900] =	vst v57  }
0x14d: {  	[tilespmem:$0x1F960] =	vst v38  }
0x14e: {  	v59 =	vor.u32 $0x80, v11;
	[tilespmem:$0x1F130] =	vst v4;
	v4 =	vadd.s32 v7, v6;
	v7 =	vld [tilespmem:$0x1FC90]  }
0x14f: {  	[tilespmem:$0x1FAA0] =	vst v59  }
0x150: {  	[tilespmem:$0x1FA90] =	vst v56;
	v60 =	vor.u32 $0x80, v13  }
0x151: {  	v61 =	vor.u32 $0x80, v18;
	[tilespmem:$0x1FAB0] =	vst v60  }
0x152: {  	[tilespmem:$0x1FAC0] =	vst v61  }
0x153: {  	[tilespmem:$0x1F140] =	vst v4;
	v4 =	vadd.s32 v7, v6;
	v7 =	vld [tilespmem:$0x1FCC0]  }
0x154: {  	[tilespmem:$0x1FAD0] =	vst v63  }
0x155: {  	[tilespmem:$0x1FAE0] =	vst v62;
	v19 =	vor.u32 $0x100, v9  }
0x156: {  	v17 =	vld [tilespmem:$0x1FF40];
	[tilespmem:$0x1F800] =	vst v19;
	v23 =	vor.u32 $0x100, v14  }
0x157: {  	[tilespmem:$0x1F820] =	vst v23  }
0x158: {  	v47 =	vor.u32 $0x300, v14;
	[tilespmem:$0x1F150] =	vst v4;
	v4 =	vadd.s32 v7, v6;
	v7 =	vld [tilespmem:$0x1FCF0]  }
0x159: {  	[tilespmem:$0x1F830] =	vst v47;
	v49 =	vor.u32 $0x300, v20  }
0x15a: {  	[tilespmem:$0x1F870] =	vst v49;
	v45 =	vor.u32 $0x300, v30  }
0x15b: {  	v46 =	vadd.s32 $0x2100, v30;
	[tilespmem:$0x1F8A0] =	vst v45  }
0x15c: {  	[tilespmem:$0x1F8B0] =	vst v46  }
0x15d: {  	v21 =	vor.u32 $0x280, v11;
	[tilespmem:$0x1F160] =	vst v4;
	v4 =	vadd.s32 v7, v6;
	v7 =	vld [tilespmem:$0x1FD20]  }
0x15e: {  	[tilespmem:$0x1FAF0] =	vst v21;
	v17 =	vld.idx.msk [tilespmem:v17+s2+$0x0], $0xffff;
	[tilespmem:s9], [sflag:$0x1] =	stream.linear.gather [hbm4b:s4+s2], $0x8000, $0x38;
	v22 =	vor.u32 $0x280, v13  }
0x15f: {  	[tilespmem:$0x1FB00] =	vst v22  }
0x160: {  	v32 =	vadd.s32 $0x6280, v13;
	[tilespmem:$0x1F7D0] =	vst v16;
	v13 =	vor.u32 $0x100, v31  }
0x161: {  	[tilespmem:$0x1F840] =	vst v13  }
0x162: {  	v12 =	vadd.s32 $0x2100, v20;
	[tilespmem:$0x1F170] =	vst v4;
	v4 =	vadd.s32 v7, v6;
	v7 =	vld [tilespmem:$0x1FD50]  }
0x163: {  	[tilespmem:$0x1F880] =	vst v12;
	v18 =	vor.u32 $0x300, v9  }
0x164: {  	[tilespmem:$0x1F810] =	vst v18  }
0x165: {  	[tilespmem:$0x1FB10] =	vst v10  }
0x166: {  	v8 =	vand.u32 $0x7F, v17;
	v17 =	vshll.u32 v17, $0x3;
	[tilespmem:$0x1F7F0] =	vst v15  }
0x167: {  	v17 =	vand.u32 $0xFFFFFC00, v17;
	[tilespmem:$0x1F180] =	vst v4;
	v4 =	vadd.s32 v7, v6  }
0x168: {  	v41 =	vor.u32 v8, v17;
	v6 =	vadd.s32 $0x2100, v31;
	[tilespmem:$0x1F190] =	vst v4  }
0x169: {  	v7 =	vadd.s32 $0x2180, v41;
	[tilespmem:$0x1F260] =	vst v6  }
0x16a: {  	v4 =	vadd.s32 $0x2100, v9;
	[tilespmem:$0x1F3A0] =	vst v7  }
0x16b: {  	v6 =	vadd.s32 $0x2300, v31;
	[tilespmem:$0x1F1A0] =	vst v4  }
0x16c: {  	v7 =	vadd.s32 $0x2380, v41;
	[tilespmem:$0x1F270] =	vst v6  }
0x16d: {  	v4 =	vadd.s32 $0x2300, v9;
	[tilespmem:$0x1F3B0] =	vst v7  }
0x16e: {  	v6 =	vadd.s32 $0x4100, v31;
	[tilespmem:$0x1F1B0] =	vst v4  }
0x16f: {  	v7 =	vadd.s32 $0x4180, v41;
	[tilespmem:$0x1F280] =	vst v6  }
0x170: {  	v4 =	vadd.s32 $0x4100, v9;
	[tilespmem:$0x1F3C0] =	vst v7  }
0x171: {  	v6 =	vadd.s32 $0x4300, v31;
	[tilespmem:$0x1F1C0] =	vst v4  }
0x172: {  	v7 =	vadd.s32 $0x4380, v41;
	[tilespmem:$0x1F290] =	vst v6  }
0x173: {  	v4 =	vadd.s32 $0x4300, v9;
	[tilespmem:$0x1F3D0] =	vst v7  }
0x174: {  	v6 =	vadd.s32 $0x6100, v31;
	[tilespmem:$0x1F1D0] =	vst v4  }
0x175: {  	v7 =	vadd.s32 $0x6180, v41;
	[tilespmem:$0x1F2A0] =	vst v6  }
0x176: {  	v4 =	vadd.s32 $0x6100, v9;
	[tilespmem:$0x1F3E0] =	vst v7  }
0x177: {  	v6 =	vadd.s32 $0x6300, v31;
	[tilespmem:$0x1F1E0] =	vst v4  }
0x178: {  	v7 =	vadd.s32 $0x6380, v41;
	[tilespmem:$0x1F2B0] =	vst v6  }
0x179: {  	v4 =	vadd.s32 $0x6300, v9;
	[tilespmem:$0x1F3F0] =	vst v7  }
0x17a: {  	v6 =	vadd.s32 $0x2300, v20;
	[tilespmem:$0x1F1F0] =	vst v4  }
0x17b: {  	v7 =	vor.u32 $0x180, v29;
	[tilespmem:$0x1F2C0] =	vst v6  }
0x17c: {  	v9 =	vadd.s32 $0x6200, v54;
	[tilespmem:$0x1F400] =	vst v7  }
0x17d: {  	v4 =	vadd.s32 $0x2100, v14;
	[tilespmem:$0x1FA10] =	vst v9  }
0x17e: {  	v6 =	vadd.s32 $0x4100, v20;
	[tilespmem:$0x1F200] =	vst v4  }
0x17f: {  	v7 =	vor.u32 $0x380, v29;
	[tilespmem:$0x1F2D0] =	vst v6  }
0x180: {  	v4 =	vadd.s32 $0x2300, v14;
	[tilespmem:$0x1F410] =	vst v7  }
0x181: {  	v6 =	vadd.s32 $0x4300, v20;
	[tilespmem:$0x1F210] =	vst v4  }
0x182: {  	v7 =	vadd.s32 $0x2180, v29;
	[tilespmem:$0x1F2E0] =	vst v6  }
0x183: {  	v4 =	vadd.s32 $0x4100, v14;
	[tilespmem:$0x1F420] =	vst v7  }
0x184: {  	v6 =	vadd.s32 $0x6100, v20;
	[tilespmem:$0x1F220] =	vst v4  }
0x185: {  	v7 =	vadd.s32 $0x2380, v29;
	[tilespmem:$0x1F2F0] =	vst v6  }
0x186: {  	v4 =	vadd.s32 $0x4300, v14;
	[tilespmem:$0x1F430] =	vst v7  }
0x187: {  	v6 =	vadd.s32 $0x6300, v20;
	[tilespmem:$0x1F230] =	vst v4  }
0x188: {  	v7 =	vadd.s32 $0x4180, v29;
	[tilespmem:$0x1F300] =	vst v6  }
0x189: {  	v4 =	vadd.s32 $0x6100, v14;
	[tilespmem:$0x1F440] =	vst v7  }
0x18a: {  	v6 =	vadd.s32 $0x2300, v30;
	[tilespmem:$0x1F240] =	vst v4  }
0x18b: {  	v7 =	vadd.s32 $0x4380, v29;
	[tilespmem:$0x1F310] =	vst v6  }
0x18c: {  	v4 =	vadd.s32 $0x6300, v14;
	[tilespmem:$0x1F450] =	vst v7  }
0x18d: {  	v6 =	vadd.s32 $0x4100, v30;
	[tilespmem:$0x1F250] =	vst v4  }
0x18e: {  	v7 =	vadd.s32 $0x6180, v29;
	[tilespmem:$0x1F320] =	vst v6  }
0x18f: {  	v14 =	vor.u32 $0x100, v20;
	[tilespmem:$0x1F460] =	vst v7  }
0x190: {  	v20 =	vor.u32 $0x100, v30;
	[tilespmem:$0x1F860] =	vst v14  }
0x191: {  	v6 =	vadd.s32 $0x4300, v30;
	[tilespmem:$0x1F890] =	vst v20  }
0x192: {  	v7 =	vadd.s32 $0x6380, v29;
	[tilespmem:$0x1F330] =	vst v6  }
0x193: {  	v4 =	vor.u32 $0x300, v31;
	[tilespmem:$0x1F470] =	vst v7  }
0x194: {  	v31 =	vadd.s32 $0x6200, v50;
	[tilespmem:$0x1F850] =	vst v4  }
0x195: {  	v29 =	vadd.s32 $0x6200, v51;
	[tilespmem:$0x1F9D0] =	vst v31  }
0x196: {  	v6 =	vadd.s32 $0x6100, v30;
	[tilespmem:$0x1F9E0] =	vst v29  }
0x197: {  	v7 =	vor.u32 $0x180, v24;
	[tilespmem:$0x1F340] =	vst v6  }
0x198: {  	v6 =	vadd.s32 $0x6300, v30;
	[tilespmem:$0x1F480] =	vst v7  }
0x199: {  	v7 =	vor.u32 $0x380, v24;
	[tilespmem:$0x1F350] =	vst v6  }
0x19a: {  	v30 =	vadd.s32 $0x6200, v52;
	[tilespmem:$0x1F490] =	vst v7  }
0x19b: {  	v7 =	vadd.s32 $0x2180, v24;
	[tilespmem:$0x1F9F0] =	vst v30  }
0x19c: {  	v6 =	vld [tilespmem:$0x1FC10];
	[tilespmem:$0x1F4A0] =	vst v7;
	v7 =	vadd.s32 $0x2380, v24  }
0x19d: {  	[tilespmem:$0x1F4B0] =	vst v7;
	v7 =	vadd.s32 $0x4180, v24  }
0x19e: {  	[tilespmem:$0x1F4C0] =	vst v7;
	v7 =	vadd.s32 $0x4380, v24  }
0x19f: {  	[tilespmem:$0x1F4D0] =	vst v7;
	v7 =	vadd.s32 $0x6180, v24  }
0x1a0: {  	[tilespmem:$0x1F4E0] =	vst v7;
	v7 =	vadd.s32 $0x6380, v24  }
0x1a1: {  	v48 =	vor.u32 v6, v5;
	[tilespmem:$0x1F4F0] =	vst v7  }
0x1a2: {  	v24 =	vadd.s32 $0x6200, v53;
	[tilespmem:$0x1F8C0] =	vst v48  }
0x1a3: {  	v6 =	vld [tilespmem:$0x1FC40];
	v7 =	vor.u32 $0x180, v3;
	[tilespmem:$0x1FA00] =	vst v24  }
0x1a4: {  	[tilespmem:$0x1F500] =	vst v7;
	v7 =	vor.u32 $0x380, v3  }
0x1a5: {  	[tilespmem:$0x1F510] =	vst v7;
	v7 =	vadd.s32 $0x2180, v3  }
0x1a6: {  	[tilespmem:$0x1F520] =	vst v7;
	v7 =	vadd.s32 $0x2380, v3  }
0x1a7: {  	[tilespmem:$0x1F530] =	vst v7;
	v7 =	vadd.s32 $0x4180, v3  }
0x1a8: {  	v11 =	vor.u32 v6, v5;
	[tilespmem:$0x1F540] =	vst v7  }
0x1a9: {  	v7 =	vadd.s32 $0x4380, v3;
	[tilespmem:$0x1F8D0] =	vst v11  }
0x1aa: {  	v6 =	vld [tilespmem:$0x1FC70];
	[tilespmem:$0x1F550] =	vst v7;
	v7 =	vadd.s32 $0x6180, v3  }
0x1ab: {  	v3 =	vadd.s32 $0x6380, v3;
	[tilespmem:$0x1F560] =	vst v7  }
0x1ac: {  	v7 =	vor.u32 $0x180, v2;
	[tilespmem:$0x1FB40] =	vst v3  }
0x1ad: {  	[tilespmem:$0x1F570] =	vst v7;
	v7 =	vor.u32 $0x380, v2  }
0x1ae: {  	[tilespmem:$0x1F580] =	vst v7;
	v7 =	vadd.s32 $0x2180, v2  }
0x1af: {  	v8 =	vadd.s32 v6, v5;
	[tilespmem:$0x1F590] =	vst v7  }
0x1b0: {  	v7 =	vadd.s32 $0x2380, v2;
	[tilespmem:$0x1F8E0] =	vst v8  }
0x1b1: {  	v6 =	vld [tilespmem:$0x1FCA0];
	[tilespmem:$0x1F5A0] =	vst v7;
	v7 =	vadd.s32 $0x4180, v2  }
0x1b2: {  	[tilespmem:$0x1F5B0] =	vst v7;
	v7 =	vadd.s32 $0x4380, v2  }
0x1b3: {  	[tilespmem:$0x1F5C0] =	vst v7;
	v7 =	vadd.s32 $0x6180, v2  }
0x1b4: {  	v2 =	vadd.s32 $0x6380, v2;
	[tilespmem:$0x1F5D0] =	vst v7  }
0x1b5: {  	v7 =	vor.u32 $0x180, v1;
	[tilespmem:$0x1FB50] =	vst v2  }
0x1b6: {  	v17 =	vadd.s32 v6, v5;
	v6 =	vld [tilespmem:$0x1FCD0];
	[tilespmem:$0x1F5E0] =	vst v7  }
0x1b7: {  	v7 =	vor.u32 $0x380, v1;
	[tilespmem:$0x1F8F0] =	vst v17  }
0x1b8: {  	[tilespmem:$0x1F5F0] =	vst v7;
	v7 =	vadd.s32 $0x2180, v1  }
0x1b9: {  	[tilespmem:$0x1F600] =	vst v7;
	v7 =	vadd.s32 $0x2380, v1  }
0x1ba: {  	[tilespmem:$0x1F610] =	vst v7;
	v7 =	vadd.s32 $0x4180, v1  }
0x1bb: {  	v6 =	vadd.s32 v6, v5;
	[tilespmem:$0x1F620] =	vst v7  }
0x1bc: {  	v7 =	vadd.s32 $0x4380, v1;
	[tilespmem:$0x1F360] =	vst v6  }
0x1bd: {  	[tilespmem:$0x1F630] =	vst v7;
	v7 =	vadd.s32 $0x6180, v1  }
0x1be: {  	v1 =	vadd.s32 $0x6380, v1;
	[tilespmem:$0x1F640] =	vst v7  }
0x1bf: {  	v6 =	vld [tilespmem:$0x1FD00];
	[tilespmem:$0x1F650] =	vst v1;
	v1 =	vor.u32 $0x200, v50  }
0x1c0: {  	v7 =	vadd.s32 $0x6200, v55;
	[tilespmem:$0x1F660] =	vst v1  }
0x1c1: {  	v1 =	vor.u32 $0x200, v51;
	[tilespmem:$0x1FA20] =	vst v7  }
0x1c2: {  	[tilespmem:$0x1F670] =	vst v1;
	v1 =	vor.u32 $0x200, v52  }
0x1c3: {  	[tilespmem:$0x1F680] =	vst v1;
	v1 =	vor.u32 $0x200, v53  }
0x1c4: {  	v6 =	vadd.s32 v6, v5;
	[tilespmem:$0x1F690] =	vst v1  }
0x1c5: {  	v1 =	vor.u32 $0x200, v54;
	[tilespmem:$0x1F370] =	vst v6  }
0x1c6: {  	v6 =	vld [tilespmem:$0x1FD30];
	[tilespmem:$0x1F6A0] =	vst v1;
	v1 =	vor.u32 $0x200, v55  }
0x1c7: {  	[tilespmem:$0x1F6B0] =	vst v1;
	v1 =	vadd.s32 $0x2000, v50  }
0x1c8: {  	[tilespmem:$0x1F6C0] =	vst v1;
	v1 =	vadd.s32 $0x2000, v51  }
0x1c9: {  	[tilespmem:$0x1F6D0] =	vst v1;
	v1 =	vadd.s32 $0x2000, v52  }
0x1ca: {  	v44 =	vld [tilespmem:$0x1FE90];
	[tilespmem:$0x1F6E0] =	vst v1;
	v1 =	vadd.s32 $0x2000, v53  }
0x1cb: {  	v36 =	vld [tilespmem:$0x1FE00];
	v6 =	vadd.s32 v6, v5;
	[tilespmem:$0x1F6F0] =	vst v1  }
0x1cc: {  	v37 =	vld [tilespmem:$0x1FE10];
	v1 =	vadd.s32 $0x2000, v54;
	[tilespmem:$0x1F380] =	vst v6  }
0x1cd: {  	v6 =	vld [tilespmem:$0x1FD60];
	[tilespmem:$0x1F700] =	vst v1;
	v1 =	vadd.s32 $0x2000, v55  }
0x1ce: {  	v35 =	vld [tilespmem:$0x1FDF0];
	[tilespmem:$0x1F710] =	vst v1;
	v1 =	vadd.s32 $0x2200, v50  }
0x1cf: {  	v42 =	vld [tilespmem:$0x1FE60];
	[tilespmem:$0x1F720] =	vst v1;
	v1 =	vadd.s32 $0x2200, v51  }
0x1d0: {  	v43 =	vld [tilespmem:$0x1FE70];
	[tilespmem:$0x1F730] =	vst v1;
	v1 =	vadd.s32 $0x2200, v52  }
0x1d1: {  	v33 =	vld [tilespmem:$0x1FDD0];
	[tilespmem:$0x1F740] =	vst v1;
	v1 =	vadd.s32 $0x2200, v53  }
0x1d2: {  	v39 =	vld [tilespmem:$0x1FE30];
	v5 =	vadd.s32 v6, v5;
	[tilespmem:$0x1F750] =	vst v1  }
0x1d3: {  	v34 =	vld [tilespmem:$0x1FDE0];
	v1 =	vadd.s32 $0x2200, v54;
	[tilespmem:$0x1F390] =	vst v5  }
0x1d4: {  	v40 =	vld [tilespmem:$0x1FE40];
	v6 =	vor.u32 $0x380, v41;
	[tilespmem:$0x1F760] =	vst v1  }
0x1d5: {  	v57 =	vld [tilespmem:$0x1FE80];
	v1 =	vadd.s32 $0x2200, v55;
	[tilespmem:$0x1FB30] =	vst v6  }
0x1d6: {  	v38 =	vld [tilespmem:$0x1FE20];
	v5 =	vor.u32 $0x180, v41;
	v41 =	vmov v32;
	[tilespmem:$0x1F770] =	vst v1  }
0x1d7: {  	v9 =	vld [tilespmem:$0x1FEA0];
	v32 =	vadd.s32 $0x6000, v55;
	[tilespmem:$0x1F7E0] =	vst v41  }
0x1d8: {  	v29 =	vld [tilespmem:$0x1FD90];
	[tilespmem:$0x1F9C0] =	vst v32  }
0x1d9: {  	v31 =	vld [tilespmem:$0x1FDB0];
	v1 =	vadd.s32 $0x4000, v50;
	[tilespmem:$0x1FB20] =	vst v5  }
.Ltmp2:
0x1da: {  	v30 =	vld [tilespmem:$0x1FDA0];
	[tilespmem:$0x1F780] =	vst v1;
	v1 =	vadd.s32 $0x4000, v51;
	(pc) =	sbr.rel .LBB2_2-.Ltmp2, $4  }
0x1db: {  	v24 =	vld [tilespmem:$0x1FEC0];
	[tilespmem:$0x1F790] =	vst v1;
	v1 =	vadd.s32 $0x4000, v52  }
0x1dc: {  	v7 =	vld [tilespmem:$0x1FEB0];
	[tilespmem:$0x1F7A0] =	vst v1;
	v1 =	vadd.s32 $0x4000, v53  }
0x1dd: {  	v41 =	vld [tilespmem:$0x1FE50];
	[tilespmem:$0x1F7B0] =	vst v1;
	v1 =	vadd.s32 $0x4000, v54  }
0x1de: {  	s18 =	smov.u32 s7;
	s19 =	simm.s32 $0x0;
	v32 =	vld [tilespmem:$0x1FDC0];
	[tilespmem:$0x1F7C0] =	vst v1  }
.LBB2_3:
0x1df: {  	_ =	swait.ge [sflag:s13], $0x8000  }
0x1e0: {  	[sflag:s13] =	ssyncset.done $0x0  }
0x1e1: {  	[sflag:s13] =	ssyncadd.s32 $0xFFFF8000  }
.LBB2_5:
0x1e2: {  	_ =	swait.ge [sflag:s14], $0x1000  }
0x1e3: {  	[sflag:s14] =	ssyncset.done $0x0  }
0x1e4: {  	[sflag:s14] =	ssyncadd.s32 $0xFFFFF000  }
.LBB2_6:
0x1e5: {  	v50 =	vld [tilespmem:$0x1FA30];
	_ =	sdelay $0x5  }
0x1e6: {  	v51 =	vld [tilespmem:$0x1FA40];
	_ =	sdelay $0x1  }
0x1e7: {  	v57 =	vld.idx.msk [tilespmem:v50+s10+$0x0], $0xffff;
	_ =	sdelay $0x2  }
0x1e8: {  	v58 =	vld [tilespmem:$0x1FFB0]  }
0x1e9: {  	v52 =	vld [tilespmem:$0x1FA50]  }
0x1ea: {  	[tilespmem:v0+s15+$0x0] =	vst.idx.msk $0xffff, v57  }
0x1eb: {  	v57 =	vld.idx.msk [tilespmem:v51+s10+$0x0], $0xffff;
	_ =	sdelay $0x2  }
0x1ec: {  	v25 =	vld [tilespmem:$0x1FFC0]  }
0x1ed: {  	v53 =	vld [tilespmem:$0x1FA60]  }
0x1ee: {  	[tilespmem:v58+s15+$0x0] =	vst.idx.msk $0xffff, v57  }
0x1ef: {  	v57 =	vld.idx.msk [tilespmem:v52+s10+$0x0], $0xffff;
	_ =	sdelay $0x2  }
0x1f0: {  	v26 =	vld [tilespmem:$0x1FFD0]  }
0x1f1: {  	v54 =	vld [tilespmem:$0x1FA70]  }
0x1f2: {  	[tilespmem:v25+s15+$0x0] =	vst.idx.msk $0xffff, v57  }
0x1f3: {  	v57 =	vld.idx.msk [tilespmem:v53+s10+$0x0], $0xffff;
	_ =	sdelay $0x2  }
0x1f4: {  	v27 =	vld [tilespmem:$0x1FFE0]  }
0x1f5: {  	v55 =	vld [tilespmem:$0x1FA80]  }
0x1f6: {  	[tilespmem:v26+s15+$0x0] =	vst.idx.msk $0xffff, v57  }
0x1f7: {  	v57 =	vld.idx.msk [tilespmem:v54+s10+$0x0], $0xffff;
	_ =	sdelay $0x2  }
0x1f8: {  	v28 =	vld [tilespmem:$0x1FFF0]  }
0x1f9: {  	v56 =	vld [tilespmem:$0x1FA90]  }
0x1fa: {  	[tilespmem:v27+s15+$0x0] =	vst.idx.msk $0xffff, v57  }
0x1fb: {  	v57 =	vld.idx.msk [tilespmem:v55+s10+$0x0], $0xffff;
	_ =	sdelay $0x2  }
0x1fc: {  	v3 =	vld [tilespmem:$0x1E480];
	_ =	sdelay $0x1  }
0x1fd: {  	v59 =	vld [tilespmem:$0x1FAA0];
	[tilespmem:v28+s15+$0x0] =	vst.idx.msk $0xffff, v57  }
0x1fe: {  	v57 =	vld.idx.msk [tilespmem:v56+s10+$0x0], $0xffff;
	_ =	sdelay $0x4  }
0x1ff: {  	[tilespmem:v3+s15+$0x0] =	vst.idx.msk $0xffff, v57;
	v3 =	vld [tilespmem:$0x1E490];
	_ =	sdelay $0x1  }
0x200: {  	v60 =	vld [tilespmem:$0x1FAB0]  }
0x201: {  	v57 =	vld.idx.msk [tilespmem:v59+s10+$0x0], $0xffff;
	_ =	sdelay $0x4  }
0x202: {  	[tilespmem:v3+s15+$0x0] =	vst.idx.msk $0xffff, v57;
	v3 =	vld [tilespmem:$0x1E4A0];
	_ =	sdelay $0x1  }
0x203: {  	v61 =	vld [tilespmem:$0x1FAC0]  }
0x204: {  	v57 =	vld.idx.msk [tilespmem:v60+s10+$0x0], $0xffff;
	_ =	sdelay $0x4  }
0x205: {  	[tilespmem:v3+s15+$0x0] =	vst.idx.msk $0xffff, v57;
	v3 =	vld [tilespmem:$0x1E4B0];
	_ =	sdelay $0x1  }
0x206: {  	v63 =	vld [tilespmem:$0x1FAD0]  }
0x207: {  	v57 =	vld.idx.msk [tilespmem:v61+s10+$0x0], $0xffff;
	_ =	sdelay $0x4  }
0x208: {  	[tilespmem:v3+s15+$0x0] =	vst.idx.msk $0xffff, v57;
	v3 =	vld [tilespmem:$0x1E4C0];
	_ =	sdelay $0x1  }
0x209: {  	v62 =	vld [tilespmem:$0x1FAE0]  }
0x20a: {  	v57 =	vld.idx.msk [tilespmem:v63+s10+$0x0], $0xffff;
	_ =	sdelay $0x4  }
0x20b: {  	[tilespmem:v3+s15+$0x0] =	vst.idx.msk $0xffff, v57;
	v3 =	vld [tilespmem:$0x1E4D0]  }
0x20c: {  	v15 =	vld [tilespmem:$0x1F7F0];
	_ =	sdelay $0x1  }
0x20d: {  	v57 =	vld.idx.msk [tilespmem:v62+s10+$0x0], $0xffff;
	_ =	sdelay $0x2  }
0x20e: {  	v29 =	vld [tilespmem:$0x1FD90]  }
0x20f: {  	v19 =	vld [tilespmem:$0x1F800]  }
0x210: {  	[tilespmem:v3+s15+$0x0] =	vst.idx.msk $0xffff, v57  }
0x211: {  	v57 =	vld.idx.msk [tilespmem:v15+s10+$0x0], $0xffff;
	_ =	sdelay $0x2  }
0x212: {  	v3 =	vld [tilespmem:$0x1E4E0];
	_ =	sdelay $0x1  }
0x213: {  	v23 =	vld [tilespmem:$0x1F820];
	[tilespmem:v29+s15+$0x0] =	vst.idx.msk $0xffff, v57  }
0x214: {  	v57 =	vld.idx.msk [tilespmem:v19+s10+$0x0], $0xffff;
	_ =	sdelay $0x4  }
0x215: {  	[tilespmem:v3+s15+$0x0] =	vst.idx.msk $0xffff, v57;
	v3 =	vld [tilespmem:$0x1E4F0];
	_ =	sdelay $0x1  }
0x216: {  	v13 =	vld [tilespmem:$0x1F840]  }
0x217: {  	v57 =	vld.idx.msk [tilespmem:v23+s10+$0x0], $0xffff;
	_ =	sdelay $0x4  }
0x218: {  	[tilespmem:v3+s15+$0x0] =	vst.idx.msk $0xffff, v57;
	v3 =	vld [tilespmem:$0x1E500];
	_ =	sdelay $0x1  }
0x219: {  	v14 =	vld [tilespmem:$0x1F860]  }
0x21a: {  	v57 =	vld.idx.msk [tilespmem:v13+s10+$0x0], $0xffff;
	_ =	sdelay $0x4  }
0x21b: {  	[tilespmem:v3+s15+$0x0] =	vst.idx.msk $0xffff, v57;
	v3 =	vld [tilespmem:$0x1E510];
	_ =	sdelay $0x1  }
0x21c: {  	v20 =	vld [tilespmem:$0x1F890]  }
0x21d: {  	v57 =	vld.idx.msk [tilespmem:v14+s10+$0x0], $0xffff;
	_ =	sdelay $0x4  }
0x21e: {  	[tilespmem:v3+s15+$0x0] =	vst.idx.msk $0xffff, v57;
	v3 =	vld [tilespmem:$0x1E520];
	_ =	sdelay $0x1  }
0x21f: {  	v48 =	vld [tilespmem:$0x1F8C0]  }
0x220: {  	v57 =	vld.idx.msk [tilespmem:v20+s10+$0x0], $0xffff;
	_ =	sdelay $0x3  }
0x221: {  	v30 =	vld [tilespmem:$0x1FDA0]  }
0x222: {  	[tilespmem:v3+s15+$0x0] =	vst.idx.msk $0xffff, v57;
	v3 =	vld [tilespmem:$0x1FB20];
	_ =	sdelay $0x1  }
0x223: {  	v57 =	vld.idx.msk [tilespmem:v48+s10+$0x0], $0xffff;
	_ =	sdelay $0x4  }
0x224: {  	[tilespmem:v30+s15+$0x0] =	vst.idx.msk $0xffff, v57  }
0x225: {  	v57 =	vld.idx.msk [tilespmem:v3+s10+$0x0], $0xffff  }
0x226: {  	v3 =	vld [tilespmem:$0x1E530];
	_ =	sdelay $0x7  }
0x227: {  	[tilespmem:v3+s15+$0x0] =	vst.idx.msk $0xffff, v57;
	v3 =	vld [tilespmem:$0x1F400];
	_ =	sdelay $0x7  }
0x228: {  	v57 =	vld.idx.msk [tilespmem:v3+s10+$0x0], $0xffff  }
0x229: {  	v3 =	vld [tilespmem:$0x1E540];
	_ =	sdelay $0x7  }
0x22a: {  	[tilespmem:v3+s15+$0x0] =	vst.idx.msk $0xffff, v57;
	v3 =	vld [tilespmem:$0x1F480];
	_ =	sdelay $0x7  }
0x22b: {  	v57 =	vld.idx.msk [tilespmem:v3+s10+$0x0], $0xffff  }
0x22c: {  	v3 =	vld [tilespmem:$0x1E550];
	_ =	sdelay $0x7  }
0x22d: {  	[tilespmem:v3+s15+$0x0] =	vst.idx.msk $0xffff, v57;
	v3 =	vld [tilespmem:$0x1F500];
	_ =	sdelay $0x7  }
0x22e: {  	v57 =	vld.idx.msk [tilespmem:v3+s10+$0x0], $0xffff  }
0x22f: {  	v3 =	vld [tilespmem:$0x1E560];
	_ =	sdelay $0x7  }
0x230: {  	[tilespmem:v3+s15+$0x0] =	vst.idx.msk $0xffff, v57;
	v3 =	vld [tilespmem:$0x1F570];
	_ =	sdelay $0x7  }
0x231: {  	v57 =	vld.idx.msk [tilespmem:v3+s10+$0x0], $0xffff  }
0x232: {  	v3 =	vld [tilespmem:$0x1E570];
	_ =	sdelay $0x7  }
0x233: {  	[tilespmem:v3+s15+$0x0] =	vst.idx.msk $0xffff, v57;
	v3 =	vld [tilespmem:$0x1F5E0];
	_ =	sdelay $0x7  }
0x234: {  	v57 =	vld.idx.msk [tilespmem:v3+s10+$0x0], $0xffff  }
0x235: {  	v3 =	vld [tilespmem:$0x1E580];
	_ =	sdelay $0x7  }
0x236: {  	[tilespmem:v3+s15+$0x0] =	vst.idx.msk $0xffff, v57;
	v3 =	vld [tilespmem:$0x1F660];
	_ =	sdelay $0x7  }
0x237: {  	v57 =	vld.idx.msk [tilespmem:v3+s10+$0x0], $0xffff  }
0x238: {  	v3 =	vld [tilespmem:$0x1E590];
	_ =	sdelay $0x7  }
0x239: {  	[tilespmem:v3+s15+$0x0] =	vst.idx.msk $0xffff, v57;
	v3 =	vld [tilespmem:$0x1F670];
	_ =	sdelay $0x7  }
0x23a: {  	v57 =	vld.idx.msk [tilespmem:v3+s10+$0x0], $0xffff  }
0x23b: {  	v3 =	vld [tilespmem:$0x1E5A0];
	_ =	sdelay $0x7  }
0x23c: {  	[tilespmem:v3+s15+$0x0] =	vst.idx.msk $0xffff, v57;
	v3 =	vld [tilespmem:$0x1F680];
	_ =	sdelay $0x7  }
0x23d: {  	v57 =	vld.idx.msk [tilespmem:v3+s10+$0x0], $0xffff  }
0x23e: {  	v3 =	vld [tilespmem:$0x1E5B0];
	_ =	sdelay $0x7  }
0x23f: {  	[tilespmem:v3+s15+$0x0] =	vst.idx.msk $0xffff, v57;
	v3 =	vld [tilespmem:$0x1F690];
	_ =	sdelay $0x7  }
0x240: {  	v57 =	vld.idx.msk [tilespmem:v3+s10+$0x0], $0xffff  }
0x241: {  	v3 =	vld [tilespmem:$0x1E5C0];
	_ =	sdelay $0x7  }
0x242: {  	[tilespmem:v3+s15+$0x0] =	vst.idx.msk $0xffff, v57;
	v3 =	vld [tilespmem:$0x1F6A0];
	_ =	sdelay $0x7  }
0x243: {  	v57 =	vld.idx.msk [tilespmem:v3+s10+$0x0], $0xffff  }
0x244: {  	v3 =	vld [tilespmem:$0x1E5D0];
	_ =	sdelay $0x7  }
0x245: {  	[tilespmem:v3+s15+$0x0] =	vst.idx.msk $0xffff, v57;
	v3 =	vld [tilespmem:$0x1F6B0];
	_ =	sdelay $0x7  }
0x246: {  	v57 =	vld.idx.msk [tilespmem:v3+s10+$0x0], $0xffff  }
0x247: {  	v3 =	vld [tilespmem:$0x1E5E0]  }
0x248: {  	v16 =	vld [tilespmem:$0x1F7D0];
	_ =	sdelay $0x4  }
0x249: {  	v31 =	vld [tilespmem:$0x1FDB0]  }
0x24a: {  	v21 =	vld [tilespmem:$0x1FAF0]  }
0x24b: {  	[tilespmem:v3+s15+$0x0] =	vst.idx.msk $0xffff, v57  }
0x24c: {  	v57 =	vld.idx.msk [tilespmem:v16+s10+$0x0], $0xffff;
	_ =	sdelay $0x2  }
0x24d: {  	v3 =	vld [tilespmem:$0x1E5F0];
	_ =	sdelay $0x1  }
0x24e: {  	v22 =	vld [tilespmem:$0x1FB00];
	[tilespmem:v31+s15+$0x0] =	vst.idx.msk $0xffff, v57  }
0x24f: {  	v57 =	vld.idx.msk [tilespmem:v21+s10+$0x0], $0xffff;
	_ =	sdelay $0x4  }
0x250: {  	[tilespmem:v3+s15+$0x0] =	vst.idx.msk $0xffff, v57;
	v3 =	vld [tilespmem:$0x1E600];
	_ =	sdelay $0x2  }
0x251: {  	v57 =	vld.idx.msk [tilespmem:v22+s10+$0x0], $0xffff;
	_ =	sdelay $0x4  }
0x252: {  	[tilespmem:v3+s15+$0x0] =	vst.idx.msk $0xffff, v57;
	v3 =	vld [tilespmem:$0x1EEE0];
	_ =	sdelay $0x7  }
0x253: {  	v57 =	vld.idx.msk [tilespmem:v3+s10+$0x0], $0xffff  }
0x254: {  	v3 =	vld [tilespmem:$0x1E610];
	_ =	sdelay $0x7  }
0x255: {  	[tilespmem:v3+s15+$0x0] =	vst.idx.msk $0xffff, v57;
	v3 =	vld [tilespmem:$0x1EEF0];
	_ =	sdelay $0x7  }
0x256: {  	v57 =	vld.idx.msk [tilespmem:v3+s10+$0x0], $0xffff  }
0x257: {  	v3 =	vld [tilespmem:$0x1E620];
	_ =	sdelay $0x7  }
0x258: {  	[tilespmem:v3+s15+$0x0] =	vst.idx.msk $0xffff, v57;
	v3 =	vld [tilespmem:$0x1EF00];
	_ =	sdelay $0x7  }
0x259: {  	v57 =	vld.idx.msk [tilespmem:v3+s10+$0x0], $0xffff  }
0x25a: {  	v3 =	vld [tilespmem:$0x1E630];
	_ =	sdelay $0x7  }
0x25b: {  	[tilespmem:v3+s15+$0x0] =	vst.idx.msk $0xffff, v57;
	v3 =	vld [tilespmem:$0x1F130];
	_ =	sdelay $0x4  }
0x25c: {  	v32 =	vld [tilespmem:$0x1FDC0]  }
0x25d: {  	v18 =	vld [tilespmem:$0x1F810];
	_ =	sdelay $0x1  }
0x25e: {  	v57 =	vld.idx.msk [tilespmem:v3+s10+$0x0], $0xffff;
	_ =	sdelay $0x2  }
0x25f: {  	v3 =	vld [tilespmem:$0x1E640];
	_ =	sdelay $0x1  }
0x260: {  	v47 =	vld [tilespmem:$0x1F830];
	[tilespmem:v32+s15+$0x0] =	vst.idx.msk $0xffff, v57  }
0x261: {  	v57 =	vld.idx.msk [tilespmem:v18+s10+$0x0], $0xffff;
	_ =	sdelay $0x4  }
0x262: {  	[tilespmem:v3+s15+$0x0] =	vst.idx.msk $0xffff, v57;
	v3 =	vld [tilespmem:$0x1E650];
	_ =	sdelay $0x1  }
0x263: {  	v4 =	vld [tilespmem:$0x1F850]  }
0x264: {  	v57 =	vld.idx.msk [tilespmem:v47+s10+$0x0], $0xffff;
	_ =	sdelay $0x4  }
0x265: {  	[tilespmem:v3+s15+$0x0] =	vst.idx.msk $0xffff, v57;
	v3 =	vld [tilespmem:$0x1E660];
	_ =	sdelay $0x1  }
0x266: {  	v49 =	vld [tilespmem:$0x1F870]  }
0x267: {  	v57 =	vld.idx.msk [tilespmem:v4+s10+$0x0], $0xffff;
	_ =	sdelay $0x4  }
0x268: {  	[tilespmem:v3+s15+$0x0] =	vst.idx.msk $0xffff, v57;
	v3 =	vld [tilespmem:$0x1E670];
	_ =	sdelay $0x1  }
0x269: {  	v45 =	vld [tilespmem:$0x1F8A0]  }
0x26a: {  	v57 =	vld.idx.msk [tilespmem:v49+s10+$0x0], $0xffff;
	_ =	sdelay $0x4  }
0x26b: {  	[tilespmem:v3+s15+$0x0] =	vst.idx.msk $0xffff, v57;
	v3 =	vld [tilespmem:$0x1E680];
	_ =	sdelay $0x1  }
0x26c: {  	v11 =	vld [tilespmem:$0x1F8D0]  }
0x26d: {  	v57 =	vld.idx.msk [tilespmem:v45+s10+$0x0], $0xffff;
	_ =	sdelay $0x3  }
0x26e: {  	v33 =	vld [tilespmem:$0x1FDD0]  }
0x26f: {  	[tilespmem:v3+s15+$0x0] =	vst.idx.msk $0xffff, v57;
	v3 =	vld [tilespmem:$0x1FB30];
	_ =	sdelay $0x1  }
0x270: {  	v57 =	vld.idx.msk [tilespmem:v11+s10+$0x0], $0xffff;
	_ =	sdelay $0x4  }
0x271: {  	[tilespmem:v33+s15+$0x0] =	vst.idx.msk $0xffff, v57  }
0x272: {  	v57 =	vld.idx.msk [tilespmem:v3+s10+$0x0], $0xffff  }
0x273: {  	v3 =	vld [tilespmem:$0x1E690];
	_ =	sdelay $0x7  }
0x274: {  	[tilespmem:v3+s15+$0x0] =	vst.idx.msk $0xffff, v57;
	v3 =	vld [tilespmem:$0x1F410];
	_ =	sdelay $0x7  }
0x275: {  	v57 =	vld.idx.msk [tilespmem:v3+s10+$0x0], $0xffff  }
0x276: {  	v3 =	vld [tilespmem:$0x1E6A0];
	_ =	sdelay $0x7  }
0x277: {  	[tilespmem:v3+s15+$0x0] =	vst.idx.msk $0xffff, v57;
	v3 =	vld [tilespmem:$0x1F490];
	_ =	sdelay $0x7  }
0x278: {  	v57 =	vld.idx.msk [tilespmem:v3+s10+$0x0], $0xffff  }
0x279: {  	v3 =	vld [tilespmem:$0x1E6B0];
	_ =	sdelay $0x7  }
0x27a: {  	[tilespmem:v3+s15+$0x0] =	vst.idx.msk $0xffff, v57;
	v3 =	vld [tilespmem:$0x1F510];
	_ =	sdelay $0x7  }
0x27b: {  	v57 =	vld.idx.msk [tilespmem:v3+s10+$0x0], $0xffff  }
0x27c: {  	v3 =	vld [tilespmem:$0x1E6C0];
	_ =	sdelay $0x7  }
0x27d: {  	[tilespmem:v3+s15+$0x0] =	vst.idx.msk $0xffff, v57;
	v3 =	vld [tilespmem:$0x1F580];
	_ =	sdelay $0x7  }
0x27e: {  	v57 =	vld.idx.msk [tilespmem:v3+s10+$0x0], $0xffff  }
0x27f: {  	v3 =	vld [tilespmem:$0x1E6D0];
	_ =	sdelay $0x7  }
0x280: {  	[tilespmem:v3+s15+$0x0] =	vst.idx.msk $0xffff, v57;
	v3 =	vld [tilespmem:$0x1F5F0];
	_ =	sdelay $0x7  }
0x281: {  	v57 =	vld.idx.msk [tilespmem:v3+s10+$0x0], $0xffff  }
0x282: {  	v3 =	vld [tilespmem:$0x1E6E0];
	_ =	sdelay $0x7  }
0x283: {  	[tilespmem:v3+s15+$0x0] =	vst.idx.msk $0xffff, v57;
	v3 =	vld [tilespmem:$0x1F6C0];
	_ =	sdelay $0x7  }
0x284: {  	v57 =	vld.idx.msk [tilespmem:v3+s10+$0x0], $0xffff  }
0x285: {  	v3 =	vld [tilespmem:$0x1E6F0];
	_ =	sdelay $0x7  }
0x286: {  	[tilespmem:v3+s15+$0x0] =	vst.idx.msk $0xffff, v57;
	v3 =	vld [tilespmem:$0x1F6D0];
	_ =	sdelay $0x7  }
0x287: {  	v57 =	vld.idx.msk [tilespmem:v3+s10+$0x0], $0xffff  }
0x288: {  	v3 =	vld [tilespmem:$0x1E700];
	_ =	sdelay $0x7  }
0x289: {  	[tilespmem:v3+s15+$0x0] =	vst.idx.msk $0xffff, v57;
	v3 =	vld [tilespmem:$0x1F6E0];
	_ =	sdelay $0x7  }
0x28a: {  	v57 =	vld.idx.msk [tilespmem:v3+s10+$0x0], $0xffff  }
0x28b: {  	v3 =	vld [tilespmem:$0x1E710];
	_ =	sdelay $0x7  }
0x28c: {  	[tilespmem:v3+s15+$0x0] =	vst.idx.msk $0xffff, v57;
	v3 =	vld [tilespmem:$0x1F6F0];
	_ =	sdelay $0x7  }
0x28d: {  	v57 =	vld.idx.msk [tilespmem:v3+s10+$0x0], $0xffff  }
0x28e: {  	v3 =	vld [tilespmem:$0x1E720];
	_ =	sdelay $0x7  }
0x28f: {  	[tilespmem:v3+s15+$0x0] =	vst.idx.msk $0xffff, v57;
	v3 =	vld [tilespmem:$0x1F700];
	_ =	sdelay $0x7  }
0x290: {  	v57 =	vld.idx.msk [tilespmem:v3+s10+$0x0], $0xffff  }
0x291: {  	v3 =	vld [tilespmem:$0x1E730];
	_ =	sdelay $0x7  }
0x292: {  	[tilespmem:v3+s15+$0x0] =	vst.idx.msk $0xffff, v57;
	v3 =	vld [tilespmem:$0x1F710];
	_ =	sdelay $0x7  }
0x293: {  	v57 =	vld.idx.msk [tilespmem:v3+s10+$0x0], $0xffff  }
0x294: {  	v3 =	vld [tilespmem:$0x1E740];
	_ =	sdelay $0x7  }
0x295: {  	[tilespmem:v3+s15+$0x0] =	vst.idx.msk $0xffff, v57;
	v3 =	vld [tilespmem:$0x1EF10];
	_ =	sdelay $0x6  }
0x296: {  	v34 =	vld [tilespmem:$0x1FDE0]  }
0x297: {  	v57 =	vld.idx.msk [tilespmem:v3+s10+$0x0], $0xffff  }
0x298: {  	v3 =	vld [tilespmem:$0x1EF20];
	_ =	sdelay $0x6  }
0x299: {  	[tilespmem:v34+s15+$0x0] =	vst.idx.msk $0xffff, v57  }
0x29a: {  	v57 =	vld.idx.msk [tilespmem:v3+s10+$0x0], $0xffff  }
0x29b: {  	v3 =	vld [tilespmem:$0x1E750];
	_ =	sdelay $0x7  }
0x29c: {  	[tilespmem:v3+s15+$0x0] =	vst.idx.msk $0xffff, v57;
	v3 =	vld [tilespmem:$0x1EF30];
	_ =	sdelay $0x7  }
0x29d: {  	v57 =	vld.idx.msk [tilespmem:v3+s10+$0x0], $0xffff  }
0x29e: {  	v3 =	vld [tilespmem:$0x1E760];
	_ =	sdelay $0x7  }
0x29f: {  	[tilespmem:v3+s15+$0x0] =	vst.idx.msk $0xffff, v57;
	v3 =	vld [tilespmem:$0x1EF40];
	_ =	sdelay $0x7  }
0x2a0: {  	v57 =	vld.idx.msk [tilespmem:v3+s10+$0x0], $0xffff  }
0x2a1: {  	v3 =	vld [tilespmem:$0x1E770];
	_ =	sdelay $0x7  }
0x2a2: {  	[tilespmem:v3+s15+$0x0] =	vst.idx.msk $0xffff, v57;
	v3 =	vld [tilespmem:$0x1EF50];
	_ =	sdelay $0x7  }
0x2a3: {  	v57 =	vld.idx.msk [tilespmem:v3+s10+$0x0], $0xffff  }
0x2a4: {  	v3 =	vld [tilespmem:$0x1E780];
	_ =	sdelay $0x7  }
0x2a5: {  	[tilespmem:v3+s15+$0x0] =	vst.idx.msk $0xffff, v57;
	v3 =	vld [tilespmem:$0x1EF60];
	_ =	sdelay $0x7  }
0x2a6: {  	v57 =	vld.idx.msk [tilespmem:v3+s10+$0x0], $0xffff  }
0x2a7: {  	v3 =	vld [tilespmem:$0x1E790];
	_ =	sdelay $0x7  }
0x2a8: {  	[tilespmem:v3+s15+$0x0] =	vst.idx.msk $0xffff, v57;
	v3 =	vld [tilespmem:$0x1F140];
	_ =	sdelay $0x6  }
0x2a9: {  	v35 =	vld [tilespmem:$0x1FDF0]  }
0x2aa: {  	v57 =	vld.idx.msk [tilespmem:v3+s10+$0x0], $0xffff  }
0x2ab: {  	v3 =	vld [tilespmem:$0x1F1A0];
	_ =	sdelay $0x6  }
0x2ac: {  	[tilespmem:v35+s15+$0x0] =	vst.idx.msk $0xffff, v57  }
0x2ad: {  	v57 =	vld.idx.msk [tilespmem:v3+s10+$0x0], $0xffff  }
0x2ae: {  	v3 =	vld [tilespmem:$0x1E7A0];
	_ =	sdelay $0x7  }
0x2af: {  	[tilespmem:v3+s15+$0x0] =	vst.idx.msk $0xffff, v57;
	v3 =	vld [tilespmem:$0x1F200];
	_ =	sdelay $0x7  }
0x2b0: {  	v57 =	vld.idx.msk [tilespmem:v3+s10+$0x0], $0xffff  }
0x2b1: {  	v3 =	vld [tilespmem:$0x1E7B0];
	_ =	sdelay $0x7  }
0x2b2: {  	[tilespmem:v3+s15+$0x0] =	vst.idx.msk $0xffff, v57;
	v3 =	vld [tilespmem:$0x1F260];
	_ =	sdelay $0x7  }
0x2b3: {  	v57 =	vld.idx.msk [tilespmem:v3+s10+$0x0], $0xffff  }
0x2b4: {  	v3 =	vld [tilespmem:$0x1E7C0];
	_ =	sdelay $0x2  }
0x2b5: {  	v12 =	vld [tilespmem:$0x1F880];
	_ =	sdelay $0x4  }
0x2b6: {  	[tilespmem:v3+s15+$0x0] =	vst.idx.msk $0xffff, v57;
	v3 =	vld [tilespmem:$0x1E7D0];
	_ =	sdelay $0x1  }
0x2b7: {  	v46 =	vld [tilespmem:$0x1F8B0]  }
0x2b8: {  	v57 =	vld.idx.msk [tilespmem:v12+s10+$0x0], $0xffff;
	_ =	sdelay $0x4  }
0x2b9: {  	[tilespmem:v3+s15+$0x0] =	vst.idx.msk $0xffff, v57;
	v3 =	vld [tilespmem:$0x1E7E0];
	_ =	sdelay $0x1  }
0x2ba: {  	v8 =	vld [tilespmem:$0x1F8E0]  }
0x2bb: {  	v57 =	vld.idx.msk [tilespmem:v46+s10+$0x0], $0xffff;
	_ =	sdelay $0x3  }
0x2bc: {  	v36 =	vld [tilespmem:$0x1FE00]  }
0x2bd: {  	[tilespmem:v3+s15+$0x0] =	vst.idx.msk $0xffff, v57;
	v3 =	vld [tilespmem:$0x1F3A0];
	_ =	sdelay $0x1  }
0x2be: {  	v57 =	vld.idx.msk [tilespmem:v8+s10+$0x0], $0xffff;
	_ =	sdelay $0x4  }
0x2bf: {  	[tilespmem:v36+s15+$0x0] =	vst.idx.msk $0xffff, v57  }
0x2c0: {  	v57 =	vld.idx.msk [tilespmem:v3+s10+$0x0], $0xffff  }
0x2c1: {  	v3 =	vld [tilespmem:$0x1E7F0];
	_ =	sdelay $0x7  }
0x2c2: {  	[tilespmem:v3+s15+$0x0] =	vst.idx.msk $0xffff, v57;
	v3 =	vld [tilespmem:$0x1F420];
	_ =	sdelay $0x7  }
0x2c3: {  	v57 =	vld.idx.msk [tilespmem:v3+s10+$0x0], $0xffff  }
0x2c4: {  	v3 =	vld [tilespmem:$0x1E800];
	_ =	sdelay $0x7  }
0x2c5: {  	[tilespmem:v3+s15+$0x0] =	vst.idx.msk $0xffff, v57;
	v3 =	vld [tilespmem:$0x1F4A0];
	_ =	sdelay $0x7  }
0x2c6: {  	v57 =	vld.idx.msk [tilespmem:v3+s10+$0x0], $0xffff  }
0x2c7: {  	v3 =	vld [tilespmem:$0x1E810];
	_ =	sdelay $0x7  }
0x2c8: {  	[tilespmem:v3+s15+$0x0] =	vst.idx.msk $0xffff, v57;
	v3 =	vld [tilespmem:$0x1F520];
	_ =	sdelay $0x7  }
0x2c9: {  	v57 =	vld.idx.msk [tilespmem:v3+s10+$0x0], $0xffff  }
0x2ca: {  	v3 =	vld [tilespmem:$0x1E820];
	_ =	sdelay $0x7  }
0x2cb: {  	[tilespmem:v3+s15+$0x0] =	vst.idx.msk $0xffff, v57;
	v3 =	vld [tilespmem:$0x1F590];
	_ =	sdelay $0x7  }
0x2cc: {  	v57 =	vld.idx.msk [tilespmem:v3+s10+$0x0], $0xffff  }
0x2cd: {  	v3 =	vld [tilespmem:$0x1E830];
	_ =	sdelay $0x7  }
0x2ce: {  	[tilespmem:v3+s15+$0x0] =	vst.idx.msk $0xffff, v57;
	v3 =	vld [tilespmem:$0x1F600];
	_ =	sdelay $0x7  }
0x2cf: {  	v57 =	vld.idx.msk [tilespmem:v3+s10+$0x0], $0xffff  }
0x2d0: {  	v3 =	vld [tilespmem:$0x1E840];
	_ =	sdelay $0x7  }
0x2d1: {  	[tilespmem:v3+s15+$0x0] =	vst.idx.msk $0xffff, v57;
	v3 =	vld [tilespmem:$0x1F720];
	_ =	sdelay $0x7  }
0x2d2: {  	v57 =	vld.idx.msk [tilespmem:v3+s10+$0x0], $0xffff  }
0x2d3: {  	v3 =	vld [tilespmem:$0x1E850];
	_ =	sdelay $0x7  }
0x2d4: {  	[tilespmem:v3+s15+$0x0] =	vst.idx.msk $0xffff, v57;
	v3 =	vld [tilespmem:$0x1F730];
	_ =	sdelay $0x7  }
0x2d5: {  	v57 =	vld.idx.msk [tilespmem:v3+s10+$0x0], $0xffff  }
0x2d6: {  	v3 =	vld [tilespmem:$0x1E860];
	_ =	sdelay $0x7  }
0x2d7: {  	[tilespmem:v3+s15+$0x0] =	vst.idx.msk $0xffff, v57;
	v3 =	vld [tilespmem:$0x1F740];
	_ =	sdelay $0x7  }
0x2d8: {  	v57 =	vld.idx.msk [tilespmem:v3+s10+$0x0], $0xffff  }
0x2d9: {  	v3 =	vld [tilespmem:$0x1E870];
	_ =	sdelay $0x7  }
0x2da: {  	[tilespmem:v3+s15+$0x0] =	vst.idx.msk $0xffff, v57;
	v3 =	vld [tilespmem:$0x1F750];
	_ =	sdelay $0x7  }
0x2db: {  	v57 =	vld.idx.msk [tilespmem:v3+s10+$0x0], $0xffff  }
0x2dc: {  	v3 =	vld [tilespmem:$0x1E880];
	_ =	sdelay $0x7  }
0x2dd: {  	[tilespmem:v3+s15+$0x0] =	vst.idx.msk $0xffff, v57;
	v3 =	vld [tilespmem:$0x1F760];
	_ =	sdelay $0x7  }
0x2de: {  	v57 =	vld.idx.msk [tilespmem:v3+s10+$0x0], $0xffff  }
0x2df: {  	v3 =	vld [tilespmem:$0x1E890];
	_ =	sdelay $0x7  }
0x2e0: {  	[tilespmem:v3+s15+$0x0] =	vst.idx.msk $0xffff, v57;
	v3 =	vld [tilespmem:$0x1F770];
	_ =	sdelay $0x7  }
0x2e1: {  	v57 =	vld.idx.msk [tilespmem:v3+s10+$0x0], $0xffff  }
0x2e2: {  	v3 =	vld [tilespmem:$0x1E8A0];
	_ =	sdelay $0x7  }
0x2e3: {  	[tilespmem:v3+s15+$0x0] =	vst.idx.msk $0xffff, v57;
	v3 =	vld [tilespmem:$0x1EF70];
	_ =	sdelay $0x6  }
0x2e4: {  	v37 =	vld [tilespmem:$0x1FE10]  }
0x2e5: {  	v57 =	vld.idx.msk [tilespmem:v3+s10+$0x0], $0xffff  }
0x2e6: {  	v3 =	vld [tilespmem:$0x1EF80];
	_ =	sdelay $0x6  }
0x2e7: {  	[tilespmem:v37+s15+$0x0] =	vst.idx.msk $0xffff, v57  }
0x2e8: {  	v57 =	vld.idx.msk [tilespmem:v3+s10+$0x0], $0xffff  }
0x2e9: {  	v3 =	vld [tilespmem:$0x1E8B0];
	_ =	sdelay $0x7  }
0x2ea: {  	[tilespmem:v3+s15+$0x0] =	vst.idx.msk $0xffff, v57;
	v3 =	vld [tilespmem:$0x1EF90];
	_ =	sdelay $0x7  }
0x2eb: {  	v57 =	vld.idx.msk [tilespmem:v3+s10+$0x0], $0xffff  }
0x2ec: {  	v3 =	vld [tilespmem:$0x1E8C0];
	_ =	sdelay $0x7  }
0x2ed: {  	[tilespmem:v3+s15+$0x0] =	vst.idx.msk $0xffff, v57;
	v3 =	vld [tilespmem:$0x1EFA0];
	_ =	sdelay $0x7  }
0x2ee: {  	v57 =	vld.idx.msk [tilespmem:v3+s10+$0x0], $0xffff  }
0x2ef: {  	v3 =	vld [tilespmem:$0x1E8D0];
	_ =	sdelay $0x7  }
0x2f0: {  	[tilespmem:v3+s15+$0x0] =	vst.idx.msk $0xffff, v57;
	v3 =	vld [tilespmem:$0x1EFB0];
	_ =	sdelay $0x7  }
0x2f1: {  	v57 =	vld.idx.msk [tilespmem:v3+s10+$0x0], $0xffff  }
0x2f2: {  	v3 =	vld [tilespmem:$0x1E8E0];
	_ =	sdelay $0x7  }
0x2f3: {  	[tilespmem:v3+s15+$0x0] =	vst.idx.msk $0xffff, v57;
	v3 =	vld [tilespmem:$0x1EFC0];
	_ =	sdelay $0x7  }
0x2f4: {  	v57 =	vld.idx.msk [tilespmem:v3+s10+$0x0], $0xffff  }
0x2f5: {  	v3 =	vld [tilespmem:$0x1E8F0];
	_ =	sdelay $0x7  }
0x2f6: {  	[tilespmem:v3+s15+$0x0] =	vst.idx.msk $0xffff, v57;
	v3 =	vld [tilespmem:$0x1F150];
	_ =	sdelay $0x6  }
0x2f7: {  	v38 =	vld [tilespmem:$0x1FE20]  }
0x2f8: {  	v57 =	vld.idx.msk [tilespmem:v3+s10+$0x0], $0xffff  }
0x2f9: {  	v3 =	vld [tilespmem:$0x1F1B0];
	_ =	sdelay $0x6  }
0x2fa: {  	[tilespmem:v38+s15+$0x0] =	vst.idx.msk $0xffff, v57  }
0x2fb: {  	v57 =	vld.idx.msk [tilespmem:v3+s10+$0x0], $0xffff  }
0x2fc: {  	v3 =	vld [tilespmem:$0x1E900];
	_ =	sdelay $0x7  }
0x2fd: {  	[tilespmem:v3+s15+$0x0] =	vst.idx.msk $0xffff, v57;
	v3 =	vld [tilespmem:$0x1F210];
	_ =	sdelay $0x7  }
0x2fe: {  	v57 =	vld.idx.msk [tilespmem:v3+s10+$0x0], $0xffff  }
0x2ff: {  	v3 =	vld [tilespmem:$0x1E910];
	_ =	sdelay $0x7  }
0x300: {  	[tilespmem:v3+s15+$0x0] =	vst.idx.msk $0xffff, v57;
	v3 =	vld [tilespmem:$0x1F270];
	_ =	sdelay $0x7  }
0x301: {  	v57 =	vld.idx.msk [tilespmem:v3+s10+$0x0], $0xffff  }
0x302: {  	v3 =	vld [tilespmem:$0x1E920];
	_ =	sdelay $0x7  }
0x303: {  	[tilespmem:v3+s15+$0x0] =	vst.idx.msk $0xffff, v57;
	v3 =	vld [tilespmem:$0x1F2C0];
	_ =	sdelay $0x7  }
0x304: {  	v57 =	vld.idx.msk [tilespmem:v3+s10+$0x0], $0xffff  }
0x305: {  	v3 =	vld [tilespmem:$0x1E930];
	_ =	sdelay $0x7  }
0x306: {  	[tilespmem:v3+s15+$0x0] =	vst.idx.msk $0xffff, v57;
	v3 =	vld [tilespmem:$0x1F310];
	_ =	sdelay $0x7  }
0x307: {  	v57 =	vld.idx.msk [tilespmem:v3+s10+$0x0], $0xffff  }
0x308: {  	v3 =	vld [tilespmem:$0x1E940];
	_ =	sdelay $0x1  }
0x309: {  	v17 =	vld [tilespmem:$0x1F8F0];
	_ =	sdelay $0x4  }
0x30a: {  	v39 =	vld [tilespmem:$0x1FE30]  }
0x30b: {  	[tilespmem:v3+s15+$0x0] =	vst.idx.msk $0xffff, v57;
	v3 =	vld [tilespmem:$0x1F3B0];
	_ =	sdelay $0x1  }
0x30c: {  	v57 =	vld.idx.msk [tilespmem:v17+s10+$0x0], $0xffff;
	_ =	sdelay $0x4  }
0x30d: {  	[tilespmem:v39+s15+$0x0] =	vst.idx.msk $0xffff, v57  }
0x30e: {  	v57 =	vld.idx.msk [tilespmem:v3+s10+$0x0], $0xffff  }
0x30f: {  	v3 =	vld [tilespmem:$0x1E950];
	_ =	sdelay $0x7  }
0x310: {  	[tilespmem:v3+s15+$0x0] =	vst.idx.msk $0xffff, v57;
	v3 =	vld [tilespmem:$0x1F430];
	_ =	sdelay $0x7  }
0x311: {  	v57 =	vld.idx.msk [tilespmem:v3+s10+$0x0], $0xffff  }
0x312: {  	v3 =	vld [tilespmem:$0x1E960];
	_ =	sdelay $0x7  }
0x313: {  	[tilespmem:v3+s15+$0x0] =	vst.idx.msk $0xffff, v57;
	v3 =	vld [tilespmem:$0x1F4B0];
	_ =	sdelay $0x7  }
0x314: {  	v57 =	vld.idx.msk [tilespmem:v3+s10+$0x0], $0xffff  }
0x315: {  	v3 =	vld [tilespmem:$0x1E970];
	_ =	sdelay $0x7  }
0x316: {  	[tilespmem:v3+s15+$0x0] =	vst.idx.msk $0xffff, v57;
	v3 =	vld [tilespmem:$0x1F530];
	_ =	sdelay $0x7  }
0x317: {  	v57 =	vld.idx.msk [tilespmem:v3+s10+$0x0], $0xffff  }
0x318: {  	v3 =	vld [tilespmem:$0x1E980];
	_ =	sdelay $0x7  }
0x319: {  	[tilespmem:v3+s15+$0x0] =	vst.idx.msk $0xffff, v57;
	v3 =	vld [tilespmem:$0x1F5A0];
	_ =	sdelay $0x7  }
0x31a: {  	v57 =	vld.idx.msk [tilespmem:v3+s10+$0x0], $0xffff  }
0x31b: {  	v3 =	vld [tilespmem:$0x1E990];
	_ =	sdelay $0x7  }
0x31c: {  	[tilespmem:v3+s15+$0x0] =	vst.idx.msk $0xffff, v57;
	v3 =	vld [tilespmem:$0x1F610];
	_ =	sdelay $0x7  }
0x31d: {  	v57 =	vld.idx.msk [tilespmem:v3+s10+$0x0], $0xffff  }
0x31e: {  	v3 =	vld [tilespmem:$0x1E9A0];
	_ =	sdelay $0x7  }
0x31f: {  	[tilespmem:v3+s15+$0x0] =	vst.idx.msk $0xffff, v57;
	v3 =	vld [tilespmem:$0x1F780];
	_ =	sdelay $0x7  }
0x320: {  	v57 =	vld.idx.msk [tilespmem:v3+s10+$0x0], $0xffff  }
0x321: {  	v3 =	vld [tilespmem:$0x1E9B0];
	_ =	sdelay $0x7  }
0x322: {  	[tilespmem:v3+s15+$0x0] =	vst.idx.msk $0xffff, v57;
	v3 =	vld [tilespmem:$0x1F790];
	_ =	sdelay $0x7  }
0x323: {  	v57 =	vld.idx.msk [tilespmem:v3+s10+$0x0], $0xffff  }
0x324: {  	v3 =	vld [tilespmem:$0x1E9C0];
	_ =	sdelay $0x7  }
0x325: {  	[tilespmem:v3+s15+$0x0] =	vst.idx.msk $0xffff, v57;
	v3 =	vld [tilespmem:$0x1F7A0];
	_ =	sdelay $0x7  }
0x326: {  	v57 =	vld.idx.msk [tilespmem:v3+s10+$0x0], $0xffff  }
0x327: {  	v3 =	vld [tilespmem:$0x1E9D0];
	_ =	sdelay $0x7  }
0x328: {  	[tilespmem:v3+s15+$0x0] =	vst.idx.msk $0xffff, v57;
	v3 =	vld [tilespmem:$0x1F7B0];
	_ =	sdelay $0x7  }
0x329: {  	v57 =	vld.idx.msk [tilespmem:v3+s10+$0x0], $0xffff  }
0x32a: {  	v3 =	vld [tilespmem:$0x1E9E0];
	_ =	sdelay $0x7  }
0x32b: {  	[tilespmem:v3+s15+$0x0] =	vst.idx.msk $0xffff, v57;
	v3 =	vld [tilespmem:$0x1F7C0];
	_ =	sdelay $0x7  }
0x32c: {  	v57 =	vld.idx.msk [tilespmem:v3+s10+$0x0], $0xffff  }
0x32d: {  	v3 =	vld [tilespmem:$0x1E9F0];
	_ =	sdelay $0x7  }
0x32e: {  	[tilespmem:v3+s15+$0x0] =	vst.idx.msk $0xffff, v57;
	v3 =	vld [tilespmem:$0x1F900];
	_ =	sdelay $0x7  }
0x32f: {  	v57 =	vld.idx.msk [tilespmem:v3+s10+$0x0], $0xffff  }
0x330: {  	v3 =	vld [tilespmem:$0x1EA00];
	_ =	sdelay $0x7  }
0x331: {  	[tilespmem:v3+s15+$0x0] =	vst.idx.msk $0xffff, v57;
	v3 =	vld [tilespmem:$0x1EFD0];
	_ =	sdelay $0x6  }
0x332: {  	v40 =	vld [tilespmem:$0x1FE40]  }
0x333: {  	v57 =	vld.idx.msk [tilespmem:v3+s10+$0x0], $0xffff  }
0x334: {  	v3 =	vld [tilespmem:$0x1EFE0];
	_ =	sdelay $0x6  }
0x335: {  	[tilespmem:v40+s15+$0x0] =	vst.idx.msk $0xffff, v57  }
0x336: {  	v57 =	vld.idx.msk [tilespmem:v3+s10+$0x0], $0xffff  }
0x337: {  	v3 =	vld [tilespmem:$0x1EA10];
	_ =	sdelay $0x7  }
0x338: {  	[tilespmem:v3+s15+$0x0] =	vst.idx.msk $0xffff, v57;
	v3 =	vld [tilespmem:$0x1EFF0];
	_ =	sdelay $0x7  }
0x339: {  	v57 =	vld.idx.msk [tilespmem:v3+s10+$0x0], $0xffff  }
0x33a: {  	v3 =	vld [tilespmem:$0x1EA20];
	_ =	sdelay $0x7  }
0x33b: {  	[tilespmem:v3+s15+$0x0] =	vst.idx.msk $0xffff, v57;
	v3 =	vld [tilespmem:$0x1F000];
	_ =	sdelay $0x7  }
0x33c: {  	v57 =	vld.idx.msk [tilespmem:v3+s10+$0x0], $0xffff  }
0x33d: {  	v3 =	vld [tilespmem:$0x1EA30];
	_ =	sdelay $0x7  }
0x33e: {  	[tilespmem:v3+s15+$0x0] =	vst.idx.msk $0xffff, v57;
	v3 =	vld [tilespmem:$0x1F010];
	_ =	sdelay $0x7  }
0x33f: {  	v57 =	vld.idx.msk [tilespmem:v3+s10+$0x0], $0xffff  }
0x340: {  	v3 =	vld [tilespmem:$0x1EA40];
	_ =	sdelay $0x7  }
0x341: {  	[tilespmem:v3+s15+$0x0] =	vst.idx.msk $0xffff, v57;
	v3 =	vld [tilespmem:$0x1FB10];
	_ =	sdelay $0x4  }
0x342: {  	v7 =	vld [tilespmem:$0x1EA50];
	_ =	sdelay $0x2  }
0x343: {  	v57 =	vld.idx.msk [tilespmem:v3+s10+$0x0], $0xffff;
	_ =	sdelay $0x4  }
0x344: {  	[tilespmem:v7+s15+$0x0] =	vst.idx.msk $0xffff, v57;
	v7 =	vld [tilespmem:$0x1F160];
	_ =	sdelay $0x6  }
0x345: {  	v41 =	vld [tilespmem:$0x1FE50]  }
0x346: {  	v57 =	vld.idx.msk [tilespmem:v7+s10+$0x0], $0xffff  }
0x347: {  	v7 =	vld [tilespmem:$0x1F1C0];
	_ =	sdelay $0x6  }
0x348: {  	[tilespmem:v41+s15+$0x0] =	vst.idx.msk $0xffff, v57  }
0x349: {  	v57 =	vld.idx.msk [tilespmem:v7+s10+$0x0], $0xffff  }
0x34a: {  	v7 =	vld [tilespmem:$0x1EA60];
	_ =	sdelay $0x7  }
0x34b: {  	[tilespmem:v7+s15+$0x0] =	vst.idx.msk $0xffff, v57;
	v7 =	vld [tilespmem:$0x1F220];
	_ =	sdelay $0x7  }
0x34c: {  	v57 =	vld.idx.msk [tilespmem:v7+s10+$0x0], $0xffff  }
0x34d: {  	v7 =	vld [tilespmem:$0x1EA70];
	_ =	sdelay $0x7  }
0x34e: {  	[tilespmem:v7+s15+$0x0] =	vst.idx.msk $0xffff, v57;
	v7 =	vld [tilespmem:$0x1F280];
	_ =	sdelay $0x7  }
0x34f: {  	v57 =	vld.idx.msk [tilespmem:v7+s10+$0x0], $0xffff  }
0x350: {  	v7 =	vld [tilespmem:$0x1EA80];
	_ =	sdelay $0x7  }
0x351: {  	[tilespmem:v7+s15+$0x0] =	vst.idx.msk $0xffff, v57;
	v7 =	vld [tilespmem:$0x1F2D0];
	_ =	sdelay $0x7  }
0x352: {  	v57 =	vld.idx.msk [tilespmem:v7+s10+$0x0], $0xffff  }
0x353: {  	v7 =	vld [tilespmem:$0x1EA90];
	_ =	sdelay $0x7  }
0x354: {  	[tilespmem:v7+s15+$0x0] =	vst.idx.msk $0xffff, v57;
	v7 =	vld [tilespmem:$0x1F320];
	_ =	sdelay $0x7  }
0x355: {  	v57 =	vld.idx.msk [tilespmem:v7+s10+$0x0], $0xffff  }
0x356: {  	v7 =	vld [tilespmem:$0x1EAA0];
	_ =	sdelay $0x7  }
0x357: {  	[tilespmem:v7+s15+$0x0] =	vst.idx.msk $0xffff, v57;
	v7 =	vld [tilespmem:$0x1F360];
	_ =	sdelay $0x6  }
0x358: {  	v42 =	vld [tilespmem:$0x1FE60]  }
0x359: {  	v57 =	vld.idx.msk [tilespmem:v7+s10+$0x0], $0xffff  }
0x35a: {  	v7 =	vld [tilespmem:$0x1F3C0];
	_ =	sdelay $0x6  }
0x35b: {  	[tilespmem:v42+s15+$0x0] =	vst.idx.msk $0xffff, v57  }
0x35c: {  	v57 =	vld.idx.msk [tilespmem:v7+s10+$0x0], $0xffff  }
0x35d: {  	v7 =	vld [tilespmem:$0x1EAB0];
	_ =	sdelay $0x7  }
0x35e: {  	[tilespmem:v7+s15+$0x0] =	vst.idx.msk $0xffff, v57;
	v7 =	vld [tilespmem:$0x1F440];
	_ =	sdelay $0x7  }
0x35f: {  	v57 =	vld.idx.msk [tilespmem:v7+s10+$0x0], $0xffff  }
0x360: {  	v7 =	vld [tilespmem:$0x1EAC0];
	_ =	sdelay $0x7  }
0x361: {  	[tilespmem:v7+s15+$0x0] =	vst.idx.msk $0xffff, v57;
	v7 =	vld [tilespmem:$0x1F4C0];
	_ =	sdelay $0x7  }
0x362: {  	v57 =	vld.idx.msk [tilespmem:v7+s10+$0x0], $0xffff  }
0x363: {  	v7 =	vld [tilespmem:$0x1EAD0];
	_ =	sdelay $0x7  }
0x364: {  	[tilespmem:v7+s15+$0x0] =	vst.idx.msk $0xffff, v57;
	v7 =	vld [tilespmem:$0x1F540];
	_ =	sdelay $0x7  }
0x365: {  	v57 =	vld.idx.msk [tilespmem:v7+s10+$0x0], $0xffff  }
0x366: {  	v7 =	vld [tilespmem:$0x1EAE0];
	_ =	sdelay $0x7  }
0x367: {  	[tilespmem:v7+s15+$0x0] =	vst.idx.msk $0xffff, v57;
	v7 =	vld [tilespmem:$0x1F5B0];
	_ =	sdelay $0x7  }
0x368: {  	v57 =	vld.idx.msk [tilespmem:v7+s10+$0x0], $0xffff  }
0x369: {  	v7 =	vld [tilespmem:$0x1EAF0];
	_ =	sdelay $0x7  }
0x36a: {  	[tilespmem:v7+s15+$0x0] =	vst.idx.msk $0xffff, v57;
	v7 =	vld [tilespmem:$0x1F620];
	_ =	sdelay $0x7  }
0x36b: {  	v57 =	vld.idx.msk [tilespmem:v7+s10+$0x0], $0xffff  }
0x36c: {  	v7 =	vld [tilespmem:$0x1EB00];
	_ =	sdelay $0x7  }
0x36d: {  	[tilespmem:v7+s15+$0x0] =	vst.idx.msk $0xffff, v57;
	v7 =	vld [tilespmem:$0x1F910];
	_ =	sdelay $0x7  }
0x36e: {  	v57 =	vld.idx.msk [tilespmem:v7+s10+$0x0], $0xffff  }
0x36f: {  	v7 =	vld [tilespmem:$0x1EB10];
	_ =	sdelay $0x7  }
0x370: {  	[tilespmem:v7+s15+$0x0] =	vst.idx.msk $0xffff, v57;
	v7 =	vld [tilespmem:$0x1F920];
	_ =	sdelay $0x7  }
0x371: {  	v57 =	vld.idx.msk [tilespmem:v7+s10+$0x0], $0xffff  }
0x372: {  	v7 =	vld [tilespmem:$0x1EB20];
	_ =	sdelay $0x7  }
0x373: {  	[tilespmem:v7+s15+$0x0] =	vst.idx.msk $0xffff, v57;
	v7 =	vld [tilespmem:$0x1F930];
	_ =	sdelay $0x7  }
0x374: {  	v57 =	vld.idx.msk [tilespmem:v7+s10+$0x0], $0xffff  }
0x375: {  	v7 =	vld [tilespmem:$0x1EB30];
	_ =	sdelay $0x7  }
0x376: {  	[tilespmem:v7+s15+$0x0] =	vst.idx.msk $0xffff, v57;
	v7 =	vld [tilespmem:$0x1F940];
	_ =	sdelay $0x7  }
0x377: {  	v57 =	vld.idx.msk [tilespmem:v7+s10+$0x0], $0xffff  }
0x378: {  	v7 =	vld [tilespmem:$0x1EB40];
	_ =	sdelay $0x7  }
0x379: {  	[tilespmem:v7+s15+$0x0] =	vst.idx.msk $0xffff, v57;
	v7 =	vld [tilespmem:$0x1F950];
	_ =	sdelay $0x7  }
0x37a: {  	v57 =	vld.idx.msk [tilespmem:v7+s10+$0x0], $0xffff  }
0x37b: {  	v7 =	vld [tilespmem:$0x1EB50];
	_ =	sdelay $0x7  }
0x37c: {  	[tilespmem:v7+s15+$0x0] =	vst.idx.msk $0xffff, v57;
	v7 =	vld [tilespmem:$0x1F960];
	_ =	sdelay $0x7  }
0x37d: {  	v57 =	vld.idx.msk [tilespmem:v7+s10+$0x0], $0xffff  }
0x37e: {  	v7 =	vld [tilespmem:$0x1EB60];
	_ =	sdelay $0x7  }
0x37f: {  	[tilespmem:v7+s15+$0x0] =	vst.idx.msk $0xffff, v57;
	v7 =	vld [tilespmem:$0x1F020];
	_ =	sdelay $0x6  }
0x380: {  	v43 =	vld [tilespmem:$0x1FE70]  }
0x381: {  	v57 =	vld.idx.msk [tilespmem:v7+s10+$0x0], $0xffff  }
0x382: {  	v7 =	vld [tilespmem:$0x1F030];
	_ =	sdelay $0x6  }
0x383: {  	[tilespmem:v43+s15+$0x0] =	vst.idx.msk $0xffff, v57  }
0x384: {  	v57 =	vld.idx.msk [tilespmem:v7+s10+$0x0], $0xffff  }
0x385: {  	v7 =	vld [tilespmem:$0x1EB70];
	_ =	sdelay $0x7  }
0x386: {  	[tilespmem:v7+s15+$0x0] =	vst.idx.msk $0xffff, v57;
	v7 =	vld [tilespmem:$0x1F040];
	_ =	sdelay $0x7  }
0x387: {  	v57 =	vld.idx.msk [tilespmem:v7+s10+$0x0], $0xffff  }
0x388: {  	v7 =	vld [tilespmem:$0x1EB80];
	_ =	sdelay $0x7  }
0x389: {  	[tilespmem:v7+s15+$0x0] =	vst.idx.msk $0xffff, v57;
	v7 =	vld [tilespmem:$0x1F050];
	_ =	sdelay $0x7  }
0x38a: {  	v57 =	vld.idx.msk [tilespmem:v7+s10+$0x0], $0xffff  }
0x38b: {  	v7 =	vld [tilespmem:$0x1EB90];
	_ =	sdelay $0x7  }
0x38c: {  	[tilespmem:v7+s15+$0x0] =	vst.idx.msk $0xffff, v57;
	v7 =	vld [tilespmem:$0x1F060];
	_ =	sdelay $0x7  }
0x38d: {  	v57 =	vld.idx.msk [tilespmem:v7+s10+$0x0], $0xffff  }
0x38e: {  	v7 =	vld [tilespmem:$0x1EBA0];
	_ =	sdelay $0x7  }
0x38f: {  	[tilespmem:v7+s15+$0x0] =	vst.idx.msk $0xffff, v57;
	v7 =	vld [tilespmem:$0x1F100];
	_ =	sdelay $0x7  }
0x390: {  	v57 =	vld.idx.msk [tilespmem:v7+s10+$0x0], $0xffff  }
0x391: {  	v7 =	vld [tilespmem:$0x1EBB0];
	_ =	sdelay $0x7  }
0x392: {  	[tilespmem:v7+s15+$0x0] =	vst.idx.msk $0xffff, v57;
	v7 =	vld [tilespmem:$0x1F170];
	_ =	sdelay $0x6  }
0x393: {  	v57 =	vld [tilespmem:$0x1FE80]  }
0x394: {  	v24 =	vld.idx.msk [tilespmem:v7+s10+$0x0], $0xffff  }
0x395: {  	v7 =	vld [tilespmem:$0x1F1D0];
	_ =	sdelay $0x6  }
0x396: {  	[tilespmem:v57+s15+$0x0] =	vst.idx.msk $0xffff, v24  }
0x397: {  	v24 =	vld.idx.msk [tilespmem:v7+s10+$0x0], $0xffff  }
0x398: {  	v7 =	vld [tilespmem:$0x1EBC0];
	_ =	sdelay $0x7  }
0x399: {  	[tilespmem:v7+s15+$0x0] =	vst.idx.msk $0xffff, v24;
	v7 =	vld [tilespmem:$0x1F230];
	_ =	sdelay $0x7  }
0x39a: {  	v24 =	vld.idx.msk [tilespmem:v7+s10+$0x0], $0xffff  }
0x39b: {  	v7 =	vld [tilespmem:$0x1EBD0];
	_ =	sdelay $0x7  }
0x39c: {  	[tilespmem:v7+s15+$0x0] =	vst.idx.msk $0xffff, v24;
	v7 =	vld [tilespmem:$0x1F290];
	_ =	sdelay $0x7  }
0x39d: {  	v24 =	vld.idx.msk [tilespmem:v7+s10+$0x0], $0xffff  }
0x39e: {  	v7 =	vld [tilespmem:$0x1EBE0];
	_ =	sdelay $0x7  }
0x39f: {  	[tilespmem:v7+s15+$0x0] =	vst.idx.msk $0xffff, v24;
	v7 =	vld [tilespmem:$0x1F2E0];
	_ =	sdelay $0x7  }
0x3a0: {  	v24 =	vld.idx.msk [tilespmem:v7+s10+$0x0], $0xffff  }
0x3a1: {  	v7 =	vld [tilespmem:$0x1EBF0];
	_ =	sdelay $0x7  }
0x3a2: {  	[tilespmem:v7+s15+$0x0] =	vst.idx.msk $0xffff, v24;
	v7 =	vld [tilespmem:$0x1F330];
	_ =	sdelay $0x7  }
0x3a3: {  	v24 =	vld.idx.msk [tilespmem:v7+s10+$0x0], $0xffff  }
0x3a4: {  	v7 =	vld [tilespmem:$0x1EC00];
	_ =	sdelay $0x7  }
0x3a5: {  	[tilespmem:v7+s15+$0x0] =	vst.idx.msk $0xffff, v24;
	v7 =	vld [tilespmem:$0x1F370];
	_ =	sdelay $0x6  }
0x3a6: {  	v44 =	vld [tilespmem:$0x1FE90]  }
0x3a7: {  	v24 =	vld.idx.msk [tilespmem:v7+s10+$0x0], $0xffff  }
0x3a8: {  	v7 =	vld [tilespmem:$0x1F3D0];
	_ =	sdelay $0x6  }
0x3a9: {  	[tilespmem:v44+s15+$0x0] =	vst.idx.msk $0xffff, v24  }
0x3aa: {  	v24 =	vld.idx.msk [tilespmem:v7+s10+$0x0], $0xffff  }
0x3ab: {  	v7 =	vld [tilespmem:$0x1EC10];
	_ =	sdelay $0x7  }
0x3ac: {  	[tilespmem:v7+s15+$0x0] =	vst.idx.msk $0xffff, v24;
	v7 =	vld [tilespmem:$0x1F450];
	_ =	sdelay $0x7  }
0x3ad: {  	v24 =	vld.idx.msk [tilespmem:v7+s10+$0x0], $0xffff  }
0x3ae: {  	v7 =	vld [tilespmem:$0x1EC20];
	_ =	sdelay $0x7  }
0x3af: {  	[tilespmem:v7+s15+$0x0] =	vst.idx.msk $0xffff, v24;
	v7 =	vld [tilespmem:$0x1F4D0];
	_ =	sdelay $0x7  }
0x3b0: {  	v24 =	vld.idx.msk [tilespmem:v7+s10+$0x0], $0xffff  }
0x3b1: {  	v7 =	vld [tilespmem:$0x1EC30];
	_ =	sdelay $0x7  }
0x3b2: {  	[tilespmem:v7+s15+$0x0] =	vst.idx.msk $0xffff, v24;
	v7 =	vld [tilespmem:$0x1F550];
	_ =	sdelay $0x7  }
0x3b3: {  	v24 =	vld.idx.msk [tilespmem:v7+s10+$0x0], $0xffff  }
0x3b4: {  	v7 =	vld [tilespmem:$0x1EC40];
	_ =	sdelay $0x7  }
0x3b5: {  	[tilespmem:v7+s15+$0x0] =	vst.idx.msk $0xffff, v24;
	v7 =	vld [tilespmem:$0x1F5C0];
	_ =	sdelay $0x7  }
0x3b6: {  	v24 =	vld.idx.msk [tilespmem:v7+s10+$0x0], $0xffff  }
0x3b7: {  	v7 =	vld [tilespmem:$0x1EC50];
	_ =	sdelay $0x7  }
0x3b8: {  	[tilespmem:v7+s15+$0x0] =	vst.idx.msk $0xffff, v24;
	v7 =	vld [tilespmem:$0x1F630];
	_ =	sdelay $0x7  }
0x3b9: {  	v24 =	vld.idx.msk [tilespmem:v7+s10+$0x0], $0xffff  }
0x3ba: {  	v7 =	vld [tilespmem:$0x1EC60];
	_ =	sdelay $0x7  }
0x3bb: {  	[tilespmem:v7+s15+$0x0] =	vst.idx.msk $0xffff, v24;
	v7 =	vld [tilespmem:$0x1F970];
	_ =	sdelay $0x7  }
0x3bc: {  	v24 =	vld.idx.msk [tilespmem:v7+s10+$0x0], $0xffff  }
0x3bd: {  	v7 =	vld [tilespmem:$0x1EC70];
	_ =	sdelay $0x7  }
0x3be: {  	[tilespmem:v7+s15+$0x0] =	vst.idx.msk $0xffff, v24;
	v7 =	vld [tilespmem:$0x1F980];
	_ =	sdelay $0x7  }
0x3bf: {  	v24 =	vld.idx.msk [tilespmem:v7+s10+$0x0], $0xffff  }
0x3c0: {  	v7 =	vld [tilespmem:$0x1EC80];
	_ =	sdelay $0x7  }
0x3c1: {  	[tilespmem:v7+s15+$0x0] =	vst.idx.msk $0xffff, v24;
	v7 =	vld [tilespmem:$0x1F990];
	_ =	sdelay $0x7  }
0x3c2: {  	v24 =	vld.idx.msk [tilespmem:v7+s10+$0x0], $0xffff  }
0x3c3: {  	v7 =	vld [tilespmem:$0x1EC90];
	_ =	sdelay $0x7  }
0x3c4: {  	[tilespmem:v7+s15+$0x0] =	vst.idx.msk $0xffff, v24;
	v7 =	vld [tilespmem:$0x1F9A0];
	_ =	sdelay $0x7  }
0x3c5: {  	v24 =	vld.idx.msk [tilespmem:v7+s10+$0x0], $0xffff  }
0x3c6: {  	v7 =	vld [tilespmem:$0x1ECA0];
	_ =	sdelay $0x7  }
0x3c7: {  	[tilespmem:v7+s15+$0x0] =	vst.idx.msk $0xffff, v24;
	v7 =	vld [tilespmem:$0x1F9B0];
	_ =	sdelay $0x4  }
0x3c8: {  	v9 =	vld [tilespmem:$0x1ECB0];
	_ =	sdelay $0x2  }
0x3c9: {  	v7 =	vld.idx.msk [tilespmem:v7+s10+$0x0], $0xffff;
	_ =	sdelay $0x4  }
0x3ca: {  	[tilespmem:v9+s15+$0x0] =	vst.idx.msk $0xffff, v7;
	v7 =	vld [tilespmem:$0x1F9C0];
	_ =	sdelay $0x4  }
0x3cb: {  	v9 =	vld [tilespmem:$0x1ECC0];
	_ =	sdelay $0x2  }
0x3cc: {  	v7 =	vld.idx.msk [tilespmem:v7+s10+$0x0], $0xffff;
	_ =	sdelay $0x4  }
0x3cd: {  	[tilespmem:v9+s15+$0x0] =	vst.idx.msk $0xffff, v7;
	v7 =	vld [tilespmem:$0x1F070];
	_ =	sdelay $0x4  }
0x3ce: {  	v9 =	vld [tilespmem:$0x1FFA0];
	_ =	sdelay $0x2  }
0x3cf: {  	v7 =	vld.idx.msk [tilespmem:v7+s10+$0x0], $0xffff;
	_ =	sdelay $0x4  }
0x3d0: {  	[tilespmem:v9+s15+$0x0] =	vst.idx.msk $0xffff, v7;
	v7 =	vld [tilespmem:$0x1F080];
	_ =	sdelay $0x4  }
0x3d1: {  	v9 =	vld [tilespmem:$0x1ECD0];
	_ =	sdelay $0x2  }
0x3d2: {  	v7 =	vld.idx.msk [tilespmem:v7+s10+$0x0], $0xffff;
	_ =	sdelay $0x4  }
0x3d3: {  	[tilespmem:v9+s15+$0x0] =	vst.idx.msk $0xffff, v7;
	v7 =	vld [tilespmem:$0x1F090];
	_ =	sdelay $0x4  }
0x3d4: {  	v9 =	vld [tilespmem:$0x1ECE0];
	_ =	sdelay $0x2  }
0x3d5: {  	v7 =	vld.idx.msk [tilespmem:v7+s10+$0x0], $0xffff;
	_ =	sdelay $0x4  }
0x3d6: {  	[tilespmem:v9+s15+$0x0] =	vst.idx.msk $0xffff, v7;
	v7 =	vld [tilespmem:$0x1F0A0];
	_ =	sdelay $0x4  }
0x3d7: {  	v9 =	vld [tilespmem:$0x1ECF0];
	_ =	sdelay $0x2  }
0x3d8: {  	v7 =	vld.idx.msk [tilespmem:v7+s10+$0x0], $0xffff;
	_ =	sdelay $0x4  }
0x3d9: {  	[tilespmem:v9+s15+$0x0] =	vst.idx.msk $0xffff, v7;
	v7 =	vld [tilespmem:$0x1F0B0];
	_ =	sdelay $0x4  }
0x3da: {  	v9 =	vld [tilespmem:$0x1ED00];
	_ =	sdelay $0x2  }
0x3db: {  	v7 =	vld.idx.msk [tilespmem:v7+s10+$0x0], $0xffff;
	_ =	sdelay $0x4  }
0x3dc: {  	[tilespmem:v9+s15+$0x0] =	vst.idx.msk $0xffff, v7;
	v7 =	vld [tilespmem:$0x1F110];
	_ =	sdelay $0x4  }
0x3dd: {  	v9 =	vld [tilespmem:$0x1ED10];
	_ =	sdelay $0x2  }
0x3de: {  	v7 =	vld.idx.msk [tilespmem:v7+s10+$0x0], $0xffff;
	_ =	sdelay $0x4  }
0x3df: {  	[tilespmem:v9+s15+$0x0] =	vst.idx.msk $0xffff, v7;
	v7 =	vld [tilespmem:$0x1F180];
	_ =	sdelay $0x4  }
0x3e0: {  	v9 =	vld [tilespmem:$0x1FEA0];
	_ =	sdelay $0x2  }
0x3e1: {  	v7 =	vld.idx.msk [tilespmem:v7+s10+$0x0], $0xffff;
	_ =	sdelay $0x4  }
0x3e2: {  	[tilespmem:v9+s15+$0x0] =	vst.idx.msk $0xffff, v7;
	v7 =	vld [tilespmem:$0x1F1E0];
	_ =	sdelay $0x4  }
0x3e3: {  	v24 =	vld [tilespmem:$0x1ED20];
	_ =	sdelay $0x2  }
0x3e4: {  	v7 =	vld.idx.msk [tilespmem:v7+s10+$0x0], $0xffff;
	_ =	sdelay $0x4  }
0x3e5: {  	[tilespmem:v24+s15+$0x0] =	vst.idx.msk $0xffff, v7;
	v7 =	vld [tilespmem:$0x1F240];
	_ =	sdelay $0x4  }
0x3e6: {  	v24 =	vld [tilespmem:$0x1ED30];
	_ =	sdelay $0x2  }
0x3e7: {  	v7 =	vld.idx.msk [tilespmem:v7+s10+$0x0], $0xffff;
	_ =	sdelay $0x4  }
0x3e8: {  	[tilespmem:v24+s15+$0x0] =	vst.idx.msk $0xffff, v7;
	v7 =	vld [tilespmem:$0x1F2A0];
	_ =	sdelay $0x4  }
0x3e9: {  	v24 =	vld [tilespmem:$0x1ED40];
	_ =	sdelay $0x2  }
0x3ea: {  	v7 =	vld.idx.msk [tilespmem:v7+s10+$0x0], $0xffff;
	_ =	sdelay $0x4  }
0x3eb: {  	[tilespmem:v24+s15+$0x0] =	vst.idx.msk $0xffff, v7;
	v7 =	vld [tilespmem:$0x1F2F0];
	_ =	sdelay $0x4  }
0x3ec: {  	v24 =	vld [tilespmem:$0x1ED50];
	_ =	sdelay $0x2  }
0x3ed: {  	v7 =	vld.idx.msk [tilespmem:v7+s10+$0x0], $0xffff;
	_ =	sdelay $0x4  }
0x3ee: {  	[tilespmem:v24+s15+$0x0] =	vst.idx.msk $0xffff, v7;
	v7 =	vld [tilespmem:$0x1F340];
	_ =	sdelay $0x7  }
0x3ef: {  	v7 =	vld.idx.msk [tilespmem:v7+s10+$0x0], $0xffff;
	_ =	sdelay $0x4  }
0x3f0: {  	[tilespmem:v10+s15+$0x0] =	vst.idx.msk $0xffff, v7;
	v7 =	vld [tilespmem:$0x1F380];
	_ =	sdelay $0x4  }
0x3f1: {  	v10 =	vld [tilespmem:$0x1FEB0];
	_ =	sdelay $0x2  }
0x3f2: {  	v7 =	vld.idx.msk [tilespmem:v7+s10+$0x0], $0xffff;
	_ =	sdelay $0x4  }
0x3f3: {  	[tilespmem:v10+s15+$0x0] =	vst.idx.msk $0xffff, v7;
	v7 =	vld [tilespmem:$0x1F3E0];
	_ =	sdelay $0x4  }
0x3f4: {  	v24 =	vld [tilespmem:$0x1ED60];
	_ =	sdelay $0x2  }
0x3f5: {  	v7 =	vld.idx.msk [tilespmem:v7+s10+$0x0], $0xffff;
	_ =	sdelay $0x4  }
0x3f6: {  	[tilespmem:v24+s15+$0x0] =	vst.idx.msk $0xffff, v7;
	v7 =	vld [tilespmem:$0x1F460];
	_ =	sdelay $0x7  }
0x3f7: {  	v7 =	vld.idx.msk [tilespmem:v7+s10+$0x0], $0xffff;
	_ =	sdelay $0x4  }
0x3f8: {  	[tilespmem:v5+s15+$0x0] =	vst.idx.msk $0xffff, v7;
	v5 =	vld [tilespmem:$0x1F4E0];
	_ =	sdelay $0x4  }
0x3f9: {  	v7 =	vld [tilespmem:$0x1ED70];
	_ =	sdelay $0x2  }
0x3fa: {  	v5 =	vld.idx.msk [tilespmem:v5+s10+$0x0], $0xffff;
	_ =	sdelay $0x4  }
0x3fb: {  	[tilespmem:v7+s15+$0x0] =	vst.idx.msk $0xffff, v5;
	v5 =	vld [tilespmem:$0x1F560];
	_ =	sdelay $0x4  }
0x3fc: {  	v7 =	vld [tilespmem:$0x1ED80];
	_ =	sdelay $0x2  }
0x3fd: {  	v5 =	vld.idx.msk [tilespmem:v5+s10+$0x0], $0xffff;
	_ =	sdelay $0x4  }
0x3fe: {  	[tilespmem:v7+s15+$0x0] =	vst.idx.msk $0xffff, v5;
	v5 =	vld [tilespmem:$0x1F5D0];
	_ =	sdelay $0x7  }
0x3ff: {  	v5 =	vld.idx.msk [tilespmem:v5+s10+$0x0], $0xffff;
	_ =	sdelay $0x4  }
0x400: {  	[tilespmem:v1+s15+$0x0] =	vst.idx.msk $0xffff, v5;
	v1 =	vld [tilespmem:$0x1F640];
	_ =	sdelay $0x4  }
0x401: {  	v5 =	vld [tilespmem:$0x1ED90];
	_ =	sdelay $0x2  }
0x402: {  	v1 =	vld.idx.msk [tilespmem:v1+s10+$0x0], $0xffff;
	_ =	sdelay $0x4  }
0x403: {  	[tilespmem:v5+s15+$0x0] =	vst.idx.msk $0xffff, v1;
	v1 =	vld [tilespmem:$0x1F9D0];
	_ =	sdelay $0x4  }
0x404: {  	v5 =	vld [tilespmem:$0x1EDA0];
	_ =	sdelay $0x2  }
0x405: {  	v1 =	vld.idx.msk [tilespmem:v1+s10+$0x0], $0xffff;
	_ =	sdelay $0x4  }
0x406: {  	[tilespmem:v5+s15+$0x0] =	vst.idx.msk $0xffff, v1;
	v1 =	vld [tilespmem:$0x1F9E0];
	_ =	sdelay $0x4  }
0x407: {  	v5 =	vld [tilespmem:$0x1EDB0];
	_ =	sdelay $0x2  }
0x408: {  	v1 =	vld.idx.msk [tilespmem:v1+s10+$0x0], $0xffff;
	_ =	sdelay $0x4  }
0x409: {  	[tilespmem:v5+s15+$0x0] =	vst.idx.msk $0xffff, v1;
	v1 =	vld [tilespmem:$0x1F9F0];
	_ =	sdelay $0x4  }
0x40a: {  	v5 =	vld [tilespmem:$0x1EDC0];
	_ =	sdelay $0x2  }
0x40b: {  	v1 =	vld.idx.msk [tilespmem:v1+s10+$0x0], $0xffff;
	_ =	sdelay $0x4  }
0x40c: {  	[tilespmem:v5+s15+$0x0] =	vst.idx.msk $0xffff, v1;
	v1 =	vld [tilespmem:$0x1FA00];
	_ =	sdelay $0x4  }
0x40d: {  	v5 =	vld [tilespmem:$0x1EDD0];
	_ =	sdelay $0x2  }
0x40e: {  	v1 =	vld.idx.msk [tilespmem:v1+s10+$0x0], $0xffff;
	_ =	sdelay $0x4  }
0x40f: {  	[tilespmem:v5+s15+$0x0] =	vst.idx.msk $0xffff, v1;
	v1 =	vld [tilespmem:$0x1FA10];
	_ =	sdelay $0x4  }
0x410: {  	v5 =	vld [tilespmem:$0x1EDE0];
	_ =	sdelay $0x2  }
0x411: {  	v1 =	vld.idx.msk [tilespmem:v1+s10+$0x0], $0xffff;
	_ =	sdelay $0x4  }
0x412: {  	[tilespmem:v5+s15+$0x0] =	vst.idx.msk $0xffff, v1;
	v1 =	vld [tilespmem:$0x1FA20];
	_ =	sdelay $0x7  }
0x413: {  	v1 =	vld.idx.msk [tilespmem:v1+s10+$0x0], $0xffff;
	_ =	sdelay $0x4  }
0x414: {  	[tilespmem:v2+s15+$0x0] =	vst.idx.msk $0xffff, v1;
	v1 =	vld [tilespmem:$0x1F0C0];
	_ =	sdelay $0x4  }
0x415: {  	v24 =	vld [tilespmem:$0x1FEC0];
	_ =	sdelay $0x2  }
0x416: {  	v1 =	vld.idx.msk [tilespmem:v1+s10+$0x0], $0xffff;
	_ =	sdelay $0x4  }
0x417: {  	[tilespmem:v24+s15+$0x0] =	vst.idx.msk $0xffff, v1;
	v1 =	vld [tilespmem:$0x1F0D0];
	_ =	sdelay $0x4  }
0x418: {  	v5 =	vld [tilespmem:$0x1EDF0];
	_ =	sdelay $0x2  }
0x419: {  	v1 =	vld.idx.msk [tilespmem:v1+s10+$0x0], $0xffff;
	_ =	sdelay $0x4  }
0x41a: {  	[tilespmem:v5+s15+$0x0] =	vst.idx.msk $0xffff, v1;
	v1 =	vld [tilespmem:$0x1F7E0];
	_ =	sdelay $0x4  }
0x41b: {  	v5 =	vld [tilespmem:$0x1EE00];
	_ =	sdelay $0x2  }
0x41c: {  	v1 =	vld.idx.msk [tilespmem:v1+s10+$0x0], $0xffff;
	_ =	sdelay $0x4  }
0x41d: {  	[tilespmem:v5+s15+$0x0] =	vst.idx.msk $0xffff, v1;
	v1 =	vld [tilespmem:$0x1F0E0];
	_ =	sdelay $0x4  }
0x41e: {  	v5 =	vld [tilespmem:$0x1EE10];
	_ =	sdelay $0x2  }
0x41f: {  	v1 =	vld.idx.msk [tilespmem:v1+s10+$0x0], $0xffff;
	_ =	sdelay $0x4  }
0x420: {  	[tilespmem:v5+s15+$0x0] =	vst.idx.msk $0xffff, v1;
	v1 =	vld [tilespmem:$0x1F0F0];
	_ =	sdelay $0x4  }
0x421: {  	v5 =	vld [tilespmem:$0x1EE20];
	_ =	sdelay $0x2  }
0x422: {  	v1 =	vld.idx.msk [tilespmem:v1+s10+$0x0], $0xffff;
	_ =	sdelay $0x4  }
0x423: {  	[tilespmem:v5+s15+$0x0] =	vst.idx.msk $0xffff, v1;
	v1 =	vld [tilespmem:$0x1F120];
	_ =	sdelay $0x4  }
0x424: {  	v5 =	vld [tilespmem:$0x1EE30];
	_ =	sdelay $0x2  }
0x425: {  	v1 =	vld.idx.msk [tilespmem:v1+s10+$0x0], $0xffff;
	_ =	sdelay $0x4  }
0x426: {  	[tilespmem:v5+s15+$0x0] =	vst.idx.msk $0xffff, v1;
	v1 =	vld [tilespmem:$0x1F190];
	_ =	sdelay $0x4  }
0x427: {  	v7 =	vmov v10;
	v10 =	vmov v3;
	v3 =	vld [tilespmem:$0x1FED0];
	_ =	sdelay $0x2  }
0x428: {  	v1 =	vld.idx.msk [tilespmem:v1+s10+$0x0], $0xffff;
	_ =	sdelay $0x4  }
0x429: {  	[tilespmem:v3+s15+$0x0] =	vst.idx.msk $0xffff, v1;
	v1 =	vld [tilespmem:$0x1F1F0];
	_ =	sdelay $0x4  }
0x42a: {  	v3 =	vld [tilespmem:$0x1EE40];
	_ =	sdelay $0x2  }
0x42b: {  	v1 =	vld.idx.msk [tilespmem:v1+s10+$0x0], $0xffff;
	_ =	sdelay $0x4  }
0x42c: {  	[tilespmem:v3+s15+$0x0] =	vst.idx.msk $0xffff, v1;
	v1 =	vld [tilespmem:$0x1F250];
	_ =	sdelay $0x4  }
0x42d: {  	v2 =	vld [tilespmem:$0x1EE50];
	_ =	sdelay $0x2  }
0x42e: {  	v1 =	vld.idx.msk [tilespmem:v1+s10+$0x0], $0xffff;
	_ =	sdelay $0x4  }
0x42f: {  	[tilespmem:v2+s15+$0x0] =	vst.idx.msk $0xffff, v1;
	v1 =	vld [tilespmem:$0x1F2B0];
	_ =	sdelay $0x4  }
0x430: {  	v2 =	vld [tilespmem:$0x1EE60];
	_ =	sdelay $0x2  }
0x431: {  	v1 =	vld.idx.msk [tilespmem:v1+s10+$0x0], $0xffff;
	_ =	sdelay $0x4  }
0x432: {  	[tilespmem:v2+s15+$0x0] =	vst.idx.msk $0xffff, v1;
	v1 =	vld [tilespmem:$0x1F300];
	_ =	sdelay $0x4  }
0x433: {  	v2 =	vld [tilespmem:$0x1EE70];
	_ =	sdelay $0x2  }
0x434: {  	v1 =	vld.idx.msk [tilespmem:v1+s10+$0x0], $0xffff;
	_ =	sdelay $0x4  }
0x435: {  	[tilespmem:v2+s15+$0x0] =	vst.idx.msk $0xffff, v1;
	v1 =	vld [tilespmem:$0x1F350];
	_ =	sdelay $0x4  }
0x436: {  	v2 =	vld [tilespmem:$0x1EE80];
	_ =	sdelay $0x2  }
0x437: {  	v1 =	vld.idx.msk [tilespmem:v1+s10+$0x0], $0xffff;
	_ =	sdelay $0x4  }
0x438: {  	[tilespmem:v2+s15+$0x0] =	vst.idx.msk $0xffff, v1;
	v1 =	vld [tilespmem:$0x1F390];
	_ =	sdelay $0x4  }
0x439: {  	v2 =	vld [tilespmem:$0x1FEE0];
	_ =	sdelay $0x2  }
0x43a: {  	v1 =	vld.idx.msk [tilespmem:v1+s10+$0x0], $0xffff;
	_ =	sdelay $0x4  }
0x43b: {  	[tilespmem:v2+s15+$0x0] =	vst.idx.msk $0xffff, v1;
	v1 =	vld [tilespmem:$0x1F3F0];
	_ =	sdelay $0x4  }
0x43c: {  	v2 =	vld [tilespmem:$0x1EE90];
	_ =	sdelay $0x2  }
0x43d: {  	v1 =	vld.idx.msk [tilespmem:v1+s10+$0x0], $0xffff;
	_ =	sdelay $0x4  }
0x43e: {  	[tilespmem:v2+s15+$0x0] =	vst.idx.msk $0xffff, v1;
	v1 =	vld [tilespmem:$0x1F470];
	_ =	sdelay $0x4  }
0x43f: {  	v2 =	vld [tilespmem:$0x1EEA0];
	_ =	sdelay $0x2  }
0x440: {  	v1 =	vld.idx.msk [tilespmem:v1+s10+$0x0], $0xffff;
	_ =	sdelay $0x4  }
0x441: {  	[tilespmem:v2+s15+$0x0] =	vst.idx.msk $0xffff, v1;
	v1 =	vld [tilespmem:$0x1F4F0];
	_ =	sdelay $0x4  }
0x442: {  	v2 =	vld [tilespmem:$0x1EEB0];
	_ =	sdelay $0x1  }
0x443: {  	v3 =	vld [tilespmem:$0x1FB40]  }
0x444: {  	v1 =	vld.idx.msk [tilespmem:v1+s10+$0x0], $0xffff;
	_ =	sdelay $0x4  }
0x445: {  	[tilespmem:v2+s15+$0x0] =	vst.idx.msk $0xffff, v1;
	v2 =	vld [tilespmem:$0x1EEC0];
	_ =	sdelay $0x2  }
0x446: {  	v1 =	vld.idx.msk [tilespmem:v3+s10+$0x0], $0xffff;
	_ =	sdelay $0x4  }
0x447: {  	[tilespmem:v2+s15+$0x0] =	vst.idx.msk $0xffff, v1;
	v2 =	vld [tilespmem:$0x1FB50];
	_ =	sdelay $0x4  }
0x448: {  	v5 =	vld [tilespmem:$0x1EED0];
	_ =	sdelay $0x2  }
0x449: {  	v1 =	vld.idx.msk [tilespmem:v2+s10+$0x0], $0xffff;
	_ =	sdelay $0x4  }
0x44a: {  	[tilespmem:v5+s15+$0x0] =	vst.idx.msk $0xffff, v1;
	v1 =	vld [tilespmem:$0x1F650];
	_ =	sdelay $0x7  }
0x44b: {  	s19 =	sadd.s32 $0x400, s19;
	v1 =	vld.idx.msk [tilespmem:v1+s10+$0x0], $0xffff  }
0x44c: {  	p0 =	sne.s32 s19, $0x2000  }
.Ltmp3:
0x44d: {  	_ = 	snop;
	(pc) =	sbr.rel @!p0 .LBB2_7-.Ltmp3, $3  }
0x44e: {  	_ =	sdelay $0x1  }
0x44f: {  	s20 =	sadd.s32 $0x200, s20;
	s18 =	sadd.s32 $0x2000, s18;
	v5 =	vld [tilespmem:$0x1FB20];
	[tilespmem:v6+s15+$0x0] =	vst.idx.msk $0xffff, v1  }
0x450: {  	v6 =	vld [tilespmem:$0x1FB30];
	[hbm4b:s20+s2] =	stream.linear.scatter [tilespmem:s15], [sflag:$0x4], $0x1000, $0x38  }
.LBB2_2:
0x451: {  	[tilespmem:s10], [sflag:$0x2] =	stream.linear.gather [hbm4b:s18+s2], $0x8000, $0x38;
	[tilespmem:$0x12080] =	vst v63  }
0x452: {  	_ =	swait.ge [sflag:s11], $0x8000  }
0x453: {  	p0 =	seq.s32 s19, $0x0;
	[sflag:s11] =	ssyncset.done $0x0  }
0x454: {  	s20 =	simm.s32 @!p0 $0x3;
	[sflag:s11] =	ssyncadd.s32 $0xFFFF8000  }
0x455: {  	_ =	swait.ge @!p0 [sflag:s20], $0x1000  }
0x456: {  	[sflag:s20] =	ssyncset.done @!p0 $0x0  }
0x457: {  	[sflag:s20] =	ssyncadd.s32 @!p0 $0xFFFFF000  }
0x458: {  	v1 =	vld.idx.msk [tilespmem:v50+s9+$0x0], $0xffff;
	_ =	sdelay $0x4  }
0x459: {  	[tilespmem:v0+s12+$0x0] =	vst.idx.msk $0xffff, v1  }
0x45a: {  	v1 =	vld.idx.msk [tilespmem:v51+s9+$0x0], $0xffff;
	_ =	sdelay $0x4  }
0x45b: {  	[tilespmem:v58+s12+$0x0] =	vst.idx.msk $0xffff, v1  }
0x45c: {  	v1 =	vld.idx.msk [tilespmem:v52+s9+$0x0], $0xffff;
	_ =	sdelay $0x4  }
0x45d: {  	[tilespmem:v25+s12+$0x0] =	vst.idx.msk $0xffff, v1  }
0x45e: {  	v1 =	vld.idx.msk [tilespmem:v53+s9+$0x0], $0xffff;
	_ =	sdelay $0x3  }
0x45f: {  	v3 =	vld [tilespmem:$0x1FD80]  }
0x460: {  	v50 =	vmov v2;
	v2 =	vld [tilespmem:$0x1FBD0];
	[tilespmem:v26+s12+$0x0] =	vst.idx.msk $0xffff, v1  }
0x461: {  	v1 =	vld.idx.msk [tilespmem:v54+s9+$0x0], $0xffff;
	_ =	sdelay $0x4  }
0x462: {  	v2 =	vsel vm0, v3, v2;
	v3 =	vld [tilespmem:$0x1FD70];
	[tilespmem:v27+s12+$0x0] =	vst.idx.msk $0xffff, v1  }
0x463: {  	v1 =	vld.idx.msk [tilespmem:v55+s9+$0x0], $0xffff;
	_ =	sdelay $0x3  }
0x464: {  	v2 =	vcombine.low v2, v3  }
0x465: {  	[tilespmem:v28+s12+$0x0] =	vst.idx.msk $0xffff, v1  }
0x466: {  	v2 =	vand.u32 $0xFF, v2;
	v1 =	vld.idx.msk [tilespmem:v56+s9+$0x0], $0xffff;
	_ =	sdelay $0x4  }
0x467: {  	[tilespmem:v2+s12+$0x0] =	vst.idx.msk $0xffff, v1  }
0x468: {  	[tilespmem:$0x1E480] =	vst v2;
	v2 =	vadd.s32 $0x8C, v0;
	v1 =	vld.idx.msk [tilespmem:v59+s9+$0x0], $0xffff;
	_ =	sdelay $0x4  }
0x469: {  	[tilespmem:v2+s12+$0x0] =	vst.idx.msk $0xffff, v1  }
0x46a: {  	[tilespmem:$0x1E490] =	vst v2;
	v2 =	vadd.s32 $0x9C, v0;
	v1 =	vld.idx.msk [tilespmem:v60+s9+$0x0], $0xffff;
	_ =	sdelay $0x4  }
0x46b: {  	[tilespmem:v2+s12+$0x0] =	vst.idx.msk $0xffff, v1  }
0x46c: {  	[tilespmem:$0x1E4A0] =	vst v2;
	v2 =	vadd.s32 $0xAC, v0;
	v1 =	vld.idx.msk [tilespmem:v61+s9+$0x0], $0xffff;
	_ =	sdelay $0x4  }
0x46d: {  	[tilespmem:v2+s12+$0x0] =	vst.idx.msk $0xffff, v1  }
0x46e: {  	[tilespmem:$0x1E4B0] =	vst v2;
	v2 =	vadd.s32 $0xBC, v0;
	v1 =	vld.idx.msk [tilespmem:v63+s9+$0x0], $0xffff;
	_ =	sdelay $0x4  }
0x46f: {  	[tilespmem:v2+s12+$0x0] =	vst.idx.msk $0xffff, v1  }
0x470: {  	[tilespmem:$0x1E4C0] =	vst v2;
	v2 =	vadd.s32 $0xCC, v0;
	v1 =	vld.idx.msk [tilespmem:v62+s9+$0x0], $0xffff;
	_ =	sdelay $0x4  }
0x471: {  	[tilespmem:v2+s12+$0x0] =	vst.idx.msk $0xffff, v1  }
0x472: {  	v1 =	vld.idx.msk [tilespmem:v15+s9+$0x0], $0xffff;
	_ =	sdelay $0x4  }
0x473: {  	[tilespmem:v29+s12+$0x0] =	vst.idx.msk $0xffff, v1  }
0x474: {  	[tilespmem:$0x1E4D0] =	vst v2;
	v2 =	vadd.s32 $0x108, v0;
	v1 =	vld.idx.msk [tilespmem:v19+s9+$0x0], $0xffff;
	_ =	sdelay $0x4  }
0x475: {  	[tilespmem:v2+s12+$0x0] =	vst.idx.msk $0xffff, v1  }
0x476: {  	[tilespmem:$0x1E4E0] =	vst v2;
	v2 =	vadd.s32 $0x118, v0;
	v1 =	vld.idx.msk [tilespmem:v23+s9+$0x0], $0xffff;
	_ =	sdelay $0x4  }
0x477: {  	[tilespmem:v2+s12+$0x0] =	vst.idx.msk $0xffff, v1  }
0x478: {  	[tilespmem:$0x1E4F0] =	vst v2;
	v2 =	vadd.s32 $0x128, v0;
	v1 =	vld.idx.msk [tilespmem:v13+s9+$0x0], $0xffff;
	_ =	sdelay $0x4  }
0x479: {  	[tilespmem:v2+s12+$0x0] =	vst.idx.msk $0xffff, v1  }
0x47a: {  	[tilespmem:$0x1E500] =	vst v2;
	v2 =	vadd.s32 $0x138, v0;
	v1 =	vld.idx.msk [tilespmem:v14+s9+$0x0], $0xffff;
	_ =	sdelay $0x4  }
0x47b: {  	[tilespmem:v2+s12+$0x0] =	vst.idx.msk $0xffff, v1  }
0x47c: {  	[tilespmem:$0x1E510] =	vst v2;
	v2 =	vadd.s32 $0x148, v0;
	v1 =	vld.idx.msk [tilespmem:v20+s9+$0x0], $0xffff;
	_ =	sdelay $0x4  }
0x47d: {  	[tilespmem:v2+s12+$0x0] =	vst.idx.msk $0xffff, v1  }
0x47e: {  	v1 =	vld.idx.msk [tilespmem:v48+s9+$0x0], $0xffff;
	_ =	sdelay $0x4  }
0x47f: {  	[tilespmem:v30+s12+$0x0] =	vst.idx.msk $0xffff, v1  }
0x480: {  	[tilespmem:$0x1E520] =	vst v2;
	v2 =	vadd.s32 $0x184, v0;
	v1 =	vld.idx.msk [tilespmem:v5+s9+$0x0], $0xffff;
	_ =	sdelay $0x4  }
0x481: {  	[tilespmem:v2+s12+$0x0] =	vst.idx.msk $0xffff, v1;
	v1 =	vld [tilespmem:$0x1F400];
	_ =	sdelay $0x7  }
0x482: {  	[tilespmem:$0x1E530] =	vst v2;
	v2 =	vadd.s32 $0x194, v0;
	v1 =	vld.idx.msk [tilespmem:v1+s9+$0x0], $0xffff;
	_ =	sdelay $0x4  }
0x483: {  	[tilespmem:v2+s12+$0x0] =	vst.idx.msk $0xffff, v1;
	v1 =	vld [tilespmem:$0x1F480];
	_ =	sdelay $0x7  }
0x484: {  	[tilespmem:$0x1E540] =	vst v2;
	v2 =	vadd.s32 $0x1A4, v0;
	v1 =	vld.idx.msk [tilespmem:v1+s9+$0x0], $0xffff;
	_ =	sdelay $0x4  }
0x485: {  	[tilespmem:v2+s12+$0x0] =	vst.idx.msk $0xffff, v1;
	v1 =	vld [tilespmem:$0x1F500];
	_ =	sdelay $0x7  }
0x486: {  	[tilespmem:$0x1E550] =	vst v2;
	v2 =	vadd.s32 $0x1B4, v0;
	v1 =	vld.idx.msk [tilespmem:v1+s9+$0x0], $0xffff;
	_ =	sdelay $0x4  }
0x487: {  	[tilespmem:v2+s12+$0x0] =	vst.idx.msk $0xffff, v1;
	v1 =	vld [tilespmem:$0x1F570];
	_ =	sdelay $0x7  }
0x488: {  	[tilespmem:$0x1E560] =	vst v2;
	v2 =	vadd.s32 $0x1C4, v0;
	v1 =	vld.idx.msk [tilespmem:v1+s9+$0x0], $0xffff;
	_ =	sdelay $0x4  }
0x489: {  	[tilespmem:v2+s12+$0x0] =	vst.idx.msk $0xffff, v1;
	v1 =	vld [tilespmem:$0x1F5E0];
	_ =	sdelay $0x7  }
0x48a: {  	[tilespmem:$0x1E570] =	vst v2;
	v2 =	vadd.s32 $0x1D4, v0;
	v1 =	vld.idx.msk [tilespmem:v1+s9+$0x0], $0xffff;
	_ =	sdelay $0x4  }
0x48b: {  	[tilespmem:v2+s12+$0x0] =	vst.idx.msk $0xffff, v1;
	v1 =	vld [tilespmem:$0x1F660];
	_ =	sdelay $0x7  }
0x48c: {  	[tilespmem:$0x1E580] =	vst v2;
	v2 =	vor.u32 $0x200, v0;
	v1 =	vld.idx.msk [tilespmem:v1+s9+$0x0], $0xffff;
	_ =	sdelay $0x4  }
0x48d: {  	[tilespmem:v2+s12+$0x0] =	vst.idx.msk $0xffff, v1;
	v1 =	vld [tilespmem:$0x1F670];
	_ =	sdelay $0x7  }
0x48e: {  	[tilespmem:$0x1E590] =	vst v2;
	v2 =	vor.u32 $0x210, v0;
	v1 =	vld.idx.msk [tilespmem:v1+s9+$0x0], $0xffff;
	_ =	sdelay $0x4  }
0x48f: {  	[tilespmem:v2+s12+$0x0] =	vst.idx.msk $0xffff, v1;
	v1 =	vld [tilespmem:$0x1F680];
	_ =	sdelay $0x7  }
0x490: {  	[tilespmem:$0x1E5A0] =	vst v2;
	v2 =	vor.u32 $0x220, v0;
	v1 =	vld.idx.msk [tilespmem:v1+s9+$0x0], $0xffff;
	_ =	sdelay $0x4  }
0x491: {  	[tilespmem:v2+s12+$0x0] =	vst.idx.msk $0xffff, v1;
	v1 =	vld [tilespmem:$0x1F690];
	_ =	sdelay $0x7  }
0x492: {  	[tilespmem:$0x1E5B0] =	vst v2;
	v2 =	vor.u32 $0x230, v0;
	v1 =	vld.idx.msk [tilespmem:v1+s9+$0x0], $0xffff;
	_ =	sdelay $0x4  }
0x493: {  	[tilespmem:v2+s12+$0x0] =	vst.idx.msk $0xffff, v1;
	v1 =	vld [tilespmem:$0x1F6A0];
	_ =	sdelay $0x7  }
0x494: {  	[tilespmem:$0x1E5C0] =	vst v2;
	v2 =	vor.u32 $0x240, v0;
	v1 =	vld.idx.msk [tilespmem:v1+s9+$0x0], $0xffff;
	_ =	sdelay $0x4  }
0x495: {  	[tilespmem:v2+s12+$0x0] =	vst.idx.msk $0xffff, v1;
	v1 =	vld [tilespmem:$0x1F6B0];
	_ =	sdelay $0x7  }
0x496: {  	[tilespmem:$0x1E5D0] =	vst v2;
	v2 =	vor.u32 $0x250, v0;
	v1 =	vld.idx.msk [tilespmem:v1+s9+$0x0], $0xffff;
	_ =	sdelay $0x4  }
0x497: {  	[tilespmem:v2+s12+$0x0] =	vst.idx.msk $0xffff, v1  }
0x498: {  	v1 =	vld.idx.msk [tilespmem:v16+s9+$0x0], $0xffff;
	_ =	sdelay $0x4  }
0x499: {  	[tilespmem:v31+s12+$0x0] =	vst.idx.msk $0xffff, v1  }
0x49a: {  	[tilespmem:$0x1E5E0] =	vst v2;
	v2 =	vadd.s32 $0x28C, v0;
	v1 =	vld.idx.msk [tilespmem:v21+s9+$0x0], $0xffff;
	_ =	sdelay $0x4  }
0x49b: {  	[tilespmem:v2+s12+$0x0] =	vst.idx.msk $0xffff, v1  }
0x49c: {  	[tilespmem:$0x1E5F0] =	vst v2;
	v2 =	vadd.s32 $0x29C, v0;
	v1 =	vld.idx.msk [tilespmem:v22+s9+$0x0], $0xffff;
	_ =	sdelay $0x4  }
0x49d: {  	[tilespmem:v2+s12+$0x0] =	vst.idx.msk $0xffff, v1;
	v1 =	vld [tilespmem:$0x1EEE0];
	_ =	sdelay $0x7  }
0x49e: {  	[tilespmem:$0x1E600] =	vst v2;
	v2 =	vadd.s32 $0x2AC, v0;
	v1 =	vld.idx.msk [tilespmem:v1+s9+$0x0], $0xffff;
	_ =	sdelay $0x4  }
0x49f: {  	[tilespmem:v2+s12+$0x0] =	vst.idx.msk $0xffff, v1;
	v1 =	vld [tilespmem:$0x1EEF0];
	_ =	sdelay $0x7  }
0x4a0: {  	[tilespmem:$0x1E610] =	vst v2;
	v2 =	vadd.s32 $0x2BC, v0;
	v1 =	vld.idx.msk [tilespmem:v1+s9+$0x0], $0xffff;
	_ =	sdelay $0x4  }
0x4a1: {  	[tilespmem:v2+s12+$0x0] =	vst.idx.msk $0xffff, v1;
	v1 =	vld [tilespmem:$0x1EF00];
	_ =	sdelay $0x7  }
0x4a2: {  	[tilespmem:$0x1E620] =	vst v2;
	v2 =	vadd.s32 $0x2CC, v0;
	v1 =	vld.idx.msk [tilespmem:v1+s9+$0x0], $0xffff;
	_ =	sdelay $0x4  }
0x4a3: {  	[tilespmem:v2+s12+$0x0] =	vst.idx.msk $0xffff, v1;
	v1 =	vld [tilespmem:$0x1F130];
	_ =	sdelay $0x7  }
0x4a4: {  	v1 =	vld.idx.msk [tilespmem:v1+s9+$0x0], $0xffff;
	_ =	sdelay $0x4  }
0x4a5: {  	[tilespmem:v32+s12+$0x0] =	vst.idx.msk $0xffff, v1  }
0x4a6: {  	[tilespmem:$0x1E630] =	vst v2;
	v2 =	vadd.s32 $0x308, v0;
	v1 =	vld.idx.msk [tilespmem:v18+s9+$0x0], $0xffff;
	_ =	sdelay $0x4  }
0x4a7: {  	[tilespmem:v2+s12+$0x0] =	vst.idx.msk $0xffff, v1  }
0x4a8: {  	[tilespmem:$0x1E640] =	vst v2;
	v2 =	vadd.s32 $0x318, v0;
	v1 =	vld.idx.msk [tilespmem:v47+s9+$0x0], $0xffff;
	_ =	sdelay $0x4  }
0x4a9: {  	[tilespmem:v2+s12+$0x0] =	vst.idx.msk $0xffff, v1  }
0x4aa: {  	[tilespmem:$0x1E650] =	vst v2;
	v2 =	vadd.s32 $0x328, v0;
	v1 =	vld.idx.msk [tilespmem:v4+s9+$0x0], $0xffff;
	_ =	sdelay $0x4  }
0x4ab: {  	[tilespmem:v2+s12+$0x0] =	vst.idx.msk $0xffff, v1  }
0x4ac: {  	[tilespmem:$0x1E660] =	vst v2;
	v2 =	vadd.s32 $0x338, v0;
	v1 =	vld.idx.msk [tilespmem:v49+s9+$0x0], $0xffff;
	_ =	sdelay $0x4  }
0x4ad: {  	[tilespmem:v2+s12+$0x0] =	vst.idx.msk $0xffff, v1  }
0x4ae: {  	[tilespmem:$0x1E670] =	vst v2;
	v2 =	vadd.s32 $0x348, v0;
	v1 =	vld.idx.msk [tilespmem:v45+s9+$0x0], $0xffff;
	_ =	sdelay $0x4  }
0x4af: {  	[tilespmem:v2+s12+$0x0] =	vst.idx.msk $0xffff, v1  }
0x4b0: {  	v1 =	vld.idx.msk [tilespmem:v11+s9+$0x0], $0xffff;
	_ =	sdelay $0x4  }
0x4b1: {  	[tilespmem:v33+s12+$0x0] =	vst.idx.msk $0xffff, v1  }
0x4b2: {  	[tilespmem:$0x1E680] =	vst v2;
	v2 =	vadd.s32 $0x384, v0;
	v1 =	vld.idx.msk [tilespmem:v6+s9+$0x0], $0xffff;
	_ =	sdelay $0x4  }
0x4b3: {  	[tilespmem:v2+s12+$0x0] =	vst.idx.msk $0xffff, v1;
	v1 =	vld [tilespmem:$0x1F410];
	_ =	sdelay $0x7  }
0x4b4: {  	[tilespmem:$0x1E690] =	vst v2;
	v2 =	vadd.s32 $0x394, v0;
	v1 =	vld.idx.msk [tilespmem:v1+s9+$0x0], $0xffff;
	_ =	sdelay $0x4  }
0x4b5: {  	[tilespmem:v2+s12+$0x0] =	vst.idx.msk $0xffff, v1;
	v1 =	vld [tilespmem:$0x1F490];
	_ =	sdelay $0x7  }
0x4b6: {  	[tilespmem:$0x1E6A0] =	vst v2;
	v2 =	vadd.s32 $0x3A4, v0;
	v1 =	vld.idx.msk [tilespmem:v1+s9+$0x0], $0xffff;
	_ =	sdelay $0x4  }
0x4b7: {  	[tilespmem:v2+s12+$0x0] =	vst.idx.msk $0xffff, v1;
	v1 =	vld [tilespmem:$0x1F510];
	_ =	sdelay $0x7  }
0x4b8: {  	[tilespmem:$0x1E6B0] =	vst v2;
	v2 =	vadd.s32 $0x3B4, v0;
	v1 =	vld.idx.msk [tilespmem:v1+s9+$0x0], $0xffff;
	_ =	sdelay $0x4  }
0x4b9: {  	[tilespmem:v2+s12+$0x0] =	vst.idx.msk $0xffff, v1;
	v1 =	vld [tilespmem:$0x1F580];
	_ =	sdelay $0x7  }
0x4ba: {  	[tilespmem:$0x1E6C0] =	vst v2;
	v2 =	vadd.s32 $0x3C4, v0;
	v1 =	vld.idx.msk [tilespmem:v1+s9+$0x0], $0xffff;
	_ =	sdelay $0x4  }
0x4bb: {  	[tilespmem:v2+s12+$0x0] =	vst.idx.msk $0xffff, v1;
	v1 =	vld [tilespmem:$0x1F5F0];
	_ =	sdelay $0x7  }
0x4bc: {  	[tilespmem:$0x1E6D0] =	vst v2;
	v2 =	vadd.s32 $0x3D4, v0;
	v1 =	vld.idx.msk [tilespmem:v1+s9+$0x0], $0xffff;
	_ =	sdelay $0x4  }
0x4bd: {  	[tilespmem:v2+s12+$0x0] =	vst.idx.msk $0xffff, v1;
	v1 =	vld [tilespmem:$0x1F6C0];
	_ =	sdelay $0x7  }
0x4be: {  	[tilespmem:$0x1E6E0] =	vst v2;
	v2 =	vor.u32 $0x400, v0;
	v1 =	vld.idx.msk [tilespmem:v1+s9+$0x0], $0xffff;
	_ =	sdelay $0x4  }
0x4bf: {  	[tilespmem:v2+s12+$0x0] =	vst.idx.msk $0xffff, v1;
	v1 =	vld [tilespmem:$0x1F6D0];
	_ =	sdelay $0x7  }
0x4c0: {  	[tilespmem:$0x1E6F0] =	vst v2;
	v2 =	vor.u32 $0x410, v0;
	v1 =	vld.idx.msk [tilespmem:v1+s9+$0x0], $0xffff;
	_ =	sdelay $0x4  }
0x4c1: {  	[tilespmem:v2+s12+$0x0] =	vst.idx.msk $0xffff, v1;
	v1 =	vld [tilespmem:$0x1F6E0];
	_ =	sdelay $0x7  }
0x4c2: {  	[tilespmem:$0x1E700] =	vst v2;
	v2 =	vor.u32 $0x420, v0;
	v1 =	vld.idx.msk [tilespmem:v1+s9+$0x0], $0xffff;
	_ =	sdelay $0x4  }
0x4c3: {  	[tilespmem:v2+s12+$0x0] =	vst.idx.msk $0xffff, v1;
	v1 =	vld [tilespmem:$0x1F6F0];
	_ =	sdelay $0x7  }
0x4c4: {  	[tilespmem:$0x1E710] =	vst v2;
	v2 =	vor.u32 $0x430, v0;
	v1 =	vld.idx.msk [tilespmem:v1+s9+$0x0], $0xffff;
	_ =	sdelay $0x4  }
0x4c5: {  	[tilespmem:v2+s12+$0x0] =	vst.idx.msk $0xffff, v1;
	v1 =	vld [tilespmem:$0x1F700];
	_ =	sdelay $0x7  }
0x4c6: {  	[tilespmem:$0x1E720] =	vst v2;
	v2 =	vor.u32 $0x440, v0;
	v1 =	vld.idx.msk [tilespmem:v1+s9+$0x0], $0xffff;
	_ =	sdelay $0x4  }
0x4c7: {  	[tilespmem:v2+s12+$0x0] =	vst.idx.msk $0xffff, v1;
	v1 =	vld [tilespmem:$0x1F710];
	_ =	sdelay $0x7  }
0x4c8: {  	[tilespmem:$0x1E730] =	vst v2;
	v2 =	vor.u32 $0x450, v0;
	v1 =	vld.idx.msk [tilespmem:v1+s9+$0x0], $0xffff;
	_ =	sdelay $0x4  }
0x4c9: {  	[tilespmem:v2+s12+$0x0] =	vst.idx.msk $0xffff, v1;
	v1 =	vld [tilespmem:$0x1EF10];
	_ =	sdelay $0x7  }
0x4ca: {  	v1 =	vld.idx.msk [tilespmem:v1+s9+$0x0], $0xffff;
	_ =	sdelay $0x4  }
0x4cb: {  	[tilespmem:v34+s12+$0x0] =	vst.idx.msk $0xffff, v1;
	v1 =	vld [tilespmem:$0x1EF20];
	_ =	sdelay $0x7  }
0x4cc: {  	[tilespmem:$0x1E740] =	vst v2;
	v2 =	vadd.s32 $0x48C, v0;
	v1 =	vld.idx.msk [tilespmem:v1+s9+$0x0], $0xffff;
	_ =	sdelay $0x4  }
0x4cd: {  	[tilespmem:v2+s12+$0x0] =	vst.idx.msk $0xffff, v1;
	v1 =	vld [tilespmem:$0x1EF30];
	_ =	sdelay $0x7  }
0x4ce: {  	[tilespmem:$0x1E750] =	vst v2;
	v2 =	vadd.s32 $0x49C, v0;
	v1 =	vld.idx.msk [tilespmem:v1+s9+$0x0], $0xffff;
	_ =	sdelay $0x4  }
0x4cf: {  	[tilespmem:v2+s12+$0x0] =	vst.idx.msk $0xffff, v1;
	v1 =	vld [tilespmem:$0x1EF40];
	_ =	sdelay $0x7  }
0x4d0: {  	[tilespmem:$0x1E760] =	vst v2;
	v2 =	vadd.s32 $0x4AC, v0;
	v1 =	vld.idx.msk [tilespmem:v1+s9+$0x0], $0xffff;
	_ =	sdelay $0x4  }
0x4d1: {  	[tilespmem:v2+s12+$0x0] =	vst.idx.msk $0xffff, v1;
	v1 =	vld [tilespmem:$0x1EF50];
	_ =	sdelay $0x7  }
0x4d2: {  	[tilespmem:$0x1E770] =	vst v2;
	v2 =	vadd.s32 $0x4BC, v0;
	v1 =	vld.idx.msk [tilespmem:v1+s9+$0x0], $0xffff;
	_ =	sdelay $0x4  }
0x4d3: {  	[tilespmem:v2+s12+$0x0] =	vst.idx.msk $0xffff, v1;
	v1 =	vld [tilespmem:$0x1EF60];
	_ =	sdelay $0x7  }
0x4d4: {  	[tilespmem:$0x1E780] =	vst v2;
	v2 =	vadd.s32 $0x4CC, v0;
	v1 =	vld.idx.msk [tilespmem:v1+s9+$0x0], $0xffff;
	_ =	sdelay $0x4  }
0x4d5: {  	[tilespmem:v2+s12+$0x0] =	vst.idx.msk $0xffff, v1;
	v1 =	vld [tilespmem:$0x1F140];
	_ =	sdelay $0x7  }
0x4d6: {  	v1 =	vld.idx.msk [tilespmem:v1+s9+$0x0], $0xffff;
	_ =	sdelay $0x4  }
0x4d7: {  	[tilespmem:v35+s12+$0x0] =	vst.idx.msk $0xffff, v1;
	v1 =	vld [tilespmem:$0x1F1A0];
	_ =	sdelay $0x7  }
0x4d8: {  	[tilespmem:$0x1E790] =	vst v2;
	v2 =	vadd.s32 $0x508, v0;
	v1 =	vld.idx.msk [tilespmem:v1+s9+$0x0], $0xffff;
	_ =	sdelay $0x4  }
0x4d9: {  	[tilespmem:v2+s12+$0x0] =	vst.idx.msk $0xffff, v1;
	v1 =	vld [tilespmem:$0x1F200];
	_ =	sdelay $0x7  }
0x4da: {  	[tilespmem:$0x1E7A0] =	vst v2;
	v2 =	vadd.s32 $0x518, v0;
	v1 =	vld.idx.msk [tilespmem:v1+s9+$0x0], $0xffff;
	_ =	sdelay $0x4  }
0x4db: {  	[tilespmem:v2+s12+$0x0] =	vst.idx.msk $0xffff, v1;
	v1 =	vld [tilespmem:$0x1F260];
	_ =	sdelay $0x7  }
0x4dc: {  	[tilespmem:$0x1E7B0] =	vst v2;
	v2 =	vadd.s32 $0x528, v0;
	v1 =	vld.idx.msk [tilespmem:v1+s9+$0x0], $0xffff;
	_ =	sdelay $0x4  }
0x4dd: {  	[tilespmem:v2+s12+$0x0] =	vst.idx.msk $0xffff, v1  }
0x4de: {  	[tilespmem:$0x1E7C0] =	vst v2;
	v2 =	vadd.s32 $0x538, v0;
	v1 =	vld.idx.msk [tilespmem:v12+s9+$0x0], $0xffff;
	_ =	sdelay $0x4  }
0x4df: {  	[tilespmem:v2+s12+$0x0] =	vst.idx.msk $0xffff, v1  }
0x4e0: {  	[tilespmem:$0x1E7D0] =	vst v2;
	v2 =	vadd.s32 $0x548, v0;
	v1 =	vld.idx.msk [tilespmem:v46+s9+$0x0], $0xffff;
	_ =	sdelay $0x4  }
0x4e1: {  	[tilespmem:v2+s12+$0x0] =	vst.idx.msk $0xffff, v1  }
0x4e2: {  	v1 =	vld.idx.msk [tilespmem:v8+s9+$0x0], $0xffff;
	_ =	sdelay $0x4  }
0x4e3: {  	[tilespmem:v36+s12+$0x0] =	vst.idx.msk $0xffff, v1;
	v1 =	vld [tilespmem:$0x1F3A0];
	_ =	sdelay $0x7  }
0x4e4: {  	[tilespmem:$0x1E7E0] =	vst v2;
	v2 =	vadd.s32 $0x584, v0;
	v1 =	vld.idx.msk [tilespmem:v1+s9+$0x0], $0xffff;
	_ =	sdelay $0x4  }
0x4e5: {  	[tilespmem:v2+s12+$0x0] =	vst.idx.msk $0xffff, v1;
	v1 =	vld [tilespmem:$0x1F420];
	_ =	sdelay $0x6  }
0x4e6: {  	[tilespmem:$0x1E7F0] =	vst v2  }
0x4e7: {  	v2 =	vadd.s32 $0x594, v0;
	v1 =	vld.idx.msk [tilespmem:v1+s9+$0x0], $0xffff;
	_ =	sdelay $0x4  }
0x4e8: {  	[tilespmem:v2+s12+$0x0] =	vst.idx.msk $0xffff, v1;
	v1 =	vld [tilespmem:$0x1F4A0];
	_ =	sdelay $0x7  }
0x4e9: {  	[tilespmem:$0x1E800] =	vst v2;
	v2 =	vadd.s32 $0x5A4, v0;
	v1 =	vld.idx.msk [tilespmem:v1+s9+$0x0], $0xffff;
	_ =	sdelay $0x4  }
0x4ea: {  	[tilespmem:v2+s12+$0x0] =	vst.idx.msk $0xffff, v1;
	v1 =	vld [tilespmem:$0x1F520];
	_ =	sdelay $0x7  }
0x4eb: {  	[tilespmem:$0x1E810] =	vst v2;
	v2 =	vadd.s32 $0x5B4, v0;
	v1 =	vld.idx.msk [tilespmem:v1+s9+$0x0], $0xffff;
	_ =	sdelay $0x4  }
0x4ec: {  	[tilespmem:v2+s12+$0x0] =	vst.idx.msk $0xffff, v1;
	v1 =	vld [tilespmem:$0x1F590];
	_ =	sdelay $0x7  }
0x4ed: {  	[tilespmem:$0x1E820] =	vst v2;
	v2 =	vadd.s32 $0x5C4, v0;
	v1 =	vld.idx.msk [tilespmem:v1+s9+$0x0], $0xffff;
	_ =	sdelay $0x4  }
0x4ee: {  	[tilespmem:v2+s12+$0x0] =	vst.idx.msk $0xffff, v1;
	v1 =	vld [tilespmem:$0x1F600];
	_ =	sdelay $0x7  }
0x4ef: {  	[tilespmem:$0x1E830] =	vst v2;
	v2 =	vadd.s32 $0x5D4, v0;
	v1 =	vld.idx.msk [tilespmem:v1+s9+$0x0], $0xffff;
	_ =	sdelay $0x4  }
0x4f0: {  	[tilespmem:v2+s12+$0x0] =	vst.idx.msk $0xffff, v1;
	v1 =	vld [tilespmem:$0x1F720];
	_ =	sdelay $0x7  }
0x4f1: {  	[tilespmem:$0x1E840] =	vst v2;
	v2 =	vor.u32 $0x600, v0;
	v1 =	vld.idx.msk [tilespmem:v1+s9+$0x0], $0xffff;
	_ =	sdelay $0x4  }
0x4f2: {  	[tilespmem:v2+s12+$0x0] =	vst.idx.msk $0xffff, v1;
	v1 =	vld [tilespmem:$0x1F730];
	_ =	sdelay $0x7  }
0x4f3: {  	[tilespmem:$0x1E850] =	vst v2;
	v2 =	vor.u32 $0x610, v0;
	v1 =	vld.idx.msk [tilespmem:v1+s9+$0x0], $0xffff;
	_ =	sdelay $0x4  }
0x4f4: {  	[tilespmem:v2+s12+$0x0] =	vst.idx.msk $0xffff, v1;
	v1 =	vld [tilespmem:$0x1F740];
	_ =	sdelay $0x7  }
0x4f5: {  	[tilespmem:$0x1E860] =	vst v2;
	v2 =	vor.u32 $0x620, v0;
	v1 =	vld.idx.msk [tilespmem:v1+s9+$0x0], $0xffff;
	_ =	sdelay $0x4  }
0x4f6: {  	[tilespmem:v2+s12+$0x0] =	vst.idx.msk $0xffff, v1;
	v1 =	vld [tilespmem:$0x1F750];
	_ =	sdelay $0x7  }
0x4f7: {  	[tilespmem:$0x1E870] =	vst v2;
	v2 =	vor.u32 $0x630, v0;
	v1 =	vld.idx.msk [tilespmem:v1+s9+$0x0], $0xffff;
	_ =	sdelay $0x4  }
0x4f8: {  	[tilespmem:v2+s12+$0x0] =	vst.idx.msk $0xffff, v1;
	v1 =	vld [tilespmem:$0x1F760];
	_ =	sdelay $0x7  }
0x4f9: {  	[tilespmem:$0x1E880] =	vst v2;
	v2 =	vor.u32 $0x640, v0;
	v1 =	vld.idx.msk [tilespmem:v1+s9+$0x0], $0xffff;
	_ =	sdelay $0x4  }
0x4fa: {  	[tilespmem:v2+s12+$0x0] =	vst.idx.msk $0xffff, v1;
	v1 =	vld [tilespmem:$0x1F770];
	_ =	sdelay $0x7  }
0x4fb: {  	[tilespmem:$0x1E890] =	vst v2;
	v2 =	vor.u32 $0x650, v0;
	v1 =	vld.idx.msk [tilespmem:v1+s9+$0x0], $0xffff;
	_ =	sdelay $0x4  }
0x4fc: {  	[tilespmem:v2+s12+$0x0] =	vst.idx.msk $0xffff, v1;
	v1 =	vld [tilespmem:$0x1EF70];
	_ =	sdelay $0x7  }
0x4fd: {  	v1 =	vld.idx.msk [tilespmem:v1+s9+$0x0], $0xffff;
	_ =	sdelay $0x4  }
0x4fe: {  	[tilespmem:v37+s12+$0x0] =	vst.idx.msk $0xffff, v1;
	v1 =	vld [tilespmem:$0x1EF80];
	_ =	sdelay $0x7  }
0x4ff: {  	[tilespmem:$0x1E8A0] =	vst v2;
	v2 =	vadd.s32 $0x68C, v0;
	v1 =	vld.idx.msk [tilespmem:v1+s9+$0x0], $0xffff;
	_ =	sdelay $0x4  }
0x500: {  	[tilespmem:v2+s12+$0x0] =	vst.idx.msk $0xffff, v1;
	v1 =	vld [tilespmem:$0x1EF90];
	_ =	sdelay $0x7  }
0x501: {  	[tilespmem:$0x1E8B0] =	vst v2;
	v2 =	vadd.s32 $0x69C, v0;
	v1 =	vld.idx.msk [tilespmem:v1+s9+$0x0], $0xffff;
	_ =	sdelay $0x4  }
0x502: {  	[tilespmem:v2+s12+$0x0] =	vst.idx.msk $0xffff, v1;
	v1 =	vld [tilespmem:$0x1EFA0];
	_ =	sdelay $0x7  }
0x503: {  	[tilespmem:$0x1E8C0] =	vst v2;
	v2 =	vadd.s32 $0x6AC, v0;
	v1 =	vld.idx.msk [tilespmem:v1+s9+$0x0], $0xffff;
	_ =	sdelay $0x4  }
0x504: {  	[tilespmem:v2+s12+$0x0] =	vst.idx.msk $0xffff, v1;
	v1 =	vld [tilespmem:$0x1EFB0];
	_ =	sdelay $0x7  }
0x505: {  	[tilespmem:$0x1E8D0] =	vst v2;
	v2 =	vadd.s32 $0x6BC, v0;
	v1 =	vld.idx.msk [tilespmem:v1+s9+$0x0], $0xffff;
	_ =	sdelay $0x4  }
0x506: {  	[tilespmem:v2+s12+$0x0] =	vst.idx.msk $0xffff, v1;
	v1 =	vld [tilespmem:$0x1EFC0];
	_ =	sdelay $0x7  }
0x507: {  	[tilespmem:$0x1E8E0] =	vst v2;
	v2 =	vadd.s32 $0x6CC, v0;
	v1 =	vld.idx.msk [tilespmem:v1+s9+$0x0], $0xffff;
	_ =	sdelay $0x4  }
0x508: {  	[tilespmem:v2+s12+$0x0] =	vst.idx.msk $0xffff, v1;
	v1 =	vld [tilespmem:$0x1F150];
	_ =	sdelay $0x7  }
0x509: {  	v1 =	vld.idx.msk [tilespmem:v1+s9+$0x0], $0xffff;
	_ =	sdelay $0x4  }
0x50a: {  	[tilespmem:v38+s12+$0x0] =	vst.idx.msk $0xffff, v1;
	v1 =	vld [tilespmem:$0x1F1B0];
	_ =	sdelay $0x7  }
0x50b: {  	[tilespmem:$0x1E8F0] =	vst v2;
	v2 =	vadd.s32 $0x708, v0;
	v1 =	vld.idx.msk [tilespmem:v1+s9+$0x0], $0xffff;
	_ =	sdelay $0x4  }
0x50c: {  	[tilespmem:v2+s12+$0x0] =	vst.idx.msk $0xffff, v1;
	v1 =	vld [tilespmem:$0x1F210];
	_ =	sdelay $0x7  }
0x50d: {  	[tilespmem:$0x1E900] =	vst v2;
	v2 =	vadd.s32 $0x718, v0;
	v1 =	vld.idx.msk [tilespmem:v1+s9+$0x0], $0xffff;
	_ =	sdelay $0x4  }
0x50e: {  	[tilespmem:v2+s12+$0x0] =	vst.idx.msk $0xffff, v1;
	v1 =	vld [tilespmem:$0x1F270];
	_ =	sdelay $0x7  }
0x50f: {  	[tilespmem:$0x1E910] =	vst v2;
	v2 =	vadd.s32 $0x728, v0;
	v1 =	vld.idx.msk [tilespmem:v1+s9+$0x0], $0xffff;
	_ =	sdelay $0x4  }
0x510: {  	[tilespmem:v2+s12+$0x0] =	vst.idx.msk $0xffff, v1;
	v1 =	vld [tilespmem:$0x1F2C0];
	_ =	sdelay $0x7  }
0x511: {  	[tilespmem:$0x1E920] =	vst v2;
	v2 =	vadd.s32 $0x738, v0;
	v1 =	vld.idx.msk [tilespmem:v1+s9+$0x0], $0xffff;
	_ =	sdelay $0x4  }
0x512: {  	[tilespmem:v2+s12+$0x0] =	vst.idx.msk $0xffff, v1;
	v1 =	vld [tilespmem:$0x1F310];
	_ =	sdelay $0x7  }
0x513: {  	[tilespmem:$0x1E930] =	vst v2;
	v2 =	vadd.s32 $0x748, v0;
	v1 =	vld.idx.msk [tilespmem:v1+s9+$0x0], $0xffff;
	_ =	sdelay $0x4  }
0x514: {  	[tilespmem:v2+s12+$0x0] =	vst.idx.msk $0xffff, v1  }
0x515: {  	v1 =	vld.idx.msk [tilespmem:v17+s9+$0x0], $0xffff;
	_ =	sdelay $0x4  }
0x516: {  	[tilespmem:v39+s12+$0x0] =	vst.idx.msk $0xffff, v1;
	v1 =	vld [tilespmem:$0x1F3B0];
	_ =	sdelay $0x7  }
0x517: {  	[tilespmem:$0x1E940] =	vst v2;
	v2 =	vadd.s32 $0x784, v0;
	v1 =	vld.idx.msk [tilespmem:v1+s9+$0x0], $0xffff;
	_ =	sdelay $0x4  }
0x518: {  	[tilespmem:v2+s12+$0x0] =	vst.idx.msk $0xffff, v1;
	v1 =	vld [tilespmem:$0x1F430];
	_ =	sdelay $0x7  }
0x519: {  	[tilespmem:$0x1E950] =	vst v2;
	v2 =	vadd.s32 $0x794, v0;
	v1 =	vld.idx.msk [tilespmem:v1+s9+$0x0], $0xffff;
	_ =	sdelay $0x4  }
0x51a: {  	[tilespmem:v2+s12+$0x0] =	vst.idx.msk $0xffff, v1;
	v1 =	vld [tilespmem:$0x1F4B0];
	_ =	sdelay $0x7  }
0x51b: {  	[tilespmem:$0x1E960] =	vst v2;
	v2 =	vadd.s32 $0x7A4, v0;
	v1 =	vld.idx.msk [tilespmem:v1+s9+$0x0], $0xffff;
	_ =	sdelay $0x4  }
0x51c: {  	[tilespmem:v2+s12+$0x0] =	vst.idx.msk $0xffff, v1;
	v1 =	vld [tilespmem:$0x1F530];
	_ =	sdelay $0x7  }
0x51d: {  	[tilespmem:$0x1E970] =	vst v2;
	v2 =	vadd.s32 $0x7B4, v0;
	v1 =	vld.idx.msk [tilespmem:v1+s9+$0x0], $0xffff;
	_ =	sdelay $0x4  }
0x51e: {  	[tilespmem:v2+s12+$0x0] =	vst.idx.msk $0xffff, v1;
	v1 =	vld [tilespmem:$0x1F5A0];
	_ =	sdelay $0x7  }
0x51f: {  	[tilespmem:$0x1E980] =	vst v2;
	v2 =	vadd.s32 $0x7C4, v0;
	v1 =	vld.idx.msk [tilespmem:v1+s9+$0x0], $0xffff;
	_ =	sdelay $0x4  }
0x520: {  	[tilespmem:v2+s12+$0x0] =	vst.idx.msk $0xffff, v1;
	v1 =	vld [tilespmem:$0x1F610];
	_ =	sdelay $0x7  }
0x521: {  	[tilespmem:$0x1E990] =	vst v2;
	v2 =	vadd.s32 $0x7D4, v0;
	v1 =	vld.idx.msk [tilespmem:v1+s9+$0x0], $0xffff;
	_ =	sdelay $0x4  }
0x522: {  	[tilespmem:v2+s12+$0x0] =	vst.idx.msk $0xffff, v1;
	v1 =	vld [tilespmem:$0x1F780];
	_ =	sdelay $0x7  }
0x523: {  	[tilespmem:$0x1E9A0] =	vst v2;
	v2 =	vor.u32 $0x800, v0;
	v1 =	vld.idx.msk [tilespmem:v1+s9+$0x0], $0xffff;
	_ =	sdelay $0x4  }
0x524: {  	[tilespmem:v2+s12+$0x0] =	vst.idx.msk $0xffff, v1;
	v1 =	vld [tilespmem:$0x1F790];
	_ =	sdelay $0x7  }
0x525: {  	[tilespmem:$0x1E9B0] =	vst v2;
	v2 =	vor.u32 $0x810, v0;
	v1 =	vld.idx.msk [tilespmem:v1+s9+$0x0], $0xffff;
	_ =	sdelay $0x4  }
0x526: {  	[tilespmem:v2+s12+$0x0] =	vst.idx.msk $0xffff, v1;
	v1 =	vld [tilespmem:$0x1F7A0];
	_ =	sdelay $0x7  }
0x527: {  	[tilespmem:$0x1E9C0] =	vst v2;
	v2 =	vor.u32 $0x820, v0;
	v1 =	vld.idx.msk [tilespmem:v1+s9+$0x0], $0xffff;
	_ =	sdelay $0x4  }
0x528: {  	[tilespmem:v2+s12+$0x0] =	vst.idx.msk $0xffff, v1;
	v1 =	vld [tilespmem:$0x1F7B0];
	_ =	sdelay $0x7  }
0x529: {  	[tilespmem:$0x1E9D0] =	vst v2;
	v2 =	vor.u32 $0x830, v0;
	v1 =	vld.idx.msk [tilespmem:v1+s9+$0x0], $0xffff;
	_ =	sdelay $0x4  }
0x52a: {  	[tilespmem:v2+s12+$0x0] =	vst.idx.msk $0xffff, v1;
	v1 =	vld [tilespmem:$0x1F7C0];
	_ =	sdelay $0x7  }
0x52b: {  	[tilespmem:$0x1E9E0] =	vst v2;
	v2 =	vor.u32 $0x840, v0;
	v1 =	vld.idx.msk [tilespmem:v1+s9+$0x0], $0xffff;
	_ =	sdelay $0x4  }
0x52c: {  	[tilespmem:v2+s12+$0x0] =	vst.idx.msk $0xffff, v1;
	v1 =	vld [tilespmem:$0x1F900];
	_ =	sdelay $0x7  }
0x52d: {  	[tilespmem:$0x1E9F0] =	vst v2;
	v2 =	vor.u32 $0x850, v0;
	v1 =	vld.idx.msk [tilespmem:v1+s9+$0x0], $0xffff;
	_ =	sdelay $0x4  }
0x52e: {  	[tilespmem:v2+s12+$0x0] =	vst.idx.msk $0xffff, v1;
	v1 =	vld [tilespmem:$0x1EFD0];
	_ =	sdelay $0x7  }
0x52f: {  	v1 =	vld.idx.msk [tilespmem:v1+s9+$0x0], $0xffff;
	_ =	sdelay $0x4  }
0x530: {  	[tilespmem:v40+s12+$0x0] =	vst.idx.msk $0xffff, v1;
	v1 =	vld [tilespmem:$0x1EFE0];
	_ =	sdelay $0x7  }
0x531: {  	[tilespmem:$0x1EA00] =	vst v2;
	v2 =	vadd.s32 $0x88C, v0;
	v1 =	vld.idx.msk [tilespmem:v1+s9+$0x0], $0xffff;
	_ =	sdelay $0x4  }
0x532: {  	[tilespmem:v2+s12+$0x0] =	vst.idx.msk $0xffff, v1;
	v1 =	vld [tilespmem:$0x1EFF0];
	_ =	sdelay $0x7  }
0x533: {  	[tilespmem:$0x1EA10] =	vst v2;
	v2 =	vadd.s32 $0x89C, v0;
	v1 =	vld.idx.msk [tilespmem:v1+s9+$0x0], $0xffff;
	_ =	sdelay $0x4  }
0x534: {  	[tilespmem:v2+s12+$0x0] =	vst.idx.msk $0xffff, v1;
	v1 =	vld [tilespmem:$0x1F000];
	_ =	sdelay $0x7  }
0x535: {  	[tilespmem:$0x1EA20] =	vst v2;
	v2 =	vadd.s32 $0x8AC, v0;
	v1 =	vld.idx.msk [tilespmem:v1+s9+$0x0], $0xffff;
	_ =	sdelay $0x4  }
0x536: {  	[tilespmem:v2+s12+$0x0] =	vst.idx.msk $0xffff, v1;
	v1 =	vld [tilespmem:$0x1F010];
	_ =	sdelay $0x7  }
0x537: {  	[tilespmem:$0x1EA30] =	vst v2;
	v2 =	vadd.s32 $0x8BC, v0;
	v1 =	vld.idx.msk [tilespmem:v1+s9+$0x0], $0xffff;
	_ =	sdelay $0x4  }
0x538: {  	[tilespmem:v2+s12+$0x0] =	vst.idx.msk $0xffff, v1  }
0x539: {  	[tilespmem:$0x1EA40] =	vst v2;
	v2 =	vadd.s32 $0x8CC, v0;
	v1 =	vld.idx.msk [tilespmem:v10+s9+$0x0], $0xffff;
	_ =	sdelay $0x4  }
0x53a: {  	[tilespmem:v2+s12+$0x0] =	vst.idx.msk $0xffff, v1;
	v1 =	vld [tilespmem:$0x1F160];
	_ =	sdelay $0x7  }
0x53b: {  	v1 =	vld.idx.msk [tilespmem:v1+s9+$0x0], $0xffff;
	_ =	sdelay $0x4  }
0x53c: {  	[tilespmem:v41+s12+$0x0] =	vst.idx.msk $0xffff, v1;
	v1 =	vld [tilespmem:$0x1F1C0];
	_ =	sdelay $0x7  }
0x53d: {  	[tilespmem:$0x1EA50] =	vst v2;
	v2 =	vadd.s32 $0x908, v0;
	v1 =	vld.idx.msk [tilespmem:v1+s9+$0x0], $0xffff;
	_ =	sdelay $0x4  }
0x53e: {  	[tilespmem:v2+s12+$0x0] =	vst.idx.msk $0xffff, v1;
	v1 =	vld [tilespmem:$0x1F220];
	_ =	sdelay $0x7  }
0x53f: {  	[tilespmem:$0x1EA60] =	vst v2;
	v2 =	vadd.s32 $0x918, v0;
	v1 =	vld.idx.msk [tilespmem:v1+s9+$0x0], $0xffff;
	_ =	sdelay $0x4  }
0x540: {  	[tilespmem:v2+s12+$0x0] =	vst.idx.msk $0xffff, v1;
	v1 =	vld [tilespmem:$0x1F280];
	_ =	sdelay $0x7  }
0x541: {  	[tilespmem:$0x1EA70] =	vst v2;
	v2 =	vadd.s32 $0x928, v0;
	v1 =	vld.idx.msk [tilespmem:v1+s9+$0x0], $0xffff;
	_ =	sdelay $0x4  }
0x542: {  	[tilespmem:v2+s12+$0x0] =	vst.idx.msk $0xffff, v1;
	v1 =	vld [tilespmem:$0x1F2D0];
	_ =	sdelay $0x7  }
0x543: {  	[tilespmem:$0x1EA80] =	vst v2;
	v2 =	vadd.s32 $0x938, v0;
	v1 =	vld.idx.msk [tilespmem:v1+s9+$0x0], $0xffff;
	_ =	sdelay $0x4  }
0x544: {  	[tilespmem:v2+s12+$0x0] =	vst.idx.msk $0xffff, v1;
	v1 =	vld [tilespmem:$0x1F320];
	_ =	sdelay $0x7  }
0x545: {  	[tilespmem:$0x1EA90] =	vst v2;
	v2 =	vadd.s32 $0x948, v0;
	v1 =	vld.idx.msk [tilespmem:v1+s9+$0x0], $0xffff;
	_ =	sdelay $0x4  }
0x546: {  	[tilespmem:v2+s12+$0x0] =	vst.idx.msk $0xffff, v1;
	v1 =	vld [tilespmem:$0x1F360];
	_ =	sdelay $0x7  }
0x547: {  	v1 =	vld.idx.msk [tilespmem:v1+s9+$0x0], $0xffff;
	_ =	sdelay $0x4  }
0x548: {  	[tilespmem:v42+s12+$0x0] =	vst.idx.msk $0xffff, v1;
	v1 =	vld [tilespmem:$0x1F3C0];
	_ =	sdelay $0x7  }
0x549: {  	[tilespmem:$0x1EAA0] =	vst v2;
	v2 =	vadd.s32 $0x984, v0;
	v1 =	vld.idx.msk [tilespmem:v1+s9+$0x0], $0xffff;
	_ =	sdelay $0x4  }
0x54a: {  	[tilespmem:v2+s12+$0x0] =	vst.idx.msk $0xffff, v1;
	v1 =	vld [tilespmem:$0x1F440];
	_ =	sdelay $0x7  }
0x54b: {  	[tilespmem:$0x1EAB0] =	vst v2;
	v2 =	vadd.s32 $0x994, v0;
	v1 =	vld.idx.msk [tilespmem:v1+s9+$0x0], $0xffff;
	_ =	sdelay $0x4  }
0x54c: {  	[tilespmem:v2+s12+$0x0] =	vst.idx.msk $0xffff, v1;
	v1 =	vld [tilespmem:$0x1F4C0];
	_ =	sdelay $0x7  }
0x54d: {  	[tilespmem:$0x1EAC0] =	vst v2;
	v2 =	vadd.s32 $0x9A4, v0;
	v1 =	vld.idx.msk [tilespmem:v1+s9+$0x0], $0xffff;
	_ =	sdelay $0x4  }
0x54e: {  	[tilespmem:v2+s12+$0x0] =	vst.idx.msk $0xffff, v1;
	v1 =	vld [tilespmem:$0x1F540];
	_ =	sdelay $0x7  }
0x54f: {  	[tilespmem:$0x1EAD0] =	vst v2;
	v2 =	vadd.s32 $0x9B4, v0;
	v1 =	vld.idx.msk [tilespmem:v1+s9+$0x0], $0xffff;
	_ =	sdelay $0x4  }
0x550: {  	[tilespmem:v2+s12+$0x0] =	vst.idx.msk $0xffff, v1;
	v1 =	vld [tilespmem:$0x1F5B0];
	_ =	sdelay $0x7  }
0x551: {  	[tilespmem:$0x1EAE0] =	vst v2;
	v2 =	vadd.s32 $0x9C4, v0;
	v1 =	vld.idx.msk [tilespmem:v1+s9+$0x0], $0xffff;
	_ =	sdelay $0x4  }
0x552: {  	[tilespmem:v2+s12+$0x0] =	vst.idx.msk $0xffff, v1;
	v1 =	vld [tilespmem:$0x1F620];
	_ =	sdelay $0x7  }
0x553: {  	[tilespmem:$0x1EAF0] =	vst v2;
	v2 =	vadd.s32 $0x9D4, v0;
	v1 =	vld.idx.msk [tilespmem:v1+s9+$0x0], $0xffff;
	_ =	sdelay $0x4  }
0x554: {  	[tilespmem:v2+s12+$0x0] =	vst.idx.msk $0xffff, v1;
	v1 =	vld [tilespmem:$0x1F910];
	_ =	sdelay $0x7  }
0x555: {  	[tilespmem:$0x1EB00] =	vst v2;
	v2 =	vor.u32 $0xA00, v0;
	v1 =	vld.idx.msk [tilespmem:v1+s9+$0x0], $0xffff;
	_ =	sdelay $0x4  }
0x556: {  	[tilespmem:v2+s12+$0x0] =	vst.idx.msk $0xffff, v1;
	v1 =	vld [tilespmem:$0x1F920];
	_ =	sdelay $0x7  }
0x557: {  	[tilespmem:$0x1EB10] =	vst v2;
	v2 =	vor.u32 $0xA10, v0;
	v1 =	vld.idx.msk [tilespmem:v1+s9+$0x0], $0xffff;
	_ =	sdelay $0x4  }
0x558: {  	[tilespmem:v2+s12+$0x0] =	vst.idx.msk $0xffff, v1;
	v1 =	vld [tilespmem:$0x1F930];
	_ =	sdelay $0x7  }
0x559: {  	[tilespmem:$0x1EB20] =	vst v2;
	v2 =	vor.u32 $0xA20, v0;
	v1 =	vld.idx.msk [tilespmem:v1+s9+$0x0], $0xffff;
	_ =	sdelay $0x4  }
0x55a: {  	[tilespmem:v2+s12+$0x0] =	vst.idx.msk $0xffff, v1;
	v1 =	vld [tilespmem:$0x1F940];
	_ =	sdelay $0x7  }
0x55b: {  	[tilespmem:$0x1EB30] =	vst v2;
	v2 =	vor.u32 $0xA30, v0;
	v1 =	vld.idx.msk [tilespmem:v1+s9+$0x0], $0xffff;
	_ =	sdelay $0x4  }
0x55c: {  	[tilespmem:v2+s12+$0x0] =	vst.idx.msk $0xffff, v1;
	v1 =	vld [tilespmem:$0x1F950];
	_ =	sdelay $0x7  }
0x55d: {  	[tilespmem:$0x1EB40] =	vst v2;
	v2 =	vor.u32 $0xA40, v0;
	v1 =	vld.idx.msk [tilespmem:v1+s9+$0x0], $0xffff;
	_ =	sdelay $0x4  }
0x55e: {  	[tilespmem:v2+s12+$0x0] =	vst.idx.msk $0xffff, v1;
	v1 =	vld [tilespmem:$0x1F960];
	_ =	sdelay $0x7  }
0x55f: {  	[tilespmem:$0x1EB50] =	vst v2;
	v2 =	vor.u32 $0xA50, v0;
	v1 =	vld.idx.msk [tilespmem:v1+s9+$0x0], $0xffff;
	_ =	sdelay $0x4  }
0x560: {  	[tilespmem:v2+s12+$0x0] =	vst.idx.msk $0xffff, v1;
	v1 =	vld [tilespmem:$0x1F020];
	_ =	sdelay $0x7  }
0x561: {  	v1 =	vld.idx.msk [tilespmem:v1+s9+$0x0], $0xffff;
	_ =	sdelay $0x4  }
0x562: {  	[tilespmem:v43+s12+$0x0] =	vst.idx.msk $0xffff, v1;
	v1 =	vld [tilespmem:$0x1F030];
	_ =	sdelay $0x7  }
0x563: {  	[tilespmem:$0x1EB60] =	vst v2;
	v2 =	vadd.s32 $0xA8C, v0;
	v1 =	vld.idx.msk [tilespmem:v1+s9+$0x0], $0xffff;
	_ =	sdelay $0x4  }
0x564: {  	[tilespmem:v2+s12+$0x0] =	vst.idx.msk $0xffff, v1;
	v1 =	vld [tilespmem:$0x1F040];
	_ =	sdelay $0x7  }
0x565: {  	[tilespmem:$0x1EB70] =	vst v2;
	v2 =	vadd.s32 $0xA9C, v0;
	v1 =	vld.idx.msk [tilespmem:v1+s9+$0x0], $0xffff;
	_ =	sdelay $0x4  }
0x566: {  	[tilespmem:v2+s12+$0x0] =	vst.idx.msk $0xffff, v1;
	v1 =	vld [tilespmem:$0x1F050];
	_ =	sdelay $0x7  }
0x567: {  	[tilespmem:$0x1EB80] =	vst v2;
	v2 =	vadd.s32 $0xAAC, v0;
	v1 =	vld.idx.msk [tilespmem:v1+s9+$0x0], $0xffff;
	_ =	sdelay $0x4  }
0x568: {  	[tilespmem:v2+s12+$0x0] =	vst.idx.msk $0xffff, v1;
	v1 =	vld [tilespmem:$0x1F060];
	_ =	sdelay $0x7  }
0x569: {  	[tilespmem:$0x1EB90] =	vst v2;
	v2 =	vadd.s32 $0xABC, v0;
	v1 =	vld.idx.msk [tilespmem:v1+s9+$0x0], $0xffff;
	_ =	sdelay $0x4  }
0x56a: {  	[tilespmem:v2+s12+$0x0] =	vst.idx.msk $0xffff, v1;
	v1 =	vld [tilespmem:$0x1F100];
	_ =	sdelay $0x7  }
0x56b: {  	[tilespmem:$0x1EBA0] =	vst v2;
	v2 =	vadd.s32 $0xACC, v0;
	v1 =	vld.idx.msk [tilespmem:v1+s9+$0x0], $0xffff;
	_ =	sdelay $0x4  }
0x56c: {  	[tilespmem:v2+s12+$0x0] =	vst.idx.msk $0xffff, v1;
	v1 =	vld [tilespmem:$0x1F170];
	_ =	sdelay $0x7  }
0x56d: {  	v1 =	vld.idx.msk [tilespmem:v1+s9+$0x0], $0xffff;
	_ =	sdelay $0x4  }
0x56e: {  	[tilespmem:v57+s12+$0x0] =	vst.idx.msk $0xffff, v1;
	v1 =	vld [tilespmem:$0x1F1D0];
	_ =	sdelay $0x7  }
0x56f: {  	[tilespmem:$0x1EBB0] =	vst v2;
	v2 =	vadd.s32 $0xB08, v0;
	v1 =	vld.idx.msk [tilespmem:v1+s9+$0x0], $0xffff;
	_ =	sdelay $0x4  }
0x570: {  	[tilespmem:v2+s12+$0x0] =	vst.idx.msk $0xffff, v1;
	v1 =	vld [tilespmem:$0x1F230];
	_ =	sdelay $0x7  }
0x571: {  	[tilespmem:$0x1EBC0] =	vst v2;
	v2 =	vadd.s32 $0xB18, v0;
	v1 =	vld.idx.msk [tilespmem:v1+s9+$0x0], $0xffff;
	_ =	sdelay $0x4  }
0x572: {  	[tilespmem:v2+s12+$0x0] =	vst.idx.msk $0xffff, v1;
	v1 =	vld [tilespmem:$0x1F290];
	_ =	sdelay $0x7  }
0x573: {  	[tilespmem:$0x1EBD0] =	vst v2;
	v2 =	vadd.s32 $0xB28, v0;
	v1 =	vld.idx.msk [tilespmem:v1+s9+$0x0], $0xffff;
	_ =	sdelay $0x4  }
0x574: {  	[tilespmem:v2+s12+$0x0] =	vst.idx.msk $0xffff, v1;
	v1 =	vld [tilespmem:$0x1F2E0];
	_ =	sdelay $0x7  }
0x575: {  	[tilespmem:$0x1EBE0] =	vst v2;
	v2 =	vadd.s32 $0xB38, v0;
	v1 =	vld.idx.msk [tilespmem:v1+s9+$0x0], $0xffff;
	_ =	sdelay $0x4  }
0x576: {  	[tilespmem:v2+s12+$0x0] =	vst.idx.msk $0xffff, v1;
	v1 =	vld [tilespmem:$0x1F330];
	_ =	sdelay $0x7  }
0x577: {  	[tilespmem:$0x1EBF0] =	vst v2;
	v2 =	vadd.s32 $0xB48, v0;
	v1 =	vld.idx.msk [tilespmem:v1+s9+$0x0], $0xffff;
	_ =	sdelay $0x4  }
0x578: {  	[tilespmem:v2+s12+$0x0] =	vst.idx.msk $0xffff, v1;
	v1 =	vld [tilespmem:$0x1F370];
	_ =	sdelay $0x7  }
0x579: {  	v1 =	vld.idx.msk [tilespmem:v1+s9+$0x0], $0xffff;
	_ =	sdelay $0x4  }
0x57a: {  	[tilespmem:v44+s12+$0x0] =	vst.idx.msk $0xffff, v1;
	v1 =	vld [tilespmem:$0x1F3D0];
	_ =	sdelay $0x7  }
0x57b: {  	[tilespmem:$0x1EC00] =	vst v2;
	v2 =	vadd.s32 $0xB84, v0;
	v1 =	vld.idx.msk [tilespmem:v1+s9+$0x0], $0xffff;
	_ =	sdelay $0x4  }
0x57c: {  	[tilespmem:v2+s12+$0x0] =	vst.idx.msk $0xffff, v1;
	v1 =	vld [tilespmem:$0x1F450];
	_ =	sdelay $0x7  }
0x57d: {  	[tilespmem:$0x1EC10] =	vst v2;
	v2 =	vadd.s32 $0xB94, v0;
	v1 =	vld.idx.msk [tilespmem:v1+s9+$0x0], $0xffff;
	_ =	sdelay $0x4  }
0x57e: {  	[tilespmem:v2+s12+$0x0] =	vst.idx.msk $0xffff, v1;
	v1 =	vld [tilespmem:$0x1F4D0];
	_ =	sdelay $0x7  }
0x57f: {  	[tilespmem:$0x1EC20] =	vst v2;
	v2 =	vadd.s32 $0xBA4, v0;
	v1 =	vld.idx.msk [tilespmem:v1+s9+$0x0], $0xffff;
	_ =	sdelay $0x4  }
0x580: {  	[tilespmem:v2+s12+$0x0] =	vst.idx.msk $0xffff, v1;
	v1 =	vld [tilespmem:$0x1F550];
	_ =	sdelay $0x7  }
0x581: {  	[tilespmem:$0x1EC30] =	vst v2;
	v2 =	vadd.s32 $0xBB4, v0;
	v1 =	vld.idx.msk [tilespmem:v1+s9+$0x0], $0xffff;
	_ =	sdelay $0x4  }
0x582: {  	[tilespmem:v2+s12+$0x0] =	vst.idx.msk $0xffff, v1;
	v1 =	vld [tilespmem:$0x1F5C0];
	_ =	sdelay $0x7  }
0x583: {  	[tilespmem:$0x1EC40] =	vst v2;
	v2 =	vadd.s32 $0xBC4, v0;
	v1 =	vld.idx.msk [tilespmem:v1+s9+$0x0], $0xffff;
	_ =	sdelay $0x4  }
0x584: {  	[tilespmem:v2+s12+$0x0] =	vst.idx.msk $0xffff, v1;
	v1 =	vld [tilespmem:$0x1F630];
	_ =	sdelay $0x7  }
0x585: {  	[tilespmem:$0x1EC50] =	vst v2;
	v2 =	vadd.s32 $0xBD4, v0;
	v1 =	vld.idx.msk [tilespmem:v1+s9+$0x0], $0xffff;
	_ =	sdelay $0x4  }
0x586: {  	[tilespmem:v2+s12+$0x0] =	vst.idx.msk $0xffff, v1;
	v1 =	vld [tilespmem:$0x1F970];
	_ =	sdelay $0x7  }
0x587: {  	[tilespmem:$0x1EC60] =	vst v2;
	v2 =	vor.u32 $0xC00, v0;
	v1 =	vld.idx.msk [tilespmem:v1+s9+$0x0], $0xffff;
	_ =	sdelay $0x4  }
0x588: {  	[tilespmem:v2+s12+$0x0] =	vst.idx.msk $0xffff, v1;
	v1 =	vld [tilespmem:$0x1F980];
	_ =	sdelay $0x7  }
0x589: {  	[tilespmem:$0x1EC70] =	vst v2;
	v2 =	vor.u32 $0xC10, v0;
	v1 =	vld.idx.msk [tilespmem:v1+s9+$0x0], $0xffff;
	_ =	sdelay $0x4  }
0x58a: {  	[tilespmem:v2+s12+$0x0] =	vst.idx.msk $0xffff, v1;
	v1 =	vld [tilespmem:$0x1F990];
	_ =	sdelay $0x7  }
0x58b: {  	[tilespmem:$0x1EC80] =	vst v2;
	v2 =	vor.u32 $0xC20, v0;
	v1 =	vld.idx.msk [tilespmem:v1+s9+$0x0], $0xffff;
	_ =	sdelay $0x4  }
0x58c: {  	[tilespmem:v2+s12+$0x0] =	vst.idx.msk $0xffff, v1;
	v1 =	vld [tilespmem:$0x1F9A0];
	_ =	sdelay $0x7  }
0x58d: {  	[tilespmem:$0x1EC90] =	vst v2;
	v2 =	vor.u32 $0xC30, v0;
	v1 =	vld.idx.msk [tilespmem:v1+s9+$0x0], $0xffff;
	_ =	sdelay $0x4  }
0x58e: {  	[tilespmem:v2+s12+$0x0] =	vst.idx.msk $0xffff, v1;
	v1 =	vld [tilespmem:$0x1F9B0];
	_ =	sdelay $0x7  }
0x58f: {  	[tilespmem:$0x1ECA0] =	vst v2;
	v2 =	vor.u32 $0xC40, v0;
	v1 =	vld.idx.msk [tilespmem:v1+s9+$0x0], $0xffff;
	_ =	sdelay $0x4  }
0x590: {  	[tilespmem:v2+s12+$0x0] =	vst.idx.msk $0xffff, v1;
	v1 =	vld [tilespmem:$0x1F9C0];
	_ =	sdelay $0x7  }
0x591: {  	[tilespmem:$0x1ECB0] =	vst v2;
	v2 =	vor.u32 $0xC50, v0;
	v1 =	vld.idx.msk [tilespmem:v1+s9+$0x0], $0xffff;
	_ =	sdelay $0x4  }
0x592: {  	[tilespmem:v2+s12+$0x0] =	vst.idx.msk $0xffff, v1;
	v1 =	vld [tilespmem:$0x1F070];
	_ =	sdelay $0x4  }
0x593: {  	[tilespmem:$0x1ECC0] =	vst v2;
	v2 =	vld [tilespmem:$0x1FFA0];
	_ =	sdelay $0x2  }
0x594: {  	v1 =	vld.idx.msk [tilespmem:v1+s9+$0x0], $0xffff;
	_ =	sdelay $0x4  }
0x595: {  	[tilespmem:v2+s12+$0x0] =	vst.idx.msk $0xffff, v1;
	v1 =	vld [tilespmem:$0x1F080];
	_ =	sdelay $0x7  }
0x596: {  	v2 =	vadd.s32 $0xC8C, v0;
	v1 =	vld.idx.msk [tilespmem:v1+s9+$0x0], $0xffff;
	_ =	sdelay $0x4  }
0x597: {  	[tilespmem:v2+s12+$0x0] =	vst.idx.msk $0xffff, v1;
	v1 =	vld [tilespmem:$0x1F090];
	_ =	sdelay $0x7  }
0x598: {  	[tilespmem:$0x1ECD0] =	vst v2;
	v2 =	vadd.s32 $0xC9C, v0;
	v1 =	vld.idx.msk [tilespmem:v1+s9+$0x0], $0xffff;
	_ =	sdelay $0x4  }
0x599: {  	[tilespmem:v2+s12+$0x0] =	vst.idx.msk $0xffff, v1;
	v1 =	vld [tilespmem:$0x1F0A0];
	_ =	sdelay $0x7  }
0x59a: {  	[tilespmem:$0x1ECE0] =	vst v2;
	v2 =	vadd.s32 $0xCAC, v0;
	v1 =	vld.idx.msk [tilespmem:v1+s9+$0x0], $0xffff;
	_ =	sdelay $0x4  }
0x59b: {  	[tilespmem:v2+s12+$0x0] =	vst.idx.msk $0xffff, v1;
	v1 =	vld [tilespmem:$0x1F0B0];
	_ =	sdelay $0x7  }
0x59c: {  	[tilespmem:$0x1ECF0] =	vst v2;
	v2 =	vadd.s32 $0xCBC, v0;
	v1 =	vld.idx.msk [tilespmem:v1+s9+$0x0], $0xffff;
	_ =	sdelay $0x4  }
0x59d: {  	[tilespmem:v2+s12+$0x0] =	vst.idx.msk $0xffff, v1;
	v1 =	vld [tilespmem:$0x1F110];
	_ =	sdelay $0x7  }
0x59e: {  	[tilespmem:$0x1ED00] =	vst v2;
	v2 =	vadd.s32 $0xCCC, v0;
	v1 =	vld.idx.msk [tilespmem:v1+s9+$0x0], $0xffff;
	_ =	sdelay $0x4  }
0x59f: {  	[tilespmem:v2+s12+$0x0] =	vst.idx.msk $0xffff, v1;
	v1 =	vld [tilespmem:$0x1F180];
	_ =	sdelay $0x7  }
0x5a0: {  	v1 =	vld.idx.msk [tilespmem:v1+s9+$0x0], $0xffff;
	_ =	sdelay $0x4  }
0x5a1: {  	[tilespmem:v9+s12+$0x0] =	vst.idx.msk $0xffff, v1;
	v1 =	vld [tilespmem:$0x1F1E0];
	_ =	sdelay $0x7  }
0x5a2: {  	[tilespmem:$0x1ED10] =	vst v2;
	v2 =	vadd.s32 $0xD08, v0;
	v1 =	vld.idx.msk [tilespmem:v1+s9+$0x0], $0xffff;
	_ =	sdelay $0x4  }
0x5a3: {  	[tilespmem:v2+s12+$0x0] =	vst.idx.msk $0xffff, v1;
	v1 =	vld [tilespmem:$0x1F240];
	_ =	sdelay $0x7  }
0x5a4: {  	[tilespmem:$0x1ED20] =	vst v2;
	v2 =	vadd.s32 $0xD18, v0;
	v1 =	vld.idx.msk [tilespmem:v1+s9+$0x0], $0xffff;
	_ =	sdelay $0x4  }
0x5a5: {  	[tilespmem:v2+s12+$0x0] =	vst.idx.msk $0xffff, v1;
	v1 =	vld [tilespmem:$0x1F2A0];
	_ =	sdelay $0x7  }
0x5a6: {  	[tilespmem:$0x1ED30] =	vst v2;
	v2 =	vadd.s32 $0xD28, v0;
	v1 =	vld.idx.msk [tilespmem:v1+s9+$0x0], $0xffff;
	_ =	sdelay $0x4  }
0x5a7: {  	[tilespmem:v2+s12+$0x0] =	vst.idx.msk $0xffff, v1;
	v1 =	vld [tilespmem:$0x1F2F0];
	_ =	sdelay $0x7  }
0x5a8: {  	[tilespmem:$0x1ED40] =	vst v2;
	v2 =	vadd.s32 $0xD38, v0;
	v1 =	vld.idx.msk [tilespmem:v1+s9+$0x0], $0xffff;
	_ =	sdelay $0x4  }
0x5a9: {  	[tilespmem:v2+s12+$0x0] =	vst.idx.msk $0xffff, v1;
	v1 =	vld [tilespmem:$0x1F340];
	_ =	sdelay $0x7  }
0x5aa: {  	v10 =	vadd.s32 $0xD48, v0;
	v1 =	vld.idx.msk [tilespmem:v1+s9+$0x0], $0xffff;
	_ =	sdelay $0x4  }
0x5ab: {  	[tilespmem:v10+s12+$0x0] =	vst.idx.msk $0xffff, v1;
	v1 =	vld [tilespmem:$0x1F380];
	_ =	sdelay $0x7  }
0x5ac: {  	v1 =	vld.idx.msk [tilespmem:v1+s9+$0x0], $0xffff;
	_ =	sdelay $0x4  }
0x5ad: {  	[tilespmem:v7+s12+$0x0] =	vst.idx.msk $0xffff, v1;
	v1 =	vld [tilespmem:$0x1F3E0];
	_ =	sdelay $0x7  }
0x5ae: {  	[tilespmem:$0x1ED50] =	vst v2;
	v2 =	vadd.s32 $0xD84, v0;
	v1 =	vld.idx.msk [tilespmem:v1+s9+$0x0], $0xffff;
	_ =	sdelay $0x4  }
0x5af: {  	[tilespmem:v2+s12+$0x0] =	vst.idx.msk $0xffff, v1;
	v1 =	vld [tilespmem:$0x1F460];
	_ =	sdelay $0x7  }
0x5b0: {  	v5 =	vadd.s32 $0xD94, v0;
	v1 =	vld.idx.msk [tilespmem:v1+s9+$0x0], $0xffff;
	_ =	sdelay $0x4  }
0x5b1: {  	[tilespmem:v5+s12+$0x0] =	vst.idx.msk $0xffff, v1;
	v1 =	vld [tilespmem:$0x1F4E0];
	_ =	sdelay $0x7  }
0x5b2: {  	[tilespmem:$0x1ED60] =	vst v2;
	v2 =	vadd.s32 $0xDA4, v0;
	v1 =	vld.idx.msk [tilespmem:v1+s9+$0x0], $0xffff;
	_ =	sdelay $0x4  }
0x5b3: {  	[tilespmem:v2+s12+$0x0] =	vst.idx.msk $0xffff, v1;
	v1 =	vld [tilespmem:$0x1F560];
	_ =	sdelay $0x7  }
0x5b4: {  	[tilespmem:$0x1ED70] =	vst v2;
	v2 =	vadd.s32 $0xDB4, v0;
	v1 =	vld.idx.msk [tilespmem:v1+s9+$0x0], $0xffff;
	_ =	sdelay $0x4  }
0x5b5: {  	[tilespmem:v2+s12+$0x0] =	vst.idx.msk $0xffff, v1;
	v1 =	vld [tilespmem:$0x1F5D0];
	_ =	sdelay $0x7  }
0x5b6: {  	[tilespmem:$0x1ED80] =	vst v2;
	v2 =	vld.idx.msk [tilespmem:v1+s9+$0x0], $0xffff;
	v1 =	vadd.s32 $0xDC4, v0;
	_ =	sdelay $0x4  }
0x5b7: {  	[tilespmem:v1+s12+$0x0] =	vst.idx.msk $0xffff, v2;
	v2 =	vld [tilespmem:$0x1F640];
	_ =	sdelay $0x7  }
0x5b8: {  	v3 =	vld.idx.msk [tilespmem:v2+s9+$0x0], $0xffff;
	v2 =	vadd.s32 $0xDD4, v0;
	_ =	sdelay $0x3  }
0x5b9: {  	[tilespmem:$0x1ED90] =	vst v2  }
0x5ba: {  	[tilespmem:v2+s12+$0x0] =	vst.idx.msk $0xffff, v3;
	v2 =	vld [tilespmem:$0x1F9D0];
	_ =	sdelay $0x7  }
0x5bb: {  	v4 =	vld.idx.msk [tilespmem:v2+s9+$0x0], $0xffff;
	v2 =	vor.u32 $0xE00, v0;
	_ =	sdelay $0x3  }
0x5bc: {  	[tilespmem:$0x1EDA0] =	vst v2  }
0x5bd: {  	[tilespmem:v2+s12+$0x0] =	vst.idx.msk $0xffff, v4;
	v2 =	vld [tilespmem:$0x1F9E0];
	_ =	sdelay $0x7  }
0x5be: {  	v6 =	vld.idx.msk [tilespmem:v2+s9+$0x0], $0xffff;
	v2 =	vor.u32 $0xE10, v0;
	_ =	sdelay $0x3  }
0x5bf: {  	[tilespmem:$0x1EDB0] =	vst v2  }
0x5c0: {  	[tilespmem:v2+s12+$0x0] =	vst.idx.msk $0xffff, v6;
	v2 =	vld [tilespmem:$0x1F9F0];
	_ =	sdelay $0x7  }
0x5c1: {  	v6 =	vld.idx.msk [tilespmem:v2+s9+$0x0], $0xffff;
	v2 =	vor.u32 $0xE20, v0;
	_ =	sdelay $0x3  }
0x5c2: {  	[tilespmem:$0x1EDC0] =	vst v2  }
0x5c3: {  	[tilespmem:v2+s12+$0x0] =	vst.idx.msk $0xffff, v6;
	v2 =	vld [tilespmem:$0x1FA00];
	_ =	sdelay $0x7  }
0x5c4: {  	v57 =	vld.idx.msk [tilespmem:v2+s9+$0x0], $0xffff;
	v2 =	vor.u32 $0xE30, v0;
	_ =	sdelay $0x3  }
0x5c5: {  	[tilespmem:$0x1EDD0] =	vst v2  }
0x5c6: {  	[tilespmem:v2+s12+$0x0] =	vst.idx.msk $0xffff, v57;
	v2 =	vld [tilespmem:$0x1FA10];
	_ =	sdelay $0x7  }
0x5c7: {  	v58 =	vld.idx.msk [tilespmem:v2+s9+$0x0], $0xffff;
	v2 =	vor.u32 $0xE40, v0;
	_ =	sdelay $0x3  }
0x5c8: {  	[tilespmem:$0x1EDE0] =	vst v2  }
0x5c9: {  	[tilespmem:v2+s12+$0x0] =	vst.idx.msk $0xffff, v58;
	v2 =	vld [tilespmem:$0x1FA20];
	_ =	sdelay $0x5  }
0x5ca: {  	v3 =	vld [tilespmem:$0x1F0C0];
	_ =	sdelay $0x1  }
0x5cb: {  	v23 =	vld.idx.msk [tilespmem:v2+s9+$0x0], $0xffff;
	v2 =	vor.u32 $0xE50, v0;
	_ =	sdelay $0x4  }
0x5cc: {  	[tilespmem:v2+s12+$0x0] =	vst.idx.msk $0xffff, v23  }
0x5cd: {  	v23 =	vld.idx.msk [tilespmem:v3+s9+$0x0], $0xffff  }
0x5ce: {  	v3 =	vld [tilespmem:$0x1F0D0];
	_ =	sdelay $0x6  }
0x5cf: {  	[tilespmem:v24+s12+$0x0] =	vst.idx.msk $0xffff, v23  }
0x5d0: {  	v23 =	vld.idx.msk [tilespmem:v3+s9+$0x0], $0xffff;
	v3 =	vadd.s32 $0xE8C, v0;
	_ =	sdelay $0x3  }
0x5d1: {  	[tilespmem:$0x1EDF0] =	vst v3  }
0x5d2: {  	[tilespmem:v3+s12+$0x0] =	vst.idx.msk $0xffff, v23;
	v3 =	vld [tilespmem:$0x1F7E0];
	_ =	sdelay $0x7  }
0x5d3: {  	v23 =	vld.idx.msk [tilespmem:v3+s9+$0x0], $0xffff;
	v3 =	vadd.s32 $0xE9C, v0;
	_ =	sdelay $0x3  }
0x5d4: {  	[tilespmem:$0x1EE00] =	vst v3  }
0x5d5: {  	[tilespmem:v3+s12+$0x0] =	vst.idx.msk $0xffff, v23;
	v3 =	vld [tilespmem:$0x1F0E0];
	_ =	sdelay $0x7  }
0x5d6: {  	v23 =	vld.idx.msk [tilespmem:v3+s9+$0x0], $0xffff;
	v3 =	vadd.s32 $0xEAC, v0;
	_ =	sdelay $0x3  }
0x5d7: {  	[tilespmem:$0x1EE10] =	vst v3  }
0x5d8: {  	[tilespmem:v3+s12+$0x0] =	vst.idx.msk $0xffff, v23;
	v3 =	vld [tilespmem:$0x1F0F0];
	_ =	sdelay $0x7  }
0x5d9: {  	v23 =	vld.idx.msk [tilespmem:v3+s9+$0x0], $0xffff;
	v3 =	vadd.s32 $0xEBC, v0;
	_ =	sdelay $0x3  }
0x5da: {  	[tilespmem:$0x1EE20] =	vst v3  }
0x5db: {  	[tilespmem:v3+s12+$0x0] =	vst.idx.msk $0xffff, v23;
	v3 =	vld [tilespmem:$0x1F120];
	_ =	sdelay $0x6  }
0x5dc: {  	v8 =	vld [tilespmem:$0x1F190]  }
0x5dd: {  	v23 =	vld.idx.msk [tilespmem:v3+s9+$0x0], $0xffff;
	v3 =	vadd.s32 $0xECC, v0;
	_ =	sdelay $0x3  }
0x5de: {  	[tilespmem:$0x1EE30] =	vst v3  }
0x5df: {  	[tilespmem:v3+s12+$0x0] =	vst.idx.msk $0xffff, v23;
	v3 =	vld [tilespmem:$0x1FED0]  }
0x5e0: {  	v11 =	vld [tilespmem:$0x1F1F0];
	_ =	sdelay $0x1  }
0x5e1: {  	v23 =	vld.idx.msk [tilespmem:v8+s9+$0x0], $0xffff;
	_ =	sdelay $0x4  }
0x5e2: {  	[tilespmem:v3+s12+$0x0] =	vst.idx.msk $0xffff, v23  }
0x5e3: {  	v3 =	vadd.s32 $0xF08, v0;
	v23 =	vld.idx.msk [tilespmem:v11+s9+$0x0], $0xffff;
	_ =	sdelay $0x3  }
0x5e4: {  	[tilespmem:$0x1EE40] =	vst v3  }
0x5e5: {  	[tilespmem:v3+s12+$0x0] =	vst.idx.msk $0xffff, v23;
	v3 =	vld [tilespmem:$0x1F250];
	_ =	sdelay $0x7  }
0x5e6: {  	v23 =	vld.idx.msk [tilespmem:v3+s9+$0x0], $0xffff;
	v3 =	vadd.s32 $0xF18, v0;
	_ =	sdelay $0x3  }
0x5e7: {  	[tilespmem:$0x1EE50] =	vst v3  }
0x5e8: {  	[tilespmem:v3+s12+$0x0] =	vst.idx.msk $0xffff, v23;
	v3 =	vld [tilespmem:$0x1F2B0];
	_ =	sdelay $0x7  }
0x5e9: {  	v23 =	vld.idx.msk [tilespmem:v3+s9+$0x0], $0xffff;
	v3 =	vadd.s32 $0xF28, v0;
	_ =	sdelay $0x3  }
0x5ea: {  	[tilespmem:$0x1EE60] =	vst v3  }
0x5eb: {  	[tilespmem:v3+s12+$0x0] =	vst.idx.msk $0xffff, v23;
	v3 =	vld [tilespmem:$0x1F300];
	_ =	sdelay $0x7  }
0x5ec: {  	v23 =	vld.idx.msk [tilespmem:v3+s9+$0x0], $0xffff;
	v3 =	vadd.s32 $0xF38, v0;
	_ =	sdelay $0x3  }
0x5ed: {  	[tilespmem:$0x1EE70] =	vst v3  }
0x5ee: {  	[tilespmem:v3+s12+$0x0] =	vst.idx.msk $0xffff, v23;
	v3 =	vld [tilespmem:$0x1F350];
	_ =	sdelay $0x7  }
0x5ef: {  	v23 =	vld.idx.msk [tilespmem:v3+s9+$0x0], $0xffff;
	v3 =	vadd.s32 $0xF48, v0;
	_ =	sdelay $0x3  }
0x5f0: {  	[tilespmem:$0x1EE80] =	vst v3  }
0x5f1: {  	[tilespmem:v3+s12+$0x0] =	vst.idx.msk $0xffff, v23;
	v3 =	vld [tilespmem:$0x1F390];
	_ =	sdelay $0x6  }
0x5f2: {  	v59 =	vld [tilespmem:$0x1FEE0]  }
0x5f3: {  	v23 =	vld.idx.msk [tilespmem:v3+s9+$0x0], $0xffff  }
0x5f4: {  	v3 =	vld [tilespmem:$0x1F3F0];
	_ =	sdelay $0x6  }
0x5f5: {  	[tilespmem:v59+s12+$0x0] =	vst.idx.msk $0xffff, v23  }
0x5f6: {  	v23 =	vld.idx.msk [tilespmem:v3+s9+$0x0], $0xffff;
	v3 =	vadd.s32 $0xF84, v0;
	_ =	sdelay $0x3  }
0x5f7: {  	[tilespmem:$0x1EE90] =	vst v3  }
0x5f8: {  	[tilespmem:v3+s12+$0x0] =	vst.idx.msk $0xffff, v23;
	v3 =	vld [tilespmem:$0x1F470];
	_ =	sdelay $0x7  }
0x5f9: {  	v60 =	vld.idx.msk [tilespmem:v3+s9+$0x0], $0xffff;
	v3 =	vadd.s32 $0xF94, v0;
	_ =	sdelay $0x3  }
0x5fa: {  	[tilespmem:$0x1EEA0] =	vst v3  }
0x5fb: {  	[tilespmem:v3+s12+$0x0] =	vst.idx.msk $0xffff, v60;
	v3 =	vld [tilespmem:$0x1F4F0];
	_ =	sdelay $0x7  }
0x5fc: {  	v61 =	vld.idx.msk [tilespmem:v3+s9+$0x0], $0xffff;
	v3 =	vadd.s32 $0xFA4, v0;
	_ =	sdelay $0x3  }
0x5fd: {  	[tilespmem:$0x1EEB0] =	vst v3  }
0x5fe: {  	[tilespmem:v3+s12+$0x0] =	vst.idx.msk $0xffff, v61;
	v3 =	vld [tilespmem:$0x1FB40];
	_ =	sdelay $0x7  }
0x5ff: {  	v62 =	vld.idx.msk [tilespmem:v3+s9+$0x0], $0xffff;
	v3 =	vadd.s32 $0xFB4, v0;
	_ =	sdelay $0x4  }
0x600: {  	[tilespmem:v3+s12+$0x0] =	vst.idx.msk $0xffff, v62  }
0x601: {  	[tilespmem:$0x1EEC0] =	vst v3;
	v3 =	vadd.s32 $0xFC4, v0;
	v63 =	vld.idx.msk [tilespmem:v50+s9+$0x0], $0xffff;
	_ =	sdelay $0x3  }
0x602: {  	[tilespmem:$0x1EED0] =	vst v3  }
0x603: {  	[tilespmem:v3+s12+$0x0] =	vst.idx.msk $0xffff, v63;
	v3 =	vld [tilespmem:$0x1F650];
	_ =	sdelay $0x7  }
0x604: {  	v6 =	vadd.s32 $0xFD4, v0;
	v57 =	vld.idx.msk [tilespmem:v3+s9+$0x0], $0xffff  }
0x605: {  	p1 =	sne.s32 s19, $0x1C00  }
.Ltmp4:
0x606: {  	_ = 	snop;
	(pc) =	sbr.rel @!p1 .LBB2_3-.Ltmp4, $3  }
0x607: {  	_ =	sdelay $0x1  }
0x608: {  	s20 =	sadd.s32 s19, s6;
	[tilespmem:v6+s12+$0x0] =	vst.idx.msk $0xffff, v57  }
0x609: {  	[hbm4b:s20+s2] =	stream.linear.scatter [tilespmem:s12], [sflag:$0x3], $0x1000, $0x38;
	[tilespmem:$0x12080] =	vst v63  }
0x60a: {  	s21 =	sadd.s32 $0x1000, s18  }
0x60b: {  	[tilespmem:s9], [sflag:$0x1] =	stream.linear.gather [hbm4b:s21+s2], $0x8000, $0x38;
	[tilespmem:$0x12080] =	vst v63  }
.Ltmp5:
0x60c: {  	_ = 	snop;
	(pc) =	sbr.rel @!p0 .LBB2_5-.Ltmp5, $4  }
.Ltmp6:
0x60d: {  	_ = 	snop;
	(pc) =	sbr.rel @p0 .LBB2_6-.Ltmp6, $4  }
0x60e: {  	_ =	swait.ge [sflag:s13], $0x8000  }
0x60f: {  	[sflag:s13] =	ssyncset.done $0x0  }
0x610: {  	[sflag:s13] =	ssyncadd.s32 $0xFFFF8000  }
0x611: {  	_ = 	snop  }
.LBB2_8:
0x612: {  	_ =	sfence.sel $0x180000  }
0x613: {  	[bflag:$0x0] =	sbarrier.arrive $0xFFFF  }
0x614: {  	p0 =	sne.s32 s3, $0x0;
	_ =	strace $0x90000047  }
0x615: {  	s0 =	sadd.s32 @!p0 $0x100000, s0;
	[bflag:$0x2] =	sbarrier.arrive $0xFFFF  }
0x616: {  	[sflag:s0] =	ssyncadd.tile.s32 @!p0 $0x1;
	_ =	shalt  }
.Lfunc_end2:
_tile_overlayer_lowered:
.L_overlay_start_2:
0x617: {  	(tag) =	ssettag $0x2  }
0x618: {  	s0 =	rddreg [dreg:$0x0];
	s2 =	stileid.u32  }
0x619: {  	s1 =	rddreg [dreg:$0x1];
	p0 =	sne.s32 s2, $0x0  }
0x61a: {  	s3 =	rddreg [dreg:$0x2];
	[bflag:$0x3] =	sbarrier.arrive $0xFFFF;
	s2 =	simm.s32 @!p0 $0x1C05  }
0x61b: {  	[timem:s3], [sflag:s2] =	dma.local @!p0 [hbm:s0], s1  }
0x61c: {  	s0 =	simm.s32 @!p0 $0x5  }
0x61d: {  	_ =	swait.ge @!p0 [sflag:s0], s1  }
0x61e: {  	s1 =	ssub.s32 @!p0 $0x0, s1;
	[sflag:s0] =	ssyncset.done @!p0 $0x0  }
0x61f: {  	[sflag:s0] =	ssyncadd.s32 @!p0 s1  }
0x620: {  	[bflag:$0x3] =	sbarrier.arrive $0xFFFF  }
0x621: {  	_ =	shalt  }

</sc_bundles>
